<compile_context>
chip_gen: v7x
topology: tpu7x:2x2x1
jax: 0.10.2.dev20260603
libtpu: 0.0.44.dev20260713+nightly
codegen_flags: <defaults>
</compile_context>

<pallas_src>
import functools
import math

import jax
import jax.numpy as jnp
import numpy as np
from jax import lax
from jax.experimental import pallas as pl
from jax.experimental.pallas import tpu as pltpu
from jax.experimental.pallas import tpu_sc as plsc

N = 10000
E = 160000
A = 128
EB = 64
HEADS = 4
KRBF = 20
EPS = 1e-08
MAXR = 0.5

EP = 163840
N16 = N + 112
NC, NS = 2, 16
NW = NC * NS
EPW = EP // NW
BG = 128
NBLK = EPW // BG
ROWS = N16 // NS
BE = 1024
NB0 = 40
NB1 = 40
NBX = 40
BN = 1000

_F32 = jnp.float32


def _silu(z):
    return z * jax.nn.sigmoid(z)


def _node_tables(h, wt_i, wt_j):
    def body(h_ref, wi_ref, wj_ref, ti_ref, tj_ref):
        hb = h_ref[...]
        ti_ref[...] = jnp.dot(hb, wi_ref[...], preferred_element_type=_F32)
        tj_ref[...] = jnp.dot(hb, wj_ref[...], preferred_element_type=_F32)

    return pl.pallas_call(
        body,
        grid=(N // BN,),
        in_specs=[
            pl.BlockSpec((BN, A), lambda i: (i, 0)),
            pl.BlockSpec((A, A), lambda i: (0, 0)),
            pl.BlockSpec((A, A), lambda i: (0, 0)),
        ],
        out_specs=[pl.BlockSpec((BN, A), lambda i: (i, 0))] * 2,
        out_shape=[jax.ShapeDtypeStruct((N, A), _F32)] * 2,
    )(h, wt_i, wt_j)


def _sc_gather_pair(ti, tj, ii, jj):
    mesh = plsc.VectorSubcoreMesh(
        core_axis_name="c", subcore_axis_name="s", num_cores=NC, num_subcores=NS)

    @functools.partial(
        pl.kernel,
        out_type=jax.ShapeDtypeStruct((EP, 128), _F32),
        mesh=mesh,
        scratch_types=[
            pltpu.VMEM((NBX * BG,), jnp.int32),
            pltpu.VMEM((NBX * BG,), jnp.int32),
            [pltpu.VMEM((BG, 128), _F32)] * 4,
            [pltpu.SemaphoreType.DMA] * 4,
        ],
    )
    def k(ti_h, tj_h, ii_h, jj_h, gs_h, iva, jva, bufs, sems):
        cid = lax.axis_index("c")
        sid = lax.axis_index("s")
        nblk = jnp.where(cid == 0, NB0, NB1)
        base = pl.multiple_of(
            jnp.where(cid == 0, sid * NB0 * BG,
                      NS * NB0 * BG + sid * NB1 * BG), BG)
        riA, rjA, riB, rjB = bufs
        sgA, sgB, swA, swB = sems
        @pl.when(cid == 0)
        def _():
            pltpu.sync_copy(ii_h.at[pl.ds(base, NB0 * BG)],
                            iva.at[pl.ds(0, NB0 * BG)])
            pltpu.sync_copy(jj_h.at[pl.ds(base, NB0 * BG)],
                            jva.at[pl.ds(0, NB0 * BG)])

        @pl.when(cid == 1)
        def _():
            pltpu.sync_copy(ii_h.at[pl.ds(base, NB1 * BG)],
                            iva.at[pl.ds(0, NB1 * BG)])
            pltpu.sync_copy(jj_h.at[pl.ds(base, NB1 * BG)],
                            jva.at[pl.ds(0, NB1 * BG)])

        def gat(b, ri, rj, sem):
            o = pl.multiple_of(b * BG, BG)
            pltpu.async_copy(ti_h.at[iva.at[pl.ds(o, BG)]], ri, sem)
            pltpu.async_copy(tj_h.at[jva.at[pl.ds(o, BG)]], rj, sem)

        def addrows(ri, rj):
            def row(r, carry):
                for c in range(6):
                    c0 = 16 * c
                    ri[r, pl.ds(c0, 16)] = (ri[r, pl.ds(c0, 16)]
                                            + rj[r, pl.ds(c0, 16)])
                return carry

            lax.fori_loop(0, BG, row, 0)

        def wr(b, ri, sem):
            o = pl.multiple_of(base + b * BG, BG)
            pltpu.async_copy(ri, gs_h.at[pl.ds(o, BG)], sem)

        def drainw(ri, sem):
            pltpu.make_async_copy(ri, gs_h.at[pl.ds(base, BG)], sem).wait()

        def draing(ri, rj, sem):
            pltpu.make_async_copy(ti_h.at[pl.ds(0, BG)], ri, sem).wait()
            pltpu.make_async_copy(tj_h.at[pl.ds(0, BG)], rj, sem).wait()

        def pair(p, carry):
            b0 = 2 * p
            b1 = b0 + 1

            @pl.when(p > 0)
            def _():
                drainw(riA, swA)

            gat(b0, riA, rjA, sgA)

            @pl.when(p > 0)
            def _():
                draing(riB, rjB, sgB)
                addrows(riB, rjB)
                wr(b1 - 2, riB, swB)
                drainw(riB, swB)

            gat(b1, riB, rjB, sgB)
            draing(riA, rjA, sgA)
            addrows(riA, rjA)
            wr(b0, riA, swA)
            return carry

        lax.fori_loop(0, nblk // 2, pair, 0)
        drainw(riA, swA)
        draing(riB, rjB, sgB)
        addrows(riB, rjB)
        wr(nblk - 1, riB, swB)
        drainw(riB, swB)

    return k(ti, tj, ii, jj)


def _edge_mlp(gs, d, w1f, w1d, b1, w2, b2, wa, ba, bein, cen):
    alpha = 0.1
    beta = (2.0 / KRBF * (1.0 - math.exp(-MAXR / alpha))) ** (-2)

    def body(gs_ref, d_ref, w1f_r, w1d_r, b1_r, w2_r, b2_r, wa_r, ba_r,
             bein_r, cen_r, he_o, exc_o):
        gs_b = gs_ref[...]
        db = d_ref[...]
        q = gs_b[:, 64:84] + bein_r[...]
        rb = jnp.exp(-beta * (jnp.exp(db * (-1.0 / alpha)) - cen_r[...]) ** 2)
        filt = rb * q
        z1 = (gs_b[:, 0:64]
              + jnp.dot(filt, w1f_r[...], preferred_element_type=_F32)
              + db * w1d_r[...] + b1_r[...])
        h1 = _silu(z1)
        he = jnp.dot(h1, w2_r[...], preferred_element_type=_F32) + b2_r[...]
        aw = jnp.dot(he, wa_r[...], preferred_element_type=_F32) + ba_r[...]
        aw = jnp.where(aw > 0, aw, 2.0 * (jnp.exp(aw * 0.5) - 1.0))
        ex8 = jnp.exp(aw)
        he_o[...] = he
        exc_o[:, 0:8] = ex8
        exc_o[:, 8:128] = jnp.zeros((BE, 120), _F32)

    rep = lambda i: (0, 0)
    return pl.pallas_call(
        body,
        grid=(EP // BE,),
        in_specs=[
            pl.BlockSpec((BE, 128), lambda i: (i, 0)),
            pl.BlockSpec((BE, 1), lambda i: (i, 0)),
            pl.BlockSpec((KRBF, 64), rep),
            pl.BlockSpec((1, 64), rep),
            pl.BlockSpec((1, 64), rep),
            pl.BlockSpec((64, 64), rep),
            pl.BlockSpec((1, 64), rep),
            pl.BlockSpec((64, 8), rep),
            pl.BlockSpec((1, 8), rep),
            pl.BlockSpec((1, KRBF), rep),
            pl.BlockSpec((1, KRBF), rep),
        ],
        out_specs=[
            pl.BlockSpec((BE, 64), lambda i: (i, 0)),
            pl.BlockSpec((BE, 128), lambda i: (i, 0)),
        ],
        out_shape=[
            jax.ShapeDtypeStruct((EP, 64), _F32),
            jax.ShapeDtypeStruct((EP, 128), _F32),
        ],
    )(gs, d, w1f, w1d, b1, w2, b2, wa, ba, bein, cen)


def _sc_scatter_den(z128, ii, exc):
    mesh = plsc.VectorSubcoreMesh(
        core_axis_name="c", subcore_axis_name="s", num_cores=1, num_subcores=NS)
    epw = EP // NS
    nblk = epw // BG

    @functools.partial(
        pl.kernel,
        out_type=jax.ShapeDtypeStruct((N16, 128), _F32),
        mesh=mesh,
        scratch_types=[
            [pltpu.VMEM((BG,), jnp.int32)] * 2,
            [pltpu.VMEM((BG, 128), _F32)] * 2,
            [pltpu.SemaphoreType.DMA] * 2,
            pltpu.VMEM_SHARED((N16, 128), _F32),
        ],
    )
    def k(z128_h, ii_h, exc_h, tab_h, ivs, pvs, sems, shared):
        sid = lax.axis_index("s")
        r0 = pl.multiple_of(sid * ROWS, 8)
        base = pl.multiple_of(sid * epw, BG)
        ivA, ivB = ivs
        pvA, pvB = pvs
        smA, smB = sems
        pltpu.sync_copy(z128_h.at[pl.ds(r0, ROWS)], shared.at[pl.ds(r0, ROWS)])
        plsc.subcore_barrier()

        def load(b, iv, pv, sem):
            o = pl.multiple_of(base + b * BG, BG)
            pltpu.async_copy(ii_h.at[pl.ds(o, BG)], iv, sem)
            pltpu.async_copy(exc_h.at[pl.ds(o, BG)], pv, sem)

        def wait(iv, pv, sem):
            pltpu.make_async_copy(ii_h.at[pl.ds(0, BG)], iv, sem).wait()
            pltpu.make_async_copy(exc_h.at[pl.ds(0, BG)], pv, sem).wait()

        load(0, ivA, pvA, smA)

        def pair(p, carry):
            b1 = 2 * p + 1
            b2 = b1 + 1
            load(b1, ivB, pvB, smB)
            wait(ivA, pvA, smA)
            pltpu.sync_copy(pvA, shared.at[ivA], add=True)

            @pl.when(b2 < nblk)
            def _():
                load(b2, ivA, pvA, smA)

            wait(ivB, pvB, smB)
            pltpu.sync_copy(pvB, shared.at[ivB], add=True)
            return carry

        lax.fori_loop(0, nblk // 2, pair, 0)
        plsc.subcore_barrier()
        pltpu.sync_copy(shared.at[pl.ds(r0, ROWS)], tab_h.at[pl.ds(r0, ROWS)])

    return k(z128, ii, exc)


def _sc_gather_den(tabflat, ii):
    mesh = plsc.VectorSubcoreMesh(
        core_axis_name="c", subcore_axis_name="s", num_cores=NC, num_subcores=NS)

    @functools.partial(
        pl.kernel,
        out_type=[jax.ShapeDtypeStruct((EP,), _F32)] * 4,
        mesh=mesh,
        scratch_types=[
            pltpu.VMEM((BG,), jnp.int32),
            [pltpu.VMEM((BG,), jnp.int32)] * 4,
            [pltpu.VMEM((BG,), _F32)] * 4,
            pltpu.SemaphoreType.DMA,
        ],
    )
    def k(tab_h, ii_h, o0, o1, o2, o3, iv, jvs, pvs, sem):
        cid = lax.axis_index("c")
        sid = lax.axis_index("s")
        nblk = jnp.where(cid == 0, NB0, NB1)
        base = jnp.where(cid == 0, sid * NB0 * BG,
                         NS * NB0 * BG + sid * NB1 * BG)
        outs = (o0, o1, o2, o3)

        def blk(b, carry):
            off = pl.multiple_of(base + b * BG, BG)
            pltpu.sync_copy(ii_h.at[pl.ds(off, BG)], iv)

            def chunk(c, carry2):
                c16 = pl.multiple_of(c * 16, 16)
                s16 = iv[pl.ds(c16, 16)] * 128
                for col in range(4):
                    jvs[col][pl.ds(c16, 16)] = s16 + col
                return carry2

            lax.fori_loop(0, BG // 16, chunk, 0)
            cps = [pltpu.async_copy(tab_h.at[jvs[col]], pvs[col], sem)
                   for col in range(4)]
            for cp in cps:
                cp.wait()
            for col in range(4):
                pltpu.sync_copy(pvs[col], outs[col].at[pl.ds(off, BG)])
            return carry

        lax.fori_loop(0, nblk, blk, 0)

    return k(tabflat, ii)


def _edge_payload(he, exc, dens, dirp, wxp, wv):
    def body(he_ref, exc_ref, d0_r, d1_r, d2_r, d3_r, dir_ref, wx_r, wv_r,
             pay_o):
        he_b = he_ref[...]
        dref = (d0_r, d1_r, d2_r, d3_r)
        att = jnp.concatenate(
            [exc_ref[:, hh:hh + 1] / (dref[hh][...] + EPS) for hh in range(4)],
            axis=1)
        dirb = dir_ref[...]
        cp = jnp.zeros((BE, 64), _F32)
        for hh in range(HEADS):
            cp = cp + att[:, hh:hh + 1] * jnp.dot(
                he_b, wx_r[64 * hh:64 * hh + 64, :], preferred_element_type=_F32)
        co = jnp.tanh(cp)
        al = jnp.dot(co, wv_r[...], preferred_element_type=_F32)
        for hh in range(HEADS):
            pay_o[:, 64 * hh:64 * hh + 64] = he_b * att[:, hh:hh + 1]
        for kk in range(3):
            pay_o[:, 256 + 64 * kk:320 + 64 * kk] = co * dirb[:, kk:kk + 1]
        pay_o[:, 448:512] = jnp.zeros((BE, 64), _F32)
        pay_o[:, 448:456] = al * dirb

    rep = lambda i: (0, 0)
    return pl.pallas_call(
        body,
        grid=(EP // BE,),
        in_specs=[
            pl.BlockSpec((BE, 64), lambda i: (i, 0)),
            pl.BlockSpec((BE, 128), lambda i: (i, 0)),
            pl.BlockSpec((BE, 1), lambda i: (i, 0)),
            pl.BlockSpec((BE, 1), lambda i: (i, 0)),
            pl.BlockSpec((BE, 1), lambda i: (i, 0)),
            pl.BlockSpec((BE, 1), lambda i: (i, 0)),
            pl.BlockSpec((BE, 8), lambda i: (i, 0)),
            pl.BlockSpec((256, 64), rep),
            pl.BlockSpec((64, 1), rep),
        ],
        out_specs=[pl.BlockSpec((BE, 512), lambda i: (i, 0))],
        out_shape=[jax.ShapeDtypeStruct((EP, 512), _F32)],
    )(he, exc, dens[0], dens[1], dens[2], dens[3], dirp, wxp, wv)[0]


def _sc_scatter512(z128, ii, pay):
    mesh = plsc.VectorSubcoreMesh(
        core_axis_name="c", subcore_axis_name="s", num_cores=NC, num_subcores=NS)
    epw = EP // NS
    nblk = epw // BG

    @functools.partial(
        pl.kernel,
        out_type=jax.ShapeDtypeStruct((N16, 512), _F32),
        mesh=mesh,
        scratch_types=[
            [pltpu.VMEM((BG,), jnp.int32)] * 2,
            [pltpu.VMEM((BG, 128), _F32)] * 2,
            [pltpu.SemaphoreType.DMA] * 2,
            pltpu.VMEM_SHARED((N16, 128), _F32),
        ],
    )
    def k(z128_h, ii_h, pay_h, acc_h, ivs, pvs, sems, shared):
        cid = lax.axis_index("c")
        sid = lax.axis_index("s")
        r0 = pl.multiple_of(sid * ROWS, 8)
        base = pl.multiple_of(sid * epw, BG)
        ivA, ivB = ivs
        pvA, pvB = pvs
        smA, smB = sems

        def do_slice(s):
            pltpu.sync_copy(z128_h.at[pl.ds(r0, ROWS)], shared.at[pl.ds(r0, ROWS)])
            plsc.subcore_barrier()

            def load(b, iv, pv, sem):
                o = pl.multiple_of(base + b * BG, BG)
                pltpu.async_copy(ii_h.at[pl.ds(o, BG)], iv, sem)
                pltpu.async_copy(pay_h.at[pl.ds(o, BG), pl.ds(128 * s, 128)],
                                 pv, sem)

            def wait(iv, pv, sem):
                pltpu.make_async_copy(ii_h.at[pl.ds(0, BG)], iv, sem).wait()
                pltpu.make_async_copy(
                    pay_h.at[pl.ds(0, BG), pl.ds(128 * s, 128)], pv, sem).wait()

            load(0, ivA, pvA, smA)

            def pair(p, carry):
                b1 = 2 * p + 1
                b2 = b1 + 1
                load(b1, ivB, pvB, smB)
                wait(ivA, pvA, smA)
                pltpu.sync_copy(pvA, shared.at[ivA], add=True)

                @pl.when(b2 < nblk)
                def _():
                    load(b2, ivA, pvA, smA)

                wait(ivB, pvB, smB)
                pltpu.sync_copy(pvB, shared.at[ivB], add=True)
                return carry

            lax.fori_loop(0, nblk // 2, pair, 0)
            plsc.subcore_barrier()
            pltpu.sync_copy(shared.at[pl.ds(r0, ROWS)],
                            acc_h.at[pl.ds(r0, ROWS), pl.ds(128 * s, 128)])
            plsc.subcore_barrier()

        @pl.when(cid == 0)
        def _():
            do_slice(0)
            do_slice(2)

        @pl.when(cid == 1)
        def _():
            do_slice(1)
            do_slice(3)

    return k(z128, ii, pay)


def _node_finalize(h, x, v, acc, tab, wp1, bp1, wp2, bp2, wn1h, wn1sem, wn1sp,
                   bn1, wn2, bn2, wv1, bv1, wv2):
    def body(h_ref, x_ref, v_ref, acc_ref, tab_ref, wp1_r, bp1_r, wp2_r, bp2_r,
             wn1h_r, wn1sem_r, wn1sp_r, bn1_r, wn2_r, bn2_r, wv1_r, bv1_r,
             wv2_r, hu_o, xu_o, vu_o):
        hb = h_ref[...]
        accb = acc_ref[...]
        cnt = jnp.maximum(tab_ref[:, 4:5], 1.0)
        rcnt = 1.0 / cnt
        nsq = jnp.zeros((BN, 64), _F32)
        for kk in range(3):
            cm = accb[:, 256 + 64 * kk:320 + 64 * kk] * rcnt
            nsq = nsq + cm * cm
        sp = _silu(jnp.dot(_silu(jnp.dot(nsq, wp1_r[...], preferred_element_type=_F32)
                                 + bp1_r[...]),
                           wp2_r[...], preferred_element_type=_F32) + bp2_r[...])
        zin = (jnp.dot(hb, wn1h_r[...], preferred_element_type=_F32)
               + jnp.dot(accb[:, 0:256], wn1sem_r[...], preferred_element_type=_F32)
               + jnp.dot(sp, wn1sp_r[...], preferred_element_type=_F32)
               + bn1_r[...])
        hu = hb + _silu(jnp.dot(_silu(zin), wn2_r[...], preferred_element_type=_F32)
                        + bn2_r[...])
        dv = accb[:, 448:451] * rcnt
        gate = 2.0 * jax.nn.sigmoid(
            jnp.dot(_silu(jnp.dot(hu, wv1_r[...], preferred_element_type=_F32)
                          + bv1_r[...]),
                    wv2_r[...], preferred_element_type=_F32))
        vu = gate * v_ref[...] + dv
        hu_o[...] = hu
        xu_o[...] = x_ref[...] + vu
        vu_o[...] = vu

    rep = lambda i: (0, 0)
    return pl.pallas_call(
        body,
        grid=(N // BN,),
        in_specs=[
            pl.BlockSpec((BN, A), lambda i: (i, 0)),
            pl.BlockSpec((BN, 3), lambda i: (i, 0)),
            pl.BlockSpec((BN, 3), lambda i: (i, 0)),
            pl.BlockSpec((BN, 512), lambda i: (i, 0)),
            pl.BlockSpec((BN, 128), lambda i: (i, 0)),
            pl.BlockSpec((64, 64), rep),
            pl.BlockSpec((1, 64), rep),
            pl.BlockSpec((64, 64), rep),
            pl.BlockSpec((1, 64), rep),
            pl.BlockSpec((A, A), rep),
            pl.BlockSpec((256, A), rep),
            pl.BlockSpec((64, A), rep),
            pl.BlockSpec((1, A), rep),
            pl.BlockSpec((A, A), rep),
            pl.BlockSpec((1, A), rep),
            pl.BlockSpec((A, 64), rep),
            pl.BlockSpec((1, 64), rep),
            pl.BlockSpec((64, 1), rep),
        ],
        out_specs=[
            pl.BlockSpec((BN, A), lambda i: (i, 0)),
            pl.BlockSpec((BN, 3), lambda i: (i, 0)),
            pl.BlockSpec((BN, 3), lambda i: (i, 0)),
        ],
        out_shape=[
            jax.ShapeDtypeStruct((N, A), _F32),
            jax.ShapeDtypeStruct((N, 3), _F32),
            jax.ShapeDtypeStruct((N, 3), _F32),
        ],
    )(h, x, v, acc, tab, wp1, bp1, wp2, bp2, wn1h, wn1sem, wn1sp, bn1, wn2,
      bn2, wv1, bv1, wv2)


def kernel(h, x, v, pairlist, d_ij, dir_ij, params):
    pad = EP - E
    ii = jnp.concatenate([pairlist[0].astype(jnp.int32),
                          jnp.full((pad,), N, jnp.int32)])
    jj = jnp.concatenate([pairlist[1].astype(jnp.int32),
                          jnp.zeros((pad,), jnp.int32)])
    d = jnp.concatenate([d_ij, jnp.zeros((pad,), _F32)])[:, None]
    dirp = jnp.pad(dir_ij, ((0, pad), (0, 5)))

    W_eo1 = params['W_eo1']
    W_ein = params['W_ein']
    wt_i = jnp.pad(jnp.concatenate([W_eo1[:A], W_ein[:A]], axis=1),
                   ((0, 0), (0, 44)))
    wt_j = jnp.pad(jnp.concatenate([W_eo1[A:2 * A], W_ein[A:2 * A]], axis=1),
                   ((0, 0), (0, 44)))
    w1f = W_eo1[2 * A:2 * A + KRBF]
    w1d = W_eo1[2 * A + KRBF][None, :]
    b1 = params['b_eo1'][None, :]
    w2 = params['W_eo2']
    b2 = params['b_eo2'][None, :]
    wa = jnp.pad(params['W_att'], ((0, 0), (0, 4)))
    ba = jnp.pad(params['b_att'], (0, 4))[None, :]
    bein = params['b_ein'][None, :]
    Wx = params['W_xmix']
    wxp = jnp.concatenate([Wx[hh::HEADS] for hh in range(HEADS)], axis=0)
    wv = params['W_vmix']
    Wn1 = params['W_n1']
    s_idx = jnp.arange(256)
    rowp = (s_idx % 64) * HEADS + s_idx // 64
    wn1h = Wn1[:A]
    wn1sem = Wn1[A:A + 256][rowp]
    wn1sp = Wn1[A + 256:]
    bn1 = params['b_n1'][None, :]
    wn2 = params['W_n2']
    bn2 = params['b_n2'][None, :]
    wp1 = params['W_pn1']
    bp1 = params['b_pn1'][None, :]
    wp2 = params['W_pn2']
    bp2 = params['b_pn2'][None, :]
    wv1 = params['W_v1']
    bv1 = params['b_v1'][None, :]
    wv2 = params['W_v2']

    z128 = jnp.zeros((N16, 128), _F32)
    trash = jnp.zeros((N16 - N, A), _F32)

    ti, tj = _node_tables(h, wt_i, wt_j)
    ti = jnp.concatenate([ti, trash])
    tj = jnp.concatenate([tj, trash])
    gs = _sc_gather_pair(ti, tj, ii, jj)
    cen = jnp.asarray(
        np.linspace(math.exp(-MAXR / 0.1), 1.0, KRBF, dtype=np.float32))[None, :]
    he, exc = _edge_mlp(gs, d, w1f, w1d, b1, w2, b2, wa, ba, bein, cen)
    tab = _sc_scatter_den(z128, ii, exc)
    dens = [dd[:, None] for dd in _sc_gather_den(tab.reshape(-1), ii)]
    pay = _edge_payload(he, exc, dens, dirp, wxp, wv)
    acc = _sc_scatter512(z128, ii, pay)
    hu, xu, vu = _node_finalize(h, x, v, acc[:N], tab[:N], wp1, bp1, wp2, bp2,
                                wn1h, wn1sem, wn1sp, bn1, wn2, bn2, wv1, bv1,
                                wv2)
    return hu, xu, vu

# --- scband reference (transcript-rebuilt; emitter-appended) ---
"""Pipeline reference for scband-sakeinteraction-19292993094311 (READ-ONLY COPY).

The authoritative reference and input builder live on the scoring server;
editing this copy changes nothing except your own understanding.
"""

import jax, jax.numpy as jnp
import numpy as np
import math

N = 10000
E = 160000
A = 128
EB = 64
EBH = 64
AH = 128
ASPH = 64
ASP = 64
AV = 64
C = 64
HEADS = 4
KRBF = 20
EPS = 1e-08
MAXR = 0.5
SCALE = 1.0


def _lin(x, W, b=None):
    y = x @ W
    return y if b is None else y + b


def _silu(x):
    return x * jax.nn.sigmoid(x)


def _celu(x, alpha=2.0):
    return jnp.where(x > 0, x, alpha * (jnp.exp(x / alpha) - 1.0))


def _physnet_rbf(d):
    # PhysNet RBF: exp(-beta * (exp(-d/alpha) - mu_k)^2), mu_k in [exp(-rcut/alpha), 1]
    alpha = 0.1  # 1 angstrom in nm
    centers = jnp.linspace(math.exp(-MAXR / alpha), 1.0, KRBF).astype(jnp.float32)
    beta = (2.0 / KRBF * (1.0 - math.exp(-MAXR / alpha))) ** (-2)
    return jnp.exp(-beta * (jnp.exp(-d[:, None] / alpha) - centers[None, :]) ** 2)


def _seg_mean(vals, idx, num):
    # torch scatter_reduce(..., 'mean', include_self=False): mean over contributions, 0 if none
    s = jax.ops.segment_sum(vals, idx, num_segments=num)
    c = jax.ops.segment_sum(jnp.ones((vals.shape[0],), vals.dtype), idx, num_segments=num)
    c = jnp.maximum(c, 1.0).reshape((num,) + (1,) * (vals.ndim - 1))
    return s / c


def _scatter_softmax(src, idx, num):
    m = jax.ops.segment_max(src, idx, num_segments=num)
    m = jnp.where(jnp.isfinite(m), m, 0.0)
    ex = jnp.exp(src - m[idx])
    den = jax.ops.segment_sum(ex, idx, num_segments=num)
    return ex / (den[idx] + EPS)


def _forward(h, x, v, d_ij, dir_ij, params, pairlist):
    idx_i = pairlist[0]
    idx_j = pairlist[1]
    n = h.shape[0]
    # update_edge (Eq. 7)
    h_cat = jnp.concatenate([h[idx_i], h[idx_j]], axis=-1)
    filt = _physnet_rbf(d_ij) * _lin(h_cat, params['W_ein'], params['b_ein'])
    e_in = jnp.concatenate([h_cat, filt, (d_ij / SCALE)[:, None]], axis=-1)
    h_ij_edge = _lin(_silu(_lin(e_in, params['W_eo1'], params['b_eo1'])), params['W_eo2'], params['b_eo2'])
    # semantic attention
    att_w = _celu(_lin(h_ij_edge, params['W_att'], params['b_att']))
    att = _scatter_softmax(att_w, idx_i, n)
    h_ij_sem = (h_ij_edge[:, :, None] * att[:, None, :]).reshape(h_ij_edge.shape[0], EB * HEADS)
    # aggregate (scatter_add)
    h_i_sem = jax.ops.segment_sum(h_ij_sem, idx_i, num_segments=n)
    # combinations: einsum('px,pc->pcx', dir_ij, x_mixing(h_ij_sem))
    coeffs = jnp.tanh(_lin(h_ij_sem, params['W_xmix']))
    comb = coeffs[:, :, None] * dir_ij[:, None, :]
    # spatial attention
    comb_mean = _seg_mean(comb, idx_i, n)
    comb_nsq = jnp.sum(comb_mean ** 2, axis=-1)
    h_i_sp = _silu(_lin(_silu(_lin(comb_nsq, params['W_pn1'], params['b_pn1'])), params['W_pn2'], params['b_pn2']))
    # update_node (Eq. 4)
    node_in = jnp.concatenate([h, h_i_sem, h_i_sp], axis=-1)
    h_upd = h + _silu(_lin(_silu(_lin(node_in, params['W_n1'], params['b_n1'])), params['W_n2'], params['b_n2']))
    # update_velocity (Eq. 12)
    v_ij = _lin(jnp.swapaxes(comb, -1, -2), params['W_vmix'])[..., 0]
    dv = _seg_mean(v_ij, idx_i, n)
    gate = 2.0 * jax.nn.sigmoid(_lin(_silu(_lin(h_upd, params['W_v1'], params['b_v1'])), params['W_v2']))
    v_upd = gate * v + dv
    x_upd = x + v_upd
    return h_upd, x_upd, v_upd


def setup_inputs(seed: int = 0):
    key = jax.random.key(seed)
    ks = jax.random.split(key, 32)
    s = 0.05
    params = {
        'W_ein': jax.random.normal(ks[6], (2 * A, KRBF), jnp.float32) * s,
        'b_ein': jnp.zeros((KRBF,), jnp.float32),
        'W_eo1': jax.random.normal(ks[7], (2 * A + KRBF + 1, EBH), jnp.float32) * s,
        'b_eo1': jnp.zeros((EBH,), jnp.float32),
        'W_eo2': jax.random.normal(ks[8], (EBH, EB), jnp.float32) * s,
        'b_eo2': jnp.zeros((EB,), jnp.float32),
        'W_att': jax.random.normal(ks[9], (EB, HEADS), jnp.float32) * s,
        'b_att': jnp.zeros((HEADS,), jnp.float32),
        'W_xmix': jax.random.normal(ks[10], (HEADS * EB, C), jnp.float32) * s,
        'W_pn1': jax.random.normal(ks[11], (C, ASPH), jnp.float32) * s,
        'b_pn1': jnp.zeros((ASPH,), jnp.float32),
        'W_pn2': jax.random.normal(ks[12], (ASPH, ASP), jnp.float32) * s,
        'b_pn2': jnp.zeros((ASP,), jnp.float32),
        'W_n1': jax.random.normal(ks[13], (A + HEADS * EB + ASP, AH), jnp.float32) * s,
        'b_n1': jnp.zeros((AH,), jnp.float32),
        'W_n2': jax.random.normal(ks[14], (AH, A), jnp.float32) * s,
        'b_n2': jnp.zeros((A,), jnp.float32),
        'W_v1': jax.random.normal(ks[15], (A, AV), jnp.float32) * s,
        'b_v1': jnp.zeros((AV,), jnp.float32),
        'W_v2': jax.random.normal(ks[16], (AV, 1), jnp.float32) * s,
        'W_vmix': jax.random.normal(ks[17], (C, 1), jnp.float32) * s,
    }
    return {
        'h': jax.random.normal(ks[0], (N, A), jnp.float32),
        'x': jax.random.normal(ks[1], (N, 3), jnp.float32),
        'v': jax.random.normal(ks[2], (N, 3), jnp.float32),
        'pairlist': jax.random.randint(ks[3], (2, E), 0, N),
        'd_ij': jax.random.uniform(ks[4], (E,), jnp.float32) * MAXR,
        'dir_ij': jax.random.normal(ks[5], (E, 3), jnp.float32),
        'params': params,
    }


def reference(h, x, v, pairlist, d_ij, dir_ij, params):
    return _forward(h, x, v, d_ij, dir_ij, params, pairlist)

if __name__ == "__main__":
    import jax
    _d = setup_inputs()
    print(jax.jit(kernel)(*tuple(_d.values())))

</pallas_src>

<mosaic_0001>
#map = affine_map<(d0, d1) -> (0, 0)>
#map1 = affine_map<(d0, d1) -> (0)>
module attributes {stable_mosaic.version = 14 : i64} {
  func.func @k(%arg0: i32, %arg1: i32, %arg2: memref<10112x128xf32, #tpu.memory_space<hbm>>, %arg3: memref<163840xi32, #tpu.memory_space<hbm>>, %arg4: memref<163840x128xf32, #tpu.memory_space<hbm>>, %arg5: memref<10112x128xf32, #tpu.memory_space<hbm>>, %arg6: memref<128xi32, #tpu.memory_space<vmem>>, %arg7: memref<128xi32, #tpu.memory_space<vmem>>, %arg8: memref<128x128xf32, #tpu.memory_space<vmem>>, %arg9: memref<128x128xf32, #tpu.memory_space<vmem>>, %arg10: memref<!tpu.dma_semaphore, #tpu.memory_space<semaphore_mem>>, %arg11: memref<!tpu.dma_semaphore, #tpu.memory_space<semaphore_mem>>, %arg12: memref<10112x128xf32, #tpu.memory_space<vmem_shared>>) attributes {dimension_semantics = [#tpu.dimension_semantics<core_parallel>, #tpu.dimension_semantics<subcore_parallel>], iteration_bounds = array<i64: 1, 16>, scalar_prefetch = 0 : i64, scratch_operands = 7 : i64, tpu.core_type = #tpu.core_type<sc_vector_subcore>, window_params = [{transform_indices = #map}, {transform_indices = #map1}, {transform_indices = #map}, {transform_indices = #map}]} {
    %mul3A = arith.constant 632 : i32
    %mul3A_0 = arith.muli %arg1, %mul3A : i32
    %multiple_of3A = tpu.assume_multiple %mul3A_0, 8 : i32
    %mul3A_1 = arith.constant 10240 : i32
    %mul3A_2 = arith.muli %arg1, %mul3A_1 : i32
    %multiple_of3A_3 = tpu.assume_multiple %mul3A_2, 128 : i32
    "tpu.region"() ({
      %run_scoped3A = tpu.sem_alloc : memref<!tpu.dma_semaphore, #tpu.memory_space<semaphore_mem>>
      %dma_start3A_17 = arith.constant 0 : i32
      %dma_start3A_18 = tpu.memref_slice %arg12[%multiple_of3A, %dma_start3A_17] : memref<10112x128xf32, #tpu.memory_space<vmem_shared>> -> memref<632x128xf32, #tpu.memory_space<vmem_shared>>
      %dma_start3A_19 = arith.constant 0 : i32
      %dma_start3A_20 = tpu.memref_slice %arg2[%multiple_of3A, %dma_start3A_19] : memref<10112x128xf32, #tpu.memory_space<hbm>> -> memref<632x128xf32, #tpu.memory_space<hbm>>
      tpu.enqueue_dma source(%dma_start3A_20 : memref<632x128xf32, #tpu.memory_space<hbm>>) target(%dma_start3A_18 : memref<632x128xf32, #tpu.memory_space<vmem_shared>>) target_semaphore(%run_scoped3A : memref<!tpu.dma_semaphore, #tpu.memory_space<semaphore_mem>>)
      %dma_wait3A = arith.constant 0 : i32
      %dma_wait3A_21 = tpu.memref_slice %arg12[%multiple_of3A, %dma_wait3A] : memref<10112x128xf32, #tpu.memory_space<vmem_shared>> -> memref<632x128xf32, #tpu.memory_space<vmem_shared>>
      %dma_wait3A_22 = arith.constant 0 : i32
      %dma_wait3A_23 = tpu.memref_slice %arg2[%multiple_of3A, %dma_wait3A_22] : memref<10112x128xf32, #tpu.memory_space<hbm>> -> memref<632x128xf32, #tpu.memory_space<hbm>>
      tpu.wait_dma2 semaphore(%run_scoped3A : memref<!tpu.dma_semaphore, #tpu.memory_space<semaphore_mem>>) src(%dma_wait3A_23 : memref<632x128xf32, #tpu.memory_space<hbm>>) dst(%dma_wait3A_21 : memref<632x128xf32, #tpu.memory_space<vmem_shared>>)
      tpu.yield
    }) : () -> ()
    %barrier3A = arith.constant 0 : index
    tpu.barrier barrier_id(%barrier3A)
    %add3A = arith.constant 0 : i32
    %add3A_4 = arith.addi %multiple_of3A_3, %add3A : i32
    %multiple_of3A_5 = tpu.assume_multiple %add3A_4, 128 : i32
    %dma_start3A = tpu.memref_slice %arg3[%multiple_of3A_5] : memref<163840xi32, #tpu.memory_space<hbm>> -> memref<128xi32, #tpu.memory_space<hbm>>
    %dma_start3A_6 = tpu.memref_slice %arg3[%multiple_of3A_5] : memref<163840xi32, #tpu.memory_space<hbm>> -> memref<128xi32, #tpu.memory_space<hbm>>
    tpu.enqueue_dma source(%dma_start3A_6 : memref<128xi32, #tpu.memory_space<hbm>>) target(%arg6 : memref<128xi32, #tpu.memory_space<vmem>>) target_semaphore(%arg10 : memref<!tpu.dma_semaphore, #tpu.memory_space<semaphore_mem>>)
    %dma_start3A_7 = arith.constant 0 : i32
    %dma_start3A_8 = tpu.memref_slice %arg4[%multiple_of3A_5, %dma_start3A_7] : memref<163840x128xf32, #tpu.memory_space<hbm>> -> memref<128x128xf32, #tpu.memory_space<hbm>>
    %dma_start3A_9 = arith.constant 0 : i32
    %dma_start3A_10 = tpu.memref_slice %arg4[%multiple_of3A_5, %dma_start3A_9] : memref<163840x128xf32, #tpu.memory_space<hbm>> -> memref<128x128xf32, #tpu.memory_space<hbm>>
    tpu.enqueue_dma source(%dma_start3A_10 : memref<128x128xf32, #tpu.memory_space<hbm>>) target(%arg8 : memref<128x128xf32, #tpu.memory_space<vmem>>) target_semaphore(%arg10 : memref<!tpu.dma_semaphore, #tpu.memory_space<semaphore_mem>>)
    %scan3A = arith.constant 0 : i32
    %scan3A_11 = arith.constant 0 : i32
    %scan3A_12 = arith.constant 40 : i32
    %scan3A_13 = arith.addi %scan3A_11, %scan3A_12 : i32
    %scan3A_14 = arith.constant 1 : i32
    scf.for %scan3A_17 = %scan3A_11 to %scan3A_13 step %scan3A_14  : i32 {
      %mul3A_18 = arith.constant 2 : i32
      %mul3A_19 = arith.muli %mul3A_18, %scan3A_17 : i32
      %add3A_20 = arith.constant 1 : i32
      %add3A_21 = arith.addi %mul3A_19, %add3A_20 : i32
      %add3A_22 = arith.constant 1 : i32
      %add3A_23 = arith.addi %add3A_21, %add3A_22 : i32
      %mul3A_24 = arith.constant 128 : i32
      %mul3A_25 = arith.muli %add3A_21, %mul3A_24 : i32
      %add3A_26 = arith.addi %multiple_of3A_3, %mul3A_25 : i32
      %multiple_of3A_27 = tpu.assume_multiple %add3A_26, 128 : i32
      %dma_start3A_28 = tpu.memref_slice %arg3[%multiple_of3A_27] : memref<163840xi32, #tpu.memory_space<hbm>> -> memref<128xi32, #tpu.memory_space<hbm>>
      %dma_start3A_29 = tpu.memref_slice %arg3[%multiple_of3A_27] : memref<163840xi32, #tpu.memory_space<hbm>> -> memref<128xi32, #tpu.memory_space<hbm>>
      tpu.enqueue_dma source(%dma_start3A_29 : memref<128xi32, #tpu.memory_space<hbm>>) target(%arg7 : memref<128xi32, #tpu.memory_space<vmem>>) target_semaphore(%arg11 : memref<!tpu.dma_semaphore, #tpu.memory_space<semaphore_mem>>)
      %dma_start3A_30 = arith.constant 0 : i32
      %dma_start3A_31 = tpu.memref_slice %arg4[%multiple_of3A_27, %dma_start3A_30] : memref<163840x128xf32, #tpu.memory_space<hbm>> -> memref<128x128xf32, #tpu.memory_space<hbm>>
      %dma_start3A_32 = arith.constant 0 : i32
      %dma_start3A_33 = tpu.memref_slice %arg4[%multiple_of3A_27, %dma_start3A_32] : memref<163840x128xf32, #tpu.memory_space<hbm>> -> memref<128x128xf32, #tpu.memory_space<hbm>>
      tpu.enqueue_dma source(%dma_start3A_33 : memref<128x128xf32, #tpu.memory_space<hbm>>) target(%arg9 : memref<128x128xf32, #tpu.memory_space<vmem>>) target_semaphore(%arg11 : memref<!tpu.dma_semaphore, #tpu.memory_space<semaphore_mem>>)
      %dma_wait3A = arith.constant 0 : i32
      %dma_wait3A_34 = tpu.memref_slice %arg3[%dma_wait3A] : memref<163840xi32, #tpu.memory_space<hbm>> -> memref<128xi32, #tpu.memory_space<hbm>>
      %dma_wait3A_35 = arith.constant 0 : i32
      %dma_wait3A_36 = tpu.memref_slice %arg3[%dma_wait3A_35] : memref<163840xi32, #tpu.memory_space<hbm>> -> memref<128xi32, #tpu.memory_space<hbm>>
      tpu.wait_dma2 semaphore(%arg10 : memref<!tpu.dma_semaphore, #tpu.memory_space<semaphore_mem>>) src(%dma_wait3A_36 : memref<128xi32, #tpu.memory_space<hbm>>) dst(%arg6 : memref<128xi32, #tpu.memory_space<vmem>>)
      %dma_wait3A_37 = arith.constant 0 : i32
      %dma_wait3A_38 = arith.constant 0 : i32
      %dma_wait3A_39 = tpu.memref_slice %arg4[%dma_wait3A_37, %dma_wait3A_38] : memref<163840x128xf32, #tpu.memory_space<hbm>> -> memref<128x128xf32, #tpu.memory_space<hbm>>
      %dma_wait3A_40 = arith.constant 0 : i32
      %dma_wait3A_41 = arith.constant 0 : i32
      %dma_wait3A_42 = tpu.memref_slice %arg4[%dma_wait3A_40, %dma_wait3A_41] : memref<163840x128xf32, #tpu.memory_space<hbm>> -> memref<128x128xf32, #tpu.memory_space<hbm>>
      tpu.wait_dma2 semaphore(%arg10 : memref<!tpu.dma_semaphore, #tpu.memory_space<semaphore_mem>>) src(%dma_wait3A_42 : memref<128x128xf32, #tpu.memory_space<hbm>>) dst(%arg8 : memref<128x128xf32, #tpu.memory_space<vmem>>)
      "tpu.region"() ({
        %run_scoped3A = tpu.sem_alloc : memref<!tpu.dma_semaphore, #tpu.memory_space<semaphore_mem>>
        %dma_start3A_55 = arith.constant 0 : i32
        %dma_start3A_56 = arith.constant 0 : i32
        %dma_start3A_57 = tpu.memref_slice %arg12[%dma_start3A_55, %dma_start3A_56] : memref<10112x128xf32, #tpu.memory_space<vmem_shared>> -> memref<10112x128xf32, #tpu.memory_space<vmem_shared>>
        tpu.enqueue_indirect_dma source(%arg8 : memref<128x128xf32, #tpu.memory_space<vmem>>) target(%dma_start3A_57 : memref<10112x128xf32, #tpu.memory_space<vmem_shared>>) offsets(%arg6 : memref<128xi32, #tpu.memory_space<vmem>>) semaphore(%run_scoped3A : memref<!tpu.dma_semaphore, #tpu.memory_space<semaphore_mem>>) {add = true}
        %dma_wait3A_58 = arith.constant 0 : i32
        %dma_wait3A_59 = arith.constant 0 : i32
        %dma_wait3A_60 = tpu.memref_slice %arg12[%dma_wait3A_58, %dma_wait3A_59] : memref<10112x128xf32, #tpu.memory_space<vmem_shared>> -> memref<10112x128xf32, #tpu.memory_space<vmem_shared>>
        tpu.wait_indirect_dma semaphore(%run_scoped3A : memref<!tpu.dma_semaphore, #tpu.memory_space<semaphore_mem>>) src(%arg8 : memref<128x128xf32, #tpu.memory_space<vmem>>) dst(%dma_wait3A_60 : memref<10112x128xf32, #tpu.memory_space<vmem_shared>>)
        tpu.yield
      }) : () -> ()
      %lt3A = arith.constant 80 : i32
      %lt3A_43 = arith.cmpi slt, %add3A_23, %lt3A : i32
      %convert_element_type3A = arith.extui %lt3A_43 : i1 to i32
      %cond3A = arith.constant 0 : i32
      %cond3A_44 = arith.cmpi ne, %convert_element_type3A, %cond3A : i32
      scf.if %cond3A_44 {
        %mul3A_55 = arith.constant 128 : i32
        %mul3A_56 = arith.muli %add3A_23, %mul3A_55 : i32
        %add3A_57 = arith.addi %multiple_of3A_3, %mul3A_56 : i32
        %multiple_of3A_58 = tpu.assume_multiple %add3A_57, 128 : i32
        %dma_start3A_59 = tpu.memref_slice %arg3[%multiple_of3A_58] : memref<163840xi32, #tpu.memory_space<hbm>> -> memref<128xi32, #tpu.memory_space<hbm>>
        %dma_start3A_60 = tpu.memref_slice %arg3[%multiple_of3A_58] : memref<163840xi32, #tpu.memory_space<hbm>> -> memref<128xi32, #tpu.memory_space<hbm>>
        tpu.enqueue_dma source(%dma_start3A_60 : memref<128xi32, #tpu.memory_space<hbm>>) target(%arg6 : memref<128xi32, #tpu.memory_space<vmem>>) target_semaphore(%arg10 : memref<!tpu.dma_semaphore, #tpu.memory_space<semaphore_mem>>)
        %dma_start3A_61 = arith.constant 0 : i32
        %dma_start3A_62 = tpu.memref_slice %arg4[%multiple_of3A_58, %dma_start3A_61] : memref<163840x128xf32, #tpu.memory_space<hbm>> -> memref<128x128xf32, #tpu.memory_space<hbm>>
        %dma_start3A_63 = arith.constant 0 : i32
        %dma_start3A_64 = tpu.memref_slice %arg4[%multiple_of3A_58, %dma_start3A_63] : memref<163840x128xf32, #tpu.memory_space<hbm>> -> memref<128x128xf32, #tpu.memory_space<hbm>>
        tpu.enqueue_dma source(%dma_start3A_64 : memref<128x128xf32, #tpu.memory_space<hbm>>) target(%arg8 : memref<128x128xf32, #tpu.memory_space<vmem>>) target_semaphore(%arg10 : memref<!tpu.dma_semaphore, #tpu.memory_space<semaphore_mem>>)
      } else {
      }
      %dma_wait3A_45 = arith.constant 0 : i32
      %dma_wait3A_46 = tpu.memref_slice %arg3[%dma_wait3A_45] : memref<163840xi32, #tpu.memory_space<hbm>> -> memref<128xi32, #tpu.memory_space<hbm>>
      %dma_wait3A_47 = arith.constant 0 : i32
      %dma_wait3A_48 = tpu.memref_slice %arg3[%dma_wait3A_47] : memref<163840xi32, #tpu.memory_space<hbm>> -> memref<128xi32, #tpu.memory_space<hbm>>
      tpu.wait_dma2 semaphore(%arg11 : memref<!tpu.dma_semaphore, #tpu.memory_space<semaphore_mem>>) src(%dma_wait3A_48 : memref<128xi32, #tpu.memory_space<hbm>>) dst(%arg7 : memref<128xi32, #tpu.memory_space<vmem>>)
      %dma_wait3A_49 = arith.constant 0 : i32
      %dma_wait3A_50 = arith.constant 0 : i32
      %dma_wait3A_51 = tpu.memref_slice %arg4[%dma_wait3A_49, %dma_wait3A_50] : memref<163840x128xf32, #tpu.memory_space<hbm>> -> memref<128x128xf32, #tpu.memory_space<hbm>>
      %dma_wait3A_52 = arith.constant 0 : i32
      %dma_wait3A_53 = arith.constant 0 : i32
      %dma_wait3A_54 = tpu.memref_slice %arg4[%dma_wait3A_52, %dma_wait3A_53] : memref<163840x128xf32, #tpu.memory_space<hbm>> -> memref<128x128xf32, #tpu.memory_space<hbm>>
      tpu.wait_dma2 semaphore(%arg11 : memref<!tpu.dma_semaphore, #tpu.memory_space<semaphore_mem>>) src(%dma_wait3A_54 : memref<128x128xf32, #tpu.memory_space<hbm>>) dst(%arg9 : memref<128x128xf32, #tpu.memory_space<vmem>>)
      "tpu.region"() ({
        %run_scoped3A = tpu.sem_alloc : memref<!tpu.dma_semaphore, #tpu.memory_space<semaphore_mem>>
        %dma_start3A_55 = arith.constant 0 : i32
        %dma_start3A_56 = arith.constant 0 : i32
        %dma_start3A_57 = tpu.memref_slice %arg12[%dma_start3A_55, %dma_start3A_56] : memref<10112x128xf32, #tpu.memory_space<vmem_shared>> -> memref<10112x128xf32, #tpu.memory_space<vmem_shared>>
        tpu.enqueue_indirect_dma source(%arg9 : memref<128x128xf32, #tpu.memory_space<vmem>>) target(%dma_start3A_57 : memref<10112x128xf32, #tpu.memory_space<vmem_shared>>) offsets(%arg7 : memref<128xi32, #tpu.memory_space<vmem>>) semaphore(%run_scoped3A : memref<!tpu.dma_semaphore, #tpu.memory_space<semaphore_mem>>) {add = true}
        %dma_wait3A_58 = arith.constant 0 : i32
        %dma_wait3A_59 = arith.constant 0 : i32
        %dma_wait3A_60 = tpu.memref_slice %arg12[%dma_wait3A_58, %dma_wait3A_59] : memref<10112x128xf32, #tpu.memory_space<vmem_shared>> -> memref<10112x128xf32, #tpu.memory_space<vmem_shared>>
        tpu.wait_indirect_dma semaphore(%run_scoped3A : memref<!tpu.dma_semaphore, #tpu.memory_space<semaphore_mem>>) src(%arg9 : memref<128x128xf32, #tpu.memory_space<vmem>>) dst(%dma_wait3A_60 : memref<10112x128xf32, #tpu.memory_space<vmem_shared>>)
        tpu.yield
      }) : () -> ()
    }
    %scan3A_15 = arith.constant 40 : i32
    %barrier3A_16 = arith.constant 0 : index
    tpu.barrier barrier_id(%barrier3A_16)
    "tpu.region"() ({
      %run_scoped3A = tpu.sem_alloc : memref<!tpu.dma_semaphore, #tpu.memory_space<semaphore_mem>>
      %dma_start3A_17 = arith.constant 0 : i32
      %dma_start3A_18 = tpu.memref_slice %arg5[%multiple_of3A, %dma_start3A_17] : memref<10112x128xf32, #tpu.memory_space<hbm>> -> memref<632x128xf32, #tpu.memory_space<hbm>>
      %dma_start3A_19 = arith.constant 0 : i32
      %dma_start3A_20 = tpu.memref_slice %arg12[%multiple_of3A, %dma_start3A_19] : memref<10112x128xf32, #tpu.memory_space<vmem_shared>> -> memref<632x128xf32, #tpu.memory_space<vmem_shared>>
      tpu.enqueue_dma source(%dma_start3A_20 : memref<632x128xf32, #tpu.memory_space<vmem_shared>>) target(%dma_start3A_18 : memref<632x128xf32, #tpu.memory_space<hbm>>) target_semaphore(%run_scoped3A : memref<!tpu.dma_semaphore, #tpu.memory_space<semaphore_mem>>)
      %dma_wait3A = arith.constant 0 : i32
      %dma_wait3A_21 = tpu.memref_slice %arg5[%multiple_of3A, %dma_wait3A] : memref<10112x128xf32, #tpu.memory_space<hbm>> -> memref<632x128xf32, #tpu.memory_space<hbm>>
      %dma_wait3A_22 = arith.constant 0 : i32
      %dma_wait3A_23 = tpu.memref_slice %arg12[%multiple_of3A, %dma_wait3A_22] : memref<10112x128xf32, #tpu.memory_space<vmem_shared>> -> memref<632x128xf32, #tpu.memory_space<vmem_shared>>
      tpu.wait_dma2 semaphore(%run_scoped3A : memref<!tpu.dma_semaphore, #tpu.memory_space<semaphore_mem>>) src(%dma_wait3A_23 : memref<632x128xf32, #tpu.memory_space<vmem_shared>>) dst(%dma_wait3A_21 : memref<632x128xf32, #tpu.memory_space<hbm>>)
      tpu.yield
    }) : () -> ()
    return
  }
}

#map = affine_map<(d0, d1) -> (0)>
module attributes {stable_mosaic.version = 14 : i64} {
  func.func @k(%arg0: i32, %arg1: i32, %arg2: memref<1294336xf32, #tpu.memory_space<hbm>>, %arg3: memref<163840xi32, #tpu.memory_space<hbm>>, %arg4: memref<163840xf32, #tpu.memory_space<hbm>>, %arg5: memref<163840xf32, #tpu.memory_space<hbm>>, %arg6: memref<163840xf32, #tpu.memory_space<hbm>>, %arg7: memref<163840xf32, #tpu.memory_space<hbm>>, %arg8: memref<128xi32, #tpu.memory_space<vmem>>, %arg9: memref<128xi32, #tpu.memory_space<vmem>>, %arg10: memref<128xi32, #tpu.memory_space<vmem>>, %arg11: memref<128xi32, #tpu.memory_space<vmem>>, %arg12: memref<128xi32, #tpu.memory_space<vmem>>, %arg13: memref<128xf32, #tpu.memory_space<vmem>>, %arg14: memref<128xf32, #tpu.memory_space<vmem>>, %arg15: memref<128xf32, #tpu.memory_space<vmem>>, %arg16: memref<128xf32, #tpu.memory_space<vmem>>, %arg17: memref<!tpu.dma_semaphore, #tpu.memory_space<semaphore_mem>>) attributes {dimension_semantics = [#tpu.dimension_semantics<core_parallel>, #tpu.dimension_semantics<subcore_parallel>], iteration_bounds = array<i64: 2, 16>, scalar_prefetch = 0 : i64, scratch_operands = 10 : i64, tpu.core_type = #tpu.core_type<sc_vector_subcore>, window_params = [{transform_indices = #map}, {transform_indices = #map}, {transform_indices = #map}, {transform_indices = #map}, {transform_indices = #map}, {transform_indices = #map}]} {
    %eq3A = arith.constant 0 : i32
    %eq3A_0 = arith.cmpi eq, %arg0, %eq3A : i32
    %jit3A = arith.constant 40 : i32
    %jit3A_1 = arith.constant 40 : i32
    %select_n3A = arith.select %eq3A_0, %jit3A, %jit3A_1 : i32
    %eq3A_2 = arith.constant 0 : i32
    %eq3A_3 = arith.cmpi eq, %arg0, %eq3A_2 : i32
    %mul3A = arith.constant 40 : i32
    %mul3A_4 = arith.muli %arg1, %mul3A : i32
    %mul3A_5 = arith.constant 128 : i32
    %mul3A_6 = arith.muli %mul3A_4, %mul3A_5 : i32
    %mul3A_7 = arith.constant 40 : i32
    %mul3A_8 = arith.muli %arg1, %mul3A_7 : i32
    %mul3A_9 = arith.constant 128 : i32
    %mul3A_10 = arith.muli %mul3A_8, %mul3A_9 : i32
    %add3A = arith.constant 81920 : i32
    %add3A_11 = arith.addi %add3A, %mul3A_10 : i32
    %select_n3A_12 = arith.select %eq3A_3, %mul3A_6, %add3A_11 : i32
    %while3A = arith.constant 0 : i32
    %while3A_13 = arith.constant 0 : i32
    %while3A_14 = arith.subi %select_n3A, %while3A_13 : i32
    %while3A_15 = arith.addi %while3A_13, %while3A_14 : i32
    %while3A_16 = arith.constant 1 : i32
    %while3A_17 = arith.divsi %while3A_14, %while3A_16 : i32
    %while3A_18 = arith.muli %while3A_17, %while3A_16 : i32
    %while3A_19 = arith.addi %while3A_13, %while3A_18 : i32
    %while3A_20 = arith.constant 1 : i32
    scf.for %while3A_22 = %while3A_13 to %while3A_19 step %while3A_20  : i32 {
      %mul3A_23 = arith.constant 128 : i32
      %mul3A_24 = arith.muli %while3A_22, %mul3A_23 : i32
      %add3A_25 = arith.addi %select_n3A_12, %mul3A_24 : i32
      %multiple_of3A = tpu.assume_multiple %add3A_25, 128 : i32
      "tpu.region"() ({
        %run_scoped3A = tpu.sem_alloc : memref<!tpu.dma_semaphore, #tpu.memory_space<semaphore_mem>>
        %dma_start3A_45 = tpu.memref_slice %arg3[%multiple_of3A] : memref<163840xi32, #tpu.memory_space<hbm>> -> memref<128xi32, #tpu.memory_space<hbm>>
        %dma_start3A_46 = tpu.memref_slice %arg3[%multiple_of3A] : memref<163840xi32, #tpu.memory_space<hbm>> -> memref<128xi32, #tpu.memory_space<hbm>>
        tpu.enqueue_dma source(%dma_start3A_46 : memref<128xi32, #tpu.memory_space<hbm>>) target(%arg8 : memref<128xi32, #tpu.memory_space<vmem>>) target_semaphore(%run_scoped3A : memref<!tpu.dma_semaphore, #tpu.memory_space<semaphore_mem>>)
        %dma_wait3A_47 = tpu.memref_slice %arg3[%multiple_of3A] : memref<163840xi32, #tpu.memory_space<hbm>> -> memref<128xi32, #tpu.memory_space<hbm>>
        %dma_wait3A_48 = tpu.memref_slice %arg3[%multiple_of3A] : memref<163840xi32, #tpu.memory_space<hbm>> -> memref<128xi32, #tpu.memory_space<hbm>>
        tpu.wait_dma2 semaphore(%run_scoped3A : memref<!tpu.dma_semaphore, #tpu.memory_space<semaphore_mem>>) src(%dma_wait3A_48 : memref<128xi32, #tpu.memory_space<hbm>>) dst(%arg8 : memref<128xi32, #tpu.memory_space<vmem>>)
        tpu.yield
      }) : () -> ()
      %scan3A = arith.constant 0 : i32
      %scan3A_26 = arith.constant 0 : i32
      %scan3A_27 = arith.constant 8 : i32
      %scan3A_28 = arith.addi %scan3A_26, %scan3A_27 : i32
      %scan3A_29 = arith.constant 1 : i32
      scf.for %scan3A_45 = %scan3A_26 to %scan3A_28 step %scan3A_29  : i32 {
        %mul3A_46 = arith.constant 16 : i32
        %mul3A_47 = arith.muli %scan3A_45, %mul3A_46 : i32
        %multiple_of3A_48 = tpu.assume_multiple %mul3A_47, 16 : i32
        %get3A = arith.index_cast %multiple_of3A_48 : i32 to index
        %get3A_49 = tpu.vector_load %arg8[%get3A] {strides = array<i32>} : memref<128xi32, #tpu.memory_space<vmem>>, vector<16xi32>,
        %get3A_50 = vector.shape_cast %get3A_49 : vector<16xi32> to vector<16xi32>
        %mul3A_51 = arith.constant 128 : i32
        %mul3A_52 = vector.broadcast %mul3A_51 : i32 to vector<16xi32>
        %mul3A_53 = arith.muli %get3A_50, %mul3A_52 : vector<16xi32>
        %add3A_54 = arith.constant 0 : i32
        %add3A_55 = vector.broadcast %add3A_54 : i32 to vector<16xi32>
        %add3A_56 = arith.addi %mul3A_53, %add3A_55 : vector<16xi32>
        %swap3A = arith.index_cast %multiple_of3A_48 : i32 to index
        %swap3A_57 = tpu.vector_load %arg9[%swap3A] {strides = array<i32>} : memref<128xi32, #tpu.memory_space<vmem>>, vector<16xi32>,
        %swap3A_58 = vector.shape_cast %swap3A_57 : vector<16xi32> to vector<16xi32>
        %swap3A_59 = vector.shape_cast %add3A_56 : vector<16xi32> to vector<16xi32>
        tpu.vector_store %arg9[%swap3A], %swap3A_59 {strides = array<i32>} : memref<128xi32, #tpu.memory_space<vmem>>, vector<16xi32>,
        %add3A_60 = arith.constant 1 : i32
        %add3A_61 = vector.broadcast %add3A_60 : i32 to vector<16xi32>
        %add3A_62 = arith.addi %mul3A_53, %add3A_61 : vector<16xi32>
        %swap3A_63 = arith.index_cast %multiple_of3A_48 : i32 to index
        %swap3A_64 = tpu.vector_load %arg10[%swap3A_63] {strides = array<i32>} : memref<128xi32, #tpu.memory_space<vmem>>, vector<16xi32>,
        %swap3A_65 = vector.shape_cast %swap3A_64 : vector<16xi32> to vector<16xi32>
        %swap3A_66 = vector.shape_cast %add3A_62 : vector<16xi32> to vector<16xi32>
        tpu.vector_store %arg10[%swap3A_63], %swap3A_66 {strides = array<i32>} : memref<128xi32, #tpu.memory_space<vmem>>, vector<16xi32>,
        %add3A_67 = arith.constant 2 : i32
        %add3A_68 = vector.broadcast %add3A_67 : i32 to vector<16xi32>
        %add3A_69 = arith.addi %mul3A_53, %add3A_68 : vector<16xi32>
        %swap3A_70 = arith.index_cast %multiple_of3A_48 : i32 to index
        %swap3A_71 = tpu.vector_load %arg11[%swap3A_70] {strides = array<i32>} : memref<128xi32, #tpu.memory_space<vmem>>, vector<16xi32>,
        %swap3A_72 = vector.shape_cast %swap3A_71 : vector<16xi32> to vector<16xi32>
        %swap3A_73 = vector.shape_cast %add3A_69 : vector<16xi32> to vector<16xi32>
        tpu.vector_store %arg11[%swap3A_70], %swap3A_73 {strides = array<i32>} : memref<128xi32, #tpu.memory_space<vmem>>, vector<16xi32>,
        %add3A_74 = arith.constant 3 : i32
        %add3A_75 = vector.broadcast %add3A_74 : i32 to vector<16xi32>
        %add3A_76 = arith.addi %mul3A_53, %add3A_75 : vector<16xi32>
        %swap3A_77 = arith.index_cast %multiple_of3A_48 : i32 to index
        %swap3A_78 = tpu.vector_load %arg12[%swap3A_77] {strides = array<i32>} : memref<128xi32, #tpu.memory_space<vmem>>, vector<16xi32>,
        %swap3A_79 = vector.shape_cast %swap3A_78 : vector<16xi32> to vector<16xi32>
        %swap3A_80 = vector.shape_cast %add3A_76 : vector<16xi32> to vector<16xi32>
        tpu.vector_store %arg12[%swap3A_77], %swap3A_80 {strides = array<i32>} : memref<128xi32, #tpu.memory_space<vmem>>, vector<16xi32>,
      }
      %scan3A_30 = arith.constant 8 : i32
      %dma_start3A = arith.constant 0 : i32
      %dma_start3A_31 = tpu.memref_slice %arg2[%dma_start3A] : memref<1294336xf32, #tpu.memory_space<hbm>> -> memref<1294336xf32, #tpu.memory_space<hbm>>
      tpu.enqueue_indirect_dma source(%dma_start3A_31 : memref<1294336xf32, #tpu.memory_space<hbm>>) target(%arg13 : memref<128xf32, #tpu.memory_space<vmem>>) offsets(%arg9 : memref<128xi32, #tpu.memory_space<vmem>>) semaphore(%arg17 : memref<!tpu.dma_semaphore, #tpu.memory_space<semaphore_mem>>)
      %dma_start3A_32 = arith.constant 0 : i32
      %dma_start3A_33 = tpu.memref_slice %arg2[%dma_start3A_32] : memref<1294336xf32, #tpu.memory_space<hbm>> -> memref<1294336xf32, #tpu.memory_space<hbm>>
      tpu.enqueue_indirect_dma source(%dma_start3A_33 : memref<1294336xf32, #tpu.memory_space<hbm>>) target(%arg14 : memref<128xf32, #tpu.memory_space<vmem>>) offsets(%arg10 : memref<128xi32, #tpu.memory_space<vmem>>) semaphore(%arg17 : memref<!tpu.dma_semaphore, #tpu.memory_space<semaphore_mem>>)
      %dma_start3A_34 = arith.constant 0 : i32
      %dma_start3A_35 = tpu.memref_slice %arg2[%dma_start3A_34] : memref<1294336xf32, #tpu.memory_space<hbm>> -> memref<1294336xf32, #tpu.memory_space<hbm>>
      tpu.enqueue_indirect_dma source(%dma_start3A_35 : memref<1294336xf32, #tpu.memory_space<hbm>>) target(%arg15 : memref<128xf32, #tpu.memory_space<vmem>>) offsets(%arg11 : memref<128xi32, #tpu.memory_space<vmem>>) semaphore(%arg17 : memref<!tpu.dma_semaphore, #tpu.memory_space<semaphore_mem>>)
      %dma_start3A_36 = arith.constant 0 : i32
      %dma_start3A_37 = tpu.memref_slice %arg2[%dma_start3A_36] : memref<1294336xf32, #tpu.memory_space<hbm>> -> memref<1294336xf32, #tpu.memory_space<hbm>>
      tpu.enqueue_indirect_dma source(%dma_start3A_37 : memref<1294336xf32, #tpu.memory_space<hbm>>) target(%arg16 : memref<128xf32, #tpu.memory_space<vmem>>) offsets(%arg12 : memref<128xi32, #tpu.memory_space<vmem>>) semaphore(%arg17 : memref<!tpu.dma_semaphore, #tpu.memory_space<semaphore_mem>>)
      %dma_wait3A = arith.constant 0 : i32
      %dma_wait3A_38 = tpu.memref_slice %arg2[%dma_wait3A] : memref<1294336xf32, #tpu.memory_space<hbm>> -> memref<1294336xf32, #tpu.memory_space<hbm>>
      tpu.wait_indirect_dma semaphore(%arg17 : memref<!tpu.dma_semaphore, #tpu.memory_space<semaphore_mem>>) src(%dma_wait3A_38 : memref<1294336xf32, #tpu.memory_space<hbm>>) dst(%arg13 : memref<128xf32, #tpu.memory_space<vmem>>)
      %dma_wait3A_39 = arith.constant 0 : i32
      %dma_wait3A_40 = tpu.memref_slice %arg2[%dma_wait3A_39] : memref<1294336xf32, #tpu.memory_space<hbm>> -> memref<1294336xf32, #tpu.memory_space<hbm>>
      tpu.wait_indirect_dma semaphore(%arg17 : memref<!tpu.dma_semaphore, #tpu.memory_space<semaphore_mem>>) src(%dma_wait3A_40 : memref<1294336xf32, #tpu.memory_space<hbm>>) dst(%arg14 : memref<128xf32, #tpu.memory_space<vmem>>)
      %dma_wait3A_41 = arith.constant 0 : i32
      %dma_wait3A_42 = tpu.memref_slice %arg2[%dma_wait3A_41] : memref<1294336xf32, #tpu.memory_space<hbm>> -> memref<1294336xf32, #tpu.memory_space<hbm>>
      tpu.wait_indirect_dma semaphore(%arg17 : memref<!tpu.dma_semaphore, #tpu.memory_space<semaphore_mem>>) src(%dma_wait3A_42 : memref<1294336xf32, #tpu.memory_space<hbm>>) dst(%arg15 : memref<128xf32, #tpu.memory_space<vmem>>)
      %dma_wait3A_43 = arith.constant 0 : i32
      %dma_wait3A_44 = tpu.memref_slice %arg2[%dma_wait3A_43] : memref<1294336xf32, #tpu.memory_space<hbm>> -> memref<1294336xf32, #tpu.memory_space<hbm>>
      tpu.wait_indirect_dma semaphore(%arg17 : memref<!tpu.dma_semaphore, #tpu.memory_space<semaphore_mem>>) src(%dma_wait3A_44 : memref<1294336xf32, #tpu.memory_space<hbm>>) dst(%arg16 : memref<128xf32, #tpu.memory_space<vmem>>)
      "tpu.region"() ({
        %run_scoped3A = tpu.sem_alloc : memref<!tpu.dma_semaphore, #tpu.memory_space<semaphore_mem>>
        %dma_start3A_45 = tpu.memref_slice %arg4[%multiple_of3A] : memref<163840xf32, #tpu.memory_space<hbm>> -> memref<128xf32, #tpu.memory_space<hbm>>
        %dma_start3A_46 = tpu.memref_slice %arg4[%multiple_of3A] : memref<163840xf32, #tpu.memory_space<hbm>> -> memref<128xf32, #tpu.memory_space<hbm>>
        tpu.enqueue_dma source(%arg13 : memref<128xf32, #tpu.memory_space<vmem>>) target(%dma_start3A_46 : memref<128xf32, #tpu.memory_space<hbm>>) target_semaphore(%run_scoped3A : memref<!tpu.dma_semaphore, #tpu.memory_space<semaphore_mem>>)
        %dma_wait3A_47 = tpu.memref_slice %arg4[%multiple_of3A] : memref<163840xf32, #tpu.memory_space<hbm>> -> memref<128xf32, #tpu.memory_space<hbm>>
        %dma_wait3A_48 = tpu.memref_slice %arg4[%multiple_of3A] : memref<163840xf32, #tpu.memory_space<hbm>> -> memref<128xf32, #tpu.memory_space<hbm>>
        tpu.wait_dma2 semaphore(%run_scoped3A : memref<!tpu.dma_semaphore, #tpu.memory_space<semaphore_mem>>) src(%arg13 : memref<128xf32, #tpu.memory_space<vmem>>) dst(%dma_wait3A_48 : memref<128xf32, #tpu.memory_space<hbm>>)
        tpu.yield
      }) : () -> ()
      "tpu.region"() ({
        %run_scoped3A = tpu.sem_alloc : memref<!tpu.dma_semaphore, #tpu.memory_space<semaphore_mem>>
        %dma_start3A_45 = tpu.memref_slice %arg5[%multiple_of3A] : memref<163840xf32, #tpu.memory_space<hbm>> -> memref<128xf32, #tpu.memory_space<hbm>>
        %dma_start3A_46 = tpu.memref_slice %arg5[%multiple_of3A] : memref<163840xf32, #tpu.memory_space<hbm>> -> memref<128xf32, #tpu.memory_space<hbm>>
        tpu.enqueue_dma source(%arg14 : memref<128xf32, #tpu.memory_space<vmem>>) target(%dma_start3A_46 : memref<128xf32, #tpu.memory_space<hbm>>) target_semaphore(%run_scoped3A : memref<!tpu.dma_semaphore, #tpu.memory_space<semaphore_mem>>)
        %dma_wait3A_47 = tpu.memref_slice %arg5[%multiple_of3A] : memref<163840xf32, #tpu.memory_space<hbm>> -> memref<128xf32, #tpu.memory_space<hbm>>
        %dma_wait3A_48 = tpu.memref_slice %arg5[%multiple_of3A] : memref<163840xf32, #tpu.memory_space<hbm>> -> memref<128xf32, #tpu.memory_space<hbm>>
        tpu.wait_dma2 semaphore(%run_scoped3A : memref<!tpu.dma_semaphore, #tpu.memory_space<semaphore_mem>>) src(%arg14 : memref<128xf32, #tpu.memory_space<vmem>>) dst(%dma_wait3A_48 : memref<128xf32, #tpu.memory_space<hbm>>)
        tpu.yield
      }) : () -> ()
      "tpu.region"() ({
        %run_scoped3A = tpu.sem_alloc : memref<!tpu.dma_semaphore, #tpu.memory_space<semaphore_mem>>
        %dma_start3A_45 = tpu.memref_slice %arg6[%multiple_of3A] : memref<163840xf32, #tpu.memory_space<hbm>> -> memref<128xf32, #tpu.memory_space<hbm>>
        %dma_start3A_46 = tpu.memref_slice %arg6[%multiple_of3A] : memref<163840xf32, #tpu.memory_space<hbm>> -> memref<128xf32, #tpu.memory_space<hbm>>
        tpu.enqueue_dma source(%arg15 : memref<128xf32, #tpu.memory_space<vmem>>) target(%dma_start3A_46 : memref<128xf32, #tpu.memory_space<hbm>>) target_semaphore(%run_scoped3A : memref<!tpu.dma_semaphore, #tpu.memory_space<semaphore_mem>>)
        %dma_wait3A_47 = tpu.memref_slice %arg6[%multiple_of3A] : memref<163840xf32, #tpu.memory_space<hbm>> -> memref<128xf32, #tpu.memory_space<hbm>>
        %dma_wait3A_48 = tpu.memref_slice %arg6[%multiple_of3A] : memref<163840xf32, #tpu.memory_space<hbm>> -> memref<128xf32, #tpu.memory_space<hbm>>
        tpu.wait_dma2 semaphore(%run_scoped3A : memref<!tpu.dma_semaphore, #tpu.memory_space<semaphore_mem>>) src(%arg15 : memref<128xf32, #tpu.memory_space<vmem>>) dst(%dma_wait3A_48 : memref<128xf32, #tpu.memory_space<hbm>>)
        tpu.yield
      }) : () -> ()
      "tpu.region"() ({
        %run_scoped3A = tpu.sem_alloc : memref<!tpu.dma_semaphore, #tpu.memory_space<semaphore_mem>>
        %dma_start3A_45 = tpu.memref_slice %arg7[%multiple_of3A] : memref<163840xf32, #tpu.memory_space<hbm>> -> memref<128xf32, #tpu.memory_space<hbm>>
        %dma_start3A_46 = tpu.memref_slice %arg7[%multiple_of3A] : memref<163840xf32, #tpu.memory_space<hbm>> -> memref<128xf32, #tpu.memory_space<hbm>>
        tpu.enqueue_dma source(%arg16 : memref<128xf32, #tpu.memory_space<vmem>>) target(%dma_start3A_46 : memref<128xf32, #tpu.memory_space<hbm>>) target_semaphore(%run_scoped3A : memref<!tpu.dma_semaphore, #tpu.memory_space<semaphore_mem>>)
        %dma_wait3A_47 = tpu.memref_slice %arg7[%multiple_of3A] : memref<163840xf32, #tpu.memory_space<hbm>> -> memref<128xf32, #tpu.memory_space<hbm>>
        %dma_wait3A_48 = tpu.memref_slice %arg7[%multiple_of3A] : memref<163840xf32, #tpu.memory_space<hbm>> -> memref<128xf32, #tpu.memory_space<hbm>>
        tpu.wait_dma2 semaphore(%run_scoped3A : memref<!tpu.dma_semaphore, #tpu.memory_space<semaphore_mem>>) src(%arg16 : memref<128xf32, #tpu.memory_space<vmem>>) dst(%dma_wait3A_48 : memref<128xf32, #tpu.memory_space<hbm>>)
        tpu.yield
      }) : () -> ()
    }
    %while3A_21 = arith.constant 1 : i32
    scf.for %while3A_22 = %while3A_19 to %while3A_15 step %while3A_21  : i32 {
      %mul3A_23 = arith.constant 128 : i32
      %mul3A_24 = arith.muli %while3A_22, %mul3A_23 : i32
      %add3A_25 = arith.addi %select_n3A_12, %mul3A_24 : i32
      %multiple_of3A = tpu.assume_multiple %add3A_25, 128 : i32
      "tpu.region"() ({
        %run_scoped3A = tpu.sem_alloc : memref<!tpu.dma_semaphore, #tpu.memory_space<semaphore_mem>>
        %dma_start3A_45 = tpu.memref_slice %arg3[%multiple_of3A] : memref<163840xi32, #tpu.memory_space<hbm>> -> memref<128xi32, #tpu.memory_space<hbm>>
        %dma_start3A_46 = tpu.memref_slice %arg3[%multiple_of3A] : memref<163840xi32, #tpu.memory_space<hbm>> -> memref<128xi32, #tpu.memory_space<hbm>>
        tpu.enqueue_dma source(%dma_start3A_46 : memref<128xi32, #tpu.memory_space<hbm>>) target(%arg8 : memref<128xi32, #tpu.memory_space<vmem>>) target_semaphore(%run_scoped3A : memref<!tpu.dma_semaphore, #tpu.memory_space<semaphore_mem>>)
        %dma_wait3A_47 = tpu.memref_slice %arg3[%multiple_of3A] : memref<163840xi32, #tpu.memory_space<hbm>> -> memref<128xi32, #tpu.memory_space<hbm>>
        %dma_wait3A_48 = tpu.memref_slice %arg3[%multiple_of3A] : memref<163840xi32, #tpu.memory_space<hbm>> -> memref<128xi32, #tpu.memory_space<hbm>>
        tpu.wait_dma2 semaphore(%run_scoped3A : memref<!tpu.dma_semaphore, #tpu.memory_space<semaphore_mem>>) src(%dma_wait3A_48 : memref<128xi32, #tpu.memory_space<hbm>>) dst(%arg8 : memref<128xi32, #tpu.memory_space<vmem>>)
        tpu.yield
      }) : () -> ()
      %scan3A = arith.constant 0 : i32
      %scan3A_26 = arith.constant 0 : i32
      %scan3A_27 = arith.constant 8 : i32
      %scan3A_28 = arith.addi %scan3A_26, %scan3A_27 : i32
      %scan3A_29 = arith.constant 1 : i32
      scf.for %scan3A_45 = %scan3A_26 to %scan3A_28 step %scan3A_29  : i32 {
        %mul3A_46 = arith.constant 16 : i32
        %mul3A_47 = arith.muli %scan3A_45, %mul3A_46 : i32
        %multiple_of3A_48 = tpu.assume_multiple %mul3A_47, 16 : i32
        %get3A = arith.index_cast %multiple_of3A_48 : i32 to index
        %get3A_49 = tpu.vector_load %arg8[%get3A] {strides = array<i32>} : memref<128xi32, #tpu.memory_space<vmem>>, vector<16xi32>,
        %get3A_50 = vector.shape_cast %get3A_49 : vector<16xi32> to vector<16xi32>
        %mul3A_51 = arith.constant 128 : i32
        %mul3A_52 = vector.broadcast %mul3A_51 : i32 to vector<16xi32>
        %mul3A_53 = arith.muli %get3A_50, %mul3A_52 : vector<16xi32>
        %add3A_54 = arith.constant 0 : i32
        %add3A_55 = vector.broadcast %add3A_54 : i32 to vector<16xi32>
        %add3A_56 = arith.addi %mul3A_53, %add3A_55 : vector<16xi32>
        %swap3A = arith.index_cast %multiple_of3A_48 : i32 to index
        %swap3A_57 = tpu.vector_load %arg9[%swap3A] {strides = array<i32>} : memref<128xi32, #tpu.memory_space<vmem>>, vector<16xi32>,
        %swap3A_58 = vector.shape_cast %swap3A_57 : vector<16xi32> to vector<16xi32>
        %swap3A_59 = vector.shape_cast %add3A_56 : vector<16xi32> to vector<16xi32>
        tpu.vector_store %arg9[%swap3A], %swap3A_59 {strides = array<i32>} : memref<128xi32, #tpu.memory_space<vmem>>, vector<16xi32>,
        %add3A_60 = arith.constant 1 : i32
        %add3A_61 = vector.broadcast %add3A_60 : i32 to vector<16xi32>
        %add3A_62 = arith.addi %mul3A_53, %add3A_61 : vector<16xi32>
        %swap3A_63 = arith.index_cast %multiple_of3A_48 : i32 to index
        %swap3A_64 = tpu.vector_load %arg10[%swap3A_63] {strides = array<i32>} : memref<128xi32, #tpu.memory_space<vmem>>, vector<16xi32>,
        %swap3A_65 = vector.shape_cast %swap3A_64 : vector<16xi32> to vector<16xi32>
        %swap3A_66 = vector.shape_cast %add3A_62 : vector<16xi32> to vector<16xi32>
        tpu.vector_store %arg10[%swap3A_63], %swap3A_66 {strides = array<i32>} : memref<128xi32, #tpu.memory_space<vmem>>, vector<16xi32>,
        %add3A_67 = arith.constant 2 : i32
        %add3A_68 = vector.broadcast %add3A_67 : i32 to vector<16xi32>
        %add3A_69 = arith.addi %mul3A_53, %add3A_68 : vector<16xi32>
        %swap3A_70 = arith.index_cast %multiple_of3A_48 : i32 to index
        %swap3A_71 = tpu.vector_load %arg11[%swap3A_70] {strides = array<i32>} : memref<128xi32, #tpu.memory_space<vmem>>, vector<16xi32>,
        %swap3A_72 = vector.shape_cast %swap3A_71 : vector<16xi32> to vector<16xi32>
        %swap3A_73 = vector.shape_cast %add3A_69 : vector<16xi32> to vector<16xi32>
        tpu.vector_store %arg11[%swap3A_70], %swap3A_73 {strides = array<i32>} : memref<128xi32, #tpu.memory_space<vmem>>, vector<16xi32>,
        %add3A_74 = arith.constant 3 : i32
        %add3A_75 = vector.broadcast %add3A_74 : i32 to vector<16xi32>
        %add3A_76 = arith.addi %mul3A_53, %add3A_75 : vector<16xi32>
        %swap3A_77 = arith.index_cast %multiple_of3A_48 : i32 to index
        %swap3A_78 = tpu.vector_load %arg12[%swap3A_77] {strides = array<i32>} : memref<128xi32, #tpu.memory_space<vmem>>, vector<16xi32>,
        %swap3A_79 = vector.shape_cast %swap3A_78 : vector<16xi32> to vector<16xi32>
        %swap3A_80 = vector.shape_cast %add3A_76 : vector<16xi32> to vector<16xi32>
        tpu.vector_store %arg12[%swap3A_77], %swap3A_80 {strides = array<i32>} : memref<128xi32, #tpu.memory_space<vmem>>, vector<16xi32>,
      }
      %scan3A_30 = arith.constant 8 : i32
      %dma_start3A = arith.constant 0 : i32
      %dma_start3A_31 = tpu.memref_slice %arg2[%dma_start3A] : memref<1294336xf32, #tpu.memory_space<hbm>> -> memref<1294336xf32, #tpu.memory_space<hbm>>
      tpu.enqueue_indirect_dma source(%dma_start3A_31 : memref<1294336xf32, #tpu.memory_space<hbm>>) target(%arg13 : memref<128xf32, #tpu.memory_space<vmem>>) offsets(%arg9 : memref<128xi32, #tpu.memory_space<vmem>>) semaphore(%arg17 : memref<!tpu.dma_semaphore, #tpu.memory_space<semaphore_mem>>)
      %dma_start3A_32 = arith.constant 0 : i32
      %dma_start3A_33 = tpu.memref_slice %arg2[%dma_start3A_32] : memref<1294336xf32, #tpu.memory_space<hbm>> -> memref<1294336xf32, #tpu.memory_space<hbm>>
      tpu.enqueue_indirect_dma source(%dma_start3A_33 : memref<1294336xf32, #tpu.memory_space<hbm>>) target(%arg14 : memref<128xf32, #tpu.memory_space<vmem>>) offsets(%arg10 : memref<128xi32, #tpu.memory_space<vmem>>) semaphore(%arg17 : memref<!tpu.dma_semaphore, #tpu.memory_space<semaphore_mem>>)
      %dma_start3A_34 = arith.constant 0 : i32
      %dma_start3A_35 = tpu.memref_slice %arg2[%dma_start3A_34] : memref<1294336xf32, #tpu.memory_space<hbm>> -> memref<1294336xf32, #tpu.memory_space<hbm>>
      tpu.enqueue_indirect_dma source(%dma_start3A_35 : memref<1294336xf32, #tpu.memory_space<hbm>>) target(%arg15 : memref<128xf32, #tpu.memory_space<vmem>>) offsets(%arg11 : memref<128xi32, #tpu.memory_space<vmem>>) semaphore(%arg17 : memref<!tpu.dma_semaphore, #tpu.memory_space<semaphore_mem>>)
      %dma_start3A_36 = arith.constant 0 : i32
      %dma_start3A_37 = tpu.memref_slice %arg2[%dma_start3A_36] : memref<1294336xf32, #tpu.memory_space<hbm>> -> memref<1294336xf32, #tpu.memory_space<hbm>>
      tpu.enqueue_indirect_dma source(%dma_start3A_37 : memref<1294336xf32, #tpu.memory_space<hbm>>) target(%arg16 : memref<128xf32, #tpu.memory_space<vmem>>) offsets(%arg12 : memref<128xi32, #tpu.memory_space<vmem>>) semaphore(%arg17 : memref<!tpu.dma_semaphore, #tpu.memory_space<semaphore_mem>>)
      %dma_wait3A = arith.constant 0 : i32
      %dma_wait3A_38 = tpu.memref_slice %arg2[%dma_wait3A] : memref<1294336xf32, #tpu.memory_space<hbm>> -> memref<1294336xf32, #tpu.memory_space<hbm>>
      tpu.wait_indirect_dma semaphore(%arg17 : memref<!tpu.dma_semaphore, #tpu.memory_space<semaphore_mem>>) src(%dma_wait3A_38 : memref<1294336xf32, #tpu.memory_space<hbm>>) dst(%arg13 : memref<128xf32, #tpu.memory_space<vmem>>)
      %dma_wait3A_39 = arith.constant 0 : i32
      %dma_wait3A_40 = tpu.memref_slice %arg2[%dma_wait3A_39] : memref<1294336xf32, #tpu.memory_space<hbm>> -> memref<1294336xf32, #tpu.memory_space<hbm>>
      tpu.wait_indirect_dma semaphore(%arg17 : memref<!tpu.dma_semaphore, #tpu.memory_space<semaphore_mem>>) src(%dma_wait3A_40 : memref<1294336xf32, #tpu.memory_space<hbm>>) dst(%arg14 : memref<128xf32, #tpu.memory_space<vmem>>)
      %dma_wait3A_41 = arith.constant 0 : i32
      %dma_wait3A_42 = tpu.memref_slice %arg2[%dma_wait3A_41] : memref<1294336xf32, #tpu.memory_space<hbm>> -> memref<1294336xf32, #tpu.memory_space<hbm>>
      tpu.wait_indirect_dma semaphore(%arg17 : memref<!tpu.dma_semaphore, #tpu.memory_space<semaphore_mem>>) src(%dma_wait3A_42 : memref<1294336xf32, #tpu.memory_space<hbm>>) dst(%arg15 : memref<128xf32, #tpu.memory_space<vmem>>)
      %dma_wait3A_43 = arith.constant 0 : i32
      %dma_wait3A_44 = tpu.memref_slice %arg2[%dma_wait3A_43] : memref<1294336xf32, #tpu.memory_space<hbm>> -> memref<1294336xf32, #tpu.memory_space<hbm>>
      tpu.wait_indirect_dma semaphore(%arg17 : memref<!tpu.dma_semaphore, #tpu.memory_space<semaphore_mem>>) src(%dma_wait3A_44 : memref<1294336xf32, #tpu.memory_space<hbm>>) dst(%arg16 : memref<128xf32, #tpu.memory_space<vmem>>)
      "tpu.region"() ({
        %run_scoped3A = tpu.sem_alloc : memref<!tpu.dma_semaphore, #tpu.memory_space<semaphore_mem>>
        %dma_start3A_45 = tpu.memref_slice %arg4[%multiple_of3A] : memref<163840xf32, #tpu.memory_space<hbm>> -> memref<128xf32, #tpu.memory_space<hbm>>
        %dma_start3A_46 = tpu.memref_slice %arg4[%multiple_of3A] : memref<163840xf32, #tpu.memory_space<hbm>> -> memref<128xf32, #tpu.memory_space<hbm>>
        tpu.enqueue_dma source(%arg13 : memref<128xf32, #tpu.memory_space<vmem>>) target(%dma_start3A_46 : memref<128xf32, #tpu.memory_space<hbm>>) target_semaphore(%run_scoped3A : memref<!tpu.dma_semaphore, #tpu.memory_space<semaphore_mem>>)
        %dma_wait3A_47 = tpu.memref_slice %arg4[%multiple_of3A] : memref<163840xf32, #tpu.memory_space<hbm>> -> memref<128xf32, #tpu.memory_space<hbm>>
        %dma_wait3A_48 = tpu.memref_slice %arg4[%multiple_of3A] : memref<163840xf32, #tpu.memory_space<hbm>> -> memref<128xf32, #tpu.memory_space<hbm>>
        tpu.wait_dma2 semaphore(%run_scoped3A : memref<!tpu.dma_semaphore, #tpu.memory_space<semaphore_mem>>) src(%arg13 : memref<128xf32, #tpu.memory_space<vmem>>) dst(%dma_wait3A_48 : memref<128xf32, #tpu.memory_space<hbm>>)
        tpu.yield
      }) : () -> ()
      "tpu.region"() ({
        %run_scoped3A = tpu.sem_alloc : memref<!tpu.dma_semaphore, #tpu.memory_space<semaphore_mem>>
        %dma_start3A_45 = tpu.memref_slice %arg5[%multiple_of3A] : memref<163840xf32, #tpu.memory_space<hbm>> -> memref<128xf32, #tpu.memory_space<hbm>>
        %dma_start3A_46 = tpu.memref_slice %arg5[%multiple_of3A] : memref<163840xf32, #tpu.memory_space<hbm>> -> memref<128xf32, #tpu.memory_space<hbm>>
        tpu.enqueue_dma source(%arg14 : memref<128xf32, #tpu.memory_space<vmem>>) target(%dma_start3A_46 : memref<128xf32, #tpu.memory_space<hbm>>) target_semaphore(%run_scoped3A : memref<!tpu.dma_semaphore, #tpu.memory_space<semaphore_mem>>)
        %dma_wait3A_47 = tpu.memref_slice %arg5[%multiple_of3A] : memref<163840xf32, #tpu.memory_space<hbm>> -> memref<128xf32, #tpu.memory_space<hbm>>
        %dma_wait3A_48 = tpu.memref_slice %arg5[%multiple_of3A] : memref<163840xf32, #tpu.memory_space<hbm>> -> memref<128xf32, #tpu.memory_space<hbm>>
        tpu.wait_dma2 semaphore(%run_scoped3A : memref<!tpu.dma_semaphore, #tpu.memory_space<semaphore_mem>>) src(%arg14 : memref<128xf32, #tpu.memory_space<vmem>>) dst(%dma_wait3A_48 : memref<128xf32, #tpu.memory_space<hbm>>)
        tpu.yield
      }) : () -> ()
      "tpu.region"() ({
        %run_scoped3A = tpu.sem_alloc : memref<!tpu.dma_semaphore, #tpu.memory_space<semaphore_mem>>
        %dma_start3A_45 = tpu.memref_slice %arg6[%multiple_of3A] : memref<163840xf32, #tpu.memory_space<hbm>> -> memref<128xf32, #tpu.memory_space<hbm>>
        %dma_start3A_46 = tpu.memref_slice %arg6[%multiple_of3A] : memref<163840xf32, #tpu.memory_space<hbm>> -> memref<128xf32, #tpu.memory_space<hbm>>
        tpu.enqueue_dma source(%arg15 : memref<128xf32, #tpu.memory_space<vmem>>) target(%dma_start3A_46 : memref<128xf32, #tpu.memory_space<hbm>>) target_semaphore(%run_scoped3A : memref<!tpu.dma_semaphore, #tpu.memory_space<semaphore_mem>>)
        %dma_wait3A_47 = tpu.memref_slice %arg6[%multiple_of3A] : memref<163840xf32, #tpu.memory_space<hbm>> -> memref<128xf32, #tpu.memory_space<hbm>>
        %dma_wait3A_48 = tpu.memref_slice %arg6[%multiple_of3A] : memref<163840xf32, #tpu.memory_space<hbm>> -> memref<128xf32, #tpu.memory_space<hbm>>
        tpu.wait_dma2 semaphore(%run_scoped3A : memref<!tpu.dma_semaphore, #tpu.memory_space<semaphore_mem>>) src(%arg15 : memref<128xf32, #tpu.memory_space<vmem>>) dst(%dma_wait3A_48 : memref<128xf32, #tpu.memory_space<hbm>>)
        tpu.yield
      }) : () -> ()
      "tpu.region"() ({
        %run_scoped3A = tpu.sem_alloc : memref<!tpu.dma_semaphore, #tpu.memory_space<semaphore_mem>>
        %dma_start3A_45 = tpu.memref_slice %arg7[%multiple_of3A] : memref<163840xf32, #tpu.memory_space<hbm>> -> memref<128xf32, #tpu.memory_space<hbm>>
        %dma_start3A_46 = tpu.memref_slice %arg7[%multiple_of3A] : memref<163840xf32, #tpu.memory_space<hbm>> -> memref<128xf32, #tpu.memory_space<hbm>>
        tpu.enqueue_dma source(%arg16 : memref<128xf32, #tpu.memory_space<vmem>>) target(%dma_start3A_46 : memref<128xf32, #tpu.memory_space<hbm>>) target_semaphore(%run_scoped3A : memref<!tpu.dma_semaphore, #tpu.memory_space<semaphore_mem>>)
        %dma_wait3A_47 = tpu.memref_slice %arg7[%multiple_of3A] : memref<163840xf32, #tpu.memory_space<hbm>> -> memref<128xf32, #tpu.memory_space<hbm>>
        %dma_wait3A_48 = tpu.memref_slice %arg7[%multiple_of3A] : memref<163840xf32, #tpu.memory_space<hbm>> -> memref<128xf32, #tpu.memory_space<hbm>>
        tpu.wait_dma2 semaphore(%run_scoped3A : memref<!tpu.dma_semaphore, #tpu.memory_space<semaphore_mem>>) src(%arg16 : memref<128xf32, #tpu.memory_space<vmem>>) dst(%dma_wait3A_48 : memref<128xf32, #tpu.memory_space<hbm>>)
        tpu.yield
      }) : () -> ()
    }
    return
  }
}

#map = affine_map<(d0, d1) -> (0, 0)>
#map1 = affine_map<(d0, d1) -> (0)>
module attributes {stable_mosaic.version = 14 : i64} {
  func.func @k(%arg0: i32, %arg1: i32, %arg2: memref<10112x128xf32, #tpu.memory_space<hbm>>, %arg3: memref<10112x128xf32, #tpu.memory_space<hbm>>, %arg4: memref<163840xi32, #tpu.memory_space<hbm>>, %arg5: memref<163840xi32, #tpu.memory_space<hbm>>, %arg6: memref<163840x128xf32, #tpu.memory_space<hbm>>, %arg7: memref<5120xi32, #tpu.memory_space<vmem>>, %arg8: memref<5120xi32, #tpu.memory_space<vmem>>, %arg9: memref<128x128xf32, #tpu.memory_space<vmem>>, %arg10: memref<128x128xf32, #tpu.memory_space<vmem>>, %arg11: memref<128x128xf32, #tpu.memory_space<vmem>>, %arg12: memref<128x128xf32, #tpu.memory_space<vmem>>, %arg13: memref<!tpu.dma_semaphore, #tpu.memory_space<semaphore_mem>>, %arg14: memref<!tpu.dma_semaphore, #tpu.memory_space<semaphore_mem>>, %arg15: memref<!tpu.dma_semaphore, #tpu.memory_space<semaphore_mem>>, %arg16: memref<!tpu.dma_semaphore, #tpu.memory_space<semaphore_mem>>) attributes {dimension_semantics = [#tpu.dimension_semantics<core_parallel>, #tpu.dimension_semantics<subcore_parallel>], iteration_bounds = array<i64: 2, 16>, scalar_prefetch = 0 : i64, scratch_operands = 10 : i64, tpu.core_type = #tpu.core_type<sc_vector_subcore>, window_params = [{transform_indices = #map}, {transform_indices = #map}, {transform_indices = #map1}, {transform_indices = #map1}, {transform_indices = #map}]} {
    %eq3A = arith.constant 0 : i32
    %eq3A_0 = arith.cmpi eq, %arg0, %eq3A : i32
    %jit3A = arith.constant 40 : i32
    %jit3A_1 = arith.constant 40 : i32
    %select_n3A = arith.select %eq3A_0, %jit3A, %jit3A_1 : i32
    %eq3A_2 = arith.constant 0 : i32
    %eq3A_3 = arith.cmpi eq, %arg0, %eq3A_2 : i32
    %mul3A = arith.constant 40 : i32
    %mul3A_4 = arith.muli %arg1, %mul3A : i32
    %mul3A_5 = arith.constant 128 : i32
    %mul3A_6 = arith.muli %mul3A_4, %mul3A_5 : i32
    %mul3A_7 = arith.constant 40 : i32
    %mul3A_8 = arith.muli %arg1, %mul3A_7 : i32
    %mul3A_9 = arith.constant 128 : i32
    %mul3A_10 = arith.muli %mul3A_8, %mul3A_9 : i32
    %add3A = arith.constant 81920 : i32
    %add3A_11 = arith.addi %add3A, %mul3A_10 : i32
    %select_n3A_12 = arith.select %eq3A_3, %mul3A_6, %add3A_11 : i32
    %multiple_of3A = tpu.assume_multiple %select_n3A_12, 128 : i32
    %eq3A_13 = arith.constant 0 : i32
    %eq3A_14 = arith.cmpi eq, %arg0, %eq3A_13 : i32
    %convert_element_type3A = arith.extui %eq3A_14 : i1 to i32
    %cond3A = arith.constant 0 : i32
    %cond3A_15 = arith.cmpi ne, %convert_element_type3A, %cond3A : i32
    scf.if %cond3A_15 {
      "tpu.region"() ({
        %run_scoped3A = tpu.sem_alloc : memref<!tpu.dma_semaphore, #tpu.memory_space<semaphore_mem>>
        %dma_start3A_81 = arith.constant 0 : i32
        %dma_start3A_82 = tpu.memref_slice %arg7[%dma_start3A_81] : memref<5120xi32, #tpu.memory_space<vmem>> -> memref<5120xi32, #tpu.memory_space<vmem>>
        %dma_start3A_83 = tpu.memref_slice %arg4[%multiple_of3A] : memref<163840xi32, #tpu.memory_space<hbm>> -> memref<5120xi32, #tpu.memory_space<hbm>>
        %dma_start3A_84 = arith.constant 0 : i32
        %dma_start3A_85 = tpu.memref_slice %arg7[%dma_start3A_84] : memref<5120xi32, #tpu.memory_space<vmem>> -> memref<5120xi32, #tpu.memory_space<vmem>>
        %dma_start3A_86 = tpu.memref_slice %arg4[%multiple_of3A] : memref<163840xi32, #tpu.memory_space<hbm>> -> memref<5120xi32, #tpu.memory_space<hbm>>
        tpu.enqueue_dma source(%dma_start3A_86 : memref<5120xi32, #tpu.memory_space<hbm>>) target(%dma_start3A_85 : memref<5120xi32, #tpu.memory_space<vmem>>) target_semaphore(%run_scoped3A : memref<!tpu.dma_semaphore, #tpu.memory_space<semaphore_mem>>)
        %dma_wait3A_87 = arith.constant 0 : i32
        %dma_wait3A_88 = tpu.memref_slice %arg7[%dma_wait3A_87] : memref<5120xi32, #tpu.memory_space<vmem>> -> memref<5120xi32, #tpu.memory_space<vmem>>
        %dma_wait3A_89 = tpu.memref_slice %arg4[%multiple_of3A] : memref<163840xi32, #tpu.memory_space<hbm>> -> memref<5120xi32, #tpu.memory_space<hbm>>
        %dma_wait3A_90 = arith.constant 0 : i32
        %dma_wait3A_91 = tpu.memref_slice %arg7[%dma_wait3A_90] : memref<5120xi32, #tpu.memory_space<vmem>> -> memref<5120xi32, #tpu.memory_space<vmem>>
        %dma_wait3A_92 = tpu.memref_slice %arg4[%multiple_of3A] : memref<163840xi32, #tpu.memory_space<hbm>> -> memref<5120xi32, #tpu.memory_space<hbm>>
        tpu.wait_dma2 semaphore(%run_scoped3A : memref<!tpu.dma_semaphore, #tpu.memory_space<semaphore_mem>>) src(%dma_wait3A_92 : memref<5120xi32, #tpu.memory_space<hbm>>) dst(%dma_wait3A_91 : memref<5120xi32, #tpu.memory_space<vmem>>)
        tpu.yield
      }) : () -> ()
      "tpu.region"() ({
        %run_scoped3A = tpu.sem_alloc : memref<!tpu.dma_semaphore, #tpu.memory_space<semaphore_mem>>
        %dma_start3A_81 = arith.constant 0 : i32
        %dma_start3A_82 = tpu.memref_slice %arg8[%dma_start3A_81] : memref<5120xi32, #tpu.memory_space<vmem>> -> memref<5120xi32, #tpu.memory_space<vmem>>
        %dma_start3A_83 = tpu.memref_slice %arg5[%multiple_of3A] : memref<163840xi32, #tpu.memory_space<hbm>> -> memref<5120xi32, #tpu.memory_space<hbm>>
        %dma_start3A_84 = arith.constant 0 : i32
        %dma_start3A_85 = tpu.memref_slice %arg8[%dma_start3A_84] : memref<5120xi32, #tpu.memory_space<vmem>> -> memref<5120xi32, #tpu.memory_space<vmem>>
        %dma_start3A_86 = tpu.memref_slice %arg5[%multiple_of3A] : memref<163840xi32, #tpu.memory_space<hbm>> -> memref<5120xi32, #tpu.memory_space<hbm>>
        tpu.enqueue_dma source(%dma_start3A_86 : memref<5120xi32, #tpu.memory_space<hbm>>) target(%dma_start3A_85 : memref<5120xi32, #tpu.memory_space<vmem>>) target_semaphore(%run_scoped3A : memref<!tpu.dma_semaphore, #tpu.memory_space<semaphore_mem>>)
        %dma_wait3A_87 = arith.constant 0 : i32
        %dma_wait3A_88 = tpu.memref_slice %arg8[%dma_wait3A_87] : memref<5120xi32, #tpu.memory_space<vmem>> -> memref<5120xi32, #tpu.memory_space<vmem>>
        %dma_wait3A_89 = tpu.memref_slice %arg5[%multiple_of3A] : memref<163840xi32, #tpu.memory_space<hbm>> -> memref<5120xi32, #tpu.memory_space<hbm>>
        %dma_wait3A_90 = arith.constant 0 : i32
        %dma_wait3A_91 = tpu.memref_slice %arg8[%dma_wait3A_90] : memref<5120xi32, #tpu.memory_space<vmem>> -> memref<5120xi32, #tpu.memory_space<vmem>>
        %dma_wait3A_92 = tpu.memref_slice %arg5[%multiple_of3A] : memref<163840xi32, #tpu.memory_space<hbm>> -> memref<5120xi32, #tpu.memory_space<hbm>>
        tpu.wait_dma2 semaphore(%run_scoped3A : memref<!tpu.dma_semaphore, #tpu.memory_space<semaphore_mem>>) src(%dma_wait3A_92 : memref<5120xi32, #tpu.memory_space<hbm>>) dst(%dma_wait3A_91 : memref<5120xi32, #tpu.memory_space<vmem>>)
        tpu.yield
      }) : () -> ()
    } else {
    }
    %eq3A_16 = arith.constant 1 : i32
    %eq3A_17 = arith.cmpi eq, %arg0, %eq3A_16 : i32
    %convert_element_type3A_18 = arith.extui %eq3A_17 : i1 to i32
    %cond3A_19 = arith.constant 0 : i32
    %cond3A_20 = arith.cmpi ne, %convert_element_type3A_18, %cond3A_19 : i32
    scf.if %cond3A_20 {
      "tpu.region"() ({
        %run_scoped3A = tpu.sem_alloc : memref<!tpu.dma_semaphore, #tpu.memory_space<semaphore_mem>>
        %dma_start3A_81 = arith.constant 0 : i32
        %dma_start3A_82 = tpu.memref_slice %arg7[%dma_start3A_81] : memref<5120xi32, #tpu.memory_space<vmem>> -> memref<5120xi32, #tpu.memory_space<vmem>>
        %dma_start3A_83 = tpu.memref_slice %arg4[%multiple_of3A] : memref<163840xi32, #tpu.memory_space<hbm>> -> memref<5120xi32, #tpu.memory_space<hbm>>
        %dma_start3A_84 = arith.constant 0 : i32
        %dma_start3A_85 = tpu.memref_slice %arg7[%dma_start3A_84] : memref<5120xi32, #tpu.memory_space<vmem>> -> memref<5120xi32, #tpu.memory_space<vmem>>
        %dma_start3A_86 = tpu.memref_slice %arg4[%multiple_of3A] : memref<163840xi32, #tpu.memory_space<hbm>> -> memref<5120xi32, #tpu.memory_space<hbm>>
        tpu.enqueue_dma source(%dma_start3A_86 : memref<5120xi32, #tpu.memory_space<hbm>>) target(%dma_start3A_85 : memref<5120xi32, #tpu.memory_space<vmem>>) target_semaphore(%run_scoped3A : memref<!tpu.dma_semaphore, #tpu.memory_space<semaphore_mem>>)
        %dma_wait3A_87 = arith.constant 0 : i32
        %dma_wait3A_88 = tpu.memref_slice %arg7[%dma_wait3A_87] : memref<5120xi32, #tpu.memory_space<vmem>> -> memref<5120xi32, #tpu.memory_space<vmem>>
        %dma_wait3A_89 = tpu.memref_slice %arg4[%multiple_of3A] : memref<163840xi32, #tpu.memory_space<hbm>> -> memref<5120xi32, #tpu.memory_space<hbm>>
        %dma_wait3A_90 = arith.constant 0 : i32
        %dma_wait3A_91 = tpu.memref_slice %arg7[%dma_wait3A_90] : memref<5120xi32, #tpu.memory_space<vmem>> -> memref<5120xi32, #tpu.memory_space<vmem>>
        %dma_wait3A_92 = tpu.memref_slice %arg4[%multiple_of3A] : memref<163840xi32, #tpu.memory_space<hbm>> -> memref<5120xi32, #tpu.memory_space<hbm>>
        tpu.wait_dma2 semaphore(%run_scoped3A : memref<!tpu.dma_semaphore, #tpu.memory_space<semaphore_mem>>) src(%dma_wait3A_92 : memref<5120xi32, #tpu.memory_space<hbm>>) dst(%dma_wait3A_91 : memref<5120xi32, #tpu.memory_space<vmem>>)
        tpu.yield
      }) : () -> ()
      "tpu.region"() ({
        %run_scoped3A = tpu.sem_alloc : memref<!tpu.dma_semaphore, #tpu.memory_space<semaphore_mem>>
        %dma_start3A_81 = arith.constant 0 : i32
        %dma_start3A_82 = tpu.memref_slice %arg8[%dma_start3A_81] : memref<5120xi32, #tpu.memory_space<vmem>> -> memref<5120xi32, #tpu.memory_space<vmem>>
        %dma_start3A_83 = tpu.memref_slice %arg5[%multiple_of3A] : memref<163840xi32, #tpu.memory_space<hbm>> -> memref<5120xi32, #tpu.memory_space<hbm>>
        %dma_start3A_84 = arith.constant 0 : i32
        %dma_start3A_85 = tpu.memref_slice %arg8[%dma_start3A_84] : memref<5120xi32, #tpu.memory_space<vmem>> -> memref<5120xi32, #tpu.memory_space<vmem>>
        %dma_start3A_86 = tpu.memref_slice %arg5[%multiple_of3A] : memref<163840xi32, #tpu.memory_space<hbm>> -> memref<5120xi32, #tpu.memory_space<hbm>>
        tpu.enqueue_dma source(%dma_start3A_86 : memref<5120xi32, #tpu.memory_space<hbm>>) target(%dma_start3A_85 : memref<5120xi32, #tpu.memory_space<vmem>>) target_semaphore(%run_scoped3A : memref<!tpu.dma_semaphore, #tpu.memory_space<semaphore_mem>>)
        %dma_wait3A_87 = arith.constant 0 : i32
        %dma_wait3A_88 = tpu.memref_slice %arg8[%dma_wait3A_87] : memref<5120xi32, #tpu.memory_space<vmem>> -> memref<5120xi32, #tpu.memory_space<vmem>>
        %dma_wait3A_89 = tpu.memref_slice %arg5[%multiple_of3A] : memref<163840xi32, #tpu.memory_space<hbm>> -> memref<5120xi32, #tpu.memory_space<hbm>>
        %dma_wait3A_90 = arith.constant 0 : i32
        %dma_wait3A_91 = tpu.memref_slice %arg8[%dma_wait3A_90] : memref<5120xi32, #tpu.memory_space<vmem>> -> memref<5120xi32, #tpu.memory_space<vmem>>
        %dma_wait3A_92 = tpu.memref_slice %arg5[%multiple_of3A] : memref<163840xi32, #tpu.memory_space<hbm>> -> memref<5120xi32, #tpu.memory_space<hbm>>
        tpu.wait_dma2 semaphore(%run_scoped3A : memref<!tpu.dma_semaphore, #tpu.memory_space<semaphore_mem>>) src(%dma_wait3A_92 : memref<5120xi32, #tpu.memory_space<hbm>>) dst(%dma_wait3A_91 : memref<5120xi32, #tpu.memory_space<vmem>>)
        tpu.yield
      }) : () -> ()
    } else {
    }
    %jit3A_21 = arith.constant 2 : i32
    %div3A = arith.divsi %select_n3A, %jit3A_21 : i32
    %sign3A = arith.constant 0 : i32
    %sign3A_22 = arith.cmpi sgt, %select_n3A, %sign3A : i32
    %sign3A_23 = arith.extui %sign3A_22 : i1 to i32
    %sign3A_24 = arith.constant 0 : i32
    %sign3A_25 = arith.cmpi slt, %select_n3A, %sign3A_24 : i32
    %sign3A_26 = arith.extui %sign3A_25 : i1 to i32
    %sign3A_27 = arith.subi %sign3A_23, %sign3A_26 : i32
    %sign3A_28 = arith.constant 0 : i32
    %sign3A_29 = arith.cmpi sgt, %jit3A_21, %sign3A_28 : i32
    %sign3A_30 = arith.extui %sign3A_29 : i1 to i32
    %sign3A_31 = arith.constant 0 : i32
    %sign3A_32 = arith.cmpi slt, %jit3A_21, %sign3A_31 : i32
    %sign3A_33 = arith.extui %sign3A_32 : i1 to i32
    %sign3A_34 = arith.subi %sign3A_30, %sign3A_33 : i32
    %ne3A = arith.cmpi ne, %sign3A_27, %sign3A_34 : i32
    %rem3A = arith.remsi %select_n3A, %jit3A_21 : i32
    %ne3A_35 = arith.constant 0 : i32
    %ne3A_36 = arith.cmpi ne, %rem3A, %ne3A_35 : i32
    %and3A = arith.andi %ne3A, %ne3A_36 : i1
    %sub3A = arith.constant 1 : i32
    %sub3A_37 = arith.subi %div3A, %sub3A : i32
    %select_n3A_38 = arith.select %and3A, %sub3A_37, %div3A : i32
    %while3A = arith.constant 0 : i32
    %while3A_39 = arith.constant 0 : i32
    %while3A_40 = arith.subi %select_n3A_38, %while3A_39 : i32
    %while3A_41 = arith.addi %while3A_39, %while3A_40 : i32
    %while3A_42 = arith.constant 1 : i32
    %while3A_43 = arith.divsi %while3A_40, %while3A_42 : i32
    %while3A_44 = arith.muli %while3A_43, %while3A_42 : i32
    %while3A_45 = arith.addi %while3A_39, %while3A_44 : i32
    %while3A_46 = arith.constant 1 : i32
    scf.for %while3A_81 = %while3A_39 to %while3A_45 step %while3A_46  : i32 {
      %mul3A_82 = arith.constant 2 : i32
      %mul3A_83 = arith.muli %mul3A_82, %while3A_81 : i32
      %add3A_84 = arith.constant 1 : i32
      %add3A_85 = arith.addi %mul3A_83, %add3A_84 : i32
      %gt3A = arith.constant 0 : i32
      %gt3A_86 = arith.cmpi sgt, %while3A_81, %gt3A : i32
      %convert_element_type3A_87 = arith.extui %gt3A_86 : i1 to i32
      %cond3A_88 = arith.constant 0 : i32
      %cond3A_89 = arith.cmpi ne, %convert_element_type3A_87, %cond3A_88 : i32
      scf.if %cond3A_89 {
        %dma_wait3A_143 = arith.constant 0 : i32
        %dma_wait3A_144 = tpu.memref_slice %arg6[%multiple_of3A, %dma_wait3A_143] : memref<163840x128xf32, #tpu.memory_space<hbm>> -> memref<128x128xf32, #tpu.memory_space<hbm>>
        %dma_wait3A_145 = arith.constant 0 : i32
        %dma_wait3A_146 = tpu.memref_slice %arg6[%multiple_of3A, %dma_wait3A_145] : memref<163840x128xf32, #tpu.memory_space<hbm>> -> memref<128x128xf32, #tpu.memory_space<hbm>>
        tpu.wait_dma2 semaphore(%arg15 : memref<!tpu.dma_semaphore, #tpu.memory_space<semaphore_mem>>) src(%arg9 : memref<128x128xf32, #tpu.memory_space<vmem>>) dst(%dma_wait3A_146 : memref<128x128xf32, #tpu.memory_space<hbm>>)
      } else {
      }
      %mul3A_90 = arith.constant 128 : i32
      %mul3A_91 = arith.muli %mul3A_83, %mul3A_90 : i32
      %multiple_of3A_92 = tpu.assume_multiple %mul3A_91, 128 : i32
      %dma_start3A_93 = tpu.memref_slice %arg7[%multiple_of3A_92] : memref<5120xi32, #tpu.memory_space<vmem>> -> memref<128xi32, #tpu.memory_space<vmem>>
      %dma_start3A_94 = arith.constant 0 : i32
      %dma_start3A_95 = arith.constant 0 : i32
      %dma_start3A_96 = tpu.memref_slice %arg2[%dma_start3A_94, %dma_start3A_95] : memref<10112x128xf32, #tpu.memory_space<hbm>> -> memref<10112x128xf32, #tpu.memory_space<hbm>>
      tpu.enqueue_indirect_dma source(%dma_start3A_96 : memref<10112x128xf32, #tpu.memory_space<hbm>>) target(%arg9 : memref<128x128xf32, #tpu.memory_space<vmem>>) offsets(%dma_start3A_93 : memref<128xi32, #tpu.memory_space<vmem>>) semaphore(%arg13 : memref<!tpu.dma_semaphore, #tpu.memory_space<semaphore_mem>>)
      %dma_start3A_97 = tpu.memref_slice %arg8[%multiple_of3A_92] : memref<5120xi32, #tpu.memory_space<vmem>> -> memref<128xi32, #tpu.memory_space<vmem>>
      %dma_start3A_98 = arith.constant 0 : i32
      %dma_start3A_99 = arith.constant 0 : i32
      %dma_start3A_100 = tpu.memref_slice %arg3[%dma_start3A_98, %dma_start3A_99] : memref<10112x128xf32, #tpu.memory_space<hbm>> -> memref<10112x128xf32, #tpu.memory_space<hbm>>
      tpu.enqueue_indirect_dma source(%dma_start3A_100 : memref<10112x128xf32, #tpu.memory_space<hbm>>) target(%arg10 : memref<128x128xf32, #tpu.memory_space<vmem>>) offsets(%dma_start3A_97 : memref<128xi32, #tpu.memory_space<vmem>>) semaphore(%arg13 : memref<!tpu.dma_semaphore, #tpu.memory_space<semaphore_mem>>)
      %gt3A_101 = arith.constant 0 : i32
      %gt3A_102 = arith.cmpi sgt, %while3A_81, %gt3A_101 : i32
      %convert_element_type3A_103 = arith.extui %gt3A_102 : i1 to i32
      %cond3A_104 = arith.constant 0 : i32
      %cond3A_105 = arith.cmpi ne, %convert_element_type3A_103, %cond3A_104 : i32
      scf.if %cond3A_105 {
        %dma_wait3A_143 = arith.constant 0 : i32
        %dma_wait3A_144 = arith.constant 0 : i32
        %dma_wait3A_145 = tpu.memref_slice %arg2[%dma_wait3A_143, %dma_wait3A_144] : memref<10112x128xf32, #tpu.memory_space<hbm>> -> memref<128x128xf32, #tpu.memory_space<hbm>>
        %dma_wait3A_146 = arith.constant 0 : i32
        %dma_wait3A_147 = arith.constant 0 : i32
        %dma_wait3A_148 = tpu.memref_slice %arg2[%dma_wait3A_146, %dma_wait3A_147] : memref<10112x128xf32, #tpu.memory_space<hbm>> -> memref<128x128xf32, #tpu.memory_space<hbm>>
        tpu.wait_dma2 semaphore(%arg14 : memref<!tpu.dma_semaphore, #tpu.memory_space<semaphore_mem>>) src(%dma_wait3A_148 : memref<128x128xf32, #tpu.memory_space<hbm>>) dst(%arg11 : memref<128x128xf32, #tpu.memory_space<vmem>>)
        %dma_wait3A_149 = arith.constant 0 : i32
        %dma_wait3A_150 = arith.constant 0 : i32
        %dma_wait3A_151 = tpu.memref_slice %arg3[%dma_wait3A_149, %dma_wait3A_150] : memref<10112x128xf32, #tpu.memory_space<hbm>> -> memref<128x128xf32, #tpu.memory_space<hbm>>
        %dma_wait3A_152 = arith.constant 0 : i32
        %dma_wait3A_153 = arith.constant 0 : i32
        %dma_wait3A_154 = tpu.memref_slice %arg3[%dma_wait3A_152, %dma_wait3A_153] : memref<10112x128xf32, #tpu.memory_space<hbm>> -> memref<128x128xf32, #tpu.memory_space<hbm>>
        tpu.wait_dma2 semaphore(%arg14 : memref<!tpu.dma_semaphore, #tpu.memory_space<semaphore_mem>>) src(%dma_wait3A_154 : memref<128x128xf32, #tpu.memory_space<hbm>>) dst(%arg12 : memref<128x128xf32, #tpu.memory_space<vmem>>)
        %scan3A_155 = arith.constant 0 : i32
        %scan3A_156 = arith.constant 0 : i32
        %scan3A_157 = arith.constant 128 : i32
        %scan3A_158 = arith.addi %scan3A_156, %scan3A_157 : i32
        %scan3A_159 = arith.constant 1 : i32
        scf.for %scan3A_175 = %scan3A_156 to %scan3A_158 step %scan3A_159  : i32 {
          %get3A = arith.index_cast %scan3A_175 : i32 to index
          %get3A_176 = arith.constant 0 : index
          %get3A_177 = tpu.vector_load %arg11[%get3A, %get3A_176] {strides = array<i32>} : memref<128x128xf32, #tpu.memory_space<vmem>>, vector<1x16xf32>,
          %get3A_178 = vector.shape_cast %get3A_177 : vector<1x16xf32> to vector<16xf32>
          %get3A_179 = arith.index_cast %scan3A_175 : i32 to index
          %get3A_180 = arith.constant 0 : index
          %get3A_181 = tpu.vector_load %arg12[%get3A_179, %get3A_180] {strides = array<i32>} : memref<128x128xf32, #tpu.memory_space<vmem>>, vector<1x16xf32>,
          %get3A_182 = vector.shape_cast %get3A_181 : vector<1x16xf32> to vector<16xf32>
          %add3A_183 = arith.addf %get3A_178, %get3A_182 : vector<16xf32>
          %swap3A = arith.index_cast %scan3A_175 : i32 to index
          %swap3A_184 = arith.constant 0 : index
          %swap3A_185 = tpu.vector_load %arg11[%swap3A, %swap3A_184] {strides = array<i32>} : memref<128x128xf32, #tpu.memory_space<vmem>>, vector<1x16xf32>,
          %swap3A_186 = vector.shape_cast %swap3A_185 : vector<1x16xf32> to vector<16xf32>
          %swap3A_187 = vector.shape_cast %add3A_183 : vector<16xf32> to vector<1x16xf32>
          tpu.vector_store %arg11[%swap3A, %swap3A_184], %swap3A_187 {strides = array<i32>} : memref<128x128xf32, #tpu.memory_space<vmem>>, vector<1x16xf32>,
          %get3A_188 = arith.index_cast %scan3A_175 : i32 to index
          %get3A_189 = arith.constant 16 : index
          %get3A_190 = tpu.vector_load %arg11[%get3A_188, %get3A_189] {strides = array<i32>} : memref<128x128xf32, #tpu.memory_space<vmem>>, vector<1x16xf32>,
          %get3A_191 = vector.shape_cast %get3A_190 : vector<1x16xf32> to vector<16xf32>
          %get3A_192 = arith.index_cast %scan3A_175 : i32 to index
          %get3A_193 = arith.constant 16 : index
          %get3A_194 = tpu.vector_load %arg12[%get3A_192, %get3A_193] {strides = array<i32>} : memref<128x128xf32, #tpu.memory_space<vmem>>, vector<1x16xf32>,
          %get3A_195 = vector.shape_cast %get3A_194 : vector<1x16xf32> to vector<16xf32>
          %add3A_196 = arith.addf %get3A_191, %get3A_195 : vector<16xf32>
          %swap3A_197 = arith.index_cast %scan3A_175 : i32 to index
          %swap3A_198 = arith.constant 16 : index
          %swap3A_199 = tpu.vector_load %arg11[%swap3A_197, %swap3A_198] {strides = array<i32>} : memref<128x128xf32, #tpu.memory_space<vmem>>, vector<1x16xf32>,
          %swap3A_200 = vector.shape_cast %swap3A_199 : vector<1x16xf32> to vector<16xf32>
          %swap3A_201 = vector.shape_cast %add3A_196 : vector<16xf32> to vector<1x16xf32>
          tpu.vector_store %arg11[%swap3A_197, %swap3A_198], %swap3A_201 {strides = array<i32>} : memref<128x128xf32, #tpu.memory_space<vmem>>, vector<1x16xf32>,
          %get3A_202 = arith.index_cast %scan3A_175 : i32 to index
          %get3A_203 = arith.constant 32 : index
          %get3A_204 = tpu.vector_load %arg11[%get3A_202, %get3A_203] {strides = array<i32>} : memref<128x128xf32, #tpu.memory_space<vmem>>, vector<1x16xf32>,
          %get3A_205 = vector.shape_cast %get3A_204 : vector<1x16xf32> to vector<16xf32>
          %get3A_206 = arith.index_cast %scan3A_175 : i32 to index
          %get3A_207 = arith.constant 32 : index
          %get3A_208 = tpu.vector_load %arg12[%get3A_206, %get3A_207] {strides = array<i32>} : memref<128x128xf32, #tpu.memory_space<vmem>>, vector<1x16xf32>,
          %get3A_209 = vector.shape_cast %get3A_208 : vector<1x16xf32> to vector<16xf32>
          %add3A_210 = arith.addf %get3A_205, %get3A_209 : vector<16xf32>
          %swap3A_211 = arith.index_cast %scan3A_175 : i32 to index
          %swap3A_212 = arith.constant 32 : index
          %swap3A_213 = tpu.vector_load %arg11[%swap3A_211, %swap3A_212] {strides = array<i32>} : memref<128x128xf32, #tpu.memory_space<vmem>>, vector<1x16xf32>,
          %swap3A_214 = vector.shape_cast %swap3A_213 : vector<1x16xf32> to vector<16xf32>
          %swap3A_215 = vector.shape_cast %add3A_210 : vector<16xf32> to vector<1x16xf32>
          tpu.vector_store %arg11[%swap3A_211, %swap3A_212], %swap3A_215 {strides = array<i32>} : memref<128x128xf32, #tpu.memory_space<vmem>>, vector<1x16xf32>,
          %get3A_216 = arith.index_cast %scan3A_175 : i32 to index
          %get3A_217 = arith.constant 48 : index
          %get3A_218 = tpu.vector_load %arg11[%get3A_216, %get3A_217] {strides = array<i32>} : memref<128x128xf32, #tpu.memory_space<vmem>>, vector<1x16xf32>,
          %get3A_219 = vector.shape_cast %get3A_218 : vector<1x16xf32> to vector<16xf32>
          %get3A_220 = arith.index_cast %scan3A_175 : i32 to index
          %get3A_221 = arith.constant 48 : index
          %get3A_222 = tpu.vector_load %arg12[%get3A_220, %get3A_221] {strides = array<i32>} : memref<128x128xf32, #tpu.memory_space<vmem>>, vector<1x16xf32>,
          %get3A_223 = vector.shape_cast %get3A_222 : vector<1x16xf32> to vector<16xf32>
          %add3A_224 = arith.addf %get3A_219, %get3A_223 : vector<16xf32>
          %swap3A_225 = arith.index_cast %scan3A_175 : i32 to index
          %swap3A_226 = arith.constant 48 : index
          %swap3A_227 = tpu.vector_load %arg11[%swap3A_225, %swap3A_226] {strides = array<i32>} : memref<128x128xf32, #tpu.memory_space<vmem>>, vector<1x16xf32>,
          %swap3A_228 = vector.shape_cast %swap3A_227 : vector<1x16xf32> to vector<16xf32>
          %swap3A_229 = vector.shape_cast %add3A_224 : vector<16xf32> to vector<1x16xf32>
          tpu.vector_store %arg11[%swap3A_225, %swap3A_226], %swap3A_229 {strides = array<i32>} : memref<128x128xf32, #tpu.memory_space<vmem>>, vector<1x16xf32>,
          %get3A_230 = arith.index_cast %scan3A_175 : i32 to index
          %get3A_231 = arith.constant 64 : index
          %get3A_232 = tpu.vector_load %arg11[%get3A_230, %get3A_231] {strides = array<i32>} : memref<128x128xf32, #tpu.memory_space<vmem>>, vector<1x16xf32>,
          %get3A_233 = vector.shape_cast %get3A_232 : vector<1x16xf32> to vector<16xf32>
          %get3A_234 = arith.index_cast %scan3A_175 : i32 to index
          %get3A_235 = arith.constant 64 : index
          %get3A_236 = tpu.vector_load %arg12[%get3A_234, %get3A_235] {strides = array<i32>} : memref<128x128xf32, #tpu.memory_space<vmem>>, vector<1x16xf32>,
          %get3A_237 = vector.shape_cast %get3A_236 : vector<1x16xf32> to vector<16xf32>
          %add3A_238 = arith.addf %get3A_233, %get3A_237 : vector<16xf32>
          %swap3A_239 = arith.index_cast %scan3A_175 : i32 to index
          %swap3A_240 = arith.constant 64 : index
          %swap3A_241 = tpu.vector_load %arg11[%swap3A_239, %swap3A_240] {strides = array<i32>} : memref<128x128xf32, #tpu.memory_space<vmem>>, vector<1x16xf32>,
          %swap3A_242 = vector.shape_cast %swap3A_241 : vector<1x16xf32> to vector<16xf32>
          %swap3A_243 = vector.shape_cast %add3A_238 : vector<16xf32> to vector<1x16xf32>
          tpu.vector_store %arg11[%swap3A_239, %swap3A_240], %swap3A_243 {strides = array<i32>} : memref<128x128xf32, #tpu.memory_space<vmem>>, vector<1x16xf32>,
          %get3A_244 = arith.index_cast %scan3A_175 : i32 to index
          %get3A_245 = arith.constant 80 : index
          %get3A_246 = tpu.vector_load %arg11[%get3A_244, %get3A_245] {strides = array<i32>} : memref<128x128xf32, #tpu.memory_space<vmem>>, vector<1x16xf32>,
          %get3A_247 = vector.shape_cast %get3A_246 : vector<1x16xf32> to vector<16xf32>
          %get3A_248 = arith.index_cast %scan3A_175 : i32 to index
          %get3A_249 = arith.constant 80 : index
          %get3A_250 = tpu.vector_load %arg12[%get3A_248, %get3A_249] {strides = array<i32>} : memref<128x128xf32, #tpu.memory_space<vmem>>, vector<1x16xf32>,
          %get3A_251 = vector.shape_cast %get3A_250 : vector<1x16xf32> to vector<16xf32>
          %add3A_252 = arith.addf %get3A_247, %get3A_251 : vector<16xf32>
          %swap3A_253 = arith.index_cast %scan3A_175 : i32 to index
          %swap3A_254 = arith.constant 80 : index
          %swap3A_255 = tpu.vector_load %arg11[%swap3A_253, %swap3A_254] {strides = array<i32>} : memref<128x128xf32, #tpu.memory_space<vmem>>, vector<1x16xf32>,
          %swap3A_256 = vector.shape_cast %swap3A_255 : vector<1x16xf32> to vector<16xf32>
          %swap3A_257 = vector.shape_cast %add3A_252 : vector<16xf32> to vector<1x16xf32>
          tpu.vector_store %arg11[%swap3A_253, %swap3A_254], %swap3A_257 {strides = array<i32>} : memref<128x128xf32, #tpu.memory_space<vmem>>, vector<1x16xf32>,
        }
        %scan3A_160 = arith.constant 128 : i32
        %sub3A_161 = arith.constant 2 : i32
        %sub3A_162 = arith.subi %add3A_85, %sub3A_161 : i32
        %mul3A_163 = arith.constant 128 : i32
        %mul3A_164 = arith.muli %sub3A_162, %mul3A_163 : i32
        %add3A_165 = arith.addi %multiple_of3A, %mul3A_164 : i32
        %multiple_of3A_166 = tpu.assume_multiple %add3A_165, 128 : i32
        %dma_start3A_167 = arith.constant 0 : i32
        %dma_start3A_168 = tpu.memref_slice %arg6[%multiple_of3A_166, %dma_start3A_167] : memref<163840x128xf32, #tpu.memory_space<hbm>> -> memref<128x128xf32, #tpu.memory_space<hbm>>
        %dma_start3A_169 = arith.constant 0 : i32
        %dma_start3A_170 = tpu.memref_slice %arg6[%multiple_of3A_166, %dma_start3A_169] : memref<163840x128xf32, #tpu.memory_space<hbm>> -> memref<128x128xf32, #tpu.memory_space<hbm>>
        tpu.enqueue_dma source(%arg11 : memref<128x128xf32, #tpu.memory_space<vmem>>) target(%dma_start3A_170 : memref<128x128xf32, #tpu.memory_space<hbm>>) target_semaphore(%arg16 : memref<!tpu.dma_semaphore, #tpu.memory_space<semaphore_mem>>)
        %dma_wait3A_171 = arith.constant 0 : i32
        %dma_wait3A_172 = tpu.memref_slice %arg6[%multiple_of3A, %dma_wait3A_171] : memref<163840x128xf32, #tpu.memory_space<hbm>> -> memref<128x128xf32, #tpu.memory_space<hbm>>
        %dma_wait3A_173 = arith.constant 0 : i32
        %dma_wait3A_174 = tpu.memref_slice %arg6[%multiple_of3A, %dma_wait3A_173] : memref<163840x128xf32, #tpu.memory_space<hbm>> -> memref<128x128xf32, #tpu.memory_space<hbm>>
        tpu.wait_dma2 semaphore(%arg16 : memref<!tpu.dma_semaphore, #tpu.memory_space<semaphore_mem>>) src(%arg11 : memref<128x128xf32, #tpu.memory_space<vmem>>) dst(%dma_wait3A_174 : memref<128x128xf32, #tpu.memory_space<hbm>>)
      } else {
      }
      %mul3A_106 = arith.constant 128 : i32
      %mul3A_107 = arith.muli %add3A_85, %mul3A_106 : i32
      %multiple_of3A_108 = tpu.assume_multiple %mul3A_107, 128 : i32
      %dma_start3A_109 = tpu.memref_slice %arg7[%multiple_of3A_108] : memref<5120xi32, #tpu.memory_space<vmem>> -> memref<128xi32, #tpu.memory_space<vmem>>
      %dma_start3A_110 = arith.constant 0 : i32
      %dma_start3A_111 = arith.constant 0 : i32
      %dma_start3A_112 = tpu.memref_slice %arg2[%dma_start3A_110, %dma_start3A_111] : memref<10112x128xf32, #tpu.memory_space<hbm>> -> memref<10112x128xf32, #tpu.memory_space<hbm>>
      tpu.enqueue_indirect_dma source(%dma_start3A_112 : memref<10112x128xf32, #tpu.memory_space<hbm>>) target(%arg11 : memref<128x128xf32, #tpu.memory_space<vmem>>) offsets(%dma_start3A_109 : memref<128xi32, #tpu.memory_space<vmem>>) semaphore(%arg14 : memref<!tpu.dma_semaphore, #tpu.memory_space<semaphore_mem>>)
      %dma_start3A_113 = tpu.memref_slice %arg8[%multiple_of3A_108] : memref<5120xi32, #tpu.memory_space<vmem>> -> memref<128xi32, #tpu.memory_space<vmem>>
      %dma_start3A_114 = arith.constant 0 : i32
      %dma_start3A_115 = arith.constant 0 : i32
      %dma_start3A_116 = tpu.memref_slice %arg3[%dma_start3A_114, %dma_start3A_115] : memref<10112x128xf32, #tpu.memory_space<hbm>> -> memref<10112x128xf32, #tpu.memory_space<hbm>>
      tpu.enqueue_indirect_dma source(%dma_start3A_116 : memref<10112x128xf32, #tpu.memory_space<hbm>>) target(%arg12 : memref<128x128xf32, #tpu.memory_space<vmem>>) offsets(%dma_start3A_113 : memref<128xi32, #tpu.memory_space<vmem>>) semaphore(%arg14 : memref<!tpu.dma_semaphore, #tpu.memory_space<semaphore_mem>>)
      %dma_wait3A_117 = arith.constant 0 : i32
      %dma_wait3A_118 = arith.constant 0 : i32
      %dma_wait3A_119 = tpu.memref_slice %arg2[%dma_wait3A_117, %dma_wait3A_118] : memref<10112x128xf32, #tpu.memory_space<hbm>> -> memref<128x128xf32, #tpu.memory_space<hbm>>
      %dma_wait3A_120 = arith.constant 0 : i32
      %dma_wait3A_121 = arith.constant 0 : i32
      %dma_wait3A_122 = tpu.memref_slice %arg2[%dma_wait3A_120, %dma_wait3A_121] : memref<10112x128xf32, #tpu.memory_space<hbm>> -> memref<128x128xf32, #tpu.memory_space<hbm>>
      tpu.wait_dma2 semaphore(%arg13 : memref<!tpu.dma_semaphore, #tpu.memory_space<semaphore_mem>>) src(%dma_wait3A_122 : memref<128x128xf32, #tpu.memory_space<hbm>>) dst(%arg9 : memref<128x128xf32, #tpu.memory_space<vmem>>)
      %dma_wait3A_123 = arith.constant 0 : i32
      %dma_wait3A_124 = arith.constant 0 : i32
      %dma_wait3A_125 = tpu.memref_slice %arg3[%dma_wait3A_123, %dma_wait3A_124] : memref<10112x128xf32, #tpu.memory_space<hbm>> -> memref<128x128xf32, #tpu.memory_space<hbm>>
      %dma_wait3A_126 = arith.constant 0 : i32
      %dma_wait3A_127 = arith.constant 0 : i32
      %dma_wait3A_128 = tpu.memref_slice %arg3[%dma_wait3A_126, %dma_wait3A_127] : memref<10112x128xf32, #tpu.memory_space<hbm>> -> memref<128x128xf32, #tpu.memory_space<hbm>>
      tpu.wait_dma2 semaphore(%arg13 : memref<!tpu.dma_semaphore, #tpu.memory_space<semaphore_mem>>) src(%dma_wait3A_128 : memref<128x128xf32, #tpu.memory_space<hbm>>) dst(%arg10 : memref<128x128xf32, #tpu.memory_space<vmem>>)
      %scan3A_129 = arith.constant 0 : i32
      %scan3A_130 = arith.constant 0 : i32
      %scan3A_131 = arith.constant 128 : i32
      %scan3A_132 = arith.addi %scan3A_130, %scan3A_131 : i32
      %scan3A_133 = arith.constant 1 : i32
      scf.for %scan3A_143 = %scan3A_130 to %scan3A_132 step %scan3A_133  : i32 {
        %get3A = arith.index_cast %scan3A_143 : i32 to index
        %get3A_144 = arith.constant 0 : index
        %get3A_145 = tpu.vector_load %arg9[%get3A, %get3A_144] {strides = array<i32>} : memref<128x128xf32, #tpu.memory_space<vmem>>, vector<1x16xf32>,
        %get3A_146 = vector.shape_cast %get3A_145 : vector<1x16xf32> to vector<16xf32>
        %get3A_147 = arith.index_cast %scan3A_143 : i32 to index
        %get3A_148 = arith.constant 0 : index
        %get3A_149 = tpu.vector_load %arg10[%get3A_147, %get3A_148] {strides = array<i32>} : memref<128x128xf32, #tpu.memory_space<vmem>>, vector<1x16xf32>,
        %get3A_150 = vector.shape_cast %get3A_149 : vector<1x16xf32> to vector<16xf32>
        %add3A_151 = arith.addf %get3A_146, %get3A_150 : vector<16xf32>
        %swap3A = arith.index_cast %scan3A_143 : i32 to index
        %swap3A_152 = arith.constant 0 : index
        %swap3A_153 = tpu.vector_load %arg9[%swap3A, %swap3A_152] {strides = array<i32>} : memref<128x128xf32, #tpu.memory_space<vmem>>, vector<1x16xf32>,
        %swap3A_154 = vector.shape_cast %swap3A_153 : vector<1x16xf32> to vector<16xf32>
        %swap3A_155 = vector.shape_cast %add3A_151 : vector<16xf32> to vector<1x16xf32>
        tpu.vector_store %arg9[%swap3A, %swap3A_152], %swap3A_155 {strides = array<i32>} : memref<128x128xf32, #tpu.memory_space<vmem>>, vector<1x16xf32>,
        %get3A_156 = arith.index_cast %scan3A_143 : i32 to index
        %get3A_157 = arith.constant 16 : index
        %get3A_158 = tpu.vector_load %arg9[%get3A_156, %get3A_157] {strides = array<i32>} : memref<128x128xf32, #tpu.memory_space<vmem>>, vector<1x16xf32>,
        %get3A_159 = vector.shape_cast %get3A_158 : vector<1x16xf32> to vector<16xf32>
        %get3A_160 = arith.index_cast %scan3A_143 : i32 to index
        %get3A_161 = arith.constant 16 : index
        %get3A_162 = tpu.vector_load %arg10[%get3A_160, %get3A_161] {strides = array<i32>} : memref<128x128xf32, #tpu.memory_space<vmem>>, vector<1x16xf32>,
        %get3A_163 = vector.shape_cast %get3A_162 : vector<1x16xf32> to vector<16xf32>
        %add3A_164 = arith.addf %get3A_159, %get3A_163 : vector<16xf32>
        %swap3A_165 = arith.index_cast %scan3A_143 : i32 to index
        %swap3A_166 = arith.constant 16 : index
        %swap3A_167 = tpu.vector_load %arg9[%swap3A_165, %swap3A_166] {strides = array<i32>} : memref<128x128xf32, #tpu.memory_space<vmem>>, vector<1x16xf32>,
        %swap3A_168 = vector.shape_cast %swap3A_167 : vector<1x16xf32> to vector<16xf32>
        %swap3A_169 = vector.shape_cast %add3A_164 : vector<16xf32> to vector<1x16xf32>
        tpu.vector_store %arg9[%swap3A_165, %swap3A_166], %swap3A_169 {strides = array<i32>} : memref<128x128xf32, #tpu.memory_space<vmem>>, vector<1x16xf32>,
        %get3A_170 = arith.index_cast %scan3A_143 : i32 to index
        %get3A_171 = arith.constant 32 : index
        %get3A_172 = tpu.vector_load %arg9[%get3A_170, %get3A_171] {strides = array<i32>} : memref<128x128xf32, #tpu.memory_space<vmem>>, vector<1x16xf32>,
        %get3A_173 = vector.shape_cast %get3A_172 : vector<1x16xf32> to vector<16xf32>
        %get3A_174 = arith.index_cast %scan3A_143 : i32 to index
        %get3A_175 = arith.constant 32 : index
        %get3A_176 = tpu.vector_load %arg10[%get3A_174, %get3A_175] {strides = array<i32>} : memref<128x128xf32, #tpu.memory_space<vmem>>, vector<1x16xf32>,
        %get3A_177 = vector.shape_cast %get3A_176 : vector<1x16xf32> to vector<16xf32>
        %add3A_178 = arith.addf %get3A_173, %get3A_177 : vector<16xf32>
        %swap3A_179 = arith.index_cast %scan3A_143 : i32 to index
        %swap3A_180 = arith.constant 32 : index
        %swap3A_181 = tpu.vector_load %arg9[%swap3A_179, %swap3A_180] {strides = array<i32>} : memref<128x128xf32, #tpu.memory_space<vmem>>, vector<1x16xf32>,
        %swap3A_182 = vector.shape_cast %swap3A_181 : vector<1x16xf32> to vector<16xf32>
        %swap3A_183 = vector.shape_cast %add3A_178 : vector<16xf32> to vector<1x16xf32>
        tpu.vector_store %arg9[%swap3A_179, %swap3A_180], %swap3A_183 {strides = array<i32>} : memref<128x128xf32, #tpu.memory_space<vmem>>, vector<1x16xf32>,
        %get3A_184 = arith.index_cast %scan3A_143 : i32 to index
        %get3A_185 = arith.constant 48 : index
        %get3A_186 = tpu.vector_load %arg9[%get3A_184, %get3A_185] {strides = array<i32>} : memref<128x128xf32, #tpu.memory_space<vmem>>, vector<1x16xf32>,
        %get3A_187 = vector.shape_cast %get3A_186 : vector<1x16xf32> to vector<16xf32>
        %get3A_188 = arith.index_cast %scan3A_143 : i32 to index
        %get3A_189 = arith.constant 48 : index
        %get3A_190 = tpu.vector_load %arg10[%get3A_188, %get3A_189] {strides = array<i32>} : memref<128x128xf32, #tpu.memory_space<vmem>>, vector<1x16xf32>,
        %get3A_191 = vector.shape_cast %get3A_190 : vector<1x16xf32> to vector<16xf32>
        %add3A_192 = arith.addf %get3A_187, %get3A_191 : vector<16xf32>
        %swap3A_193 = arith.index_cast %scan3A_143 : i32 to index
        %swap3A_194 = arith.constant 48 : index
        %swap3A_195 = tpu.vector_load %arg9[%swap3A_193, %swap3A_194] {strides = array<i32>} : memref<128x128xf32, #tpu.memory_space<vmem>>, vector<1x16xf32>,
        %swap3A_196 = vector.shape_cast %swap3A_195 : vector<1x16xf32> to vector<16xf32>
        %swap3A_197 = vector.shape_cast %add3A_192 : vector<16xf32> to vector<1x16xf32>
        tpu.vector_store %arg9[%swap3A_193, %swap3A_194], %swap3A_197 {strides = array<i32>} : memref<128x128xf32, #tpu.memory_space<vmem>>, vector<1x16xf32>,
        %get3A_198 = arith.index_cast %scan3A_143 : i32 to index
        %get3A_199 = arith.constant 64 : index
        %get3A_200 = tpu.vector_load %arg9[%get3A_198, %get3A_199] {strides = array<i32>} : memref<128x128xf32, #tpu.memory_space<vmem>>, vector<1x16xf32>,
        %get3A_201 = vector.shape_cast %get3A_200 : vector<1x16xf32> to vector<16xf32>
        %get3A_202 = arith.index_cast %scan3A_143 : i32 to index
        %get3A_203 = arith.constant 64 : index
        %get3A_204 = tpu.vector_load %arg10[%get3A_202, %get3A_203] {strides = array<i32>} : memref<128x128xf32, #tpu.memory_space<vmem>>, vector<1x16xf32>,
        %get3A_205 = vector.shape_cast %get3A_204 : vector<1x16xf32> to vector<16xf32>
        %add3A_206 = arith.addf %get3A_201, %get3A_205 : vector<16xf32>
        %swap3A_207 = arith.index_cast %scan3A_143 : i32 to index
        %swap3A_208 = arith.constant 64 : index
        %swap3A_209 = tpu.vector_load %arg9[%swap3A_207, %swap3A_208] {strides = array<i32>} : memref<128x128xf32, #tpu.memory_space<vmem>>, vector<1x16xf32>,
        %swap3A_210 = vector.shape_cast %swap3A_209 : vector<1x16xf32> to vector<16xf32>
        %swap3A_211 = vector.shape_cast %add3A_206 : vector<16xf32> to vector<1x16xf32>
        tpu.vector_store %arg9[%swap3A_207, %swap3A_208], %swap3A_211 {strides = array<i32>} : memref<128x128xf32, #tpu.memory_space<vmem>>, vector<1x16xf32>,
        %get3A_212 = arith.index_cast %scan3A_143 : i32 to index
        %get3A_213 = arith.constant 80 : index
        %get3A_214 = tpu.vector_load %arg9[%get3A_212, %get3A_213] {strides = array<i32>} : memref<128x128xf32, #tpu.memory_space<vmem>>, vector<1x16xf32>,
        %get3A_215 = vector.shape_cast %get3A_214 : vector<1x16xf32> to vector<16xf32>
        %get3A_216 = arith.index_cast %scan3A_143 : i32 to index
        %get3A_217 = arith.constant 80 : index
        %get3A_218 = tpu.vector_load %arg10[%get3A_216, %get3A_217] {strides = array<i32>} : memref<128x128xf32, #tpu.memory_space<vmem>>, vector<1x16xf32>,
        %get3A_219 = vector.shape_cast %get3A_218 : vector<1x16xf32> to vector<16xf32>
        %add3A_220 = arith.addf %get3A_215, %get3A_219 : vector<16xf32>
        %swap3A_221 = arith.index_cast %scan3A_143 : i32 to index
        %swap3A_222 = arith.constant 80 : index
        %swap3A_223 = tpu.vector_load %arg9[%swap3A_221, %swap3A_222] {strides = array<i32>} : memref<128x128xf32, #tpu.memory_space<vmem>>, vector<1x16xf32>,
        %swap3A_224 = vector.shape_cast %swap3A_223 : vector<1x16xf32> to vector<16xf32>
        %swap3A_225 = vector.shape_cast %add3A_220 : vector<16xf32> to vector<1x16xf32>
        tpu.vector_store %arg9[%swap3A_221, %swap3A_222], %swap3A_225 {strides = array<i32>} : memref<128x128xf32, #tpu.memory_space<vmem>>, vector<1x16xf32>,
      }
      %scan3A_134 = arith.constant 128 : i32
      %mul3A_135 = arith.constant 128 : i32
      %mul3A_136 = arith.muli %mul3A_83, %mul3A_135 : i32
      %add3A_137 = arith.addi %multiple_of3A, %mul3A_136 : i32
      %multiple_of3A_138 = tpu.assume_multiple %add3A_137, 128 : i32
      %dma_start3A_139 = arith.constant 0 : i32
      %dma_start3A_140 = tpu.memref_slice %arg6[%multiple_of3A_138, %dma_start3A_139] : memref<163840x128xf32, #tpu.memory_space<hbm>> -> memref<128x128xf32, #tpu.memory_space<hbm>>
      %dma_start3A_141 = arith.constant 0 : i32
      %dma_start3A_142 = tpu.memref_slice %arg6[%multiple_of3A_138, %dma_start3A_141] : memref<163840x128xf32, #tpu.memory_space<hbm>> -> memref<128x128xf32, #tpu.memory_space<hbm>>
      tpu.enqueue_dma source(%arg9 : memref<128x128xf32, #tpu.memory_space<vmem>>) target(%dma_start3A_142 : memref<128x128xf32, #tpu.memory_space<hbm>>) target_semaphore(%arg15 : memref<!tpu.dma_semaphore, #tpu.memory_space<semaphore_mem>>)
    }
    %while3A_47 = arith.constant 1 : i32
    scf.for %while3A_81 = %while3A_45 to %while3A_41 step %while3A_47  : i32 {
      %mul3A_82 = arith.constant 2 : i32
      %mul3A_83 = arith.muli %mul3A_82, %while3A_81 : i32
      %add3A_84 = arith.constant 1 : i32
      %add3A_85 = arith.addi %mul3A_83, %add3A_84 : i32
      %gt3A = arith.constant 0 : i32
      %gt3A_86 = arith.cmpi sgt, %while3A_81, %gt3A : i32
      %convert_element_type3A_87 = arith.extui %gt3A_86 : i1 to i32
      %cond3A_88 = arith.constant 0 : i32
      %cond3A_89 = arith.cmpi ne, %convert_element_type3A_87, %cond3A_88 : i32
      scf.if %cond3A_89 {
        %dma_wait3A_143 = arith.constant 0 : i32
        %dma_wait3A_144 = tpu.memref_slice %arg6[%multiple_of3A, %dma_wait3A_143] : memref<163840x128xf32, #tpu.memory_space<hbm>> -> memref<128x128xf32, #tpu.memory_space<hbm>>
        %dma_wait3A_145 = arith.constant 0 : i32
        %dma_wait3A_146 = tpu.memref_slice %arg6[%multiple_of3A, %dma_wait3A_145] : memref<163840x128xf32, #tpu.memory_space<hbm>> -> memref<128x128xf32, #tpu.memory_space<hbm>>
        tpu.wait_dma2 semaphore(%arg15 : memref<!tpu.dma_semaphore, #tpu.memory_space<semaphore_mem>>) src(%arg9 : memref<128x128xf32, #tpu.memory_space<vmem>>) dst(%dma_wait3A_146 : memref<128x128xf32, #tpu.memory_space<hbm>>)
      } else {
      }
      %mul3A_90 = arith.constant 128 : i32
      %mul3A_91 = arith.muli %mul3A_83, %mul3A_90 : i32
      %multiple_of3A_92 = tpu.assume_multiple %mul3A_91, 128 : i32
      %dma_start3A_93 = tpu.memref_slice %arg7[%multiple_of3A_92] : memref<5120xi32, #tpu.memory_space<vmem>> -> memref<128xi32, #tpu.memory_space<vmem>>
      %dma_start3A_94 = arith.constant 0 : i32
      %dma_start3A_95 = arith.constant 0 : i32
      %dma_start3A_96 = tpu.memref_slice %arg2[%dma_start3A_94, %dma_start3A_95] : memref<10112x128xf32, #tpu.memory_space<hbm>> -> memref<10112x128xf32, #tpu.memory_space<hbm>>
      tpu.enqueue_indirect_dma source(%dma_start3A_96 : memref<10112x128xf32, #tpu.memory_space<hbm>>) target(%arg9 : memref<128x128xf32, #tpu.memory_space<vmem>>) offsets(%dma_start3A_93 : memref<128xi32, #tpu.memory_space<vmem>>) semaphore(%arg13 : memref<!tpu.dma_semaphore, #tpu.memory_space<semaphore_mem>>)
      %dma_start3A_97 = tpu.memref_slice %arg8[%multiple_of3A_92] : memref<5120xi32, #tpu.memory_space<vmem>> -> memref<128xi32, #tpu.memory_space<vmem>>
      %dma_start3A_98 = arith.constant 0 : i32
      %dma_start3A_99 = arith.constant 0 : i32
      %dma_start3A_100 = tpu.memref_slice %arg3[%dma_start3A_98, %dma_start3A_99] : memref<10112x128xf32, #tpu.memory_space<hbm>> -> memref<10112x128xf32, #tpu.memory_space<hbm>>
      tpu.enqueue_indirect_dma source(%dma_start3A_100 : memref<10112x128xf32, #tpu.memory_space<hbm>>) target(%arg10 : memref<128x128xf32, #tpu.memory_space<vmem>>) offsets(%dma_start3A_97 : memref<128xi32, #tpu.memory_space<vmem>>) semaphore(%arg13 : memref<!tpu.dma_semaphore, #tpu.memory_space<semaphore_mem>>)
      %gt3A_101 = arith.constant 0 : i32
      %gt3A_102 = arith.cmpi sgt, %while3A_81, %gt3A_101 : i32
      %convert_element_type3A_103 = arith.extui %gt3A_102 : i1 to i32
      %cond3A_104 = arith.constant 0 : i32
      %cond3A_105 = arith.cmpi ne, %convert_element_type3A_103, %cond3A_104 : i32
      scf.if %cond3A_105 {
        %dma_wait3A_143 = arith.constant 0 : i32
        %dma_wait3A_144 = arith.constant 0 : i32
        %dma_wait3A_145 = tpu.memref_slice %arg2[%dma_wait3A_143, %dma_wait3A_144] : memref<10112x128xf32, #tpu.memory_space<hbm>> -> memref<128x128xf32, #tpu.memory_space<hbm>>
        %dma_wait3A_146 = arith.constant 0 : i32
        %dma_wait3A_147 = arith.constant 0 : i32
        %dma_wait3A_148 = tpu.memref_slice %arg2[%dma_wait3A_146, %dma_wait3A_147] : memref<10112x128xf32, #tpu.memory_space<hbm>> -> memref<128x128xf32, #tpu.memory_space<hbm>>
        tpu.wait_dma2 semaphore(%arg14 : memref<!tpu.dma_semaphore, #tpu.memory_space<semaphore_mem>>) src(%dma_wait3A_148 : memref<128x128xf32, #tpu.memory_space<hbm>>) dst(%arg11 : memref<128x128xf32, #tpu.memory_space<vmem>>)
        %dma_wait3A_149 = arith.constant 0 : i32
        %dma_wait3A_150 = arith.constant 0 : i32
        %dma_wait3A_151 = tpu.memref_slice %arg3[%dma_wait3A_149, %dma_wait3A_150] : memref<10112x128xf32, #tpu.memory_space<hbm>> -> memref<128x128xf32, #tpu.memory_space<hbm>>
        %dma_wait3A_152 = arith.constant 0 : i32
        %dma_wait3A_153 = arith.constant 0 : i32
        %dma_wait3A_154 = tpu.memref_slice %arg3[%dma_wait3A_152, %dma_wait3A_153] : memref<10112x128xf32, #tpu.memory_space<hbm>> -> memref<128x128xf32, #tpu.memory_space<hbm>>
        tpu.wait_dma2 semaphore(%arg14 : memref<!tpu.dma_semaphore, #tpu.memory_space<semaphore_mem>>) src(%dma_wait3A_154 : memref<128x128xf32, #tpu.memory_space<hbm>>) dst(%arg12 : memref<128x128xf32, #tpu.memory_space<vmem>>)
        %scan3A_155 = arith.constant 0 : i32
        %scan3A_156 = arith.constant 0 : i32
        %scan3A_157 = arith.constant 128 : i32
        %scan3A_158 = arith.addi %scan3A_156, %scan3A_157 : i32
        %scan3A_159 = arith.constant 1 : i32
        scf.for %scan3A_175 = %scan3A_156 to %scan3A_158 step %scan3A_159  : i32 {
          %get3A = arith.index_cast %scan3A_175 : i32 to index
          %get3A_176 = arith.constant 0 : index
          %get3A_177 = tpu.vector_load %arg11[%get3A, %get3A_176] {strides = array<i32>} : memref<128x128xf32, #tpu.memory_space<vmem>>, vector<1x16xf32>,
          %get3A_178 = vector.shape_cast %get3A_177 : vector<1x16xf32> to vector<16xf32>
          %get3A_179 = arith.index_cast %scan3A_175 : i32 to index
          %get3A_180 = arith.constant 0 : index
          %get3A_181 = tpu.vector_load %arg12[%get3A_179, %get3A_180] {strides = array<i32>} : memref<128x128xf32, #tpu.memory_space<vmem>>, vector<1x16xf32>,
          %get3A_182 = vector.shape_cast %get3A_181 : vector<1x16xf32> to vector<16xf32>
          %add3A_183 = arith.addf %get3A_178, %get3A_182 : vector<16xf32>
          %swap3A = arith.index_cast %scan3A_175 : i32 to index
          %swap3A_184 = arith.constant 0 : index
          %swap3A_185 = tpu.vector_load %arg11[%swap3A, %swap3A_184] {strides = array<i32>} : memref<128x128xf32, #tpu.memory_space<vmem>>, vector<1x16xf32>,
          %swap3A_186 = vector.shape_cast %swap3A_185 : vector<1x16xf32> to vector<16xf32>
          %swap3A_187 = vector.shape_cast %add3A_183 : vector<16xf32> to vector<1x16xf32>
          tpu.vector_store %arg11[%swap3A, %swap3A_184], %swap3A_187 {strides = array<i32>} : memref<128x128xf32, #tpu.memory_space<vmem>>, vector<1x16xf32>,
          %get3A_188 = arith.index_cast %scan3A_175 : i32 to index
          %get3A_189 = arith.constant 16 : index
          %get3A_190 = tpu.vector_load %arg11[%get3A_188, %get3A_189] {strides = array<i32>} : memref<128x128xf32, #tpu.memory_space<vmem>>, vector<1x16xf32>,
          %get3A_191 = vector.shape_cast %get3A_190 : vector<1x16xf32> to vector<16xf32>
          %get3A_192 = arith.index_cast %scan3A_175 : i32 to index
          %get3A_193 = arith.constant 16 : index
          %get3A_194 = tpu.vector_load %arg12[%get3A_192, %get3A_193] {strides = array<i32>} : memref<128x128xf32, #tpu.memory_space<vmem>>, vector<1x16xf32>,
          %get3A_195 = vector.shape_cast %get3A_194 : vector<1x16xf32> to vector<16xf32>
          %add3A_196 = arith.addf %get3A_191, %get3A_195 : vector<16xf32>
          %swap3A_197 = arith.index_cast %scan3A_175 : i32 to index
          %swap3A_198 = arith.constant 16 : index
          %swap3A_199 = tpu.vector_load %arg11[%swap3A_197, %swap3A_198] {strides = array<i32>} : memref<128x128xf32, #tpu.memory_space<vmem>>, vector<1x16xf32>,
          %swap3A_200 = vector.shape_cast %swap3A_199 : vector<1x16xf32> to vector<16xf32>
          %swap3A_201 = vector.shape_cast %add3A_196 : vector<16xf32> to vector<1x16xf32>
          tpu.vector_store %arg11[%swap3A_197, %swap3A_198], %swap3A_201 {strides = array<i32>} : memref<128x128xf32, #tpu.memory_space<vmem>>, vector<1x16xf32>,
          %get3A_202 = arith.index_cast %scan3A_175 : i32 to index
          %get3A_203 = arith.constant 32 : index
          %get3A_204 = tpu.vector_load %arg11[%get3A_202, %get3A_203] {strides = array<i32>} : memref<128x128xf32, #tpu.memory_space<vmem>>, vector<1x16xf32>,
          %get3A_205 = vector.shape_cast %get3A_204 : vector<1x16xf32> to vector<16xf32>
          %get3A_206 = arith.index_cast %scan3A_175 : i32 to index
          %get3A_207 = arith.constant 32 : index
          %get3A_208 = tpu.vector_load %arg12[%get3A_206, %get3A_207] {strides = array<i32>} : memref<128x128xf32, #tpu.memory_space<vmem>>, vector<1x16xf32>,
          %get3A_209 = vector.shape_cast %get3A_208 : vector<1x16xf32> to vector<16xf32>
          %add3A_210 = arith.addf %get3A_205, %get3A_209 : vector<16xf32>
          %swap3A_211 = arith.index_cast %scan3A_175 : i32 to index
          %swap3A_212 = arith.constant 32 : index
          %swap3A_213 = tpu.vector_load %arg11[%swap3A_211, %swap3A_212] {strides = array<i32>} : memref<128x128xf32, #tpu.memory_space<vmem>>, vector<1x16xf32>,
          %swap3A_214 = vector.shape_cast %swap3A_213 : vector<1x16xf32> to vector<16xf32>
          %swap3A_215 = vector.shape_cast %add3A_210 : vector<16xf32> to vector<1x16xf32>
          tpu.vector_store %arg11[%swap3A_211, %swap3A_212], %swap3A_215 {strides = array<i32>} : memref<128x128xf32, #tpu.memory_space<vmem>>, vector<1x16xf32>,
          %get3A_216 = arith.index_cast %scan3A_175 : i32 to index
          %get3A_217 = arith.constant 48 : index
          %get3A_218 = tpu.vector_load %arg11[%get3A_216, %get3A_217] {strides = array<i32>} : memref<128x128xf32, #tpu.memory_space<vmem>>, vector<1x16xf32>,
          %get3A_219 = vector.shape_cast %get3A_218 : vector<1x16xf32> to vector<16xf32>
          %get3A_220 = arith.index_cast %scan3A_175 : i32 to index
          %get3A_221 = arith.constant 48 : index
          %get3A_222 = tpu.vector_load %arg12[%get3A_220, %get3A_221] {strides = array<i32>} : memref<128x128xf32, #tpu.memory_space<vmem>>, vector<1x16xf32>,
          %get3A_223 = vector.shape_cast %get3A_222 : vector<1x16xf32> to vector<16xf32>
          %add3A_224 = arith.addf %get3A_219, %get3A_223 : vector<16xf32>
          %swap3A_225 = arith.index_cast %scan3A_175 : i32 to index
          %swap3A_226 = arith.constant 48 : index
          %swap3A_227 = tpu.vector_load %arg11[%swap3A_225, %swap3A_226] {strides = array<i32>} : memref<128x128xf32, #tpu.memory_space<vmem>>, vector<1x16xf32>,
          %swap3A_228 = vector.shape_cast %swap3A_227 : vector<1x16xf32> to vector<16xf32>
          %swap3A_229 = vector.shape_cast %add3A_224 : vector<16xf32> to vector<1x16xf32>
          tpu.vector_store %arg11[%swap3A_225, %swap3A_226], %swap3A_229 {strides = array<i32>} : memref<128x128xf32, #tpu.memory_space<vmem>>, vector<1x16xf32>,
          %get3A_230 = arith.index_cast %scan3A_175 : i32 to index
          %get3A_231 = arith.constant 64 : index
          %get3A_232 = tpu.vector_load %arg11[%get3A_230, %get3A_231] {strides = array<i32>} : memref<128x128xf32, #tpu.memory_space<vmem>>, vector<1x16xf32>,
          %get3A_233 = vector.shape_cast %get3A_232 : vector<1x16xf32> to vector<16xf32>
          %get3A_234 = arith.index_cast %scan3A_175 : i32 to index
          %get3A_235 = arith.constant 64 : index
          %get3A_236 = tpu.vector_load %arg12[%get3A_234, %get3A_235] {strides = array<i32>} : memref<128x128xf32, #tpu.memory_space<vmem>>, vector<1x16xf32>,
          %get3A_237 = vector.shape_cast %get3A_236 : vector<1x16xf32> to vector<16xf32>
          %add3A_238 = arith.addf %get3A_233, %get3A_237 : vector<16xf32>
          %swap3A_239 = arith.index_cast %scan3A_175 : i32 to index
          %swap3A_240 = arith.constant 64 : index
          %swap3A_241 = tpu.vector_load %arg11[%swap3A_239, %swap3A_240] {strides = array<i32>} : memref<128x128xf32, #tpu.memory_space<vmem>>, vector<1x16xf32>,
          %swap3A_242 = vector.shape_cast %swap3A_241 : vector<1x16xf32> to vector<16xf32>
          %swap3A_243 = vector.shape_cast %add3A_238 : vector<16xf32> to vector<1x16xf32>
          tpu.vector_store %arg11[%swap3A_239, %swap3A_240], %swap3A_243 {strides = array<i32>} : memref<128x128xf32, #tpu.memory_space<vmem>>, vector<1x16xf32>,
          %get3A_244 = arith.index_cast %scan3A_175 : i32 to index
          %get3A_245 = arith.constant 80 : index
          %get3A_246 = tpu.vector_load %arg11[%get3A_244, %get3A_245] {strides = array<i32>} : memref<128x128xf32, #tpu.memory_space<vmem>>, vector<1x16xf32>,
          %get3A_247 = vector.shape_cast %get3A_246 : vector<1x16xf32> to vector<16xf32>
          %get3A_248 = arith.index_cast %scan3A_175 : i32 to index
          %get3A_249 = arith.constant 80 : index
          %get3A_250 = tpu.vector_load %arg12[%get3A_248, %get3A_249] {strides = array<i32>} : memref<128x128xf32, #tpu.memory_space<vmem>>, vector<1x16xf32>,
          %get3A_251 = vector.shape_cast %get3A_250 : vector<1x16xf32> to vector<16xf32>
          %add3A_252 = arith.addf %get3A_247, %get3A_251 : vector<16xf32>
          %swap3A_253 = arith.index_cast %scan3A_175 : i32 to index
          %swap3A_254 = arith.constant 80 : index
          %swap3A_255 = tpu.vector_load %arg11[%swap3A_253, %swap3A_254] {strides = array<i32>} : memref<128x128xf32, #tpu.memory_space<vmem>>, vector<1x16xf32>,
          %swap3A_256 = vector.shape_cast %swap3A_255 : vector<1x16xf32> to vector<16xf32>
          %swap3A_257 = vector.shape_cast %add3A_252 : vector<16xf32> to vector<1x16xf32>
          tpu.vector_store %arg11[%swap3A_253, %swap3A_254], %swap3A_257 {strides = array<i32>} : memref<128x128xf32, #tpu.memory_space<vmem>>, vector<1x16xf32>,
        }
        %scan3A_160 = arith.constant 128 : i32
        %sub3A_161 = arith.constant 2 : i32
        %sub3A_162 = arith.subi %add3A_85, %sub3A_161 : i32
        %mul3A_163 = arith.constant 128 : i32
        %mul3A_164 = arith.muli %sub3A_162, %mul3A_163 : i32
        %add3A_165 = arith.addi %multiple_of3A, %mul3A_164 : i32
        %multiple_of3A_166 = tpu.assume_multiple %add3A_165, 128 : i32
        %dma_start3A_167 = arith.constant 0 : i32
        %dma_start3A_168 = tpu.memref_slice %arg6[%multiple_of3A_166, %dma_start3A_167] : memref<163840x128xf32, #tpu.memory_space<hbm>> -> memref<128x128xf32, #tpu.memory_space<hbm>>
        %dma_start3A_169 = arith.constant 0 : i32
        %dma_start3A_170 = tpu.memref_slice %arg6[%multiple_of3A_166, %dma_start3A_169] : memref<163840x128xf32, #tpu.memory_space<hbm>> -> memref<128x128xf32, #tpu.memory_space<hbm>>
        tpu.enqueue_dma source(%arg11 : memref<128x128xf32, #tpu.memory_space<vmem>>) target(%dma_start3A_170 : memref<128x128xf32, #tpu.memory_space<hbm>>) target_semaphore(%arg16 : memref<!tpu.dma_semaphore, #tpu.memory_space<semaphore_mem>>)
        %dma_wait3A_171 = arith.constant 0 : i32
        %dma_wait3A_172 = tpu.memref_slice %arg6[%multiple_of3A, %dma_wait3A_171] : memref<163840x128xf32, #tpu.memory_space<hbm>> -> memref<128x128xf32, #tpu.memory_space<hbm>>
        %dma_wait3A_173 = arith.constant 0 : i32
        %dma_wait3A_174 = tpu.memref_slice %arg6[%multiple_of3A, %dma_wait3A_173] : memref<163840x128xf32, #tpu.memory_space<hbm>> -> memref<128x128xf32, #tpu.memory_space<hbm>>
        tpu.wait_dma2 semaphore(%arg16 : memref<!tpu.dma_semaphore, #tpu.memory_space<semaphore_mem>>) src(%arg11 : memref<128x128xf32, #tpu.memory_space<vmem>>) dst(%dma_wait3A_174 : memref<128x128xf32, #tpu.memory_space<hbm>>)
      } else {
      }
      %mul3A_106 = arith.constant 128 : i32
      %mul3A_107 = arith.muli %add3A_85, %mul3A_106 : i32
      %multiple_of3A_108 = tpu.assume_multiple %mul3A_107, 128 : i32
      %dma_start3A_109 = tpu.memref_slice %arg7[%multiple_of3A_108] : memref<5120xi32, #tpu.memory_space<vmem>> -> memref<128xi32, #tpu.memory_space<vmem>>
      %dma_start3A_110 = arith.constant 0 : i32
      %dma_start3A_111 = arith.constant 0 : i32
      %dma_start3A_112 = tpu.memref_slice %arg2[%dma_start3A_110, %dma_start3A_111] : memref<10112x128xf32, #tpu.memory_space<hbm>> -> memref<10112x128xf32, #tpu.memory_space<hbm>>
      tpu.enqueue_indirect_dma source(%dma_start3A_112 : memref<10112x128xf32, #tpu.memory_space<hbm>>) target(%arg11 : memref<128x128xf32, #tpu.memory_space<vmem>>) offsets(%dma_start3A_109 : memref<128xi32, #tpu.memory_space<vmem>>) semaphore(%arg14 : memref<!tpu.dma_semaphore, #tpu.memory_space<semaphore_mem>>)
      %dma_start3A_113 = tpu.memref_slice %arg8[%multiple_of3A_108] : memref<5120xi32, #tpu.memory_space<vmem>> -> memref<128xi32, #tpu.memory_space<vmem>>
      %dma_start3A_114 = arith.constant 0 : i32
      %dma_start3A_115 = arith.constant 0 : i32
      %dma_start3A_116 = tpu.memref_slice %arg3[%dma_start3A_114, %dma_start3A_115] : memref<10112x128xf32, #tpu.memory_space<hbm>> -> memref<10112x128xf32, #tpu.memory_space<hbm>>
      tpu.enqueue_indirect_dma source(%dma_start3A_116 : memref<10112x128xf32, #tpu.memory_space<hbm>>) target(%arg12 : memref<128x128xf32, #tpu.memory_space<vmem>>) offsets(%dma_start3A_113 : memref<128xi32, #tpu.memory_space<vmem>>) semaphore(%arg14 : memref<!tpu.dma_semaphore, #tpu.memory_space<semaphore_mem>>)
      %dma_wait3A_117 = arith.constant 0 : i32
      %dma_wait3A_118 = arith.constant 0 : i32
      %dma_wait3A_119 = tpu.memref_slice %arg2[%dma_wait3A_117, %dma_wait3A_118] : memref<10112x128xf32, #tpu.memory_space<hbm>> -> memref<128x128xf32, #tpu.memory_space<hbm>>
      %dma_wait3A_120 = arith.constant 0 : i32
      %dma_wait3A_121 = arith.constant 0 : i32
      %dma_wait3A_122 = tpu.memref_slice %arg2[%dma_wait3A_120, %dma_wait3A_121] : memref<10112x128xf32, #tpu.memory_space<hbm>> -> memref<128x128xf32, #tpu.memory_space<hbm>>
      tpu.wait_dma2 semaphore(%arg13 : memref<!tpu.dma_semaphore, #tpu.memory_space<semaphore_mem>>) src(%dma_wait3A_122 : memref<128x128xf32, #tpu.memory_space<hbm>>) dst(%arg9 : memref<128x128xf32, #tpu.memory_space<vmem>>)
      %dma_wait3A_123 = arith.constant 0 : i32
      %dma_wait3A_124 = arith.constant 0 : i32
      %dma_wait3A_125 = tpu.memref_slice %arg3[%dma_wait3A_123, %dma_wait3A_124] : memref<10112x128xf32, #tpu.memory_space<hbm>> -> memref<128x128xf32, #tpu.memory_space<hbm>>
      %dma_wait3A_126 = arith.constant 0 : i32
      %dma_wait3A_127 = arith.constant 0 : i32
      %dma_wait3A_128 = tpu.memref_slice %arg3[%dma_wait3A_126, %dma_wait3A_127] : memref<10112x128xf32, #tpu.memory_space<hbm>> -> memref<128x128xf32, #tpu.memory_space<hbm>>
      tpu.wait_dma2 semaphore(%arg13 : memref<!tpu.dma_semaphore, #tpu.memory_space<semaphore_mem>>) src(%dma_wait3A_128 : memref<128x128xf32, #tpu.memory_space<hbm>>) dst(%arg10 : memref<128x128xf32, #tpu.memory_space<vmem>>)
      %scan3A_129 = arith.constant 0 : i32
      %scan3A_130 = arith.constant 0 : i32
      %scan3A_131 = arith.constant 128 : i32
      %scan3A_132 = arith.addi %scan3A_130, %scan3A_131 : i32
      %scan3A_133 = arith.constant 1 : i32
      scf.for %scan3A_143 = %scan3A_130 to %scan3A_132 step %scan3A_133  : i32 {
        %get3A = arith.index_cast %scan3A_143 : i32 to index
        %get3A_144 = arith.constant 0 : index
        %get3A_145 = tpu.vector_load %arg9[%get3A, %get3A_144] {strides = array<i32>} : memref<128x128xf32, #tpu.memory_space<vmem>>, vector<1x16xf32>,
        %get3A_146 = vector.shape_cast %get3A_145 : vector<1x16xf32> to vector<16xf32>
        %get3A_147 = arith.index_cast %scan3A_143 : i32 to index
        %get3A_148 = arith.constant 0 : index
        %get3A_149 = tpu.vector_load %arg10[%get3A_147, %get3A_148] {strides = array<i32>} : memref<128x128xf32, #tpu.memory_space<vmem>>, vector<1x16xf32>,
        %get3A_150 = vector.shape_cast %get3A_149 : vector<1x16xf32> to vector<16xf32>
        %add3A_151 = arith.addf %get3A_146, %get3A_150 : vector<16xf32>
        %swap3A = arith.index_cast %scan3A_143 : i32 to index
        %swap3A_152 = arith.constant 0 : index
        %swap3A_153 = tpu.vector_load %arg9[%swap3A, %swap3A_152] {strides = array<i32>} : memref<128x128xf32, #tpu.memory_space<vmem>>, vector<1x16xf32>,
        %swap3A_154 = vector.shape_cast %swap3A_153 : vector<1x16xf32> to vector<16xf32>
        %swap3A_155 = vector.shape_cast %add3A_151 : vector<16xf32> to vector<1x16xf32>
        tpu.vector_store %arg9[%swap3A, %swap3A_152], %swap3A_155 {strides = array<i32>} : memref<128x128xf32, #tpu.memory_space<vmem>>, vector<1x16xf32>,
        %get3A_156 = arith.index_cast %scan3A_143 : i32 to index
        %get3A_157 = arith.constant 16 : index
        %get3A_158 = tpu.vector_load %arg9[%get3A_156, %get3A_157] {strides = array<i32>} : memref<128x128xf32, #tpu.memory_space<vmem>>, vector<1x16xf32>,
        %get3A_159 = vector.shape_cast %get3A_158 : vector<1x16xf32> to vector<16xf32>
        %get3A_160 = arith.index_cast %scan3A_143 : i32 to index
        %get3A_161 = arith.constant 16 : index
        %get3A_162 = tpu.vector_load %arg10[%get3A_160, %get3A_161] {strides = array<i32>} : memref<128x128xf32, #tpu.memory_space<vmem>>, vector<1x16xf32>,
        %get3A_163 = vector.shape_cast %get3A_162 : vector<1x16xf32> to vector<16xf32>
        %add3A_164 = arith.addf %get3A_159, %get3A_163 : vector<16xf32>
        %swap3A_165 = arith.index_cast %scan3A_143 : i32 to index
        %swap3A_166 = arith.constant 16 : index
        %swap3A_167 = tpu.vector_load %arg9[%swap3A_165, %swap3A_166] {strides = array<i32>} : memref<128x128xf32, #tpu.memory_space<vmem>>, vector<1x16xf32>,
        %swap3A_168 = vector.shape_cast %swap3A_167 : vector<1x16xf32> to vector<16xf32>
        %swap3A_169 = vector.shape_cast %add3A_164 : vector<16xf32> to vector<1x16xf32>
        tpu.vector_store %arg9[%swap3A_165, %swap3A_166], %swap3A_169 {strides = array<i32>} : memref<128x128xf32, #tpu.memory_space<vmem>>, vector<1x16xf32>,
        %get3A_170 = arith.index_cast %scan3A_143 : i32 to index
        %get3A_171 = arith.constant 32 : index
        %get3A_172 = tpu.vector_load %arg9[%get3A_170, %get3A_171] {strides = array<i32>} : memref<128x128xf32, #tpu.memory_space<vmem>>, vector<1x16xf32>,
        %get3A_173 = vector.shape_cast %get3A_172 : vector<1x16xf32> to vector<16xf32>
        %get3A_174 = arith.index_cast %scan3A_143 : i32 to index
        %get3A_175 = arith.constant 32 : index
        %get3A_176 = tpu.vector_load %arg10[%get3A_174, %get3A_175] {strides = array<i32>} : memref<128x128xf32, #tpu.memory_space<vmem>>, vector<1x16xf32>,
        %get3A_177 = vector.shape_cast %get3A_176 : vector<1x16xf32> to vector<16xf32>
        %add3A_178 = arith.addf %get3A_173, %get3A_177 : vector<16xf32>
        %swap3A_179 = arith.index_cast %scan3A_143 : i32 to index
        %swap3A_180 = arith.constant 32 : index
        %swap3A_181 = tpu.vector_load %arg9[%swap3A_179, %swap3A_180] {strides = array<i32>} : memref<128x128xf32, #tpu.memory_space<vmem>>, vector<1x16xf32>,
        %swap3A_182 = vector.shape_cast %swap3A_181 : vector<1x16xf32> to vector<16xf32>
        %swap3A_183 = vector.shape_cast %add3A_178 : vector<16xf32> to vector<1x16xf32>
        tpu.vector_store %arg9[%swap3A_179, %swap3A_180], %swap3A_183 {strides = array<i32>} : memref<128x128xf32, #tpu.memory_space<vmem>>, vector<1x16xf32>,
        %get3A_184 = arith.index_cast %scan3A_143 : i32 to index
        %get3A_185 = arith.constant 48 : index
        %get3A_186 = tpu.vector_load %arg9[%get3A_184, %get3A_185] {strides = array<i32>} : memref<128x128xf32, #tpu.memory_space<vmem>>, vector<1x16xf32>,
        %get3A_187 = vector.shape_cast %get3A_186 : vector<1x16xf32> to vector<16xf32>
        %get3A_188 = arith.index_cast %scan3A_143 : i32 to index
        %get3A_189 = arith.constant 48 : index
        %get3A_190 = tpu.vector_load %arg10[%get3A_188, %get3A_189] {strides = array<i32>} : memref<128x128xf32, #tpu.memory_space<vmem>>, vector<1x16xf32>,
        %get3A_191 = vector.shape_cast %get3A_190 : vector<1x16xf32> to vector<16xf32>
        %add3A_192 = arith.addf %get3A_187, %get3A_191 : vector<16xf32>
        %swap3A_193 = arith.index_cast %scan3A_143 : i32 to index
        %swap3A_194 = arith.constant 48 : index
        %swap3A_195 = tpu.vector_load %arg9[%swap3A_193, %swap3A_194] {strides = array<i32>} : memref<128x128xf32, #tpu.memory_space<vmem>>, vector<1x16xf32>,
        %swap3A_196 = vector.shape_cast %swap3A_195 : vector<1x16xf32> to vector<16xf32>
        %swap3A_197 = vector.shape_cast %add3A_192 : vector<16xf32> to vector<1x16xf32>
        tpu.vector_store %arg9[%swap3A_193, %swap3A_194], %swap3A_197 {strides = array<i32>} : memref<128x128xf32, #tpu.memory_space<vmem>>, vector<1x16xf32>,
        %get3A_198 = arith.index_cast %scan3A_143 : i32 to index
        %get3A_199 = arith.constant 64 : index
        %get3A_200 = tpu.vector_load %arg9[%get3A_198, %get3A_199] {strides = array<i32>} : memref<128x128xf32, #tpu.memory_space<vmem>>, vector<1x16xf32>,
        %get3A_201 = vector.shape_cast %get3A_200 : vector<1x16xf32> to vector<16xf32>
        %get3A_202 = arith.index_cast %scan3A_143 : i32 to index
        %get3A_203 = arith.constant 64 : index
        %get3A_204 = tpu.vector_load %arg10[%get3A_202, %get3A_203] {strides = array<i32>} : memref<128x128xf32, #tpu.memory_space<vmem>>, vector<1x16xf32>,
        %get3A_205 = vector.shape_cast %get3A_204 : vector<1x16xf32> to vector<16xf32>
        %add3A_206 = arith.addf %get3A_201, %get3A_205 : vector<16xf32>
        %swap3A_207 = arith.index_cast %scan3A_143 : i32 to index
        %swap3A_208 = arith.constant 64 : index
        %swap3A_209 = tpu.vector_load %arg9[%swap3A_207, %swap3A_208] {strides = array<i32>} : memref<128x128xf32, #tpu.memory_space<vmem>>, vector<1x16xf32>,
        %swap3A_210 = vector.shape_cast %swap3A_209 : vector<1x16xf32> to vector<16xf32>
        %swap3A_211 = vector.shape_cast %add3A_206 : vector<16xf32> to vector<1x16xf32>
        tpu.vector_store %arg9[%swap3A_207, %swap3A_208], %swap3A_211 {strides = array<i32>} : memref<128x128xf32, #tpu.memory_space<vmem>>, vector<1x16xf32>,
        %get3A_212 = arith.index_cast %scan3A_143 : i32 to index
        %get3A_213 = arith.constant 80 : index
        %get3A_214 = tpu.vector_load %arg9[%get3A_212, %get3A_213] {strides = array<i32>} : memref<128x128xf32, #tpu.memory_space<vmem>>, vector<1x16xf32>,
        %get3A_215 = vector.shape_cast %get3A_214 : vector<1x16xf32> to vector<16xf32>
        %get3A_216 = arith.index_cast %scan3A_143 : i32 to index
        %get3A_217 = arith.constant 80 : index
        %get3A_218 = tpu.vector_load %arg10[%get3A_216, %get3A_217] {strides = array<i32>} : memref<128x128xf32, #tpu.memory_space<vmem>>, vector<1x16xf32>,
        %get3A_219 = vector.shape_cast %get3A_218 : vector<1x16xf32> to vector<16xf32>
        %add3A_220 = arith.addf %get3A_215, %get3A_219 : vector<16xf32>
        %swap3A_221 = arith.index_cast %scan3A_143 : i32 to index
        %swap3A_222 = arith.constant 80 : index
        %swap3A_223 = tpu.vector_load %arg9[%swap3A_221, %swap3A_222] {strides = array<i32>} : memref<128x128xf32, #tpu.memory_space<vmem>>, vector<1x16xf32>,
        %swap3A_224 = vector.shape_cast %swap3A_223 : vector<1x16xf32> to vector<16xf32>
        %swap3A_225 = vector.shape_cast %add3A_220 : vector<16xf32> to vector<1x16xf32>
        tpu.vector_store %arg9[%swap3A_221, %swap3A_222], %swap3A_225 {strides = array<i32>} : memref<128x128xf32, #tpu.memory_space<vmem>>, vector<1x16xf32>,
      }
      %scan3A_134 = arith.constant 128 : i32
      %mul3A_135 = arith.constant 128 : i32
      %mul3A_136 = arith.muli %mul3A_83, %mul3A_135 : i32
      %add3A_137 = arith.addi %multiple_of3A, %mul3A_136 : i32
      %multiple_of3A_138 = tpu.assume_multiple %add3A_137, 128 : i32
      %dma_start3A_139 = arith.constant 0 : i32
      %dma_start3A_140 = tpu.memref_slice %arg6[%multiple_of3A_138, %dma_start3A_139] : memref<163840x128xf32, #tpu.memory_space<hbm>> -> memref<128x128xf32, #tpu.memory_space<hbm>>
      %dma_start3A_141 = arith.constant 0 : i32
      %dma_start3A_142 = tpu.memref_slice %arg6[%multiple_of3A_138, %dma_start3A_141] : memref<163840x128xf32, #tpu.memory_space<hbm>> -> memref<128x128xf32, #tpu.memory_space<hbm>>
      tpu.enqueue_dma source(%arg9 : memref<128x128xf32, #tpu.memory_space<vmem>>) target(%dma_start3A_142 : memref<128x128xf32, #tpu.memory_space<hbm>>) target_semaphore(%arg15 : memref<!tpu.dma_semaphore, #tpu.memory_space<semaphore_mem>>)
    }
    %dma_wait3A = arith.constant 0 : i32
    %dma_wait3A_48 = tpu.memref_slice %arg6[%multiple_of3A, %dma_wait3A] : memref<163840x128xf32, #tpu.memory_space<hbm>> -> memref<128x128xf32, #tpu.memory_space<hbm>>
    %dma_wait3A_49 = arith.constant 0 : i32
    %dma_wait3A_50 = tpu.memref_slice %arg6[%multiple_of3A, %dma_wait3A_49] : memref<163840x128xf32, #tpu.memory_space<hbm>> -> memref<128x128xf32, #tpu.memory_space<hbm>>
    tpu.wait_dma2 semaphore(%arg15 : memref<!tpu.dma_semaphore, #tpu.memory_space<semaphore_mem>>) src(%arg9 : memref<128x128xf32, #tpu.memory_space<vmem>>) dst(%dma_wait3A_50 : memref<128x128xf32, #tpu.memory_space<hbm>>)
    %dma_wait3A_51 = arith.constant 0 : i32
    %dma_wait3A_52 = arith.constant 0 : i32
    %dma_wait3A_53 = tpu.memref_slice %arg2[%dma_wait3A_51, %dma_wait3A_52] : memref<10112x128xf32, #tpu.memory_space<hbm>> -> memref<128x128xf32, #tpu.memory_space<hbm>>
    %dma_wait3A_54 = arith.constant 0 : i32
    %dma_wait3A_55 = arith.constant 0 : i32
    %dma_wait3A_56 = tpu.memref_slice %arg2[%dma_wait3A_54, %dma_wait3A_55] : memref<10112x128xf32, #tpu.memory_space<hbm>> -> memref<128x128xf32, #tpu.memory_space<hbm>>
    tpu.wait_dma2 semaphore(%arg14 : memref<!tpu.dma_semaphore, #tpu.memory_space<semaphore_mem>>) src(%dma_wait3A_56 : memref<128x128xf32, #tpu.memory_space<hbm>>) dst(%arg11 : memref<128x128xf32, #tpu.memory_space<vmem>>)
    %dma_wait3A_57 = arith.constant 0 : i32
    %dma_wait3A_58 = arith.constant 0 : i32
    %dma_wait3A_59 = tpu.memref_slice %arg3[%dma_wait3A_57, %dma_wait3A_58] : memref<10112x128xf32, #tpu.memory_space<hbm>> -> memref<128x128xf32, #tpu.memory_space<hbm>>
    %dma_wait3A_60 = arith.constant 0 : i32
    %dma_wait3A_61 = arith.constant 0 : i32
    %dma_wait3A_62 = tpu.memref_slice %arg3[%dma_wait3A_60, %dma_wait3A_61] : memref<10112x128xf32, #tpu.memory_space<hbm>> -> memref<128x128xf32, #tpu.memory_space<hbm>>
    tpu.wait_dma2 semaphore(%arg14 : memref<!tpu.dma_semaphore, #tpu.memory_space<semaphore_mem>>) src(%dma_wait3A_62 : memref<128x128xf32, #tpu.memory_space<hbm>>) dst(%arg12 : memref<128x128xf32, #tpu.memory_space<vmem>>)
    %scan3A = arith.constant 0 : i32
    %scan3A_63 = arith.constant 0 : i32
    %scan3A_64 = arith.constant 128 : i32
    %scan3A_65 = arith.addi %scan3A_63, %scan3A_64 : i32
    %scan3A_66 = arith.constant 1 : i32
    scf.for %scan3A_81 = %scan3A_63 to %scan3A_65 step %scan3A_66  : i32 {
      %get3A = arith.index_cast %scan3A_81 : i32 to index
      %get3A_82 = arith.constant 0 : index
      %get3A_83 = tpu.vector_load %arg11[%get3A, %get3A_82] {strides = array<i32>} : memref<128x128xf32, #tpu.memory_space<vmem>>, vector<1x16xf32>,
      %get3A_84 = vector.shape_cast %get3A_83 : vector<1x16xf32> to vector<16xf32>
      %get3A_85 = arith.index_cast %scan3A_81 : i32 to index
      %get3A_86 = arith.constant 0 : index
      %get3A_87 = tpu.vector_load %arg12[%get3A_85, %get3A_86] {strides = array<i32>} : memref<128x128xf32, #tpu.memory_space<vmem>>, vector<1x16xf32>,
      %get3A_88 = vector.shape_cast %get3A_87 : vector<1x16xf32> to vector<16xf32>
      %add3A_89 = arith.addf %get3A_84, %get3A_88 : vector<16xf32>
      %swap3A = arith.index_cast %scan3A_81 : i32 to index
      %swap3A_90 = arith.constant 0 : index
      %swap3A_91 = tpu.vector_load %arg11[%swap3A, %swap3A_90] {strides = array<i32>} : memref<128x128xf32, #tpu.memory_space<vmem>>, vector<1x16xf32>,
      %swap3A_92 = vector.shape_cast %swap3A_91 : vector<1x16xf32> to vector<16xf32>
      %swap3A_93 = vector.shape_cast %add3A_89 : vector<16xf32> to vector<1x16xf32>
      tpu.vector_store %arg11[%swap3A, %swap3A_90], %swap3A_93 {strides = array<i32>} : memref<128x128xf32, #tpu.memory_space<vmem>>, vector<1x16xf32>,
      %get3A_94 = arith.index_cast %scan3A_81 : i32 to index
      %get3A_95 = arith.constant 16 : index
      %get3A_96 = tpu.vector_load %arg11[%get3A_94, %get3A_95] {strides = array<i32>} : memref<128x128xf32, #tpu.memory_space<vmem>>, vector<1x16xf32>,
      %get3A_97 = vector.shape_cast %get3A_96 : vector<1x16xf32> to vector<16xf32>
      %get3A_98 = arith.index_cast %scan3A_81 : i32 to index
      %get3A_99 = arith.constant 16 : index
      %get3A_100 = tpu.vector_load %arg12[%get3A_98, %get3A_99] {strides = array<i32>} : memref<128x128xf32, #tpu.memory_space<vmem>>, vector<1x16xf32>,
      %get3A_101 = vector.shape_cast %get3A_100 : vector<1x16xf32> to vector<16xf32>
      %add3A_102 = arith.addf %get3A_97, %get3A_101 : vector<16xf32>
      %swap3A_103 = arith.index_cast %scan3A_81 : i32 to index
      %swap3A_104 = arith.constant 16 : index
      %swap3A_105 = tpu.vector_load %arg11[%swap3A_103, %swap3A_104] {strides = array<i32>} : memref<128x128xf32, #tpu.memory_space<vmem>>, vector<1x16xf32>,
      %swap3A_106 = vector.shape_cast %swap3A_105 : vector<1x16xf32> to vector<16xf32>
      %swap3A_107 = vector.shape_cast %add3A_102 : vector<16xf32> to vector<1x16xf32>
      tpu.vector_store %arg11[%swap3A_103, %swap3A_104], %swap3A_107 {strides = array<i32>} : memref<128x128xf32, #tpu.memory_space<vmem>>, vector<1x16xf32>,
      %get3A_108 = arith.index_cast %scan3A_81 : i32 to index
      %get3A_109 = arith.constant 32 : index
      %get3A_110 = tpu.vector_load %arg11[%get3A_108, %get3A_109] {strides = array<i32>} : memref<128x128xf32, #tpu.memory_space<vmem>>, vector<1x16xf32>,
      %get3A_111 = vector.shape_cast %get3A_110 : vector<1x16xf32> to vector<16xf32>
      %get3A_112 = arith.index_cast %scan3A_81 : i32 to index
      %get3A_113 = arith.constant 32 : index
      %get3A_114 = tpu.vector_load %arg12[%get3A_112, %get3A_113] {strides = array<i32>} : memref<128x128xf32, #tpu.memory_space<vmem>>, vector<1x16xf32>,
      %get3A_115 = vector.shape_cast %get3A_114 : vector<1x16xf32> to vector<16xf32>
      %add3A_116 = arith.addf %get3A_111, %get3A_115 : vector<16xf32>
      %swap3A_117 = arith.index_cast %scan3A_81 : i32 to index
      %swap3A_118 = arith.constant 32 : index
      %swap3A_119 = tpu.vector_load %arg11[%swap3A_117, %swap3A_118] {strides = array<i32>} : memref<128x128xf32, #tpu.memory_space<vmem>>, vector<1x16xf32>,
      %swap3A_120 = vector.shape_cast %swap3A_119 : vector<1x16xf32> to vector<16xf32>
      %swap3A_121 = vector.shape_cast %add3A_116 : vector<16xf32> to vector<1x16xf32>
      tpu.vector_store %arg11[%swap3A_117, %swap3A_118], %swap3A_121 {strides = array<i32>} : memref<128x128xf32, #tpu.memory_space<vmem>>, vector<1x16xf32>,
      %get3A_122 = arith.index_cast %scan3A_81 : i32 to index
      %get3A_123 = arith.constant 48 : index
      %get3A_124 = tpu.vector_load %arg11[%get3A_122, %get3A_123] {strides = array<i32>} : memref<128x128xf32, #tpu.memory_space<vmem>>, vector<1x16xf32>,
      %get3A_125 = vector.shape_cast %get3A_124 : vector<1x16xf32> to vector<16xf32>
      %get3A_126 = arith.index_cast %scan3A_81 : i32 to index
      %get3A_127 = arith.constant 48 : index
      %get3A_128 = tpu.vector_load %arg12[%get3A_126, %get3A_127] {strides = array<i32>} : memref<128x128xf32, #tpu.memory_space<vmem>>, vector<1x16xf32>,
      %get3A_129 = vector.shape_cast %get3A_128 : vector<1x16xf32> to vector<16xf32>
      %add3A_130 = arith.addf %get3A_125, %get3A_129 : vector<16xf32>
      %swap3A_131 = arith.index_cast %scan3A_81 : i32 to index
      %swap3A_132 = arith.constant 48 : index
      %swap3A_133 = tpu.vector_load %arg11[%swap3A_131, %swap3A_132] {strides = array<i32>} : memref<128x128xf32, #tpu.memory_space<vmem>>, vector<1x16xf32>,
      %swap3A_134 = vector.shape_cast %swap3A_133 : vector<1x16xf32> to vector<16xf32>
      %swap3A_135 = vector.shape_cast %add3A_130 : vector<16xf32> to vector<1x16xf32>
      tpu.vector_store %arg11[%swap3A_131, %swap3A_132], %swap3A_135 {strides = array<i32>} : memref<128x128xf32, #tpu.memory_space<vmem>>, vector<1x16xf32>,
      %get3A_136 = arith.index_cast %scan3A_81 : i32 to index
      %get3A_137 = arith.constant 64 : index
      %get3A_138 = tpu.vector_load %arg11[%get3A_136, %get3A_137] {strides = array<i32>} : memref<128x128xf32, #tpu.memory_space<vmem>>, vector<1x16xf32>,
      %get3A_139 = vector.shape_cast %get3A_138 : vector<1x16xf32> to vector<16xf32>
      %get3A_140 = arith.index_cast %scan3A_81 : i32 to index
      %get3A_141 = arith.constant 64 : index
      %get3A_142 = tpu.vector_load %arg12[%get3A_140, %get3A_141] {strides = array<i32>} : memref<128x128xf32, #tpu.memory_space<vmem>>, vector<1x16xf32>,
      %get3A_143 = vector.shape_cast %get3A_142 : vector<1x16xf32> to vector<16xf32>
      %add3A_144 = arith.addf %get3A_139, %get3A_143 : vector<16xf32>
      %swap3A_145 = arith.index_cast %scan3A_81 : i32 to index
      %swap3A_146 = arith.constant 64 : index
      %swap3A_147 = tpu.vector_load %arg11[%swap3A_145, %swap3A_146] {strides = array<i32>} : memref<128x128xf32, #tpu.memory_space<vmem>>, vector<1x16xf32>,
      %swap3A_148 = vector.shape_cast %swap3A_147 : vector<1x16xf32> to vector<16xf32>
      %swap3A_149 = vector.shape_cast %add3A_144 : vector<16xf32> to vector<1x16xf32>
      tpu.vector_store %arg11[%swap3A_145, %swap3A_146], %swap3A_149 {strides = array<i32>} : memref<128x128xf32, #tpu.memory_space<vmem>>, vector<1x16xf32>,
      %get3A_150 = arith.index_cast %scan3A_81 : i32 to index
      %get3A_151 = arith.constant 80 : index
      %get3A_152 = tpu.vector_load %arg11[%get3A_150, %get3A_151] {strides = array<i32>} : memref<128x128xf32, #tpu.memory_space<vmem>>, vector<1x16xf32>,
      %get3A_153 = vector.shape_cast %get3A_152 : vector<1x16xf32> to vector<16xf32>
      %get3A_154 = arith.index_cast %scan3A_81 : i32 to index
      %get3A_155 = arith.constant 80 : index
      %get3A_156 = tpu.vector_load %arg12[%get3A_154, %get3A_155] {strides = array<i32>} : memref<128x128xf32, #tpu.memory_space<vmem>>, vector<1x16xf32>,
      %get3A_157 = vector.shape_cast %get3A_156 : vector<1x16xf32> to vector<16xf32>
      %add3A_158 = arith.addf %get3A_153, %get3A_157 : vector<16xf32>
      %swap3A_159 = arith.index_cast %scan3A_81 : i32 to index
      %swap3A_160 = arith.constant 80 : index
      %swap3A_161 = tpu.vector_load %arg11[%swap3A_159, %swap3A_160] {strides = array<i32>} : memref<128x128xf32, #tpu.memory_space<vmem>>, vector<1x16xf32>,
      %swap3A_162 = vector.shape_cast %swap3A_161 : vector<1x16xf32> to vector<16xf32>
      %swap3A_163 = vector.shape_cast %add3A_158 : vector<16xf32> to vector<1x16xf32>
      tpu.vector_store %arg11[%swap3A_159, %swap3A_160], %swap3A_163 {strides = array<i32>} : memref<128x128xf32, #tpu.memory_space<vmem>>, vector<1x16xf32>,
    }
    %scan3A_67 = arith.constant 128 : i32
    %sub3A_68 = arith.constant 1 : i32
    %sub3A_69 = arith.subi %select_n3A, %sub3A_68 : i32
    %mul3A_70 = arith.constant 128 : i32
    %mul3A_71 = arith.muli %sub3A_69, %mul3A_70 : i32
    %add3A_72 = arith.addi %multiple_of3A, %mul3A_71 : i32
    %multiple_of3A_73 = tpu.assume_multiple %add3A_72, 128 : i32
    %dma_start3A = arith.constant 0 : i32
    %dma_start3A_74 = tpu.memref_slice %arg6[%multiple_of3A_73, %dma_start3A] : memref<163840x128xf32, #tpu.memory_space<hbm>> -> memref<128x128xf32, #tpu.memory_space<hbm>>
    %dma_start3A_75 = arith.constant 0 : i32
    %dma_start3A_76 = tpu.memref_slice %arg6[%multiple_of3A_73, %dma_start3A_75] : memref<163840x128xf32, #tpu.memory_space<hbm>> -> memref<128x128xf32, #tpu.memory_space<hbm>>
    tpu.enqueue_dma source(%arg11 : memref<128x128xf32, #tpu.memory_space<vmem>>) target(%dma_start3A_76 : memref<128x128xf32, #tpu.memory_space<hbm>>) target_semaphore(%arg16 : memref<!tpu.dma_semaphore, #tpu.memory_space<semaphore_mem>>)
    %dma_wait3A_77 = arith.constant 0 : i32
    %dma_wait3A_78 = tpu.memref_slice %arg6[%multiple_of3A, %dma_wait3A_77] : memref<163840x128xf32, #tpu.memory_space<hbm>> -> memref<128x128xf32, #tpu.memory_space<hbm>>
    %dma_wait3A_79 = arith.constant 0 : i32
    %dma_wait3A_80 = tpu.memref_slice %arg6[%multiple_of3A, %dma_wait3A_79] : memref<163840x128xf32, #tpu.memory_space<hbm>> -> memref<128x128xf32, #tpu.memory_space<hbm>>
    tpu.wait_dma2 semaphore(%arg16 : memref<!tpu.dma_semaphore, #tpu.memory_space<semaphore_mem>>) src(%arg11 : memref<128x128xf32, #tpu.memory_space<vmem>>) dst(%dma_wait3A_80 : memref<128x128xf32, #tpu.memory_space<hbm>>)
    return
  }
}

#map = affine_map<(d0, d1) -> (0, 0)>
#map1 = affine_map<(d0, d1) -> (0)>
module attributes {stable_mosaic.version = 14 : i64} {
  func.func @k(%arg0: i32, %arg1: i32, %arg2: memref<10112x128xf32, #tpu.memory_space<hbm>>, %arg3: memref<163840xi32, #tpu.memory_space<hbm>>, %arg4: memref<163840x512xf32, #tpu.memory_space<hbm>>, %arg5: memref<10112x512xf32, #tpu.memory_space<hbm>>, %arg6: memref<128xi32, #tpu.memory_space<vmem>>, %arg7: memref<128xi32, #tpu.memory_space<vmem>>, %arg8: memref<128x128xf32, #tpu.memory_space<vmem>>, %arg9: memref<128x128xf32, #tpu.memory_space<vmem>>, %arg10: memref<!tpu.dma_semaphore, #tpu.memory_space<semaphore_mem>>, %arg11: memref<!tpu.dma_semaphore, #tpu.memory_space<semaphore_mem>>, %arg12: memref<10112x128xf32, #tpu.memory_space<vmem_shared>>) attributes {dimension_semantics = [#tpu.dimension_semantics<core_parallel>, #tpu.dimension_semantics<subcore_parallel>], iteration_bounds = array<i64: 2, 16>, scalar_prefetch = 0 : i64, scratch_operands = 7 : i64, tpu.core_type = #tpu.core_type<sc_vector_subcore>, window_params = [{transform_indices = #map}, {transform_indices = #map1}, {transform_indices = #map}, {transform_indices = #map}]} {
    %mul3A = arith.constant 632 : i32
    %mul3A_0 = arith.muli %arg1, %mul3A : i32
    %multiple_of3A = tpu.assume_multiple %mul3A_0, 8 : i32
    %mul3A_1 = arith.constant 10240 : i32
    %mul3A_2 = arith.muli %arg1, %mul3A_1 : i32
    %multiple_of3A_3 = tpu.assume_multiple %mul3A_2, 128 : i32
    %eq3A = arith.constant 0 : i32
    %eq3A_4 = arith.cmpi eq, %arg0, %eq3A : i32
    %convert_element_type3A = arith.extui %eq3A_4 : i1 to i32
    %cond3A = arith.constant 0 : i32
    %cond3A_5 = arith.cmpi ne, %convert_element_type3A, %cond3A : i32
    scf.if %cond3A_5 {
      "tpu.region"() ({
        %run_scoped3A = tpu.sem_alloc : memref<!tpu.dma_semaphore, #tpu.memory_space<semaphore_mem>>
        %dma_start3A_43 = arith.constant 0 : i32
        %dma_start3A_44 = tpu.memref_slice %arg12[%multiple_of3A, %dma_start3A_43] : memref<10112x128xf32, #tpu.memory_space<vmem_shared>> -> memref<632x128xf32, #tpu.memory_space<vmem_shared>>
        %dma_start3A_45 = arith.constant 0 : i32
        %dma_start3A_46 = tpu.memref_slice %arg2[%multiple_of3A, %dma_start3A_45] : memref<10112x128xf32, #tpu.memory_space<hbm>> -> memref<632x128xf32, #tpu.memory_space<hbm>>
        tpu.enqueue_dma source(%dma_start3A_46 : memref<632x128xf32, #tpu.memory_space<hbm>>) target(%dma_start3A_44 : memref<632x128xf32, #tpu.memory_space<vmem_shared>>) target_semaphore(%run_scoped3A : memref<!tpu.dma_semaphore, #tpu.memory_space<semaphore_mem>>)
        %dma_wait3A = arith.constant 0 : i32
        %dma_wait3A_47 = tpu.memref_slice %arg12[%multiple_of3A, %dma_wait3A] : memref<10112x128xf32, #tpu.memory_space<vmem_shared>> -> memref<632x128xf32, #tpu.memory_space<vmem_shared>>
        %dma_wait3A_48 = arith.constant 0 : i32
        %dma_wait3A_49 = tpu.memref_slice %arg2[%multiple_of3A, %dma_wait3A_48] : memref<10112x128xf32, #tpu.memory_space<hbm>> -> memref<632x128xf32, #tpu.memory_space<hbm>>
        tpu.wait_dma2 semaphore(%run_scoped3A : memref<!tpu.dma_semaphore, #tpu.memory_space<semaphore_mem>>) src(%dma_wait3A_49 : memref<632x128xf32, #tpu.memory_space<hbm>>) dst(%dma_wait3A_47 : memref<632x128xf32, #tpu.memory_space<vmem_shared>>)
        tpu.yield
      }) : () -> ()
      %barrier3A = arith.constant 0 : index
      tpu.barrier barrier_id(%barrier3A)
      %add3A = arith.constant 0 : i32
      %add3A_11 = arith.addi %multiple_of3A_3, %add3A : i32
      %multiple_of3A_12 = tpu.assume_multiple %add3A_11, 128 : i32
      %dma_start3A = tpu.memref_slice %arg3[%multiple_of3A_12] : memref<163840xi32, #tpu.memory_space<hbm>> -> memref<128xi32, #tpu.memory_space<hbm>>
      %dma_start3A_13 = tpu.memref_slice %arg3[%multiple_of3A_12] : memref<163840xi32, #tpu.memory_space<hbm>> -> memref<128xi32, #tpu.memory_space<hbm>>
      tpu.enqueue_dma source(%dma_start3A_13 : memref<128xi32, #tpu.memory_space<hbm>>) target(%arg6 : memref<128xi32, #tpu.memory_space<vmem>>) target_semaphore(%arg10 : memref<!tpu.dma_semaphore, #tpu.memory_space<semaphore_mem>>)
      %dma_start3A_14 = arith.constant 0 : i32
      %dma_start3A_15 = tpu.memref_slice %arg4[%multiple_of3A_12, %dma_start3A_14] : memref<163840x512xf32, #tpu.memory_space<hbm>> -> memref<128x128xf32, #tpu.memory_space<hbm>>
      %dma_start3A_16 = arith.constant 0 : i32
      %dma_start3A_17 = tpu.memref_slice %arg4[%multiple_of3A_12, %dma_start3A_16] : memref<163840x512xf32, #tpu.memory_space<hbm>> -> memref<128x128xf32, #tpu.memory_space<hbm>>
      tpu.enqueue_dma source(%dma_start3A_17 : memref<128x128xf32, #tpu.memory_space<hbm>>) target(%arg8 : memref<128x128xf32, #tpu.memory_space<vmem>>) target_semaphore(%arg10 : memref<!tpu.dma_semaphore, #tpu.memory_space<semaphore_mem>>)
      %scan3A = arith.constant 0 : i32
      %scan3A_18 = arith.constant 0 : i32
      %scan3A_19 = arith.constant 40 : i32
      %scan3A_20 = arith.addi %scan3A_18, %scan3A_19 : i32
      %scan3A_21 = arith.constant 1 : i32
      scf.for %scan3A_43 = %scan3A_18 to %scan3A_20 step %scan3A_21  : i32 {
        %mul3A_44 = arith.constant 2 : i32
        %mul3A_45 = arith.muli %mul3A_44, %scan3A_43 : i32
        %add3A_46 = arith.constant 1 : i32
        %add3A_47 = arith.addi %mul3A_45, %add3A_46 : i32
        %add3A_48 = arith.constant 1 : i32
        %add3A_49 = arith.addi %add3A_47, %add3A_48 : i32
        %mul3A_50 = arith.constant 128 : i32
        %mul3A_51 = arith.muli %add3A_47, %mul3A_50 : i32
        %add3A_52 = arith.addi %multiple_of3A_3, %mul3A_51 : i32
        %multiple_of3A_53 = tpu.assume_multiple %add3A_52, 128 : i32
        %dma_start3A_54 = tpu.memref_slice %arg3[%multiple_of3A_53] : memref<163840xi32, #tpu.memory_space<hbm>> -> memref<128xi32, #tpu.memory_space<hbm>>
        %dma_start3A_55 = tpu.memref_slice %arg3[%multiple_of3A_53] : memref<163840xi32, #tpu.memory_space<hbm>> -> memref<128xi32, #tpu.memory_space<hbm>>
        tpu.enqueue_dma source(%dma_start3A_55 : memref<128xi32, #tpu.memory_space<hbm>>) target(%arg7 : memref<128xi32, #tpu.memory_space<vmem>>) target_semaphore(%arg11 : memref<!tpu.dma_semaphore, #tpu.memory_space<semaphore_mem>>)
        %dma_start3A_56 = arith.constant 0 : i32
        %dma_start3A_57 = tpu.memref_slice %arg4[%multiple_of3A_53, %dma_start3A_56] : memref<163840x512xf32, #tpu.memory_space<hbm>> -> memref<128x128xf32, #tpu.memory_space<hbm>>
        %dma_start3A_58 = arith.constant 0 : i32
        %dma_start3A_59 = tpu.memref_slice %arg4[%multiple_of3A_53, %dma_start3A_58] : memref<163840x512xf32, #tpu.memory_space<hbm>> -> memref<128x128xf32, #tpu.memory_space<hbm>>
        tpu.enqueue_dma source(%dma_start3A_59 : memref<128x128xf32, #tpu.memory_space<hbm>>) target(%arg9 : memref<128x128xf32, #tpu.memory_space<vmem>>) target_semaphore(%arg11 : memref<!tpu.dma_semaphore, #tpu.memory_space<semaphore_mem>>)
        %dma_wait3A = arith.constant 0 : i32
        %dma_wait3A_60 = tpu.memref_slice %arg3[%dma_wait3A] : memref<163840xi32, #tpu.memory_space<hbm>> -> memref<128xi32, #tpu.memory_space<hbm>>
        %dma_wait3A_61 = arith.constant 0 : i32
        %dma_wait3A_62 = tpu.memref_slice %arg3[%dma_wait3A_61] : memref<163840xi32, #tpu.memory_space<hbm>> -> memref<128xi32, #tpu.memory_space<hbm>>
        tpu.wait_dma2 semaphore(%arg10 : memref<!tpu.dma_semaphore, #tpu.memory_space<semaphore_mem>>) src(%dma_wait3A_62 : memref<128xi32, #tpu.memory_space<hbm>>) dst(%arg6 : memref<128xi32, #tpu.memory_space<vmem>>)
        %dma_wait3A_63 = arith.constant 0 : i32
        %dma_wait3A_64 = arith.constant 0 : i32
        %dma_wait3A_65 = tpu.memref_slice %arg4[%dma_wait3A_63, %dma_wait3A_64] : memref<163840x512xf32, #tpu.memory_space<hbm>> -> memref<128x128xf32, #tpu.memory_space<hbm>>
        %dma_wait3A_66 = arith.constant 0 : i32
        %dma_wait3A_67 = arith.constant 0 : i32
        %dma_wait3A_68 = tpu.memref_slice %arg4[%dma_wait3A_66, %dma_wait3A_67] : memref<163840x512xf32, #tpu.memory_space<hbm>> -> memref<128x128xf32, #tpu.memory_space<hbm>>
        tpu.wait_dma2 semaphore(%arg10 : memref<!tpu.dma_semaphore, #tpu.memory_space<semaphore_mem>>) src(%dma_wait3A_68 : memref<128x128xf32, #tpu.memory_space<hbm>>) dst(%arg8 : memref<128x128xf32, #tpu.memory_space<vmem>>)
        "tpu.region"() ({
          %run_scoped3A = tpu.sem_alloc : memref<!tpu.dma_semaphore, #tpu.memory_space<semaphore_mem>>
          %dma_start3A_83 = arith.constant 0 : i32
          %dma_start3A_84 = arith.constant 0 : i32
          %dma_start3A_85 = tpu.memref_slice %arg12[%dma_start3A_83, %dma_start3A_84] : memref<10112x128xf32, #tpu.memory_space<vmem_shared>> -> memref<10112x128xf32, #tpu.memory_space<vmem_shared>>
          tpu.enqueue_indirect_dma source(%arg8 : memref<128x128xf32, #tpu.memory_space<vmem>>) target(%dma_start3A_85 : memref<10112x128xf32, #tpu.memory_space<vmem_shared>>) offsets(%arg6 : memref<128xi32, #tpu.memory_space<vmem>>) semaphore(%run_scoped3A : memref<!tpu.dma_semaphore, #tpu.memory_space<semaphore_mem>>) {add = true}
          %dma_wait3A_86 = arith.constant 0 : i32
          %dma_wait3A_87 = arith.constant 0 : i32
          %dma_wait3A_88 = tpu.memref_slice %arg12[%dma_wait3A_86, %dma_wait3A_87] : memref<10112x128xf32, #tpu.memory_space<vmem_shared>> -> memref<10112x128xf32, #tpu.memory_space<vmem_shared>>
          tpu.wait_indirect_dma semaphore(%run_scoped3A : memref<!tpu.dma_semaphore, #tpu.memory_space<semaphore_mem>>) src(%arg8 : memref<128x128xf32, #tpu.memory_space<vmem>>) dst(%dma_wait3A_88 : memref<10112x128xf32, #tpu.memory_space<vmem_shared>>)
          tpu.yield
        }) : () -> ()
        %lt3A = arith.constant 80 : i32
        %lt3A_69 = arith.cmpi slt, %add3A_49, %lt3A : i32
        %convert_element_type3A_70 = arith.extui %lt3A_69 : i1 to i32
        %cond3A_71 = arith.constant 0 : i32
        %cond3A_72 = arith.cmpi ne, %convert_element_type3A_70, %cond3A_71 : i32
        scf.if %cond3A_72 {
          %mul3A_83 = arith.constant 128 : i32
          %mul3A_84 = arith.muli %add3A_49, %mul3A_83 : i32
          %add3A_85 = arith.addi %multiple_of3A_3, %mul3A_84 : i32
          %multiple_of3A_86 = tpu.assume_multiple %add3A_85, 128 : i32
          %dma_start3A_87 = tpu.memref_slice %arg3[%multiple_of3A_86] : memref<163840xi32, #tpu.memory_space<hbm>> -> memref<128xi32, #tpu.memory_space<hbm>>
          %dma_start3A_88 = tpu.memref_slice %arg3[%multiple_of3A_86] : memref<163840xi32, #tpu.memory_space<hbm>> -> memref<128xi32, #tpu.memory_space<hbm>>
          tpu.enqueue_dma source(%dma_start3A_88 : memref<128xi32, #tpu.memory_space<hbm>>) target(%arg6 : memref<128xi32, #tpu.memory_space<vmem>>) target_semaphore(%arg10 : memref<!tpu.dma_semaphore, #tpu.memory_space<semaphore_mem>>)
          %dma_start3A_89 = arith.constant 0 : i32
          %dma_start3A_90 = tpu.memref_slice %arg4[%multiple_of3A_86, %dma_start3A_89] : memref<163840x512xf32, #tpu.memory_space<hbm>> -> memref<128x128xf32, #tpu.memory_space<hbm>>
          %dma_start3A_91 = arith.constant 0 : i32
          %dma_start3A_92 = tpu.memref_slice %arg4[%multiple_of3A_86, %dma_start3A_91] : memref<163840x512xf32, #tpu.memory_space<hbm>> -> memref<128x128xf32, #tpu.memory_space<hbm>>
          tpu.enqueue_dma source(%dma_start3A_92 : memref<128x128xf32, #tpu.memory_space<hbm>>) target(%arg8 : memref<128x128xf32, #tpu.memory_space<vmem>>) target_semaphore(%arg10 : memref<!tpu.dma_semaphore, #tpu.memory_space<semaphore_mem>>)
        } else {
        }
        %dma_wait3A_73 = arith.constant 0 : i32
        %dma_wait3A_74 = tpu.memref_slice %arg3[%dma_wait3A_73] : memref<163840xi32, #tpu.memory_space<hbm>> -> memref<128xi32, #tpu.memory_space<hbm>>
        %dma_wait3A_75 = arith.constant 0 : i32
        %dma_wait3A_76 = tpu.memref_slice %arg3[%dma_wait3A_75] : memref<163840xi32, #tpu.memory_space<hbm>> -> memref<128xi32, #tpu.memory_space<hbm>>
        tpu.wait_dma2 semaphore(%arg11 : memref<!tpu.dma_semaphore, #tpu.memory_space<semaphore_mem>>) src(%dma_wait3A_76 : memref<128xi32, #tpu.memory_space<hbm>>) dst(%arg7 : memref<128xi32, #tpu.memory_space<vmem>>)
        %dma_wait3A_77 = arith.constant 0 : i32
        %dma_wait3A_78 = arith.constant 0 : i32
        %dma_wait3A_79 = tpu.memref_slice %arg4[%dma_wait3A_77, %dma_wait3A_78] : memref<163840x512xf32, #tpu.memory_space<hbm>> -> memref<128x128xf32, #tpu.memory_space<hbm>>
        %dma_wait3A_80 = arith.constant 0 : i32
        %dma_wait3A_81 = arith.constant 0 : i32
        %dma_wait3A_82 = tpu.memref_slice %arg4[%dma_wait3A_80, %dma_wait3A_81] : memref<163840x512xf32, #tpu.memory_space<hbm>> -> memref<128x128xf32, #tpu.memory_space<hbm>>
        tpu.wait_dma2 semaphore(%arg11 : memref<!tpu.dma_semaphore, #tpu.memory_space<semaphore_mem>>) src(%dma_wait3A_82 : memref<128x128xf32, #tpu.memory_space<hbm>>) dst(%arg9 : memref<128x128xf32, #tpu.memory_space<vmem>>)
        "tpu.region"() ({
          %run_scoped3A = tpu.sem_alloc : memref<!tpu.dma_semaphore, #tpu.memory_space<semaphore_mem>>
          %dma_start3A_83 = arith.constant 0 : i32
          %dma_start3A_84 = arith.constant 0 : i32
          %dma_start3A_85 = tpu.memref_slice %arg12[%dma_start3A_83, %dma_start3A_84] : memref<10112x128xf32, #tpu.memory_space<vmem_shared>> -> memref<10112x128xf32, #tpu.memory_space<vmem_shared>>
          tpu.enqueue_indirect_dma source(%arg9 : memref<128x128xf32, #tpu.memory_space<vmem>>) target(%dma_start3A_85 : memref<10112x128xf32, #tpu.memory_space<vmem_shared>>) offsets(%arg7 : memref<128xi32, #tpu.memory_space<vmem>>) semaphore(%run_scoped3A : memref<!tpu.dma_semaphore, #tpu.memory_space<semaphore_mem>>) {add = true}
          %dma_wait3A_86 = arith.constant 0 : i32
          %dma_wait3A_87 = arith.constant 0 : i32
          %dma_wait3A_88 = tpu.memref_slice %arg12[%dma_wait3A_86, %dma_wait3A_87] : memref<10112x128xf32, #tpu.memory_space<vmem_shared>> -> memref<10112x128xf32, #tpu.memory_space<vmem_shared>>
          tpu.wait_indirect_dma semaphore(%run_scoped3A : memref<!tpu.dma_semaphore, #tpu.memory_space<semaphore_mem>>) src(%arg9 : memref<128x128xf32, #tpu.memory_space<vmem>>) dst(%dma_wait3A_88 : memref<10112x128xf32, #tpu.memory_space<vmem_shared>>)
          tpu.yield
        }) : () -> ()
      }
      %scan3A_22 = arith.constant 40 : i32
      %barrier3A_23 = arith.constant 0 : index
      tpu.barrier barrier_id(%barrier3A_23)
      "tpu.region"() ({
        %run_scoped3A = tpu.sem_alloc : memref<!tpu.dma_semaphore, #tpu.memory_space<semaphore_mem>>
        %dma_start3A_43 = arith.constant 0 : i32
        %dma_start3A_44 = tpu.memref_slice %arg5[%multiple_of3A, %dma_start3A_43] : memref<10112x512xf32, #tpu.memory_space<hbm>> -> memref<632x128xf32, #tpu.memory_space<hbm>>
        %dma_start3A_45 = arith.constant 0 : i32
        %dma_start3A_46 = tpu.memref_slice %arg12[%multiple_of3A, %dma_start3A_45] : memref<10112x128xf32, #tpu.memory_space<vmem_shared>> -> memref<632x128xf32, #tpu.memory_space<vmem_shared>>
        tpu.enqueue_dma source(%dma_start3A_46 : memref<632x128xf32, #tpu.memory_space<vmem_shared>>) target(%dma_start3A_44 : memref<632x128xf32, #tpu.memory_space<hbm>>) target_semaphore(%run_scoped3A : memref<!tpu.dma_semaphore, #tpu.memory_space<semaphore_mem>>)
        %dma_wait3A = arith.constant 0 : i32
        %dma_wait3A_47 = tpu.memref_slice %arg5[%multiple_of3A, %dma_wait3A] : memref<10112x512xf32, #tpu.memory_space<hbm>> -> memref<632x128xf32, #tpu.memory_space<hbm>>
        %dma_wait3A_48 = arith.constant 0 : i32
        %dma_wait3A_49 = tpu.memref_slice %arg12[%multiple_of3A, %dma_wait3A_48] : memref<10112x128xf32, #tpu.memory_space<vmem_shared>> -> memref<632x128xf32, #tpu.memory_space<vmem_shared>>
        tpu.wait_dma2 semaphore(%run_scoped3A : memref<!tpu.dma_semaphore, #tpu.memory_space<semaphore_mem>>) src(%dma_wait3A_49 : memref<632x128xf32, #tpu.memory_space<vmem_shared>>) dst(%dma_wait3A_47 : memref<632x128xf32, #tpu.memory_space<hbm>>)
        tpu.yield
      }) : () -> ()
      %barrier3A_24 = arith.constant 0 : index
      tpu.barrier barrier_id(%barrier3A_24)
      "tpu.region"() ({
        %run_scoped3A = tpu.sem_alloc : memref<!tpu.dma_semaphore, #tpu.memory_space<semaphore_mem>>
        %dma_start3A_43 = arith.constant 0 : i32
        %dma_start3A_44 = tpu.memref_slice %arg12[%multiple_of3A, %dma_start3A_43] : memref<10112x128xf32, #tpu.memory_space<vmem_shared>> -> memref<632x128xf32, #tpu.memory_space<vmem_shared>>
        %dma_start3A_45 = arith.constant 0 : i32
        %dma_start3A_46 = tpu.memref_slice %arg2[%multiple_of3A, %dma_start3A_45] : memref<10112x128xf32, #tpu.memory_space<hbm>> -> memref<632x128xf32, #tpu.memory_space<hbm>>
        tpu.enqueue_dma source(%dma_start3A_46 : memref<632x128xf32, #tpu.memory_space<hbm>>) target(%dma_start3A_44 : memref<632x128xf32, #tpu.memory_space<vmem_shared>>) target_semaphore(%run_scoped3A : memref<!tpu.dma_semaphore, #tpu.memory_space<semaphore_mem>>)
        %dma_wait3A = arith.constant 0 : i32
        %dma_wait3A_47 = tpu.memref_slice %arg12[%multiple_of3A, %dma_wait3A] : memref<10112x128xf32, #tpu.memory_space<vmem_shared>> -> memref<632x128xf32, #tpu.memory_space<vmem_shared>>
        %dma_wait3A_48 = arith.constant 0 : i32
        %dma_wait3A_49 = tpu.memref_slice %arg2[%multiple_of3A, %dma_wait3A_48] : memref<10112x128xf32, #tpu.memory_space<hbm>> -> memref<632x128xf32, #tpu.memory_space<hbm>>
        tpu.wait_dma2 semaphore(%run_scoped3A : memref<!tpu.dma_semaphore, #tpu.memory_space<semaphore_mem>>) src(%dma_wait3A_49 : memref<632x128xf32, #tpu.memory_space<hbm>>) dst(%dma_wait3A_47 : memref<632x128xf32, #tpu.memory_space<vmem_shared>>)
        tpu.yield
      }) : () -> ()
      %barrier3A_25 = arith.constant 0 : index
      tpu.barrier barrier_id(%barrier3A_25)
      %add3A_26 = arith.constant 0 : i32
      %add3A_27 = arith.addi %multiple_of3A_3, %add3A_26 : i32
      %multiple_of3A_28 = tpu.assume_multiple %add3A_27, 128 : i32
      %dma_start3A_29 = tpu.memref_slice %arg3[%multiple_of3A_28] : memref<163840xi32, #tpu.memory_space<hbm>> -> memref<128xi32, #tpu.memory_space<hbm>>
      %dma_start3A_30 = tpu.memref_slice %arg3[%multiple_of3A_28] : memref<163840xi32, #tpu.memory_space<hbm>> -> memref<128xi32, #tpu.memory_space<hbm>>
      tpu.enqueue_dma source(%dma_start3A_30 : memref<128xi32, #tpu.memory_space<hbm>>) target(%arg6 : memref<128xi32, #tpu.memory_space<vmem>>) target_semaphore(%arg10 : memref<!tpu.dma_semaphore, #tpu.memory_space<semaphore_mem>>)
      %dma_start3A_31 = arith.constant 256 : i32
      %dma_start3A_32 = tpu.memref_slice %arg4[%multiple_of3A_28, %dma_start3A_31] : memref<163840x512xf32, #tpu.memory_space<hbm>> -> memref<128x128xf32, #tpu.memory_space<hbm>>
      %dma_start3A_33 = arith.constant 256 : i32
      %dma_start3A_34 = tpu.memref_slice %arg4[%multiple_of3A_28, %dma_start3A_33] : memref<163840x512xf32, #tpu.memory_space<hbm>> -> memref<128x128xf32, #tpu.memory_space<hbm>>
      tpu.enqueue_dma source(%dma_start3A_34 : memref<128x128xf32, #tpu.memory_space<hbm>>) target(%arg8 : memref<128x128xf32, #tpu.memory_space<vmem>>) target_semaphore(%arg10 : memref<!tpu.dma_semaphore, #tpu.memory_space<semaphore_mem>>)
      %scan3A_35 = arith.constant 0 : i32
      %scan3A_36 = arith.constant 0 : i32
      %scan3A_37 = arith.constant 40 : i32
      %scan3A_38 = arith.addi %scan3A_36, %scan3A_37 : i32
      %scan3A_39 = arith.constant 1 : i32
      scf.for %scan3A_43 = %scan3A_36 to %scan3A_38 step %scan3A_39  : i32 {
        %mul3A_44 = arith.constant 2 : i32
        %mul3A_45 = arith.muli %mul3A_44, %scan3A_43 : i32
        %add3A_46 = arith.constant 1 : i32
        %add3A_47 = arith.addi %mul3A_45, %add3A_46 : i32
        %add3A_48 = arith.constant 1 : i32
        %add3A_49 = arith.addi %add3A_47, %add3A_48 : i32
        %mul3A_50 = arith.constant 128 : i32
        %mul3A_51 = arith.muli %add3A_47, %mul3A_50 : i32
        %add3A_52 = arith.addi %multiple_of3A_3, %mul3A_51 : i32
        %multiple_of3A_53 = tpu.assume_multiple %add3A_52, 128 : i32
        %dma_start3A_54 = tpu.memref_slice %arg3[%multiple_of3A_53] : memref<163840xi32, #tpu.memory_space<hbm>> -> memref<128xi32, #tpu.memory_space<hbm>>
        %dma_start3A_55 = tpu.memref_slice %arg3[%multiple_of3A_53] : memref<163840xi32, #tpu.memory_space<hbm>> -> memref<128xi32, #tpu.memory_space<hbm>>
        tpu.enqueue_dma source(%dma_start3A_55 : memref<128xi32, #tpu.memory_space<hbm>>) target(%arg7 : memref<128xi32, #tpu.memory_space<vmem>>) target_semaphore(%arg11 : memref<!tpu.dma_semaphore, #tpu.memory_space<semaphore_mem>>)
        %dma_start3A_56 = arith.constant 256 : i32
        %dma_start3A_57 = tpu.memref_slice %arg4[%multiple_of3A_53, %dma_start3A_56] : memref<163840x512xf32, #tpu.memory_space<hbm>> -> memref<128x128xf32, #tpu.memory_space<hbm>>
        %dma_start3A_58 = arith.constant 256 : i32
        %dma_start3A_59 = tpu.memref_slice %arg4[%multiple_of3A_53, %dma_start3A_58] : memref<163840x512xf32, #tpu.memory_space<hbm>> -> memref<128x128xf32, #tpu.memory_space<hbm>>
        tpu.enqueue_dma source(%dma_start3A_59 : memref<128x128xf32, #tpu.memory_space<hbm>>) target(%arg9 : memref<128x128xf32, #tpu.memory_space<vmem>>) target_semaphore(%arg11 : memref<!tpu.dma_semaphore, #tpu.memory_space<semaphore_mem>>)
        %dma_wait3A = arith.constant 0 : i32
        %dma_wait3A_60 = tpu.memref_slice %arg3[%dma_wait3A] : memref<163840xi32, #tpu.memory_space<hbm>> -> memref<128xi32, #tpu.memory_space<hbm>>
        %dma_wait3A_61 = arith.constant 0 : i32
        %dma_wait3A_62 = tpu.memref_slice %arg3[%dma_wait3A_61] : memref<163840xi32, #tpu.memory_space<hbm>> -> memref<128xi32, #tpu.memory_space<hbm>>
        tpu.wait_dma2 semaphore(%arg10 : memref<!tpu.dma_semaphore, #tpu.memory_space<semaphore_mem>>) src(%dma_wait3A_62 : memref<128xi32, #tpu.memory_space<hbm>>) dst(%arg6 : memref<128xi32, #tpu.memory_space<vmem>>)
        %dma_wait3A_63 = arith.constant 0 : i32
        %dma_wait3A_64 = arith.constant 256 : i32
        %dma_wait3A_65 = tpu.memref_slice %arg4[%dma_wait3A_63, %dma_wait3A_64] : memref<163840x512xf32, #tpu.memory_space<hbm>> -> memref<128x128xf32, #tpu.memory_space<hbm>>
        %dma_wait3A_66 = arith.constant 0 : i32
        %dma_wait3A_67 = arith.constant 256 : i32
        %dma_wait3A_68 = tpu.memref_slice %arg4[%dma_wait3A_66, %dma_wait3A_67] : memref<163840x512xf32, #tpu.memory_space<hbm>> -> memref<128x128xf32, #tpu.memory_space<hbm>>
        tpu.wait_dma2 semaphore(%arg10 : memref<!tpu.dma_semaphore, #tpu.memory_space<semaphore_mem>>) src(%dma_wait3A_68 : memref<128x128xf32, #tpu.memory_space<hbm>>) dst(%arg8 : memref<128x128xf32, #tpu.memory_space<vmem>>)
        "tpu.region"() ({
          %run_scoped3A = tpu.sem_alloc : memref<!tpu.dma_semaphore, #tpu.memory_space<semaphore_mem>>
          %dma_start3A_83 = arith.constant 0 : i32
          %dma_start3A_84 = arith.constant 0 : i32
          %dma_start3A_85 = tpu.memref_slice %arg12[%dma_start3A_83, %dma_start3A_84] : memref<10112x128xf32, #tpu.memory_space<vmem_shared>> -> memref<10112x128xf32, #tpu.memory_space<vmem_shared>>
          tpu.enqueue_indirect_dma source(%arg8 : memref<128x128xf32, #tpu.memory_space<vmem>>) target(%dma_start3A_85 : memref<10112x128xf32, #tpu.memory_space<vmem_shared>>) offsets(%arg6 : memref<128xi32, #tpu.memory_space<vmem>>) semaphore(%run_scoped3A : memref<!tpu.dma_semaphore, #tpu.memory_space<semaphore_mem>>) {add = true}
          %dma_wait3A_86 = arith.constant 0 : i32
          %dma_wait3A_87 = arith.constant 0 : i32
          %dma_wait3A_88 = tpu.memref_slice %arg12[%dma_wait3A_86, %dma_wait3A_87] : memref<10112x128xf32, #tpu.memory_space<vmem_shared>> -> memref<10112x128xf32, #tpu.memory_space<vmem_shared>>
          tpu.wait_indirect_dma semaphore(%run_scoped3A : memref<!tpu.dma_semaphore, #tpu.memory_space<semaphore_mem>>) src(%arg8 : memref<128x128xf32, #tpu.memory_space<vmem>>) dst(%dma_wait3A_88 : memref<10112x128xf32, #tpu.memory_space<vmem_shared>>)
          tpu.yield
        }) : () -> ()
        %lt3A = arith.constant 80 : i32
        %lt3A_69 = arith.cmpi slt, %add3A_49, %lt3A : i32
        %convert_element_type3A_70 = arith.extui %lt3A_69 : i1 to i32
        %cond3A_71 = arith.constant 0 : i32
        %cond3A_72 = arith.cmpi ne, %convert_element_type3A_70, %cond3A_71 : i32
        scf.if %cond3A_72 {
          %mul3A_83 = arith.constant 128 : i32
          %mul3A_84 = arith.muli %add3A_49, %mul3A_83 : i32
          %add3A_85 = arith.addi %multiple_of3A_3, %mul3A_84 : i32
          %multiple_of3A_86 = tpu.assume_multiple %add3A_85, 128 : i32
          %dma_start3A_87 = tpu.memref_slice %arg3[%multiple_of3A_86] : memref<163840xi32, #tpu.memory_space<hbm>> -> memref<128xi32, #tpu.memory_space<hbm>>
          %dma_start3A_88 = tpu.memref_slice %arg3[%multiple_of3A_86] : memref<163840xi32, #tpu.memory_space<hbm>> -> memref<128xi32, #tpu.memory_space<hbm>>
          tpu.enqueue_dma source(%dma_start3A_88 : memref<128xi32, #tpu.memory_space<hbm>>) target(%arg6 : memref<128xi32, #tpu.memory_space<vmem>>) target_semaphore(%arg10 : memref<!tpu.dma_semaphore, #tpu.memory_space<semaphore_mem>>)
          %dma_start3A_89 = arith.constant 256 : i32
          %dma_start3A_90 = tpu.memref_slice %arg4[%multiple_of3A_86, %dma_start3A_89] : memref<163840x512xf32, #tpu.memory_space<hbm>> -> memref<128x128xf32, #tpu.memory_space<hbm>>
          %dma_start3A_91 = arith.constant 256 : i32
          %dma_start3A_92 = tpu.memref_slice %arg4[%multiple_of3A_86, %dma_start3A_91] : memref<163840x512xf32, #tpu.memory_space<hbm>> -> memref<128x128xf32, #tpu.memory_space<hbm>>
          tpu.enqueue_dma source(%dma_start3A_92 : memref<128x128xf32, #tpu.memory_space<hbm>>) target(%arg8 : memref<128x128xf32, #tpu.memory_space<vmem>>) target_semaphore(%arg10 : memref<!tpu.dma_semaphore, #tpu.memory_space<semaphore_mem>>)
        } else {
        }
        %dma_wait3A_73 = arith.constant 0 : i32
        %dma_wait3A_74 = tpu.memref_slice %arg3[%dma_wait3A_73] : memref<163840xi32, #tpu.memory_space<hbm>> -> memref<128xi32, #tpu.memory_space<hbm>>
        %dma_wait3A_75 = arith.constant 0 : i32
        %dma_wait3A_76 = tpu.memref_slice %arg3[%dma_wait3A_75] : memref<163840xi32, #tpu.memory_space<hbm>> -> memref<128xi32, #tpu.memory_space<hbm>>
        tpu.wait_dma2 semaphore(%arg11 : memref<!tpu.dma_semaphore, #tpu.memory_space<semaphore_mem>>) src(%dma_wait3A_76 : memref<128xi32, #tpu.memory_space<hbm>>) dst(%arg7 : memref<128xi32, #tpu.memory_space<vmem>>)
        %dma_wait3A_77 = arith.constant 0 : i32
        %dma_wait3A_78 = arith.constant 256 : i32
        %dma_wait3A_79 = tpu.memref_slice %arg4[%dma_wait3A_77, %dma_wait3A_78] : memref<163840x512xf32, #tpu.memory_space<hbm>> -> memref<128x128xf32, #tpu.memory_space<hbm>>
        %dma_wait3A_80 = arith.constant 0 : i32
        %dma_wait3A_81 = arith.constant 256 : i32
        %dma_wait3A_82 = tpu.memref_slice %arg4[%dma_wait3A_80, %dma_wait3A_81] : memref<163840x512xf32, #tpu.memory_space<hbm>> -> memref<128x128xf32, #tpu.memory_space<hbm>>
        tpu.wait_dma2 semaphore(%arg11 : memref<!tpu.dma_semaphore, #tpu.memory_space<semaphore_mem>>) src(%dma_wait3A_82 : memref<128x128xf32, #tpu.memory_space<hbm>>) dst(%arg9 : memref<128x128xf32, #tpu.memory_space<vmem>>)
        "tpu.region"() ({
          %run_scoped3A = tpu.sem_alloc : memref<!tpu.dma_semaphore, #tpu.memory_space<semaphore_mem>>
          %dma_start3A_83 = arith.constant 0 : i32
          %dma_start3A_84 = arith.constant 0 : i32
          %dma_start3A_85 = tpu.memref_slice %arg12[%dma_start3A_83, %dma_start3A_84] : memref<10112x128xf32, #tpu.memory_space<vmem_shared>> -> memref<10112x128xf32, #tpu.memory_space<vmem_shared>>
          tpu.enqueue_indirect_dma source(%arg9 : memref<128x128xf32, #tpu.memory_space<vmem>>) target(%dma_start3A_85 : memref<10112x128xf32, #tpu.memory_space<vmem_shared>>) offsets(%arg7 : memref<128xi32, #tpu.memory_space<vmem>>) semaphore(%run_scoped3A : memref<!tpu.dma_semaphore, #tpu.memory_space<semaphore_mem>>) {add = true}
          %dma_wait3A_86 = arith.constant 0 : i32
          %dma_wait3A_87 = arith.constant 0 : i32
          %dma_wait3A_88 = tpu.memref_slice %arg12[%dma_wait3A_86, %dma_wait3A_87] : memref<10112x128xf32, #tpu.memory_space<vmem_shared>> -> memref<10112x128xf32, #tpu.memory_space<vmem_shared>>
          tpu.wait_indirect_dma semaphore(%run_scoped3A : memref<!tpu.dma_semaphore, #tpu.memory_space<semaphore_mem>>) src(%arg9 : memref<128x128xf32, #tpu.memory_space<vmem>>) dst(%dma_wait3A_88 : memref<10112x128xf32, #tpu.memory_space<vmem_shared>>)
          tpu.yield
        }) : () -> ()
      }
      %scan3A_40 = arith.constant 40 : i32
      %barrier3A_41 = arith.constant 0 : index
      tpu.barrier barrier_id(%barrier3A_41)
      "tpu.region"() ({
        %run_scoped3A = tpu.sem_alloc : memref<!tpu.dma_semaphore, #tpu.memory_space<semaphore_mem>>
        %dma_start3A_43 = arith.constant 256 : i32
        %dma_start3A_44 = tpu.memref_slice %arg5[%multiple_of3A, %dma_start3A_43] : memref<10112x512xf32, #tpu.memory_space<hbm>> -> memref<632x128xf32, #tpu.memory_space<hbm>>
        %dma_start3A_45 = arith.constant 0 : i32
        %dma_start3A_46 = tpu.memref_slice %arg12[%multiple_of3A, %dma_start3A_45] : memref<10112x128xf32, #tpu.memory_space<vmem_shared>> -> memref<632x128xf32, #tpu.memory_space<vmem_shared>>
        tpu.enqueue_dma source(%dma_start3A_46 : memref<632x128xf32, #tpu.memory_space<vmem_shared>>) target(%dma_start3A_44 : memref<632x128xf32, #tpu.memory_space<hbm>>) target_semaphore(%run_scoped3A : memref<!tpu.dma_semaphore, #tpu.memory_space<semaphore_mem>>)
        %dma_wait3A = arith.constant 256 : i32
        %dma_wait3A_47 = tpu.memref_slice %arg5[%multiple_of3A, %dma_wait3A] : memref<10112x512xf32, #tpu.memory_space<hbm>> -> memref<632x128xf32, #tpu.memory_space<hbm>>
        %dma_wait3A_48 = arith.constant 0 : i32
        %dma_wait3A_49 = tpu.memref_slice %arg12[%multiple_of3A, %dma_wait3A_48] : memref<10112x128xf32, #tpu.memory_space<vmem_shared>> -> memref<632x128xf32, #tpu.memory_space<vmem_shared>>
        tpu.wait_dma2 semaphore(%run_scoped3A : memref<!tpu.dma_semaphore, #tpu.memory_space<semaphore_mem>>) src(%dma_wait3A_49 : memref<632x128xf32, #tpu.memory_space<vmem_shared>>) dst(%dma_wait3A_47 : memref<632x128xf32, #tpu.memory_space<hbm>>)
        tpu.yield
      }) : () -> ()
      %barrier3A_42 = arith.constant 0 : index
      tpu.barrier barrier_id(%barrier3A_42)
    } else {
    }
    %eq3A_6 = arith.constant 1 : i32
    %eq3A_7 = arith.cmpi eq, %arg0, %eq3A_6 : i32
    %convert_element_type3A_8 = arith.extui %eq3A_7 : i1 to i32
    %cond3A_9 = arith.constant 0 : i32
    %cond3A_10 = arith.cmpi ne, %convert_element_type3A_8, %cond3A_9 : i32
    scf.if %cond3A_10 {
      "tpu.region"() ({
        %run_scoped3A = tpu.sem_alloc : memref<!tpu.dma_semaphore, #tpu.memory_space<semaphore_mem>>
        %dma_start3A_43 = arith.constant 0 : i32
        %dma_start3A_44 = tpu.memref_slice %arg12[%multiple_of3A, %dma_start3A_43] : memref<10112x128xf32, #tpu.memory_space<vmem_shared>> -> memref<632x128xf32, #tpu.memory_space<vmem_shared>>
        %dma_start3A_45 = arith.constant 0 : i32
        %dma_start3A_46 = tpu.memref_slice %arg2[%multiple_of3A, %dma_start3A_45] : memref<10112x128xf32, #tpu.memory_space<hbm>> -> memref<632x128xf32, #tpu.memory_space<hbm>>
        tpu.enqueue_dma source(%dma_start3A_46 : memref<632x128xf32, #tpu.memory_space<hbm>>) target(%dma_start3A_44 : memref<632x128xf32, #tpu.memory_space<vmem_shared>>) target_semaphore(%run_scoped3A : memref<!tpu.dma_semaphore, #tpu.memory_space<semaphore_mem>>)
        %dma_wait3A = arith.constant 0 : i32
        %dma_wait3A_47 = tpu.memref_slice %arg12[%multiple_of3A, %dma_wait3A] : memref<10112x128xf32, #tpu.memory_space<vmem_shared>> -> memref<632x128xf32, #tpu.memory_space<vmem_shared>>
        %dma_wait3A_48 = arith.constant 0 : i32
        %dma_wait3A_49 = tpu.memref_slice %arg2[%multiple_of3A, %dma_wait3A_48] : memref<10112x128xf32, #tpu.memory_space<hbm>> -> memref<632x128xf32, #tpu.memory_space<hbm>>
        tpu.wait_dma2 semaphore(%run_scoped3A : memref<!tpu.dma_semaphore, #tpu.memory_space<semaphore_mem>>) src(%dma_wait3A_49 : memref<632x128xf32, #tpu.memory_space<hbm>>) dst(%dma_wait3A_47 : memref<632x128xf32, #tpu.memory_space<vmem_shared>>)
        tpu.yield
      }) : () -> ()
      %barrier3A = arith.constant 0 : index
      tpu.barrier barrier_id(%barrier3A)
      %add3A = arith.constant 0 : i32
      %add3A_11 = arith.addi %multiple_of3A_3, %add3A : i32
      %multiple_of3A_12 = tpu.assume_multiple %add3A_11, 128 : i32
      %dma_start3A = tpu.memref_slice %arg3[%multiple_of3A_12] : memref<163840xi32, #tpu.memory_space<hbm>> -> memref<128xi32, #tpu.memory_space<hbm>>
      %dma_start3A_13 = tpu.memref_slice %arg3[%multiple_of3A_12] : memref<163840xi32, #tpu.memory_space<hbm>> -> memref<128xi32, #tpu.memory_space<hbm>>
      tpu.enqueue_dma source(%dma_start3A_13 : memref<128xi32, #tpu.memory_space<hbm>>) target(%arg6 : memref<128xi32, #tpu.memory_space<vmem>>) target_semaphore(%arg10 : memref<!tpu.dma_semaphore, #tpu.memory_space<semaphore_mem>>)
      %dma_start3A_14 = arith.constant 128 : i32
      %dma_start3A_15 = tpu.memref_slice %arg4[%multiple_of3A_12, %dma_start3A_14] : memref<163840x512xf32, #tpu.memory_space<hbm>> -> memref<128x128xf32, #tpu.memory_space<hbm>>
      %dma_start3A_16 = arith.constant 128 : i32
      %dma_start3A_17 = tpu.memref_slice %arg4[%multiple_of3A_12, %dma_start3A_16] : memref<163840x512xf32, #tpu.memory_space<hbm>> -> memref<128x128xf32, #tpu.memory_space<hbm>>
      tpu.enqueue_dma source(%dma_start3A_17 : memref<128x128xf32, #tpu.memory_space<hbm>>) target(%arg8 : memref<128x128xf32, #tpu.memory_space<vmem>>) target_semaphore(%arg10 : memref<!tpu.dma_semaphore, #tpu.memory_space<semaphore_mem>>)
      %scan3A = arith.constant 0 : i32
      %scan3A_18 = arith.constant 0 : i32
      %scan3A_19 = arith.constant 40 : i32
      %scan3A_20 = arith.addi %scan3A_18, %scan3A_19 : i32
      %scan3A_21 = arith.constant 1 : i32
      scf.for %scan3A_43 = %scan3A_18 to %scan3A_20 step %scan3A_21  : i32 {
        %mul3A_44 = arith.constant 2 : i32
        %mul3A_45 = arith.muli %mul3A_44, %scan3A_43 : i32
        %add3A_46 = arith.constant 1 : i32
        %add3A_47 = arith.addi %mul3A_45, %add3A_46 : i32
        %add3A_48 = arith.constant 1 : i32
        %add3A_49 = arith.addi %add3A_47, %add3A_48 : i32
        %mul3A_50 = arith.constant 128 : i32
        %mul3A_51 = arith.muli %add3A_47, %mul3A_50 : i32
        %add3A_52 = arith.addi %multiple_of3A_3, %mul3A_51 : i32
        %multiple_of3A_53 = tpu.assume_multiple %add3A_52, 128 : i32
        %dma_start3A_54 = tpu.memref_slice %arg3[%multiple_of3A_53] : memref<163840xi32, #tpu.memory_space<hbm>> -> memref<128xi32, #tpu.memory_space<hbm>>
        %dma_start3A_55 = tpu.memref_slice %arg3[%multiple_of3A_53] : memref<163840xi32, #tpu.memory_space<hbm>> -> memref<128xi32, #tpu.memory_space<hbm>>
        tpu.enqueue_dma source(%dma_start3A_55 : memref<128xi32, #tpu.memory_space<hbm>>) target(%arg7 : memref<128xi32, #tpu.memory_space<vmem>>) target_semaphore(%arg11 : memref<!tpu.dma_semaphore, #tpu.memory_space<semaphore_mem>>)
        %dma_start3A_56 = arith.constant 128 : i32
        %dma_start3A_57 = tpu.memref_slice %arg4[%multiple_of3A_53, %dma_start3A_56] : memref<163840x512xf32, #tpu.memory_space<hbm>> -> memref<128x128xf32, #tpu.memory_space<hbm>>
        %dma_start3A_58 = arith.constant 128 : i32
        %dma_start3A_59 = tpu.memref_slice %arg4[%multiple_of3A_53, %dma_start3A_58] : memref<163840x512xf32, #tpu.memory_space<hbm>> -> memref<128x128xf32, #tpu.memory_space<hbm>>
        tpu.enqueue_dma source(%dma_start3A_59 : memref<128x128xf32, #tpu.memory_space<hbm>>) target(%arg9 : memref<128x128xf32, #tpu.memory_space<vmem>>) target_semaphore(%arg11 : memref<!tpu.dma_semaphore, #tpu.memory_space<semaphore_mem>>)
        %dma_wait3A = arith.constant 0 : i32
        %dma_wait3A_60 = tpu.memref_slice %arg3[%dma_wait3A] : memref<163840xi32, #tpu.memory_space<hbm>> -> memref<128xi32, #tpu.memory_space<hbm>>
        %dma_wait3A_61 = arith.constant 0 : i32
        %dma_wait3A_62 = tpu.memref_slice %arg3[%dma_wait3A_61] : memref<163840xi32, #tpu.memory_space<hbm>> -> memref<128xi32, #tpu.memory_space<hbm>>
        tpu.wait_dma2 semaphore(%arg10 : memref<!tpu.dma_semaphore, #tpu.memory_space<semaphore_mem>>) src(%dma_wait3A_62 : memref<128xi32, #tpu.memory_space<hbm>>) dst(%arg6 : memref<128xi32, #tpu.memory_space<vmem>>)
        %dma_wait3A_63 = arith.constant 0 : i32
        %dma_wait3A_64 = arith.constant 128 : i32
        %dma_wait3A_65 = tpu.memref_slice %arg4[%dma_wait3A_63, %dma_wait3A_64] : memref<163840x512xf32, #tpu.memory_space<hbm>> -> memref<128x128xf32, #tpu.memory_space<hbm>>
        %dma_wait3A_66 = arith.constant 0 : i32
        %dma_wait3A_67 = arith.constant 128 : i32
        %dma_wait3A_68 = tpu.memref_slice %arg4[%dma_wait3A_66, %dma_wait3A_67] : memref<163840x512xf32, #tpu.memory_space<hbm>> -> memref<128x128xf32, #tpu.memory_space<hbm>>
        tpu.wait_dma2 semaphore(%arg10 : memref<!tpu.dma_semaphore, #tpu.memory_space<semaphore_mem>>) src(%dma_wait3A_68 : memref<128x128xf32, #tpu.memory_space<hbm>>) dst(%arg8 : memref<128x128xf32, #tpu.memory_space<vmem>>)
        "tpu.region"() ({
          %run_scoped3A = tpu.sem_alloc : memref<!tpu.dma_semaphore, #tpu.memory_space<semaphore_mem>>
          %dma_start3A_83 = arith.constant 0 : i32
          %dma_start3A_84 = arith.constant 0 : i32
          %dma_start3A_85 = tpu.memref_slice %arg12[%dma_start3A_83, %dma_start3A_84] : memref<10112x128xf32, #tpu.memory_space<vmem_shared>> -> memref<10112x128xf32, #tpu.memory_space<vmem_shared>>
          tpu.enqueue_indirect_dma source(%arg8 : memref<128x128xf32, #tpu.memory_space<vmem>>) target(%dma_start3A_85 : memref<10112x128xf32, #tpu.memory_space<vmem_shared>>) offsets(%arg6 : memref<128xi32, #tpu.memory_space<vmem>>) semaphore(%run_scoped3A : memref<!tpu.dma_semaphore, #tpu.memory_space<semaphore_mem>>) {add = true}
          %dma_wait3A_86 = arith.constant 0 : i32
          %dma_wait3A_87 = arith.constant 0 : i32
          %dma_wait3A_88 = tpu.memref_slice %arg12[%dma_wait3A_86, %dma_wait3A_87] : memref<10112x128xf32, #tpu.memory_space<vmem_shared>> -> memref<10112x128xf32, #tpu.memory_space<vmem_shared>>
          tpu.wait_indirect_dma semaphore(%run_scoped3A : memref<!tpu.dma_semaphore, #tpu.memory_space<semaphore_mem>>) src(%arg8 : memref<128x128xf32, #tpu.memory_space<vmem>>) dst(%dma_wait3A_88 : memref<10112x128xf32, #tpu.memory_space<vmem_shared>>)
          tpu.yield
        }) : () -> ()
        %lt3A = arith.constant 80 : i32
        %lt3A_69 = arith.cmpi slt, %add3A_49, %lt3A : i32
        %convert_element_type3A_70 = arith.extui %lt3A_69 : i1 to i32
        %cond3A_71 = arith.constant 0 : i32
        %cond3A_72 = arith.cmpi ne, %convert_element_type3A_70, %cond3A_71 : i32
        scf.if %cond3A_72 {
          %mul3A_83 = arith.constant 128 : i32
          %mul3A_84 = arith.muli %add3A_49, %mul3A_83 : i32
          %add3A_85 = arith.addi %multiple_of3A_3, %mul3A_84 : i32
          %multiple_of3A_86 = tpu.assume_multiple %add3A_85, 128 : i32
          %dma_start3A_87 = tpu.memref_slice %arg3[%multiple_of3A_86] : memref<163840xi32, #tpu.memory_space<hbm>> -> memref<128xi32, #tpu.memory_space<hbm>>
          %dma_start3A_88 = tpu.memref_slice %arg3[%multiple_of3A_86] : memref<163840xi32, #tpu.memory_space<hbm>> -> memref<128xi32, #tpu.memory_space<hbm>>
          tpu.enqueue_dma source(%dma_start3A_88 : memref<128xi32, #tpu.memory_space<hbm>>) target(%arg6 : memref<128xi32, #tpu.memory_space<vmem>>) target_semaphore(%arg10 : memref<!tpu.dma_semaphore, #tpu.memory_space<semaphore_mem>>)
          %dma_start3A_89 = arith.constant 128 : i32
          %dma_start3A_90 = tpu.memref_slice %arg4[%multiple_of3A_86, %dma_start3A_89] : memref<163840x512xf32, #tpu.memory_space<hbm>> -> memref<128x128xf32, #tpu.memory_space<hbm>>
          %dma_start3A_91 = arith.constant 128 : i32
          %dma_start3A_92 = tpu.memref_slice %arg4[%multiple_of3A_86, %dma_start3A_91] : memref<163840x512xf32, #tpu.memory_space<hbm>> -> memref<128x128xf32, #tpu.memory_space<hbm>>
          tpu.enqueue_dma source(%dma_start3A_92 : memref<128x128xf32, #tpu.memory_space<hbm>>) target(%arg8 : memref<128x128xf32, #tpu.memory_space<vmem>>) target_semaphore(%arg10 : memref<!tpu.dma_semaphore, #tpu.memory_space<semaphore_mem>>)
        } else {
        }
        %dma_wait3A_73 = arith.constant 0 : i32
        %dma_wait3A_74 = tpu.memref_slice %arg3[%dma_wait3A_73] : memref<163840xi32, #tpu.memory_space<hbm>> -> memref<128xi32, #tpu.memory_space<hbm>>
        %dma_wait3A_75 = arith.constant 0 : i32
        %dma_wait3A_76 = tpu.memref_slice %arg3[%dma_wait3A_75] : memref<163840xi32, #tpu.memory_space<hbm>> -> memref<128xi32, #tpu.memory_space<hbm>>
        tpu.wait_dma2 semaphore(%arg11 : memref<!tpu.dma_semaphore, #tpu.memory_space<semaphore_mem>>) src(%dma_wait3A_76 : memref<128xi32, #tpu.memory_space<hbm>>) dst(%arg7 : memref<128xi32, #tpu.memory_space<vmem>>)
        %dma_wait3A_77 = arith.constant 0 : i32
        %dma_wait3A_78 = arith.constant 128 : i32
        %dma_wait3A_79 = tpu.memref_slice %arg4[%dma_wait3A_77, %dma_wait3A_78] : memref<163840x512xf32, #tpu.memory_space<hbm>> -> memref<128x128xf32, #tpu.memory_space<hbm>>
        %dma_wait3A_80 = arith.constant 0 : i32
        %dma_wait3A_81 = arith.constant 128 : i32
        %dma_wait3A_82 = tpu.memref_slice %arg4[%dma_wait3A_80, %dma_wait3A_81] : memref<163840x512xf32, #tpu.memory_space<hbm>> -> memref<128x128xf32, #tpu.memory_space<hbm>>
        tpu.wait_dma2 semaphore(%arg11 : memref<!tpu.dma_semaphore, #tpu.memory_space<semaphore_mem>>) src(%dma_wait3A_82 : memref<128x128xf32, #tpu.memory_space<hbm>>) dst(%arg9 : memref<128x128xf32, #tpu.memory_space<vmem>>)
        "tpu.region"() ({
          %run_scoped3A = tpu.sem_alloc : memref<!tpu.dma_semaphore, #tpu.memory_space<semaphore_mem>>
          %dma_start3A_83 = arith.constant 0 : i32
          %dma_start3A_84 = arith.constant 0 : i32
          %dma_start3A_85 = tpu.memref_slice %arg12[%dma_start3A_83, %dma_start3A_84] : memref<10112x128xf32, #tpu.memory_space<vmem_shared>> -> memref<10112x128xf32, #tpu.memory_space<vmem_shared>>
          tpu.enqueue_indirect_dma source(%arg9 : memref<128x128xf32, #tpu.memory_space<vmem>>) target(%dma_start3A_85 : memref<10112x128xf32, #tpu.memory_space<vmem_shared>>) offsets(%arg7 : memref<128xi32, #tpu.memory_space<vmem>>) semaphore(%run_scoped3A : memref<!tpu.dma_semaphore, #tpu.memory_space<semaphore_mem>>) {add = true}
          %dma_wait3A_86 = arith.constant 0 : i32
          %dma_wait3A_87 = arith.constant 0 : i32
          %dma_wait3A_88 = tpu.memref_slice %arg12[%dma_wait3A_86, %dma_wait3A_87] : memref<10112x128xf32, #tpu.memory_space<vmem_shared>> -> memref<10112x128xf32, #tpu.memory_space<vmem_shared>>
          tpu.wait_indirect_dma semaphore(%run_scoped3A : memref<!tpu.dma_semaphore, #tpu.memory_space<semaphore_mem>>) src(%arg9 : memref<128x128xf32, #tpu.memory_space<vmem>>) dst(%dma_wait3A_88 : memref<10112x128xf32, #tpu.memory_space<vmem_shared>>)
          tpu.yield
        }) : () -> ()
      }
      %scan3A_22 = arith.constant 40 : i32
      %barrier3A_23 = arith.constant 0 : index
      tpu.barrier barrier_id(%barrier3A_23)
      "tpu.region"() ({
        %run_scoped3A = tpu.sem_alloc : memref<!tpu.dma_semaphore, #tpu.memory_space<semaphore_mem>>
        %dma_start3A_43 = arith.constant 128 : i32
        %dma_start3A_44 = tpu.memref_slice %arg5[%multiple_of3A, %dma_start3A_43] : memref<10112x512xf32, #tpu.memory_space<hbm>> -> memref<632x128xf32, #tpu.memory_space<hbm>>
        %dma_start3A_45 = arith.constant 0 : i32
        %dma_start3A_46 = tpu.memref_slice %arg12[%multiple_of3A, %dma_start3A_45] : memref<10112x128xf32, #tpu.memory_space<vmem_shared>> -> memref<632x128xf32, #tpu.memory_space<vmem_shared>>
        tpu.enqueue_dma source(%dma_start3A_46 : memref<632x128xf32, #tpu.memory_space<vmem_shared>>) target(%dma_start3A_44 : memref<632x128xf32, #tpu.memory_space<hbm>>) target_semaphore(%run_scoped3A : memref<!tpu.dma_semaphore, #tpu.memory_space<semaphore_mem>>)
        %dma_wait3A = arith.constant 128 : i32
        %dma_wait3A_47 = tpu.memref_slice %arg5[%multiple_of3A, %dma_wait3A] : memref<10112x512xf32, #tpu.memory_space<hbm>> -> memref<632x128xf32, #tpu.memory_space<hbm>>
        %dma_wait3A_48 = arith.constant 0 : i32
        %dma_wait3A_49 = tpu.memref_slice %arg12[%multiple_of3A, %dma_wait3A_48] : memref<10112x128xf32, #tpu.memory_space<vmem_shared>> -> memref<632x128xf32, #tpu.memory_space<vmem_shared>>
        tpu.wait_dma2 semaphore(%run_scoped3A : memref<!tpu.dma_semaphore, #tpu.memory_space<semaphore_mem>>) src(%dma_wait3A_49 : memref<632x128xf32, #tpu.memory_space<vmem_shared>>) dst(%dma_wait3A_47 : memref<632x128xf32, #tpu.memory_space<hbm>>)
        tpu.yield
      }) : () -> ()
      %barrier3A_24 = arith.constant 0 : index
      tpu.barrier barrier_id(%barrier3A_24)
      "tpu.region"() ({
        %run_scoped3A = tpu.sem_alloc : memref<!tpu.dma_semaphore, #tpu.memory_space<semaphore_mem>>
        %dma_start3A_43 = arith.constant 0 : i32
        %dma_start3A_44 = tpu.memref_slice %arg12[%multiple_of3A, %dma_start3A_43] : memref<10112x128xf32, #tpu.memory_space<vmem_shared>> -> memref<632x128xf32, #tpu.memory_space<vmem_shared>>
        %dma_start3A_45 = arith.constant 0 : i32
        %dma_start3A_46 = tpu.memref_slice %arg2[%multiple_of3A, %dma_start3A_45] : memref<10112x128xf32, #tpu.memory_space<hbm>> -> memref<632x128xf32, #tpu.memory_space<hbm>>
        tpu.enqueue_dma source(%dma_start3A_46 : memref<632x128xf32, #tpu.memory_space<hbm>>) target(%dma_start3A_44 : memref<632x128xf32, #tpu.memory_space<vmem_shared>>) target_semaphore(%run_scoped3A : memref<!tpu.dma_semaphore, #tpu.memory_space<semaphore_mem>>)
        %dma_wait3A = arith.constant 0 : i32
        %dma_wait3A_47 = tpu.memref_slice %arg12[%multiple_of3A, %dma_wait3A] : memref<10112x128xf32, #tpu.memory_space<vmem_shared>> -> memref<632x128xf32, #tpu.memory_space<vmem_shared>>
        %dma_wait3A_48 = arith.constant 0 : i32
        %dma_wait3A_49 = tpu.memref_slice %arg2[%multiple_of3A, %dma_wait3A_48] : memref<10112x128xf32, #tpu.memory_space<hbm>> -> memref<632x128xf32, #tpu.memory_space<hbm>>
        tpu.wait_dma2 semaphore(%run_scoped3A : memref<!tpu.dma_semaphore, #tpu.memory_space<semaphore_mem>>) src(%dma_wait3A_49 : memref<632x128xf32, #tpu.memory_space<hbm>>) dst(%dma_wait3A_47 : memref<632x128xf32, #tpu.memory_space<vmem_shared>>)
        tpu.yield
      }) : () -> ()
      %barrier3A_25 = arith.constant 0 : index
      tpu.barrier barrier_id(%barrier3A_25)
      %add3A_26 = arith.constant 0 : i32
      %add3A_27 = arith.addi %multiple_of3A_3, %add3A_26 : i32
      %multiple_of3A_28 = tpu.assume_multiple %add3A_27, 128 : i32
      %dma_start3A_29 = tpu.memref_slice %arg3[%multiple_of3A_28] : memref<163840xi32, #tpu.memory_space<hbm>> -> memref<128xi32, #tpu.memory_space<hbm>>
      %dma_start3A_30 = tpu.memref_slice %arg3[%multiple_of3A_28] : memref<163840xi32, #tpu.memory_space<hbm>> -> memref<128xi32, #tpu.memory_space<hbm>>
      tpu.enqueue_dma source(%dma_start3A_30 : memref<128xi32, #tpu.memory_space<hbm>>) target(%arg6 : memref<128xi32, #tpu.memory_space<vmem>>) target_semaphore(%arg10 : memref<!tpu.dma_semaphore, #tpu.memory_space<semaphore_mem>>)
      %dma_start3A_31 = arith.constant 384 : i32
      %dma_start3A_32 = tpu.memref_slice %arg4[%multiple_of3A_28, %dma_start3A_31] : memref<163840x512xf32, #tpu.memory_space<hbm>> -> memref<128x128xf32, #tpu.memory_space<hbm>>
      %dma_start3A_33 = arith.constant 384 : i32
      %dma_start3A_34 = tpu.memref_slice %arg4[%multiple_of3A_28, %dma_start3A_33] : memref<163840x512xf32, #tpu.memory_space<hbm>> -> memref<128x128xf32, #tpu.memory_space<hbm>>
      tpu.enqueue_dma source(%dma_start3A_34 : memref<128x128xf32, #tpu.memory_space<hbm>>) target(%arg8 : memref<128x128xf32, #tpu.memory_space<vmem>>) target_semaphore(%arg10 : memref<!tpu.dma_semaphore, #tpu.memory_space<semaphore_mem>>)
      %scan3A_35 = arith.constant 0 : i32
      %scan3A_36 = arith.constant 0 : i32
      %scan3A_37 = arith.constant 40 : i32
      %scan3A_38 = arith.addi %scan3A_36, %scan3A_37 : i32
      %scan3A_39 = arith.constant 1 : i32
      scf.for %scan3A_43 = %scan3A_36 to %scan3A_38 step %scan3A_39  : i32 {
        %mul3A_44 = arith.constant 2 : i32
        %mul3A_45 = arith.muli %mul3A_44, %scan3A_43 : i32
        %add3A_46 = arith.constant 1 : i32
        %add3A_47 = arith.addi %mul3A_45, %add3A_46 : i32
        %add3A_48 = arith.constant 1 : i32
        %add3A_49 = arith.addi %add3A_47, %add3A_48 : i32
        %mul3A_50 = arith.constant 128 : i32
        %mul3A_51 = arith.muli %add3A_47, %mul3A_50 : i32
        %add3A_52 = arith.addi %multiple_of3A_3, %mul3A_51 : i32
        %multiple_of3A_53 = tpu.assume_multiple %add3A_52, 128 : i32
        %dma_start3A_54 = tpu.memref_slice %arg3[%multiple_of3A_53] : memref<163840xi32, #tpu.memory_space<hbm>> -> memref<128xi32, #tpu.memory_space<hbm>>
        %dma_start3A_55 = tpu.memref_slice %arg3[%multiple_of3A_53] : memref<163840xi32, #tpu.memory_space<hbm>> -> memref<128xi32, #tpu.memory_space<hbm>>
        tpu.enqueue_dma source(%dma_start3A_55 : memref<128xi32, #tpu.memory_space<hbm>>) target(%arg7 : memref<128xi32, #tpu.memory_space<vmem>>) target_semaphore(%arg11 : memref<!tpu.dma_semaphore, #tpu.memory_space<semaphore_mem>>)
        %dma_start3A_56 = arith.constant 384 : i32
        %dma_start3A_57 = tpu.memref_slice %arg4[%multiple_of3A_53, %dma_start3A_56] : memref<163840x512xf32, #tpu.memory_space<hbm>> -> memref<128x128xf32, #tpu.memory_space<hbm>>
        %dma_start3A_58 = arith.constant 384 : i32
        %dma_start3A_59 = tpu.memref_slice %arg4[%multiple_of3A_53, %dma_start3A_58] : memref<163840x512xf32, #tpu.memory_space<hbm>> -> memref<128x128xf32, #tpu.memory_space<hbm>>
        tpu.enqueue_dma source(%dma_start3A_59 : memref<128x128xf32, #tpu.memory_space<hbm>>) target(%arg9 : memref<128x128xf32, #tpu.memory_space<vmem>>) target_semaphore(%arg11 : memref<!tpu.dma_semaphore, #tpu.memory_space<semaphore_mem>>)
        %dma_wait3A = arith.constant 0 : i32
        %dma_wait3A_60 = tpu.memref_slice %arg3[%dma_wait3A] : memref<163840xi32, #tpu.memory_space<hbm>> -> memref<128xi32, #tpu.memory_space<hbm>>
        %dma_wait3A_61 = arith.constant 0 : i32
        %dma_wait3A_62 = tpu.memref_slice %arg3[%dma_wait3A_61] : memref<163840xi32, #tpu.memory_space<hbm>> -> memref<128xi32, #tpu.memory_space<hbm>>
        tpu.wait_dma2 semaphore(%arg10 : memref<!tpu.dma_semaphore, #tpu.memory_space<semaphore_mem>>) src(%dma_wait3A_62 : memref<128xi32, #tpu.memory_space<hbm>>) dst(%arg6 : memref<128xi32, #tpu.memory_space<vmem>>)
        %dma_wait3A_63 = arith.constant 0 : i32
        %dma_wait3A_64 = arith.constant 384 : i32
        %dma_wait3A_65 = tpu.memref_slice %arg4[%dma_wait3A_63, %dma_wait3A_64] : memref<163840x512xf32, #tpu.memory_space<hbm>> -> memref<128x128xf32, #tpu.memory_space<hbm>>
        %dma_wait3A_66 = arith.constant 0 : i32
        %dma_wait3A_67 = arith.constant 384 : i32
        %dma_wait3A_68 = tpu.memref_slice %arg4[%dma_wait3A_66, %dma_wait3A_67] : memref<163840x512xf32, #tpu.memory_space<hbm>> -> memref<128x128xf32, #tpu.memory_space<hbm>>
        tpu.wait_dma2 semaphore(%arg10 : memref<!tpu.dma_semaphore, #tpu.memory_space<semaphore_mem>>) src(%dma_wait3A_68 : memref<128x128xf32, #tpu.memory_space<hbm>>) dst(%arg8 : memref<128x128xf32, #tpu.memory_space<vmem>>)
        "tpu.region"() ({
          %run_scoped3A = tpu.sem_alloc : memref<!tpu.dma_semaphore, #tpu.memory_space<semaphore_mem>>
          %dma_start3A_83 = arith.constant 0 : i32
          %dma_start3A_84 = arith.constant 0 : i32
          %dma_start3A_85 = tpu.memref_slice %arg12[%dma_start3A_83, %dma_start3A_84] : memref<10112x128xf32, #tpu.memory_space<vmem_shared>> -> memref<10112x128xf32, #tpu.memory_space<vmem_shared>>
          tpu.enqueue_indirect_dma source(%arg8 : memref<128x128xf32, #tpu.memory_space<vmem>>) target(%dma_start3A_85 : memref<10112x128xf32, #tpu.memory_space<vmem_shared>>) offsets(%arg6 : memref<128xi32, #tpu.memory_space<vmem>>) semaphore(%run_scoped3A : memref<!tpu.dma_semaphore, #tpu.memory_space<semaphore_mem>>) {add = true}
          %dma_wait3A_86 = arith.constant 0 : i32
          %dma_wait3A_87 = arith.constant 0 : i32
          %dma_wait3A_88 = tpu.memref_slice %arg12[%dma_wait3A_86, %dma_wait3A_87] : memref<10112x128xf32, #tpu.memory_space<vmem_shared>> -> memref<10112x128xf32, #tpu.memory_space<vmem_shared>>
          tpu.wait_indirect_dma semaphore(%run_scoped3A : memref<!tpu.dma_semaphore, #tpu.memory_space<semaphore_mem>>) src(%arg8 : memref<128x128xf32, #tpu.memory_space<vmem>>) dst(%dma_wait3A_88 : memref<10112x128xf32, #tpu.memory_space<vmem_shared>>)
          tpu.yield
        }) : () -> ()
        %lt3A = arith.constant 80 : i32
        %lt3A_69 = arith.cmpi slt, %add3A_49, %lt3A : i32
        %convert_element_type3A_70 = arith.extui %lt3A_69 : i1 to i32
        %cond3A_71 = arith.constant 0 : i32
        %cond3A_72 = arith.cmpi ne, %convert_element_type3A_70, %cond3A_71 : i32
        scf.if %cond3A_72 {
          %mul3A_83 = arith.constant 128 : i32
          %mul3A_84 = arith.muli %add3A_49, %mul3A_83 : i32
          %add3A_85 = arith.addi %multiple_of3A_3, %mul3A_84 : i32
          %multiple_of3A_86 = tpu.assume_multiple %add3A_85, 128 : i32
          %dma_start3A_87 = tpu.memref_slice %arg3[%multiple_of3A_86] : memref<163840xi32, #tpu.memory_space<hbm>> -> memref<128xi32, #tpu.memory_space<hbm>>
          %dma_start3A_88 = tpu.memref_slice %arg3[%multiple_of3A_86] : memref<163840xi32, #tpu.memory_space<hbm>> -> memref<128xi32, #tpu.memory_space<hbm>>
          tpu.enqueue_dma source(%dma_start3A_88 : memref<128xi32, #tpu.memory_space<hbm>>) target(%arg6 : memref<128xi32, #tpu.memory_space<vmem>>) target_semaphore(%arg10 : memref<!tpu.dma_semaphore, #tpu.memory_space<semaphore_mem>>)
          %dma_start3A_89 = arith.constant 384 : i32
          %dma_start3A_90 = tpu.memref_slice %arg4[%multiple_of3A_86, %dma_start3A_89] : memref<163840x512xf32, #tpu.memory_space<hbm>> -> memref<128x128xf32, #tpu.memory_space<hbm>>
          %dma_start3A_91 = arith.constant 384 : i32
          %dma_start3A_92 = tpu.memref_slice %arg4[%multiple_of3A_86, %dma_start3A_91] : memref<163840x512xf32, #tpu.memory_space<hbm>> -> memref<128x128xf32, #tpu.memory_space<hbm>>
          tpu.enqueue_dma source(%dma_start3A_92 : memref<128x128xf32, #tpu.memory_space<hbm>>) target(%arg8 : memref<128x128xf32, #tpu.memory_space<vmem>>) target_semaphore(%arg10 : memref<!tpu.dma_semaphore, #tpu.memory_space<semaphore_mem>>)
        } else {
        }
        %dma_wait3A_73 = arith.constant 0 : i32
        %dma_wait3A_74 = tpu.memref_slice %arg3[%dma_wait3A_73] : memref<163840xi32, #tpu.memory_space<hbm>> -> memref<128xi32, #tpu.memory_space<hbm>>
        %dma_wait3A_75 = arith.constant 0 : i32
        %dma_wait3A_76 = tpu.memref_slice %arg3[%dma_wait3A_75] : memref<163840xi32, #tpu.memory_space<hbm>> -> memref<128xi32, #tpu.memory_space<hbm>>
        tpu.wait_dma2 semaphore(%arg11 : memref<!tpu.dma_semaphore, #tpu.memory_space<semaphore_mem>>) src(%dma_wait3A_76 : memref<128xi32, #tpu.memory_space<hbm>>) dst(%arg7 : memref<128xi32, #tpu.memory_space<vmem>>)
        %dma_wait3A_77 = arith.constant 0 : i32
        %dma_wait3A_78 = arith.constant 384 : i32
        %dma_wait3A_79 = tpu.memref_slice %arg4[%dma_wait3A_77, %dma_wait3A_78] : memref<163840x512xf32, #tpu.memory_space<hbm>> -> memref<128x128xf32, #tpu.memory_space<hbm>>
        %dma_wait3A_80 = arith.constant 0 : i32
        %dma_wait3A_81 = arith.constant 384 : i32
        %dma_wait3A_82 = tpu.memref_slice %arg4[%dma_wait3A_80, %dma_wait3A_81] : memref<163840x512xf32, #tpu.memory_space<hbm>> -> memref<128x128xf32, #tpu.memory_space<hbm>>
        tpu.wait_dma2 semaphore(%arg11 : memref<!tpu.dma_semaphore, #tpu.memory_space<semaphore_mem>>) src(%dma_wait3A_82 : memref<128x128xf32, #tpu.memory_space<hbm>>) dst(%arg9 : memref<128x128xf32, #tpu.memory_space<vmem>>)
        "tpu.region"() ({
          %run_scoped3A = tpu.sem_alloc : memref<!tpu.dma_semaphore, #tpu.memory_space<semaphore_mem>>
          %dma_start3A_83 = arith.constant 0 : i32
          %dma_start3A_84 = arith.constant 0 : i32
          %dma_start3A_85 = tpu.memref_slice %arg12[%dma_start3A_83, %dma_start3A_84] : memref<10112x128xf32, #tpu.memory_space<vmem_shared>> -> memref<10112x128xf32, #tpu.memory_space<vmem_shared>>
          tpu.enqueue_indirect_dma source(%arg9 : memref<128x128xf32, #tpu.memory_space<vmem>>) target(%dma_start3A_85 : memref<10112x128xf32, #tpu.memory_space<vmem_shared>>) offsets(%arg7 : memref<128xi32, #tpu.memory_space<vmem>>) semaphore(%run_scoped3A : memref<!tpu.dma_semaphore, #tpu.memory_space<semaphore_mem>>) {add = true}
          %dma_wait3A_86 = arith.constant 0 : i32
          %dma_wait3A_87 = arith.constant 0 : i32
          %dma_wait3A_88 = tpu.memref_slice %arg12[%dma_wait3A_86, %dma_wait3A_87] : memref<10112x128xf32, #tpu.memory_space<vmem_shared>> -> memref<10112x128xf32, #tpu.memory_space<vmem_shared>>
          tpu.wait_indirect_dma semaphore(%run_scoped3A : memref<!tpu.dma_semaphore, #tpu.memory_space<semaphore_mem>>) src(%arg9 : memref<128x128xf32, #tpu.memory_space<vmem>>) dst(%dma_wait3A_88 : memref<10112x128xf32, #tpu.memory_space<vmem_shared>>)
          tpu.yield
        }) : () -> ()
      }
      %scan3A_40 = arith.constant 40 : i32
      %barrier3A_41 = arith.constant 0 : index
      tpu.barrier barrier_id(%barrier3A_41)
      "tpu.region"() ({
        %run_scoped3A = tpu.sem_alloc : memref<!tpu.dma_semaphore, #tpu.memory_space<semaphore_mem>>
        %dma_start3A_43 = arith.constant 384 : i32
        %dma_start3A_44 = tpu.memref_slice %arg5[%multiple_of3A, %dma_start3A_43] : memref<10112x512xf32, #tpu.memory_space<hbm>> -> memref<632x128xf32, #tpu.memory_space<hbm>>
        %dma_start3A_45 = arith.constant 0 : i32
        %dma_start3A_46 = tpu.memref_slice %arg12[%multiple_of3A, %dma_start3A_45] : memref<10112x128xf32, #tpu.memory_space<vmem_shared>> -> memref<632x128xf32, #tpu.memory_space<vmem_shared>>
        tpu.enqueue_dma source(%dma_start3A_46 : memref<632x128xf32, #tpu.memory_space<vmem_shared>>) target(%dma_start3A_44 : memref<632x128xf32, #tpu.memory_space<hbm>>) target_semaphore(%run_scoped3A : memref<!tpu.dma_semaphore, #tpu.memory_space<semaphore_mem>>)
        %dma_wait3A = arith.constant 384 : i32
        %dma_wait3A_47 = tpu.memref_slice %arg5[%multiple_of3A, %dma_wait3A] : memref<10112x512xf32, #tpu.memory_space<hbm>> -> memref<632x128xf32, #tpu.memory_space<hbm>>
        %dma_wait3A_48 = arith.constant 0 : i32
        %dma_wait3A_49 = tpu.memref_slice %arg12[%multiple_of3A, %dma_wait3A_48] : memref<10112x128xf32, #tpu.memory_space<vmem_shared>> -> memref<632x128xf32, #tpu.memory_space<vmem_shared>>
        tpu.wait_dma2 semaphore(%run_scoped3A : memref<!tpu.dma_semaphore, #tpu.memory_space<semaphore_mem>>) src(%dma_wait3A_49 : memref<632x128xf32, #tpu.memory_space<vmem_shared>>) dst(%dma_wait3A_47 : memref<632x128xf32, #tpu.memory_space<hbm>>)
        tpu.yield
      }) : () -> ()
      %barrier3A_42 = arith.constant 0 : index
      tpu.barrier barrier_id(%barrier3A_42)
    } else {
    }
    return
  }
}

module attributes {stable_mosaic.version = 14 : i64} {
  func.func @body(%arg0: i32, %arg1: memref<1000x128xf32, #tpu.memory_space<vmem>>, %arg2: memref<128x128xf32, #tpu.memory_space<vmem>>, %arg3: memref<128x128xf32, #tpu.memory_space<vmem>>, %arg4: memref<1000x128xf32, #tpu.memory_space<vmem>>, %arg5: memref<1000x128xf32, #tpu.memory_space<vmem>>) attributes {dimension_semantics = [#tpu.dimension_semantics<arbitrary>], iteration_bounds = array<i64: 10>, scalar_prefetch = 0 : i64, scratch_operands = 0 : i64, tpu.core_type = #tpu.core_type<tc>, window_params = [{transform_indices = @transform_0, window_bounds = array<i64: 1000, 128>}, {pipeline_mode = #tpu.pipeline_mode<synchronous>, transform_indices = @transform_1, window_bounds = array<i64: 128, 128>}, {pipeline_mode = #tpu.pipeline_mode<synchronous>, transform_indices = @transform_2, window_bounds = array<i64: 128, 128>}, {transform_indices = @transform_3, window_bounds = array<i64: 1000, 128>}, {transform_indices = @transform_4, window_bounds = array<i64: 1000, 128>}]} {
    %get3A = arith.constant 0 : index
    %get3A_0 = arith.constant 0 : index
    %get3A_1 = vector.load %arg1[%get3A, %get3A_0] : memref<1000x128xf32, #tpu.memory_space<vmem>>, vector<1000x128xf32>
    %get3A_2 = arith.constant 0 : index
    %get3A_3 = arith.constant 0 : index
    %get3A_4 = vector.load %arg2[%get3A_2, %get3A_3] : memref<128x128xf32, #tpu.memory_space<vmem>>, vector<128x128xf32>
    %dot_general3A = arith.constant dense<0.000000e+00> : vector<1000x128xf32>
    %dot_general3A_5 = tpu.matmul %get3A_1, %get3A_4, %dot_general3A {dimension_numbers = #tpu.dot_dimension_numbers<[1], [0], [0], [1], [0, 0, 1, 1], [], []>, transpose_lhs_hint = false} : vector<1000x128xf32>, vector<128x128xf32>, vector<1000x128xf32> -> vector<1000x128xf32>
    %swap3A = arith.constant 0 : index
    %swap3A_6 = arith.constant 0 : index
    %swap3A_7 = vector.load %arg4[%swap3A, %swap3A_6] : memref<1000x128xf32, #tpu.memory_space<vmem>>, vector<1000x128xf32>
    tpu.vector_store %arg4[%swap3A, %swap3A_6], %dot_general3A_5 {strides = array<i32>} : memref<1000x128xf32, #tpu.memory_space<vmem>>, vector<1000x128xf32>,
    %get3A_8 = arith.constant 0 : index
    %get3A_9 = arith.constant 0 : index
    %get3A_10 = vector.load %arg3[%get3A_8, %get3A_9] : memref<128x128xf32, #tpu.memory_space<vmem>>, vector<128x128xf32>
    %dot_general3A_11 = arith.constant dense<0.000000e+00> : vector<1000x128xf32>
    %dot_general3A_12 = tpu.matmul %get3A_1, %get3A_10, %dot_general3A_11 {dimension_numbers = #tpu.dot_dimension_numbers<[1], [0], [0], [1], [0, 0, 1, 1], [], []>, transpose_lhs_hint = false} : vector<1000x128xf32>, vector<128x128xf32>, vector<1000x128xf32> -> vector<1000x128xf32>
    %swap3A_13 = arith.constant 0 : index
    %swap3A_14 = arith.constant 0 : index
    %swap3A_15 = vector.load %arg5[%swap3A_13, %swap3A_14] : memref<1000x128xf32, #tpu.memory_space<vmem>>, vector<1000x128xf32>
    tpu.vector_store %arg5[%swap3A_13, %swap3A_14], %dot_general3A_12 {strides = array<i32>} : memref<1000x128xf32, #tpu.memory_space<vmem>>, vector<1000x128xf32>,
    return
  }
  func.func @transform_0(%arg0: i32) -> (i32, i32) {
    %c0_i32 = arith.constant 0 : i32
    %c0_i32_0 = arith.constant 0 : i32
    return %arg0, %c0_i32 : i32, i32
  }
  func.func @transform_1(%arg0: i32) -> (i32, i32) {
    %c0_i32 = arith.constant 0 : i32
    %c0_i32_0 = arith.constant 0 : i32
    %c0_i32_1 = arith.constant 0 : i32
    return %c0_i32, %c0_i32_0 : i32, i32
  }
  func.func @transform_2(%arg0: i32) -> (i32, i32) {
    %c0_i32 = arith.constant 0 : i32
    %c0_i32_0 = arith.constant 0 : i32
    %c0_i32_1 = arith.constant 0 : i32
    return %c0_i32, %c0_i32_0 : i32, i32
  }
  func.func @transform_3(%arg0: i32) -> (i32, i32) {
    %c0_i32 = arith.constant 0 : i32
    %c0_i32_0 = arith.constant 0 : i32
    return %arg0, %c0_i32 : i32, i32
  }
  func.func @transform_4(%arg0: i32) -> (i32, i32) {
    %c0_i32 = arith.constant 0 : i32
    %c0_i32_0 = arith.constant 0 : i32
    return %arg0, %c0_i32 : i32, i32
  }
}

module attributes {stable_mosaic.version = 14 : i64} {
  func.func @body(%arg0: i32, %arg1: memref<1024x128xf32, #tpu.memory_space<vmem>>, %arg2: memref<1024x1xf32, #tpu.memory_space<vmem>>, %arg3: memref<20x64xf32, #tpu.memory_space<vmem>>, %arg4: memref<1x64xf32, #tpu.memory_space<vmem>>, %arg5: memref<1x64xf32, #tpu.memory_space<vmem>>, %arg6: memref<64x64xf32, #tpu.memory_space<vmem>>, %arg7: memref<1x64xf32, #tpu.memory_space<vmem>>, %arg8: memref<64x8xf32, #tpu.memory_space<vmem>>, %arg9: memref<1x8xf32, #tpu.memory_space<vmem>>, %arg10: memref<1x20xf32, #tpu.memory_space<vmem>>, %arg11: memref<1x20xf32, #tpu.memory_space<vmem>>, %arg12: memref<1024x64xf32, #tpu.memory_space<vmem>>, %arg13: memref<1024x128xf32, #tpu.memory_space<vmem>>) attributes {dimension_semantics = [#tpu.dimension_semantics<arbitrary>], iteration_bounds = array<i64: 160>, scalar_prefetch = 0 : i64, scratch_operands = 0 : i64, tpu.core_type = #tpu.core_type<tc>, window_params = [{transform_indices = @transform_0, window_bounds = array<i64: 1024, 128>}, {transform_indices = @transform_1, window_bounds = array<i64: 1024, 1>}, {pipeline_mode = #tpu.pipeline_mode<synchronous>, transform_indices = @transform_2, window_bounds = array<i64: 20, 64>}, {pipeline_mode = #tpu.pipeline_mode<synchronous>, transform_indices = @transform_3, window_bounds = array<i64: 1, 64>}, {pipeline_mode = #tpu.pipeline_mode<synchronous>, transform_indices = @transform_4, window_bounds = array<i64: 1, 64>}, {pipeline_mode = #tpu.pipeline_mode<synchronous>, transform_indices = @transform_5, window_bounds = array<i64: 64, 64>}, {pipeline_mode = #tpu.pipeline_mode<synchronous>, transform_indices = @transform_6, window_bounds = array<i64: 1, 64>}, {pipeline_mode = #tpu.pipeline_mode<synchronous>, transform_indices = @transform_7, window_bounds = array<i64: 64, 8>}, {pipeline_mode = #tpu.pipeline_mode<synchronous>, transform_indices = @transform_8, window_bounds = array<i64: 1, 8>}, {pipeline_mode = #tpu.pipeline_mode<synchronous>, transform_indices = @transform_9, window_bounds = array<i64: 1, 20>}, {pipeline_mode = #tpu.pipeline_mode<synchronous>, transform_indices = @transform_10, window_bounds = array<i64: 1, 20>}, {transform_indices = @transform_11, window_bounds = array<i64: 1024, 64>}, {transform_indices = @transform_12, window_bounds = array<i64: 1024, 128>}]} {
    %get3A = arith.constant 0 : index
    %get3A_0 = arith.constant 0 : index
    %get3A_1 = vector.load %arg1[%get3A, %get3A_0] : memref<1024x128xf32, #tpu.memory_space<vmem>>, vector<1024x128xf32>
    %get3A_2 = arith.constant 0 : index
    %get3A_3 = arith.constant 0 : index
    %get3A_4 = vector.load %arg2[%get3A_2, %get3A_3] : memref<1024x1xf32, #tpu.memory_space<vmem>>, vector<1024x1xf32>
    %slice3A = vector.extract_strided_slice %get3A_1 {offsets = [0, 64], sizes = [1024, 20], strides = [1, 1]} : vector<1024x128xf32> to vector<1024x20xf32>
    %get3A_5 = arith.constant 0 : index
    %get3A_6 = arith.constant 0 : index
    %get3A_7 = vector.load %arg10[%get3A_5, %get3A_6] : memref<1x20xf32, #tpu.memory_space<vmem>>, vector<1x20xf32>
    %add3A = vector.broadcast %get3A_7 : vector<1x20xf32> to vector<1024x20xf32>
    %add3A_8 = arith.addf %slice3A, %add3A : vector<1024x20xf32>
    %mul3A = arith.constant -1.000000e+01 : f32
    %mul3A_9 = vector.broadcast %mul3A : f32 to vector<1024x1xf32>
    %mul3A_10 = arith.mulf %get3A_4, %mul3A_9 : vector<1024x1xf32>
    %exp3A = math.exp %mul3A_10 : vector<1024x1xf32>
    %get3A_11 = arith.constant 0 : index
    %get3A_12 = arith.constant 0 : index
    %get3A_13 = vector.load %arg11[%get3A_11, %get3A_12] : memref<1x20xf32, #tpu.memory_space<vmem>>, vector<1x20xf32>
    %sub3A = vector.broadcast %exp3A : vector<1024x1xf32> to vector<1024x20xf32>
    %sub3A_14 = vector.broadcast %get3A_13 : vector<1x20xf32> to vector<1024x20xf32>
    %sub3A_15 = arith.subf %sub3A, %sub3A_14 : vector<1024x20xf32>
    %integer_pow3A = arith.mulf %sub3A_15, %sub3A_15 : vector<1024x20xf32>
    %mul3A_16 = arith.constant -101.361336 : f32
    %mul3A_17 = vector.broadcast %mul3A_16 : f32 to vector<1024x20xf32>
    %mul3A_18 = arith.mulf %mul3A_17, %integer_pow3A : vector<1024x20xf32>
    %exp3A_19 = math.exp %mul3A_18 : vector<1024x20xf32>
    %mul3A_20 = arith.mulf %exp3A_19, %add3A_8 : vector<1024x20xf32>
    %slice3A_21 = vector.extract_strided_slice %get3A_1 {offsets = [0, 0], sizes = [1024, 64], strides = [1, 1]} : vector<1024x128xf32> to vector<1024x64xf32>
    %get3A_22 = arith.constant 0 : index
    %get3A_23 = arith.constant 0 : index
    %get3A_24 = vector.load %arg3[%get3A_22, %get3A_23] : memref<20x64xf32, #tpu.memory_space<vmem>>, vector<20x64xf32>
    %dot_general3A = arith.constant dense<0.000000e+00> : vector<1024x64xf32>
    %dot_general3A_25 = tpu.matmul %mul3A_20, %get3A_24, %dot_general3A {dimension_numbers = #tpu.dot_dimension_numbers<[1], [0], [0], [1], [0, 0, 1, 1], [], []>, transpose_lhs_hint = false} : vector<1024x20xf32>, vector<20x64xf32>, vector<1024x64xf32> -> vector<1024x64xf32>
    %add3A_26 = arith.addf %slice3A_21, %dot_general3A_25 : vector<1024x64xf32>
    %get3A_27 = arith.constant 0 : index
    %get3A_28 = arith.constant 0 : index
    %get3A_29 = vector.load %arg4[%get3A_27, %get3A_28] : memref<1x64xf32, #tpu.memory_space<vmem>>, vector<1x64xf32>
    %mul3A_30 = vector.broadcast %get3A_4 : vector<1024x1xf32> to vector<1024x64xf32>
    %mul3A_31 = vector.broadcast %get3A_29 : vector<1x64xf32> to vector<1024x64xf32>
    %mul3A_32 = arith.mulf %mul3A_30, %mul3A_31 : vector<1024x64xf32>
    %add3A_33 = arith.addf %add3A_26, %mul3A_32 : vector<1024x64xf32>
    %get3A_34 = arith.constant 0 : index
    %get3A_35 = arith.constant 0 : index
    %get3A_36 = vector.load %arg5[%get3A_34, %get3A_35] : memref<1x64xf32, #tpu.memory_space<vmem>>, vector<1x64xf32>
    %add3A_37 = vector.broadcast %get3A_36 : vector<1x64xf32> to vector<1024x64xf32>
    %add3A_38 = arith.addf %add3A_33, %add3A_37 : vector<1024x64xf32>
    %logistic3A = arith.negf %add3A_38 : vector<1024x64xf32>
    %logistic3A_39 = math.exp %logistic3A : vector<1024x64xf32>
    %logistic3A_40 = arith.constant 1.000000e+00 : f32
    %logistic3A_41 = vector.broadcast %logistic3A_40 : f32 to vector<1024x64xf32>
    %logistic3A_42 = arith.addf %logistic3A_41, %logistic3A_39 : vector<1024x64xf32>
    %logistic3A_43 = arith.divf %logistic3A_41, %logistic3A_42 : vector<1024x64xf32>
    %mul3A_44 = arith.mulf %add3A_38, %logistic3A_43 : vector<1024x64xf32>
    %get3A_45 = arith.constant 0 : index
    %get3A_46 = arith.constant 0 : index
    %get3A_47 = vector.load %arg6[%get3A_45, %get3A_46] : memref<64x64xf32, #tpu.memory_space<vmem>>, vector<64x64xf32>
    %dot_general3A_48 = arith.constant dense<0.000000e+00> : vector<1024x64xf32>
    %dot_general3A_49 = tpu.matmul %mul3A_44, %get3A_47, %dot_general3A_48 {dimension_numbers = #tpu.dot_dimension_numbers<[1], [0], [0], [1], [0, 0, 1, 1], [], []>, transpose_lhs_hint = false} : vector<1024x64xf32>, vector<64x64xf32>, vector<1024x64xf32> -> vector<1024x64xf32>
    %get3A_50 = arith.constant 0 : index
    %get3A_51 = arith.constant 0 : index
    %get3A_52 = vector.load %arg7[%get3A_50, %get3A_51] : memref<1x64xf32, #tpu.memory_space<vmem>>, vector<1x64xf32>
    %add3A_53 = vector.broadcast %get3A_52 : vector<1x64xf32> to vector<1024x64xf32>
    %add3A_54 = arith.addf %dot_general3A_49, %add3A_53 : vector<1024x64xf32>
    %get3A_55 = arith.constant 0 : index
    %get3A_56 = arith.constant 0 : index
    %get3A_57 = vector.load %arg8[%get3A_55, %get3A_56] : memref<64x8xf32, #tpu.memory_space<vmem>>, vector<64x8xf32>
    %dot_general3A_58 = arith.constant dense<0.000000e+00> : vector<1024x8xf32>
    %dot_general3A_59 = tpu.matmul %add3A_54, %get3A_57, %dot_general3A_58 {dimension_numbers = #tpu.dot_dimension_numbers<[1], [0], [0], [1], [0, 0, 1, 1], [], []>, transpose_lhs_hint = false} : vector<1024x64xf32>, vector<64x8xf32>, vector<1024x8xf32> -> vector<1024x8xf32>
    %get3A_60 = arith.constant 0 : index
    %get3A_61 = arith.constant 0 : index
    %get3A_62 = vector.load %arg9[%get3A_60, %get3A_61] : memref<1x8xf32, #tpu.memory_space<vmem>>, vector<1x8xf32>
    %add3A_63 = vector.broadcast %get3A_62 : vector<1x8xf32> to vector<1024x8xf32>
    %add3A_64 = arith.addf %dot_general3A_59, %add3A_63 : vector<1024x8xf32>
    %gt3A = arith.constant 0.000000e+00 : f32
    %gt3A_65 = vector.broadcast %gt3A : f32 to vector<1024x8xf32>
    %gt3A_66 = arith.cmpf ogt, %add3A_64, %gt3A_65 : vector<1024x8xf32>
    %mul3A_67 = arith.constant 5.000000e-01 : f32
    %mul3A_68 = vector.broadcast %mul3A_67 : f32 to vector<1024x8xf32>
    %mul3A_69 = arith.mulf %add3A_64, %mul3A_68 : vector<1024x8xf32>
    %exp3A_70 = math.exp %mul3A_69 : vector<1024x8xf32>
    %sub3A_71 = arith.constant 1.000000e+00 : f32
    %sub3A_72 = vector.broadcast %sub3A_71 : f32 to vector<1024x8xf32>
    %sub3A_73 = arith.subf %exp3A_70, %sub3A_72 : vector<1024x8xf32>
    %mul3A_74 = arith.constant 2.000000e+00 : f32
    %mul3A_75 = vector.broadcast %mul3A_74 : f32 to vector<1024x8xf32>
    %mul3A_76 = arith.mulf %mul3A_75, %sub3A_73 : vector<1024x8xf32>
    %select_n3A = arith.select %gt3A_66, %add3A_64, %mul3A_76 : vector<1024x8xi1>, vector<1024x8xf32>
    %exp3A_77 = math.exp %select_n3A : vector<1024x8xf32>
    %swap3A = arith.constant 0 : index
    %swap3A_78 = arith.constant 0 : index
    %swap3A_79 = vector.load %arg12[%swap3A, %swap3A_78] : memref<1024x64xf32, #tpu.memory_space<vmem>>, vector<1024x64xf32>
    tpu.vector_store %arg12[%swap3A, %swap3A_78], %add3A_54 {strides = array<i32>} : memref<1024x64xf32, #tpu.memory_space<vmem>>, vector<1024x64xf32>,
    %swap3A_80 = arith.constant 0 : index
    %swap3A_81 = arith.constant 0 : index
    %swap3A_82 = vector.load %arg13[%swap3A_80, %swap3A_81] : memref<1024x128xf32, #tpu.memory_space<vmem>>, vector<1024x8xf32>
    tpu.vector_store %arg13[%swap3A_80, %swap3A_81], %exp3A_77 {strides = array<i32>} : memref<1024x128xf32, #tpu.memory_space<vmem>>, vector<1024x8xf32>,
    %broadcast_in_dim3A = arith.constant 0.000000e+00 : f32
    %broadcast_in_dim3A_83 = vector.broadcast %broadcast_in_dim3A : f32 to vector<1024x120xf32>
    %swap3A_84 = arith.constant 0 : index
    %swap3A_85 = arith.constant 8 : index
    %swap3A_86 = vector.load %arg13[%swap3A_84, %swap3A_85] : memref<1024x128xf32, #tpu.memory_space<vmem>>, vector<1024x120xf32>
    tpu.vector_store %arg13[%swap3A_84, %swap3A_85], %broadcast_in_dim3A_83 {strides = array<i32>} : memref<1024x128xf32, #tpu.memory_space<vmem>>, vector<1024x120xf32>,
    return
  }
  func.func @transform_0(%arg0: i32) -> (i32, i32) {
    %c0_i32 = arith.constant 0 : i32
    %c0_i32_0 = arith.constant 0 : i32
    return %arg0, %c0_i32 : i32, i32
  }
  func.func @transform_1(%arg0: i32) -> (i32, i32) {
    %c0_i32 = arith.constant 0 : i32
    %c0_i32_0 = arith.constant 0 : i32
    return %arg0, %c0_i32 : i32, i32
  }
  func.func @transform_2(%arg0: i32) -> (i32, i32) {
    %c0_i32 = arith.constant 0 : i32
    %c0_i32_0 = arith.constant 0 : i32
    %c0_i32_1 = arith.constant 0 : i32
    return %c0_i32, %c0_i32_0 : i32, i32
  }
  func.func @transform_3(%arg0: i32) -> (i32, i32) {
    %c0_i32 = arith.constant 0 : i32
    %c0_i32_0 = arith.constant 0 : i32
    %c0_i32_1 = arith.constant 0 : i32
    return %c0_i32, %c0_i32_0 : i32, i32
  }
  func.func @transform_4(%arg0: i32) -> (i32, i32) {
    %c0_i32 = arith.constant 0 : i32
    %c0_i32_0 = arith.constant 0 : i32
    %c0_i32_1 = arith.constant 0 : i32
    return %c0_i32, %c0_i32_0 : i32, i32
  }
  func.func @transform_5(%arg0: i32) -> (i32, i32) {
    %c0_i32 = arith.constant 0 : i32
    %c0_i32_0 = arith.constant 0 : i32
    %c0_i32_1 = arith.constant 0 : i32
    return %c0_i32, %c0_i32_0 : i32, i32
  }
  func.func @transform_6(%arg0: i32) -> (i32, i32) {
    %c0_i32 = arith.constant 0 : i32
    %c0_i32_0 = arith.constant 0 : i32
    %c0_i32_1 = arith.constant 0 : i32
    return %c0_i32, %c0_i32_0 : i32, i32
  }
  func.func @transform_7(%arg0: i32) -> (i32, i32) {
    %c0_i32 = arith.constant 0 : i32
    %c0_i32_0 = arith.constant 0 : i32
    %c0_i32_1 = arith.constant 0 : i32
    return %c0_i32, %c0_i32_0 : i32, i32
  }
  func.func @transform_8(%arg0: i32) -> (i32, i32) {
    %c0_i32 = arith.constant 0 : i32
    %c0_i32_0 = arith.constant 0 : i32
    %c0_i32_1 = arith.constant 0 : i32
    return %c0_i32, %c0_i32_0 : i32, i32
  }
  func.func @transform_9(%arg0: i32) -> (i32, i32) {
    %c0_i32 = arith.constant 0 : i32
    %c0_i32_0 = arith.constant 0 : i32
    %c0_i32_1 = arith.constant 0 : i32
    return %c0_i32, %c0_i32_0 : i32, i32
  }
  func.func @transform_10(%arg0: i32) -> (i32, i32) {
    %c0_i32 = arith.constant 0 : i32
    %c0_i32_0 = arith.constant 0 : i32
    %c0_i32_1 = arith.constant 0 : i32
    return %c0_i32, %c0_i32_0 : i32, i32
  }
  func.func @transform_11(%arg0: i32) -> (i32, i32) {
    %c0_i32 = arith.constant 0 : i32
    %c0_i32_0 = arith.constant 0 : i32
    return %arg0, %c0_i32 : i32, i32
  }
  func.func @transform_12(%arg0: i32) -> (i32, i32) {
    %c0_i32 = arith.constant 0 : i32
    %c0_i32_0 = arith.constant 0 : i32
    return %arg0, %c0_i32 : i32, i32
  }
}

module attributes {stable_mosaic.version = 14 : i64} {
  func.func @body(%arg0: i32, %arg1: memref<1024x64xf32, #tpu.memory_space<vmem>>, %arg2: memref<1024x128xf32, #tpu.memory_space<vmem>>, %arg3: memref<1024x1xf32, #tpu.memory_space<vmem>>, %arg4: memref<1024x1xf32, #tpu.memory_space<vmem>>, %arg5: memref<1024x1xf32, #tpu.memory_space<vmem>>, %arg6: memref<1024x1xf32, #tpu.memory_space<vmem>>, %arg7: memref<1024x8xf32, #tpu.memory_space<vmem>>, %arg8: memref<256x64xf32, #tpu.memory_space<vmem>>, %arg9: memref<64x1xf32, #tpu.memory_space<vmem>>, %arg10: memref<1024x512xf32, #tpu.memory_space<vmem>>) attributes {dimension_semantics = [#tpu.dimension_semantics<arbitrary>], iteration_bounds = array<i64: 160>, scalar_prefetch = 0 : i64, scratch_operands = 0 : i64, tpu.core_type = #tpu.core_type<tc>, window_params = [{transform_indices = @transform_0, window_bounds = array<i64: 1024, 64>}, {transform_indices = @transform_1, window_bounds = array<i64: 1024, 128>}, {transform_indices = @transform_2, window_bounds = array<i64: 1024, 1>}, {transform_indices = @transform_3, window_bounds = array<i64: 1024, 1>}, {transform_indices = @transform_4, window_bounds = array<i64: 1024, 1>}, {transform_indices = @transform_5, window_bounds = array<i64: 1024, 1>}, {transform_indices = @transform_6, window_bounds = array<i64: 1024, 8>}, {pipeline_mode = #tpu.pipeline_mode<synchronous>, transform_indices = @transform_7, window_bounds = array<i64: 256, 64>}, {pipeline_mode = #tpu.pipeline_mode<synchronous>, transform_indices = @transform_8, window_bounds = array<i64: 64, 1>}, {transform_indices = @transform_9, window_bounds = array<i64: 1024, 512>}]} {
    %get3A = arith.constant 0 : index
    %get3A_0 = arith.constant 0 : index
    %get3A_1 = vector.load %arg1[%get3A, %get3A_0] : memref<1024x64xf32, #tpu.memory_space<vmem>>, vector<1024x64xf32>
    %get3A_2 = arith.constant 0 : index
    %get3A_3 = arith.constant 0 : index
    %get3A_4 = vector.load %arg2[%get3A_2, %get3A_3] : memref<1024x128xf32, #tpu.memory_space<vmem>>, vector<1024x1xf32>
    %get3A_5 = arith.constant 0 : index
    %get3A_6 = arith.constant 0 : index
    %get3A_7 = vector.load %arg3[%get3A_5, %get3A_6] : memref<1024x1xf32, #tpu.memory_space<vmem>>, vector<1024x1xf32>
    %add3A = arith.constant 9.99999993E-9 : f32
    %add3A_8 = vector.broadcast %add3A : f32 to vector<1024x1xf32>
    %add3A_9 = arith.addf %get3A_7, %add3A_8 : vector<1024x1xf32>
    %div3A = arith.divf %get3A_4, %add3A_9 : vector<1024x1xf32>
    %get3A_10 = arith.constant 0 : index
    %get3A_11 = arith.constant 1 : index
    %get3A_12 = vector.load %arg2[%get3A_10, %get3A_11] : memref<1024x128xf32, #tpu.memory_space<vmem>>, vector<1024x1xf32>
    %get3A_13 = arith.constant 0 : index
    %get3A_14 = arith.constant 0 : index
    %get3A_15 = vector.load %arg4[%get3A_13, %get3A_14] : memref<1024x1xf32, #tpu.memory_space<vmem>>, vector<1024x1xf32>
    %add3A_16 = arith.constant 9.99999993E-9 : f32
    %add3A_17 = vector.broadcast %add3A_16 : f32 to vector<1024x1xf32>
    %add3A_18 = arith.addf %get3A_15, %add3A_17 : vector<1024x1xf32>
    %div3A_19 = arith.divf %get3A_12, %add3A_18 : vector<1024x1xf32>
    %get3A_20 = arith.constant 0 : index
    %get3A_21 = arith.constant 2 : index
    %get3A_22 = vector.load %arg2[%get3A_20, %get3A_21] : memref<1024x128xf32, #tpu.memory_space<vmem>>, vector<1024x1xf32>
    %get3A_23 = arith.constant 0 : index
    %get3A_24 = arith.constant 0 : index
    %get3A_25 = vector.load %arg5[%get3A_23, %get3A_24] : memref<1024x1xf32, #tpu.memory_space<vmem>>, vector<1024x1xf32>
    %add3A_26 = arith.constant 9.99999993E-9 : f32
    %add3A_27 = vector.broadcast %add3A_26 : f32 to vector<1024x1xf32>
    %add3A_28 = arith.addf %get3A_25, %add3A_27 : vector<1024x1xf32>
    %div3A_29 = arith.divf %get3A_22, %add3A_28 : vector<1024x1xf32>
    %get3A_30 = arith.constant 0 : index
    %get3A_31 = arith.constant 3 : index
    %get3A_32 = vector.load %arg2[%get3A_30, %get3A_31] : memref<1024x128xf32, #tpu.memory_space<vmem>>, vector<1024x1xf32>
    %get3A_33 = arith.constant 0 : index
    %get3A_34 = arith.constant 0 : index
    %get3A_35 = vector.load %arg6[%get3A_33, %get3A_34] : memref<1024x1xf32, #tpu.memory_space<vmem>>, vector<1024x1xf32>
    %add3A_36 = arith.constant 9.99999993E-9 : f32
    %add3A_37 = vector.broadcast %add3A_36 : f32 to vector<1024x1xf32>
    %add3A_38 = arith.addf %get3A_35, %add3A_37 : vector<1024x1xf32>
    %div3A_39 = arith.divf %get3A_32, %add3A_38 : vector<1024x1xf32>
    %concatenate3A = tpu.concatenate %div3A, %div3A_19, %div3A_29, %div3A_39 in 1 : vector<1024x1xf32>, vector<1024x1xf32>, vector<1024x1xf32>, vector<1024x1xf32> -> vector<1024x4xf32>
    %get3A_40 = arith.constant 0 : index
    %get3A_41 = arith.constant 0 : index
    %get3A_42 = vector.load %arg7[%get3A_40, %get3A_41] : memref<1024x8xf32, #tpu.memory_space<vmem>>, vector<1024x8xf32>
    %broadcast_in_dim3A = arith.constant 0.000000e+00 : f32
    %broadcast_in_dim3A_43 = vector.broadcast %broadcast_in_dim3A : f32 to vector<1024x64xf32>
    %slice3A = vector.extract_strided_slice %concatenate3A {offsets = [0, 0], sizes = [1024, 1], strides = [1, 1]} : vector<1024x4xf32> to vector<1024x1xf32>
    %get3A_44 = arith.constant 0 : index
    %get3A_45 = arith.constant 0 : index
    %get3A_46 = vector.load %arg8[%get3A_44, %get3A_45] : memref<256x64xf32, #tpu.memory_space<vmem>>, vector<64x64xf32>
    %dot_general3A = arith.constant dense<0.000000e+00> : vector<1024x64xf32>
    %dot_general3A_47 = tpu.matmul %get3A_1, %get3A_46, %dot_general3A {dimension_numbers = #tpu.dot_dimension_numbers<[1], [0], [0], [1], [0, 0, 1, 1], [], []>, transpose_lhs_hint = false} : vector<1024x64xf32>, vector<64x64xf32>, vector<1024x64xf32> -> vector<1024x64xf32>
    %mul3A = vector.broadcast %slice3A : vector<1024x1xf32> to vector<1024x64xf32>
    %mul3A_48 = arith.mulf %mul3A, %dot_general3A_47 : vector<1024x64xf32>
    %add3A_49 = arith.addf %broadcast_in_dim3A_43, %mul3A_48 : vector<1024x64xf32>
    %slice3A_50 = vector.extract_strided_slice %concatenate3A {offsets = [0, 1], sizes = [1024, 1], strides = [1, 1]} : vector<1024x4xf32> to vector<1024x1xf32>
    %get3A_51 = arith.constant 64 : index
    %get3A_52 = arith.constant 0 : index
    %get3A_53 = vector.load %arg8[%get3A_51, %get3A_52] : memref<256x64xf32, #tpu.memory_space<vmem>>, vector<64x64xf32>
    %dot_general3A_54 = arith.constant dense<0.000000e+00> : vector<1024x64xf32>
    %dot_general3A_55 = tpu.matmul %get3A_1, %get3A_53, %dot_general3A_54 {dimension_numbers = #tpu.dot_dimension_numbers<[1], [0], [0], [1], [0, 0, 1, 1], [], []>, transpose_lhs_hint = false} : vector<1024x64xf32>, vector<64x64xf32>, vector<1024x64xf32> -> vector<1024x64xf32>
    %mul3A_56 = vector.broadcast %slice3A_50 : vector<1024x1xf32> to vector<1024x64xf32>
    %mul3A_57 = arith.mulf %mul3A_56, %dot_general3A_55 : vector<1024x64xf32>
    %add3A_58 = arith.addf %add3A_49, %mul3A_57 : vector<1024x64xf32>
    %slice3A_59 = vector.extract_strided_slice %concatenate3A {offsets = [0, 2], sizes = [1024, 1], strides = [1, 1]} : vector<1024x4xf32> to vector<1024x1xf32>
    %get3A_60 = arith.constant 128 : index
    %get3A_61 = arith.constant 0 : index
    %get3A_62 = vector.load %arg8[%get3A_60, %get3A_61] : memref<256x64xf32, #tpu.memory_space<vmem>>, vector<64x64xf32>
    %dot_general3A_63 = arith.constant dense<0.000000e+00> : vector<1024x64xf32>
    %dot_general3A_64 = tpu.matmul %get3A_1, %get3A_62, %dot_general3A_63 {dimension_numbers = #tpu.dot_dimension_numbers<[1], [0], [0], [1], [0, 0, 1, 1], [], []>, transpose_lhs_hint = false} : vector<1024x64xf32>, vector<64x64xf32>, vector<1024x64xf32> -> vector<1024x64xf32>
    %mul3A_65 = vector.broadcast %slice3A_59 : vector<1024x1xf32> to vector<1024x64xf32>
    %mul3A_66 = arith.mulf %mul3A_65, %dot_general3A_64 : vector<1024x64xf32>
    %add3A_67 = arith.addf %add3A_58, %mul3A_66 : vector<1024x64xf32>
    %slice3A_68 = vector.extract_strided_slice %concatenate3A {offsets = [0, 3], sizes = [1024, 1], strides = [1, 1]} : vector<1024x4xf32> to vector<1024x1xf32>
    %get3A_69 = arith.constant 192 : index
    %get3A_70 = arith.constant 0 : index
    %get3A_71 = vector.load %arg8[%get3A_69, %get3A_70] : memref<256x64xf32, #tpu.memory_space<vmem>>, vector<64x64xf32>
    %dot_general3A_72 = arith.constant dense<0.000000e+00> : vector<1024x64xf32>
    %dot_general3A_73 = tpu.matmul %get3A_1, %get3A_71, %dot_general3A_72 {dimension_numbers = #tpu.dot_dimension_numbers<[1], [0], [0], [1], [0, 0, 1, 1], [], []>, transpose_lhs_hint = false} : vector<1024x64xf32>, vector<64x64xf32>, vector<1024x64xf32> -> vector<1024x64xf32>
    %mul3A_74 = vector.broadcast %slice3A_68 : vector<1024x1xf32> to vector<1024x64xf32>
    %mul3A_75 = arith.mulf %mul3A_74, %dot_general3A_73 : vector<1024x64xf32>
    %add3A_76 = arith.addf %add3A_67, %mul3A_75 : vector<1024x64xf32>
    %tanh3A = math.tanh %add3A_76 : vector<1024x64xf32>
    %get3A_77 = arith.constant 0 : index
    %get3A_78 = arith.constant 0 : index
    %get3A_79 = vector.load %arg9[%get3A_77, %get3A_78] : memref<64x1xf32, #tpu.memory_space<vmem>>, vector<64x1xf32>
    %dot_general3A_80 = arith.constant dense<0.000000e+00> : vector<1024x1xf32>
    %dot_general3A_81 = tpu.matmul %tanh3A, %get3A_79, %dot_general3A_80 {dimension_numbers = #tpu.dot_dimension_numbers<[1], [0], [0], [1], [0, 0, 1, 1], [], []>, transpose_lhs_hint = false} : vector<1024x64xf32>, vector<64x1xf32>, vector<1024x1xf32> -> vector<1024x1xf32>
    %slice3A_82 = vector.extract_strided_slice %concatenate3A {offsets = [0, 0], sizes = [1024, 1], strides = [1, 1]} : vector<1024x4xf32> to vector<1024x1xf32>
    %mul3A_83 = vector.broadcast %slice3A_82 : vector<1024x1xf32> to vector<1024x64xf32>
    %mul3A_84 = arith.mulf %get3A_1, %mul3A_83 : vector<1024x64xf32>
    %swap3A = arith.constant 0 : index
    %swap3A_85 = arith.constant 0 : index
    %swap3A_86 = vector.load %arg10[%swap3A, %swap3A_85] : memref<1024x512xf32, #tpu.memory_space<vmem>>, vector<1024x64xf32>
    tpu.vector_store %arg10[%swap3A, %swap3A_85], %mul3A_84 {strides = array<i32>} : memref<1024x512xf32, #tpu.memory_space<vmem>>, vector<1024x64xf32>,
    %slice3A_87 = vector.extract_strided_slice %concatenate3A {offsets = [0, 1], sizes = [1024, 1], strides = [1, 1]} : vector<1024x4xf32> to vector<1024x1xf32>
    %mul3A_88 = vector.broadcast %slice3A_87 : vector<1024x1xf32> to vector<1024x64xf32>
    %mul3A_89 = arith.mulf %get3A_1, %mul3A_88 : vector<1024x64xf32>
    %swap3A_90 = arith.constant 0 : index
    %swap3A_91 = arith.constant 64 : index
    %swap3A_92 = vector.load %arg10[%swap3A_90, %swap3A_91] : memref<1024x512xf32, #tpu.memory_space<vmem>>, vector<1024x64xf32>
    tpu.vector_store %arg10[%swap3A_90, %swap3A_91], %mul3A_89 {strides = array<i32>} : memref<1024x512xf32, #tpu.memory_space<vmem>>, vector<1024x64xf32>,
    %slice3A_93 = vector.extract_strided_slice %concatenate3A {offsets = [0, 2], sizes = [1024, 1], strides = [1, 1]} : vector<1024x4xf32> to vector<1024x1xf32>
    %mul3A_94 = vector.broadcast %slice3A_93 : vector<1024x1xf32> to vector<1024x64xf32>
    %mul3A_95 = arith.mulf %get3A_1, %mul3A_94 : vector<1024x64xf32>
    %swap3A_96 = arith.constant 0 : index
    %swap3A_97 = arith.constant 128 : index
    %swap3A_98 = vector.load %arg10[%swap3A_96, %swap3A_97] : memref<1024x512xf32, #tpu.memory_space<vmem>>, vector<1024x64xf32>
    tpu.vector_store %arg10[%swap3A_96, %swap3A_97], %mul3A_95 {strides = array<i32>} : memref<1024x512xf32, #tpu.memory_space<vmem>>, vector<1024x64xf32>,
    %slice3A_99 = vector.extract_strided_slice %concatenate3A {offsets = [0, 3], sizes = [1024, 1], strides = [1, 1]} : vector<1024x4xf32> to vector<1024x1xf32>
    %mul3A_100 = vector.broadcast %slice3A_99 : vector<1024x1xf32> to vector<1024x64xf32>
    %mul3A_101 = arith.mulf %get3A_1, %mul3A_100 : vector<1024x64xf32>
    %swap3A_102 = arith.constant 0 : index
    %swap3A_103 = arith.constant 192 : index
    %swap3A_104 = vector.load %arg10[%swap3A_102, %swap3A_103] : memref<1024x512xf32, #tpu.memory_space<vmem>>, vector<1024x64xf32>
    tpu.vector_store %arg10[%swap3A_102, %swap3A_103], %mul3A_101 {strides = array<i32>} : memref<1024x512xf32, #tpu.memory_space<vmem>>, vector<1024x64xf32>,
    %slice3A_105 = vector.extract_strided_slice %get3A_42 {offsets = [0, 0], sizes = [1024, 1], strides = [1, 1]} : vector<1024x8xf32> to vector<1024x1xf32>
    %mul3A_106 = vector.broadcast %slice3A_105 : vector<1024x1xf32> to vector<1024x64xf32>
    %mul3A_107 = arith.mulf %tanh3A, %mul3A_106 : vector<1024x64xf32>
    %swap3A_108 = arith.constant 0 : index
    %swap3A_109 = arith.constant 256 : index
    %swap3A_110 = vector.load %arg10[%swap3A_108, %swap3A_109] : memref<1024x512xf32, #tpu.memory_space<vmem>>, vector<1024x64xf32>
    tpu.vector_store %arg10[%swap3A_108, %swap3A_109], %mul3A_107 {strides = array<i32>} : memref<1024x512xf32, #tpu.memory_space<vmem>>, vector<1024x64xf32>,
    %slice3A_111 = vector.extract_strided_slice %get3A_42 {offsets = [0, 1], sizes = [1024, 1], strides = [1, 1]} : vector<1024x8xf32> to vector<1024x1xf32>
    %mul3A_112 = vector.broadcast %slice3A_111 : vector<1024x1xf32> to vector<1024x64xf32>
    %mul3A_113 = arith.mulf %tanh3A, %mul3A_112 : vector<1024x64xf32>
    %swap3A_114 = arith.constant 0 : index
    %swap3A_115 = arith.constant 320 : index
    %swap3A_116 = vector.load %arg10[%swap3A_114, %swap3A_115] : memref<1024x512xf32, #tpu.memory_space<vmem>>, vector<1024x64xf32>
    tpu.vector_store %arg10[%swap3A_114, %swap3A_115], %mul3A_113 {strides = array<i32>} : memref<1024x512xf32, #tpu.memory_space<vmem>>, vector<1024x64xf32>,
    %slice3A_117 = vector.extract_strided_slice %get3A_42 {offsets = [0, 2], sizes = [1024, 1], strides = [1, 1]} : vector<1024x8xf32> to vector<1024x1xf32>
    %mul3A_118 = vector.broadcast %slice3A_117 : vector<1024x1xf32> to vector<1024x64xf32>
    %mul3A_119 = arith.mulf %tanh3A, %mul3A_118 : vector<1024x64xf32>
    %swap3A_120 = arith.constant 0 : index
    %swap3A_121 = arith.constant 384 : index
    %swap3A_122 = vector.load %arg10[%swap3A_120, %swap3A_121] : memref<1024x512xf32, #tpu.memory_space<vmem>>, vector<1024x64xf32>
    tpu.vector_store %arg10[%swap3A_120, %swap3A_121], %mul3A_119 {strides = array<i32>} : memref<1024x512xf32, #tpu.memory_space<vmem>>, vector<1024x64xf32>,
    %broadcast_in_dim3A_123 = arith.constant 0.000000e+00 : f32
    %broadcast_in_dim3A_124 = vector.broadcast %broadcast_in_dim3A_123 : f32 to vector<1024x64xf32>
    %swap3A_125 = arith.constant 0 : index
    %swap3A_126 = arith.constant 448 : index
    %swap3A_127 = vector.load %arg10[%swap3A_125, %swap3A_126] : memref<1024x512xf32, #tpu.memory_space<vmem>>, vector<1024x64xf32>
    tpu.vector_store %arg10[%swap3A_125, %swap3A_126], %broadcast_in_dim3A_124 {strides = array<i32>} : memref<1024x512xf32, #tpu.memory_space<vmem>>, vector<1024x64xf32>,
    %mul3A_128 = vector.broadcast %dot_general3A_81 : vector<1024x1xf32> to vector<1024x8xf32>
    %mul3A_129 = arith.mulf %mul3A_128, %get3A_42 : vector<1024x8xf32>
    %swap3A_130 = arith.constant 0 : index
    %swap3A_131 = arith.constant 448 : index
    %swap3A_132 = vector.load %arg10[%swap3A_130, %swap3A_131] : memref<1024x512xf32, #tpu.memory_space<vmem>>, vector<1024x8xf32>
    tpu.vector_store %arg10[%swap3A_130, %swap3A_131], %mul3A_129 {strides = array<i32>} : memref<1024x512xf32, #tpu.memory_space<vmem>>, vector<1024x8xf32>,
    return
  }
  func.func @transform_0(%arg0: i32) -> (i32, i32) {
    %c0_i32 = arith.constant 0 : i32
    %c0_i32_0 = arith.constant 0 : i32
    return %arg0, %c0_i32 : i32, i32
  }
  func.func @transform_1(%arg0: i32) -> (i32, i32) {
    %c0_i32 = arith.constant 0 : i32
    %c0_i32_0 = arith.constant 0 : i32
    return %arg0, %c0_i32 : i32, i32
  }
  func.func @transform_2(%arg0: i32) -> (i32, i32) {
    %c0_i32 = arith.constant 0 : i32
    %c0_i32_0 = arith.constant 0 : i32
    return %arg0, %c0_i32 : i32, i32
  }
  func.func @transform_3(%arg0: i32) -> (i32, i32) {
    %c0_i32 = arith.constant 0 : i32
    %c0_i32_0 = arith.constant 0 : i32
    return %arg0, %c0_i32 : i32, i32
  }
  func.func @transform_4(%arg0: i32) -> (i32, i32) {
    %c0_i32 = arith.constant 0 : i32
    %c0_i32_0 = arith.constant 0 : i32
    return %arg0, %c0_i32 : i32, i32
  }
  func.func @transform_5(%arg0: i32) -> (i32, i32) {
    %c0_i32 = arith.constant 0 : i32
    %c0_i32_0 = arith.constant 0 : i32
    return %arg0, %c0_i32 : i32, i32
  }
  func.func @transform_6(%arg0: i32) -> (i32, i32) {
    %c0_i32 = arith.constant 0 : i32
    %c0_i32_0 = arith.constant 0 : i32
    return %arg0, %c0_i32 : i32, i32
  }
  func.func @transform_7(%arg0: i32) -> (i32, i32) {
    %c0_i32 = arith.constant 0 : i32
    %c0_i32_0 = arith.constant 0 : i32
    %c0_i32_1 = arith.constant 0 : i32
    return %c0_i32, %c0_i32_0 : i32, i32
  }
  func.func @transform_8(%arg0: i32) -> (i32, i32) {
    %c0_i32 = arith.constant 0 : i32
    %c0_i32_0 = arith.constant 0 : i32
    %c0_i32_1 = arith.constant 0 : i32
    return %c0_i32, %c0_i32_0 : i32, i32
  }
  func.func @transform_9(%arg0: i32) -> (i32, i32) {
    %c0_i32 = arith.constant 0 : i32
    %c0_i32_0 = arith.constant 0 : i32
    return %arg0, %c0_i32 : i32, i32
  }
}

module attributes {stable_mosaic.version = 14 : i64} {
  func.func @body(%arg0: i32, %arg1: memref<1000x128xf32, #tpu.memory_space<vmem>>, %arg2: memref<1000x3xf32, #tpu.memory_space<vmem>>, %arg3: memref<1000x3xf32, #tpu.memory_space<vmem>>, %arg4: memref<1000x512xf32, #tpu.memory_space<vmem>>, %arg5: memref<1000x128xf32, #tpu.memory_space<vmem>>, %arg6: memref<64x64xf32, #tpu.memory_space<vmem>>, %arg7: memref<1x64xf32, #tpu.memory_space<vmem>>, %arg8: memref<64x64xf32, #tpu.memory_space<vmem>>, %arg9: memref<1x64xf32, #tpu.memory_space<vmem>>, %arg10: memref<128x128xf32, #tpu.memory_space<vmem>>, %arg11: memref<256x128xf32, #tpu.memory_space<vmem>>, %arg12: memref<64x128xf32, #tpu.memory_space<vmem>>, %arg13: memref<1x128xf32, #tpu.memory_space<vmem>>, %arg14: memref<128x128xf32, #tpu.memory_space<vmem>>, %arg15: memref<1x128xf32, #tpu.memory_space<vmem>>, %arg16: memref<128x64xf32, #tpu.memory_space<vmem>>, %arg17: memref<1x64xf32, #tpu.memory_space<vmem>>, %arg18: memref<64x1xf32, #tpu.memory_space<vmem>>, %arg19: memref<1000x128xf32, #tpu.memory_space<vmem>>, %arg20: memref<1000x3xf32, #tpu.memory_space<vmem>>, %arg21: memref<1000x3xf32, #tpu.memory_space<vmem>>) attributes {dimension_semantics = [#tpu.dimension_semantics<arbitrary>], iteration_bounds = array<i64: 10>, scalar_prefetch = 0 : i64, scratch_operands = 0 : i64, tpu.core_type = #tpu.core_type<tc>, window_params = [{transform_indices = @transform_0, window_bounds = array<i64: 1000, 128>}, {transform_indices = @transform_1, window_bounds = array<i64: 1000, 3>}, {transform_indices = @transform_2, window_bounds = array<i64: 1000, 3>}, {transform_indices = @transform_3, window_bounds = array<i64: 1000, 512>}, {transform_indices = @transform_4, window_bounds = array<i64: 1000, 128>}, {pipeline_mode = #tpu.pipeline_mode<synchronous>, transform_indices = @transform_5, window_bounds = array<i64: 64, 64>}, {pipeline_mode = #tpu.pipeline_mode<synchronous>, transform_indices = @transform_6, window_bounds = array<i64: 1, 64>}, {pipeline_mode = #tpu.pipeline_mode<synchronous>, transform_indices = @transform_7, window_bounds = array<i64: 64, 64>}, {pipeline_mode = #tpu.pipeline_mode<synchronous>, transform_indices = @transform_8, window_bounds = array<i64: 1, 64>}, {pipeline_mode = #tpu.pipeline_mode<synchronous>, transform_indices = @transform_9, window_bounds = array<i64: 128, 128>}, {pipeline_mode = #tpu.pipeline_mode<synchronous>, transform_indices = @transform_10, window_bounds = array<i64: 256, 128>}, {pipeline_mode = #tpu.pipeline_mode<synchronous>, transform_indices = @transform_11, window_bounds = array<i64: 64, 128>}, {pipeline_mode = #tpu.pipeline_mode<synchronous>, transform_indices = @transform_12, window_bounds = array<i64: 1, 128>}, {pipeline_mode = #tpu.pipeline_mode<synchronous>, transform_indices = @transform_13, window_bounds = array<i64: 128, 128>}, {pipeline_mode = #tpu.pipeline_mode<synchronous>, transform_indices = @transform_14, window_bounds = array<i64: 1, 128>}, {pipeline_mode = #tpu.pipeline_mode<synchronous>, transform_indices = @transform_15, window_bounds = array<i64: 128, 64>}, {pipeline_mode = #tpu.pipeline_mode<synchronous>, transform_indices = @transform_16, window_bounds = array<i64: 1, 64>}, {pipeline_mode = #tpu.pipeline_mode<synchronous>, transform_indices = @transform_17, window_bounds = array<i64: 64, 1>}, {transform_indices = @transform_18, window_bounds = array<i64: 1000, 128>}, {transform_indices = @transform_19, window_bounds = array<i64: 1000, 3>}, {transform_indices = @transform_20, window_bounds = array<i64: 1000, 3>}]} {
    %get3A = arith.constant 0 : index
    %get3A_0 = arith.constant 0 : index
    %get3A_1 = vector.load %arg1[%get3A, %get3A_0] : memref<1000x128xf32, #tpu.memory_space<vmem>>, vector<1000x128xf32>
    %get3A_2 = arith.constant 0 : index
    %get3A_3 = arith.constant 0 : index
    %get3A_4 = vector.load %arg4[%get3A_2, %get3A_3] : memref<1000x512xf32, #tpu.memory_space<vmem>>, vector<1000x512xf32>
    %get3A_5 = arith.constant 0 : index
    %get3A_6 = arith.constant 4 : index
    %get3A_7 = vector.load %arg5[%get3A_5, %get3A_6] : memref<1000x128xf32, #tpu.memory_space<vmem>>, vector<1000x1xf32>
    %max3A = arith.constant 1.000000e+00 : f32
    %max3A_8 = vector.broadcast %max3A : f32 to vector<1000x1xf32>
    %max3A_9 = arith.maximumf %get3A_7, %max3A_8 : vector<1000x1xf32>
    %div3A = arith.constant 1.000000e+00 : f32
    %div3A_10 = vector.broadcast %div3A : f32 to vector<1000x1xf32>
    %div3A_11 = arith.divf %div3A_10, %max3A_9 : vector<1000x1xf32>
    %broadcast_in_dim3A = arith.constant 0.000000e+00 : f32
    %broadcast_in_dim3A_12 = vector.broadcast %broadcast_in_dim3A : f32 to vector<1000x64xf32>
    %slice3A = vector.extract_strided_slice %get3A_4 {offsets = [0, 256], sizes = [1000, 64], strides = [1, 1]} : vector<1000x512xf32> to vector<1000x64xf32>
    %mul3A = vector.broadcast %div3A_11 : vector<1000x1xf32> to vector<1000x64xf32>
    %mul3A_13 = arith.mulf %slice3A, %mul3A : vector<1000x64xf32>
    %mul3A_14 = arith.mulf %mul3A_13, %mul3A_13 : vector<1000x64xf32>
    %add3A = arith.addf %broadcast_in_dim3A_12, %mul3A_14 : vector<1000x64xf32>
    %slice3A_15 = vector.extract_strided_slice %get3A_4 {offsets = [0, 320], sizes = [1000, 64], strides = [1, 1]} : vector<1000x512xf32> to vector<1000x64xf32>
    %mul3A_16 = vector.broadcast %div3A_11 : vector<1000x1xf32> to vector<1000x64xf32>
    %mul3A_17 = arith.mulf %slice3A_15, %mul3A_16 : vector<1000x64xf32>
    %mul3A_18 = arith.mulf %mul3A_17, %mul3A_17 : vector<1000x64xf32>
    %add3A_19 = arith.addf %add3A, %mul3A_18 : vector<1000x64xf32>
    %slice3A_20 = vector.extract_strided_slice %get3A_4 {offsets = [0, 384], sizes = [1000, 64], strides = [1, 1]} : vector<1000x512xf32> to vector<1000x64xf32>
    %mul3A_21 = vector.broadcast %div3A_11 : vector<1000x1xf32> to vector<1000x64xf32>
    %mul3A_22 = arith.mulf %slice3A_20, %mul3A_21 : vector<1000x64xf32>
    %mul3A_23 = arith.mulf %mul3A_22, %mul3A_22 : vector<1000x64xf32>
    %add3A_24 = arith.addf %add3A_19, %mul3A_23 : vector<1000x64xf32>
    %get3A_25 = arith.constant 0 : index
    %get3A_26 = arith.constant 0 : index
    %get3A_27 = vector.load %arg6[%get3A_25, %get3A_26] : memref<64x64xf32, #tpu.memory_space<vmem>>, vector<64x64xf32>
    %dot_general3A = arith.constant dense<0.000000e+00> : vector<1000x64xf32>
    %dot_general3A_28 = tpu.matmul %add3A_24, %get3A_27, %dot_general3A {dimension_numbers = #tpu.dot_dimension_numbers<[1], [0], [0], [1], [0, 0, 1, 1], [], []>, transpose_lhs_hint = false} : vector<1000x64xf32>, vector<64x64xf32>, vector<1000x64xf32> -> vector<1000x64xf32>
    %get3A_29 = arith.constant 0 : index
    %get3A_30 = arith.constant 0 : index
    %get3A_31 = vector.load %arg7[%get3A_29, %get3A_30] : memref<1x64xf32, #tpu.memory_space<vmem>>, vector<1x64xf32>
    %add3A_32 = vector.broadcast %get3A_31 : vector<1x64xf32> to vector<1000x64xf32>
    %add3A_33 = arith.addf %dot_general3A_28, %add3A_32 : vector<1000x64xf32>
    %logistic3A = arith.negf %add3A_33 : vector<1000x64xf32>
    %logistic3A_34 = math.exp %logistic3A : vector<1000x64xf32>
    %logistic3A_35 = arith.constant 1.000000e+00 : f32
    %logistic3A_36 = vector.broadcast %logistic3A_35 : f32 to vector<1000x64xf32>
    %logistic3A_37 = arith.addf %logistic3A_36, %logistic3A_34 : vector<1000x64xf32>
    %logistic3A_38 = arith.divf %logistic3A_36, %logistic3A_37 : vector<1000x64xf32>
    %mul3A_39 = arith.mulf %add3A_33, %logistic3A_38 : vector<1000x64xf32>
    %get3A_40 = arith.constant 0 : index
    %get3A_41 = arith.constant 0 : index
    %get3A_42 = vector.load %arg8[%get3A_40, %get3A_41] : memref<64x64xf32, #tpu.memory_space<vmem>>, vector<64x64xf32>
    %dot_general3A_43 = arith.constant dense<0.000000e+00> : vector<1000x64xf32>
    %dot_general3A_44 = tpu.matmul %mul3A_39, %get3A_42, %dot_general3A_43 {dimension_numbers = #tpu.dot_dimension_numbers<[1], [0], [0], [1], [0, 0, 1, 1], [], []>, transpose_lhs_hint = false} : vector<1000x64xf32>, vector<64x64xf32>, vector<1000x64xf32> -> vector<1000x64xf32>
    %get3A_45 = arith.constant 0 : index
    %get3A_46 = arith.constant 0 : index
    %get3A_47 = vector.load %arg9[%get3A_45, %get3A_46] : memref<1x64xf32, #tpu.memory_space<vmem>>, vector<1x64xf32>
    %add3A_48 = vector.broadcast %get3A_47 : vector<1x64xf32> to vector<1000x64xf32>
    %add3A_49 = arith.addf %dot_general3A_44, %add3A_48 : vector<1000x64xf32>
    %logistic3A_50 = arith.negf %add3A_49 : vector<1000x64xf32>
    %logistic3A_51 = math.exp %logistic3A_50 : vector<1000x64xf32>
    %logistic3A_52 = arith.constant 1.000000e+00 : f32
    %logistic3A_53 = vector.broadcast %logistic3A_52 : f32 to vector<1000x64xf32>
    %logistic3A_54 = arith.addf %logistic3A_53, %logistic3A_51 : vector<1000x64xf32>
    %logistic3A_55 = arith.divf %logistic3A_53, %logistic3A_54 : vector<1000x64xf32>
    %mul3A_56 = arith.mulf %add3A_49, %logistic3A_55 : vector<1000x64xf32>
    %get3A_57 = arith.constant 0 : index
    %get3A_58 = arith.constant 0 : index
    %get3A_59 = vector.load %arg10[%get3A_57, %get3A_58] : memref<128x128xf32, #tpu.memory_space<vmem>>, vector<128x128xf32>
    %dot_general3A_60 = arith.constant dense<0.000000e+00> : vector<1000x128xf32>
    %dot_general3A_61 = tpu.matmul %get3A_1, %get3A_59, %dot_general3A_60 {dimension_numbers = #tpu.dot_dimension_numbers<[1], [0], [0], [1], [0, 0, 1, 1], [], []>, transpose_lhs_hint = false} : vector<1000x128xf32>, vector<128x128xf32>, vector<1000x128xf32> -> vector<1000x128xf32>
    %slice3A_62 = vector.extract_strided_slice %get3A_4 {offsets = [0, 0], sizes = [1000, 256], strides = [1, 1]} : vector<1000x512xf32> to vector<1000x256xf32>
    %get3A_63 = arith.constant 0 : index
    %get3A_64 = arith.constant 0 : index
    %get3A_65 = vector.load %arg11[%get3A_63, %get3A_64] : memref<256x128xf32, #tpu.memory_space<vmem>>, vector<256x128xf32>
    %dot_general3A_66 = arith.constant dense<0.000000e+00> : vector<1000x128xf32>
    %dot_general3A_67 = tpu.matmul %slice3A_62, %get3A_65, %dot_general3A_66 {dimension_numbers = #tpu.dot_dimension_numbers<[1], [0], [0], [1], [0, 0, 1, 1], [], []>, transpose_lhs_hint = false} : vector<1000x256xf32>, vector<256x128xf32>, vector<1000x128xf32> -> vector<1000x128xf32>
    %add3A_68 = arith.addf %dot_general3A_61, %dot_general3A_67 : vector<1000x128xf32>
    %get3A_69 = arith.constant 0 : index
    %get3A_70 = arith.constant 0 : index
    %get3A_71 = vector.load %arg12[%get3A_69, %get3A_70] : memref<64x128xf32, #tpu.memory_space<vmem>>, vector<64x128xf32>
    %dot_general3A_72 = arith.constant dense<0.000000e+00> : vector<1000x128xf32>
    %dot_general3A_73 = tpu.matmul %mul3A_56, %get3A_71, %dot_general3A_72 {dimension_numbers = #tpu.dot_dimension_numbers<[1], [0], [0], [1], [0, 0, 1, 1], [], []>, transpose_lhs_hint = false} : vector<1000x64xf32>, vector<64x128xf32>, vector<1000x128xf32> -> vector<1000x128xf32>
    %add3A_74 = arith.addf %add3A_68, %dot_general3A_73 : vector<1000x128xf32>
    %get3A_75 = arith.constant 0 : index
    %get3A_76 = arith.constant 0 : index
    %get3A_77 = vector.load %arg13[%get3A_75, %get3A_76] : memref<1x128xf32, #tpu.memory_space<vmem>>, vector<1x128xf32>
    %add3A_78 = vector.broadcast %get3A_77 : vector<1x128xf32> to vector<1000x128xf32>
    %add3A_79 = arith.addf %add3A_74, %add3A_78 : vector<1000x128xf32>
    %logistic3A_80 = arith.negf %add3A_79 : vector<1000x128xf32>
    %logistic3A_81 = math.exp %logistic3A_80 : vector<1000x128xf32>
    %logistic3A_82 = arith.constant 1.000000e+00 : f32
    %logistic3A_83 = vector.broadcast %logistic3A_82 : f32 to vector<1000x128xf32>
    %logistic3A_84 = arith.addf %logistic3A_83, %logistic3A_81 : vector<1000x128xf32>
    %logistic3A_85 = arith.divf %logistic3A_83, %logistic3A_84 : vector<1000x128xf32>
    %mul3A_86 = arith.mulf %add3A_79, %logistic3A_85 : vector<1000x128xf32>
    %get3A_87 = arith.constant 0 : index
    %get3A_88 = arith.constant 0 : index
    %get3A_89 = vector.load %arg14[%get3A_87, %get3A_88] : memref<128x128xf32, #tpu.memory_space<vmem>>, vector<128x128xf32>
    %dot_general3A_90 = arith.constant dense<0.000000e+00> : vector<1000x128xf32>
    %dot_general3A_91 = tpu.matmul %mul3A_86, %get3A_89, %dot_general3A_90 {dimension_numbers = #tpu.dot_dimension_numbers<[1], [0], [0], [1], [0, 0, 1, 1], [], []>, transpose_lhs_hint = false} : vector<1000x128xf32>, vector<128x128xf32>, vector<1000x128xf32> -> vector<1000x128xf32>
    %get3A_92 = arith.constant 0 : index
    %get3A_93 = arith.constant 0 : index
    %get3A_94 = vector.load %arg15[%get3A_92, %get3A_93] : memref<1x128xf32, #tpu.memory_space<vmem>>, vector<1x128xf32>
    %add3A_95 = vector.broadcast %get3A_94 : vector<1x128xf32> to vector<1000x128xf32>
    %add3A_96 = arith.addf %dot_general3A_91, %add3A_95 : vector<1000x128xf32>
    %logistic3A_97 = arith.negf %add3A_96 : vector<1000x128xf32>
    %logistic3A_98 = math.exp %logistic3A_97 : vector<1000x128xf32>
    %logistic3A_99 = arith.constant 1.000000e+00 : f32
    %logistic3A_100 = vector.broadcast %logistic3A_99 : f32 to vector<1000x128xf32>
    %logistic3A_101 = arith.addf %logistic3A_100, %logistic3A_98 : vector<1000x128xf32>
    %logistic3A_102 = arith.divf %logistic3A_100, %logistic3A_101 : vector<1000x128xf32>
    %mul3A_103 = arith.mulf %add3A_96, %logistic3A_102 : vector<1000x128xf32>
    %add3A_104 = arith.addf %get3A_1, %mul3A_103 : vector<1000x128xf32>
    %slice3A_105 = vector.extract_strided_slice %get3A_4 {offsets = [0, 448], sizes = [1000, 3], strides = [1, 1]} : vector<1000x512xf32> to vector<1000x3xf32>
    %mul3A_106 = vector.broadcast %div3A_11 : vector<1000x1xf32> to vector<1000x3xf32>
    %mul3A_107 = arith.mulf %slice3A_105, %mul3A_106 : vector<1000x3xf32>
    %get3A_108 = arith.constant 0 : index
    %get3A_109 = arith.constant 0 : index
    %get3A_110 = vector.load %arg16[%get3A_108, %get3A_109] : memref<128x64xf32, #tpu.memory_space<vmem>>, vector<128x64xf32>
    %dot_general3A_111 = arith.constant dense<0.000000e+00> : vector<1000x64xf32>
    %dot_general3A_112 = tpu.matmul %add3A_104, %get3A_110, %dot_general3A_111 {dimension_numbers = #tpu.dot_dimension_numbers<[1], [0], [0], [1], [0, 0, 1, 1], [], []>, transpose_lhs_hint = false} : vector<1000x128xf32>, vector<128x64xf32>, vector<1000x64xf32> -> vector<1000x64xf32>
    %get3A_113 = arith.constant 0 : index
    %get3A_114 = arith.constant 0 : index
    %get3A_115 = vector.load %arg17[%get3A_113, %get3A_114] : memref<1x64xf32, #tpu.memory_space<vmem>>, vector<1x64xf32>
    %add3A_116 = vector.broadcast %get3A_115 : vector<1x64xf32> to vector<1000x64xf32>
    %add3A_117 = arith.addf %dot_general3A_112, %add3A_116 : vector<1000x64xf32>
    %logistic3A_118 = arith.negf %add3A_117 : vector<1000x64xf32>
    %logistic3A_119 = math.exp %logistic3A_118 : vector<1000x64xf32>
    %logistic3A_120 = arith.constant 1.000000e+00 : f32
    %logistic3A_121 = vector.broadcast %logistic3A_120 : f32 to vector<1000x64xf32>
    %logistic3A_122 = arith.addf %logistic3A_121, %logistic3A_119 : vector<1000x64xf32>
    %logistic3A_123 = arith.divf %logistic3A_121, %logistic3A_122 : vector<1000x64xf32>
    %mul3A_124 = arith.mulf %add3A_117, %logistic3A_123 : vector<1000x64xf32>
    %get3A_125 = arith.constant 0 : index
    %get3A_126 = arith.constant 0 : index
    %get3A_127 = vector.load %arg18[%get3A_125, %get3A_126] : memref<64x1xf32, #tpu.memory_space<vmem>>, vector<64x1xf32>
    %dot_general3A_128 = arith.constant dense<0.000000e+00> : vector<1000x1xf32>
    %dot_general3A_129 = tpu.matmul %mul3A_124, %get3A_127, %dot_general3A_128 {dimension_numbers = #tpu.dot_dimension_numbers<[1], [0], [0], [1], [0, 0, 1, 1], [], []>, transpose_lhs_hint = false} : vector<1000x64xf32>, vector<64x1xf32>, vector<1000x1xf32> -> vector<1000x1xf32>
    %logistic3A_130 = arith.negf %dot_general3A_129 : vector<1000x1xf32>
    %logistic3A_131 = math.exp %logistic3A_130 : vector<1000x1xf32>
    %logistic3A_132 = arith.constant 1.000000e+00 : f32
    %logistic3A_133 = vector.broadcast %logistic3A_132 : f32 to vector<1000x1xf32>
    %logistic3A_134 = arith.addf %logistic3A_133, %logistic3A_131 : vector<1000x1xf32>
    %logistic3A_135 = arith.divf %logistic3A_133, %logistic3A_134 : vector<1000x1xf32>
    %mul3A_136 = arith.constant 2.000000e+00 : f32
    %mul3A_137 = vector.broadcast %mul3A_136 : f32 to vector<1000x1xf32>
    %mul3A_138 = arith.mulf %mul3A_137, %logistic3A_135 : vector<1000x1xf32>
    %get3A_139 = arith.constant 0 : index
    %get3A_140 = arith.constant 0 : index
    %get3A_141 = vector.load %arg3[%get3A_139, %get3A_140] : memref<1000x3xf32, #tpu.memory_space<vmem>>, vector<1000x3xf32>
    %mul3A_142 = vector.broadcast %mul3A_138 : vector<1000x1xf32> to vector<1000x3xf32>
    %mul3A_143 = arith.mulf %mul3A_142, %get3A_141 : vector<1000x3xf32>
    %add3A_144 = arith.addf %mul3A_143, %mul3A_107 : vector<1000x3xf32>
    %swap3A = arith.constant 0 : index
    %swap3A_145 = arith.constant 0 : index
    %swap3A_146 = vector.load %arg19[%swap3A, %swap3A_145] : memref<1000x128xf32, #tpu.memory_space<vmem>>, vector<1000x128xf32>
    tpu.vector_store %arg19[%swap3A, %swap3A_145], %add3A_104 {strides = array<i32>} : memref<1000x128xf32, #tpu.memory_space<vmem>>, vector<1000x128xf32>,
    %get3A_147 = arith.constant 0 : index
    %get3A_148 = arith.constant 0 : index
    %get3A_149 = vector.load %arg2[%get3A_147, %get3A_148] : memref<1000x3xf32, #tpu.memory_space<vmem>>, vector<1000x3xf32>
    %add3A_150 = arith.addf %get3A_149, %add3A_144 : vector<1000x3xf32>
    %swap3A_151 = arith.constant 0 : index
    %swap3A_152 = arith.constant 0 : index
    %swap3A_153 = vector.load %arg20[%swap3A_151, %swap3A_152] : memref<1000x3xf32, #tpu.memory_space<vmem>>, vector<1000x3xf32>
    tpu.vector_store %arg20[%swap3A_151, %swap3A_152], %add3A_150 {strides = array<i32>} : memref<1000x3xf32, #tpu.memory_space<vmem>>, vector<1000x3xf32>,
    %swap3A_154 = arith.constant 0 : index
    %swap3A_155 = arith.constant 0 : index
    %swap3A_156 = vector.load %arg21[%swap3A_154, %swap3A_155] : memref<1000x3xf32, #tpu.memory_space<vmem>>, vector<1000x3xf32>
    tpu.vector_store %arg21[%swap3A_154, %swap3A_155], %add3A_144 {strides = array<i32>} : memref<1000x3xf32, #tpu.memory_space<vmem>>, vector<1000x3xf32>,
    return
  }
  func.func @transform_0(%arg0: i32) -> (i32, i32) {
    %c0_i32 = arith.constant 0 : i32
    %c0_i32_0 = arith.constant 0 : i32
    return %arg0, %c0_i32 : i32, i32
  }
  func.func @transform_1(%arg0: i32) -> (i32, i32) {
    %c0_i32 = arith.constant 0 : i32
    %c0_i32_0 = arith.constant 0 : i32
    return %arg0, %c0_i32 : i32, i32
  }
  func.func @transform_2(%arg0: i32) -> (i32, i32) {
    %c0_i32 = arith.constant 0 : i32
    %c0_i32_0 = arith.constant 0 : i32
    return %arg0, %c0_i32 : i32, i32
  }
  func.func @transform_3(%arg0: i32) -> (i32, i32) {
    %c0_i32 = arith.constant 0 : i32
    %c0_i32_0 = arith.constant 0 : i32
    return %arg0, %c0_i32 : i32, i32
  }
  func.func @transform_4(%arg0: i32) -> (i32, i32) {
    %c0_i32 = arith.constant 0 : i32
    %c0_i32_0 = arith.constant 0 : i32
    return %arg0, %c0_i32 : i32, i32
  }
  func.func @transform_5(%arg0: i32) -> (i32, i32) {
    %c0_i32 = arith.constant 0 : i32
    %c0_i32_0 = arith.constant 0 : i32
    %c0_i32_1 = arith.constant 0 : i32
    return %c0_i32, %c0_i32_0 : i32, i32
  }
  func.func @transform_6(%arg0: i32) -> (i32, i32) {
    %c0_i32 = arith.constant 0 : i32
    %c0_i32_0 = arith.constant 0 : i32
    %c0_i32_1 = arith.constant 0 : i32
    return %c0_i32, %c0_i32_0 : i32, i32
  }
  func.func @transform_7(%arg0: i32) -> (i32, i32) {
    %c0_i32 = arith.constant 0 : i32
    %c0_i32_0 = arith.constant 0 : i32
    %c0_i32_1 = arith.constant 0 : i32
    return %c0_i32, %c0_i32_0 : i32, i32
  }
  func.func @transform_8(%arg0: i32) -> (i32, i32) {
    %c0_i32 = arith.constant 0 : i32
    %c0_i32_0 = arith.constant 0 : i32
    %c0_i32_1 = arith.constant 0 : i32
    return %c0_i32, %c0_i32_0 : i32, i32
  }
  func.func @transform_9(%arg0: i32) -> (i32, i32) {
    %c0_i32 = arith.constant 0 : i32
    %c0_i32_0 = arith.constant 0 : i32
    %c0_i32_1 = arith.constant 0 : i32
    return %c0_i32, %c0_i32_0 : i32, i32
  }
  func.func @transform_10(%arg0: i32) -> (i32, i32) {
    %c0_i32 = arith.constant 0 : i32
    %c0_i32_0 = arith.constant 0 : i32
    %c0_i32_1 = arith.constant 0 : i32
    return %c0_i32, %c0_i32_0 : i32, i32
  }
  func.func @transform_11(%arg0: i32) -> (i32, i32) {
    %c0_i32 = arith.constant 0 : i32
    %c0_i32_0 = arith.constant 0 : i32
    %c0_i32_1 = arith.constant 0 : i32
    return %c0_i32, %c0_i32_0 : i32, i32
  }
  func.func @transform_12(%arg0: i32) -> (i32, i32) {
    %c0_i32 = arith.constant 0 : i32
    %c0_i32_0 = arith.constant 0 : i32
    %c0_i32_1 = arith.constant 0 : i32
    return %c0_i32, %c0_i32_0 : i32, i32
  }
  func.func @transform_13(%arg0: i32) -> (i32, i32) {
    %c0_i32 = arith.constant 0 : i32
    %c0_i32_0 = arith.constant 0 : i32
    %c0_i32_1 = arith.constant 0 : i32
    return %c0_i32, %c0_i32_0 : i32, i32
  }
  func.func @transform_14(%arg0: i32) -> (i32, i32) {
    %c0_i32 = arith.constant 0 : i32
    %c0_i32_0 = arith.constant 0 : i32
    %c0_i32_1 = arith.constant 0 : i32
    return %c0_i32, %c0_i32_0 : i32, i32
  }
  func.func @transform_15(%arg0: i32) -> (i32, i32) {
    %c0_i32 = arith.constant 0 : i32
    %c0_i32_0 = arith.constant 0 : i32
    %c0_i32_1 = arith.constant 0 : i32
    return %c0_i32, %c0_i32_0 : i32, i32
  }
  func.func @transform_16(%arg0: i32) -> (i32, i32) {
    %c0_i32 = arith.constant 0 : i32
    %c0_i32_0 = arith.constant 0 : i32
    %c0_i32_1 = arith.constant 0 : i32
    return %c0_i32, %c0_i32_0 : i32, i32
  }
  func.func @transform_17(%arg0: i32) -> (i32, i32) {
    %c0_i32 = arith.constant 0 : i32
    %c0_i32_0 = arith.constant 0 : i32
    %c0_i32_1 = arith.constant 0 : i32
    return %c0_i32, %c0_i32_0 : i32, i32
  }
  func.func @transform_18(%arg0: i32) -> (i32, i32) {
    %c0_i32 = arith.constant 0 : i32
    %c0_i32_0 = arith.constant 0 : i32
    return %arg0, %c0_i32 : i32, i32
  }
  func.func @transform_19(%arg0: i32) -> (i32, i32) {
    %c0_i32 = arith.constant 0 : i32
    %c0_i32_0 = arith.constant 0 : i32
    return %arg0, %c0_i32 : i32, i32
  }
  func.func @transform_20(%arg0: i32) -> (i32, i32) {
    %c0_i32 = arith.constant 0 : i32
    %c0_i32_0 = arith.constant 0 : i32
    return %arg0, %c0_i32 : i32, i32
  }
}

</mosaic_0001>

<sc_bundles>
// kernel: kernel.10.cloned.1.call-start
scs
__scs_entry_jumppad:
0x0: {  	(pc) =	sbr.rel $0x88, $3  }
0x1: {  	(tag) =	ssettag $0x0;
	lr =	simm.s32 $0x1  }
0x2: {  	[smem:$0x3F86] =	sst lr;
	_ =	strace $0xD0000000  }
0x3: {  	_ = 	snop  }
0x4: {  	_ = 	snop  }
0x5: {  	_ = 	snop  }
0x6: {  	_ = 	snop  }
0x7: {  	_ = 	snop  }
__scs_overlays_trampoline_lowered:
0x8: {  	[smem:$0x3F95] =	sst s0  }
0x9: {  	[smem:$0x3F96] =	sst s1  }
0xa: {  	[smem:$0x3F97] =	sst s2  }
0xb: {  	[smem:$0x3F98] =	sst s3  }
0xc: {  	[smem:$0x3F99] =	sst s4  }
0xd: {  	[smem:$0x3F9A] =	sst s5  }
0xe: {  	[smem:$0x3F9B] =	sst s6  }
0xf: {  	[smem:$0x3F9C] =	sst s7  }
0x10: {  	[smem:$0x3F9D] =	sst s8  }
0x11: {  	[smem:$0x3F9E] =	sst s9;
	s0 =	simm.s32 @!p0 $0x0  }
0x12: {  	s1 =	sld [smem:$0x3F84];
	s0 =	simm.s32 @p0 $0x1  }
0x13: {  	[smem:$0x3F9F] =	sst s0;
	s0 =	simm.s32 @!p1 $0x0  }
0x14: {  	s2 =	sld [smem:$0x3F83];
	s0 =	simm.s32 @p1 $0x1  }
0x15: {  	[smem:$0x3FA0] =	sst s0;
	s0 =	simm.s32 @!p2 $0x0  }
0x16: {  	s3 =	sld [smem:$0x3FDB];
	s0 =	simm.s32 @p2 $0x1  }
0x17: {  	s4 =	simm.s32 $0x1BF5;
	[smem:$0x3FA2] =	sst s0  }
0x18: {  	s0 =	sld [smem:$0x3F85];
	_ =	swait.ge [sflag:s4], $0x0  }
0x19: {  	s7 =	sld [smem:$0x3F86]  }
0x1a: {  	s8 =	sadd.s32 $0xFFFFE003, lr  }
0x1b: {  	s9 =	sadd.s32 $0xFFFFFEF7, lr;
	s5 =	simm.s32 $0xFFFFFFFF;
	p2 =	slt.u32 s8, $0xFFFFF086  }
0x1c: {  	p1 =	slt.u32 s9, $0xF7A;
	s5 =	simm.s32 @!p2 $0x0  }
0x1d: {  	s5 =	simm.s32 @p1 $0x1;
	p0 =	seq.s32 s7, s2  }
0x1e: {  	s7 =	smul.u32 @!p0 $0xF7A, s2;
	p2 =	seq.s32 @!p0 s5, $0x0  }
0x1f: {  	s9 =	smul.u32 $0xF7A, s1;
	s8 =	simm.s32 @!p0 $0x1BF5;
	p2 =	por !p2, p0  }
0x20: {  	[sflag:s8] =	ssyncset.s32 @!p0 $0xFFFFF086;
	s6 =	sadd.s32 @!p0 s3, s7;
	s7 =	simm.s32 @!p0 $0x108  }
0x21: {  	s3 =	sadd.s32 s3, s9;
	s6 =	sadd.s32 @!p0 $0x88, s6;
	s7 =	simm.s32 @p2 $0x1082  }
0x22: {  	[simem:s7], [sflag:s8] =	dma.local @!p0 [hbm:s6], $0xF7A  }
0x23: {  	s9 =	sor.u32 $0xD0000000, s2;
	s6 =	simm.s32 $0x108;
	_ =	swait.ge @!p0 [sflag:s8], $0x0  }
0x24: {  	s3 =	sadd.s32 $0x88, s3;
	s6 =	simm.s32 @!p1 $0x1082;
	[sflag:s4] =	ssyncset.s32 $0xFFFFF086  }
0x25: {  	[simem:s6], [sflag:s4] =	dma.local [hbm:s3], $0xF7A  }
0x26: {  	[smem:$0x3F86] =	sst s1;
	(tag) =	ssettag s2;
	_ =	strace s9  }
0x27: {  	s1 =	sld [smem:$0x3F96]  }
0x28: {  	s2 =	sld [smem:$0x3F97]  }
0x29: {  	s4 =	sld [smem:$0x3F99]  }
0x2a: {  	p0 =	seq.s32 s5, $0x0;
	s5 =	sld [smem:$0x3F9A]  }
0x2b: {  	s6 =	sld [smem:$0x3F9B]  }
0x2c: {  	s7 =	sld [smem:$0x3F9C]  }
0x2d: {  	s3 =	simm.s32 $0x108;
	s8 =	sld [smem:$0x3F9D]  }
0x2e: {  	s3 =	simm.s32 @!p0 $0x1082;
	s9 =	sld [smem:$0x3F9E]  }
0x2f: {  	lr =	sadd.s32 s0, s3;
	s0 =	sld [smem:$0x3F95]  }
0x30: {  	s3 =	sld [smem:$0x3F98]  }
0x31: {  	[smem:$0x3FA1] =	sst s10  }
0x32: {  	s10 =	sld [smem:$0x3F9F];
	_ =	sdelay $0x3  }
0x33: {  	p0 =	seq.s32 s10, $0x1;
	s10 =	sld [smem:$0x3FA1];
	_ =	sdelay $0x3  }
0x34: {  	[smem:$0x3FA1] =	sst s10  }
0x35: {  	s10 =	sld [smem:$0x3FA0];
	_ =	sdelay $0x3  }
0x36: {  	p1 =	seq.s32 s10, $0x1;
	s10 =	sld [smem:$0x3FA1];
	_ =	sdelay $0x3  }
0x37: {  	[smem:$0x3FA1] =	sst s10  }
0x38: {  	s10 =	sld [smem:$0x3FA2]  }
0x39: {  	_ = 	snop;
	(pc) =	sbr.ind lr, $3  }
0x3a: {  	_ = 	snop  }
0x3b: {  	_ = 	snop  }
0x3c: {  	p2 =	seq.s32 s10, $0x1;
	s10 =	sld [smem:$0x3FA1]  }
0x3d: {  	_ =	shalt  }
0x3e: {  	_ =	shalt  }
0x3f: {  	_ =	shalt  }
0x40: {  	_ =	shalt  }
0x41: {  	_ =	shalt  }
0x42: {  	_ =	shalt  }
0x43: {  	_ =	shalt  }
0x44: {  	_ =	shalt  }
0x45: {  	_ =	shalt  }
0x46: {  	_ =	shalt  }
0x47: {  	_ =	shalt  }
0x48: {  	_ =	shalt  }
0x49: {  	_ =	shalt  }
0x4a: {  	_ =	shalt  }
0x4b: {  	_ =	shalt  }
0x4c: {  	_ =	shalt  }
0x4d: {  	_ =	shalt  }
0x4e: {  	_ =	shalt  }
0x4f: {  	_ =	shalt  }
0x50: {  	_ =	shalt  }
0x51: {  	_ =	shalt  }
0x52: {  	_ =	shalt  }
0x53: {  	_ =	shalt  }
0x54: {  	_ =	shalt  }
0x55: {  	_ =	shalt  }
0x56: {  	_ =	shalt  }
0x57: {  	_ =	shalt  }
0x58: {  	_ =	shalt  }
0x59: {  	_ =	shalt  }
0x5a: {  	_ =	shalt  }
0x5b: {  	_ =	shalt  }
0x5c: {  	_ =	shalt  }
0x5d: {  	_ =	shalt  }
0x5e: {  	_ =	shalt  }
0x5f: {  	_ =	shalt  }
0x60: {  	_ =	shalt  }
0x61: {  	_ =	shalt  }
0x62: {  	_ =	shalt  }
0x63: {  	_ =	shalt  }
0x64: {  	_ =	shalt  }
0x65: {  	_ =	shalt  }
0x66: {  	_ =	shalt  }
0x67: {  	_ =	shalt  }
0x68: {  	_ =	shalt  }
0x69: {  	_ =	shalt  }
0x6a: {  	_ =	shalt  }
0x6b: {  	_ =	shalt  }
0x6c: {  	_ =	shalt  }
0x6d: {  	_ =	shalt  }
0x6e: {  	_ =	shalt  }
0x6f: {  	_ =	shalt  }
0x70: {  	_ =	shalt  }
0x71: {  	_ =	shalt  }
0x72: {  	_ =	shalt  }
0x73: {  	_ =	shalt  }
0x74: {  	_ =	shalt  }
0x75: {  	_ =	shalt  }
0x76: {  	_ =	shalt  }
0x77: {  	_ =	shalt  }
0x78: {  	_ =	shalt  }
0x79: {  	_ =	shalt  }
0x7a: {  	_ =	shalt  }
0x7b: {  	_ =	shalt  }
0x7c: {  	_ =	shalt  }
0x7d: {  	_ =	shalt  }
0x7e: {  	_ =	shalt  }
0x7f: {  	_ =	shalt  }
0x80: {  	_ =	shalt  }
0x81: {  	_ =	shalt  }
0x82: {  	_ =	shalt  }
0x83: {  	_ =	shalt  }
0x84: {  	_ =	shalt  }
0x85: {  	_ =	shalt  }
0x86: {  	_ =	shalt  }
0x87: {  	_ =	shalt  }
.Lfunc_end0:
.L_simem_size_0:
called_computation_lowered:
.L_overlay_start_0:
0x88: {  	s2 =	sld [smem:$0x3FD9]  }
0x89: {  	s3 =	sld [smem:$0x3FFE];
	_ =	sdelay $0x1  }
0x8a: {  	s1 =	srdreg.scid  }
0x8b: {  	s0 =	sand.u32 $0x1, s1  }
0x8c: {  	s14 =	sshll.u32 s0, $0xA;
	s2 =	sadd.s32 s3, s2  }
0x8d: {  	s2 =	sadd.s32 s2, s14  }
0x8e: {  	[smem:$0x3FAD] =	sst s2  }
0x8f: {  	_ = 	snop  }
0x90: {  	s2 =	sld [smem:$0x3FD0];
	_ =	sdelay $0x2  }
0x91: {  	s15 =	simm.s32 $0xA;
	s4 =	simm.s32 $0x10  }
0x92: {  	[smem:s4], [sflag:s15] =	dma.local [hbm:s2], $0x1  }
0x93: {  	_ =	swait.eq [sflag:s15], $0x1  }
0x94: {  	[sflag:s15] =	ssyncset.done $0x0  }
0x95: {  	[sflag:s15] =	ssyncadd.s32 $0xFFFFFFFF  }
0x96: {  	s16 =	sld [smem:$0x10];
	(tm) =	ssettm $0x1  }
0x97: {  	s17 =	sld [smem:$0x3FFB];
	_ =	sdelay $0x3  }
0x98: {  	_ =	strace s17  }
0x99: {  	s3 =	sld [smem:$0x3FFC];
	_ =	sdelay $0x3  }
0x9a: {  	_ =	strace s3  }
0x9b: {  	s3 =	sld [smem:$0x3FFD];
	_ =	sdelay $0x3  }
0x9c: {  	_ =	strace s3  }
0x9d: {  	_ =	strace $0x8FFFFFFF  }
0x9e: {  	s18 =	sld [smem:$0x3FDB];
	_ =	sdelay $0x1  }
0x9f: {  	s19 =	simm.s32 $_scs_section_size  }
0xa0: {  	s5 =	simm.s32 $_size__tile_overlayer_lowered;
	s6 =	simm.s32 $_tile_overlayer_lowered  }
0xa1: {  	s22 =	simm.s32 $0x1BFF;
	s21 =	sshll.u32 s6, $0x1;
	s3 =	sadd.s32 s19, s18  }
0xa2: {  	s7 =	simm.s32 $0x0;
	s20 =	sshll.u32 s5, $0x1;
	s5 =	sadd.s32 s21, s3  }
0xa3: {  	[timem:s7], [sflag:s22] =	dma.local [hbm:s5], s20  }
0xa4: {  	_ =	swait.ge [sflag:s22], s20  }
0xa5: {  	s4 =	ssub.s32 $0x0, s20;
	[sflag:s22] =	ssyncset.done $0x0  }
0xa6: {  	[sflag:s22] =	ssyncadd.s32 s4;
	_ =	sdelay $0x1  }
0xa7: {  	s23 =	simm.s32 $0x1B8B  }
0xa8: {  	_ =	swait.ge [sflag:s23], $0x1  }
0xa9: {  	[sflag:s23] =	ssyncset.done $0x0  }
0xaa: {  	s25 =	simm.s32 $0x1B8E;
	s24 =	sld [smem:$0x3FFE];
	[sflag:s23] =	ssyncadd.s32 $0xFFFFFFFF  }
0xab: {  	s26 =	simm.s32 $execute0_lowered;
	[smem:$0x3FD2] =	sst s25  }
0xac: {  	s5 =	sshll.u32 s26, $0x1;
	_ =	strace $0x80000046;
	[dreg:$0x1] =	wrdreg $0xFFFFFFFF  }
0xad: {  	s28 =	simm.s32 $_size_execute0_lowered;
	s3 =	sadd.s32 s3, s5;
	[dreg:$0x0] =	wrdreg $0x0  }
0xae: {  	s5 =	sshll.u32 s28, $0x1;
	[dreg:$0x2] =	wrdreg s3  }
0xaf: {  	[dreg:$0x3] =	wrdreg s5  }
0xb0: {  	[dreg:$0x4] =	wrdreg $0xC0  }
0xb1: {  	_ =	task [dreg:s7], $0x5FFFF  }
0xb2: {  	[dreg:$0x1] =	wrdreg $0xFFFFFFFF  }
0xb3: {  	[dreg:$0x0] =	wrdreg $0x60  }
0xb4: {  	[dreg:$0x2] =	wrdreg s24  }
0xb5: {  	[dreg:$0x3] =	wrdreg s16  }
0xb6: {  	[dreg:$0x4] =	wrdreg $0x9  }
0xb7: {  	_ =	task.clear_ibuf [dreg:s7], $0x5FFFF;
	_ =	strace $0x90000046  }
0xb8: {  	s29 =	simm.s32 $0x9;
	_ =	strace $0x80000048  }
0xb9: {  	_ =	swait.ge [sflag:s29], $0x1  }
0xba: {  	[sflag:s29] =	ssyncadd.s32 $0xFFFFFFFF  }
0xbb: {  	_ =	strace $0x90000048  }
0xbc: {  	_ =	sfence  }
0xbd: {  	s30 =	sld [smem:$0x0];
	_ =	sdelay $0x2  }
0xbe: {  	s31 =	sshll.u32 s1, $0xD;
	s1 =	sshrl.u32 s1, $0x2  }
0xbf: {  	s3 =	sand.u32 $0x4000, s31;
	s1 =	sadd.s32 s1, s30  }
0xc0: {  	s0 =	sor.u32 s3, s0;
	s1 =	sshll.u32 s1, $0x11  }
0xc1: {  	s0 =	sor.u32 s1, s0  }
0xc2: {  	s0 =	sadd.s32 $0x8F2B, s0  }
0xc3: {  	[sflag:s0] =	ssyncadd.remote.s32 $0x1  }
0xc4: {  	_ =	sfence.sel $0xFFFF  }
0xc5: {  	[dreg:$0x0] =	wrdreg $0xFFFFFFFF;
	(pc) =	sbr.abs _section_cstart, $3  }
0xc6: {  	[dreg:$0x1] =	wrdreg $0xFFFFFFFF  }
0xc7: {  	_ =	task.clear_ibuf [dreg:s7], $0x2FFFF;
	_ =	strace $0x9FFFFFFF  }
0xc8: {  	(tm) =	ssettm $0x7FFFFFFF  }
0xc9: {  	_ =	shalt  }
tec
execute0_lowered:
.L_overlay_start_1:
0x0: {  	(tag) =	ssettag $0x1  }
0x1: {  	s7 =	rddreg [dreg:$0x0]  }
0x2: {  	s10 =	rddreg [dreg:$0x1]  }
0x3: {  	s0 =	stileid.u32;
	s3 =	srdreg.scid  }
0x4: {  	s1 =	rddreg [dreg:$0x2];
	s2 =	simm.s32 $0x0;
	s14 =	simm.s32 $0x80  }
0x5: {  	s15 =	simm.s32 $0x2800;
	s16 =	simm.s32 $0x6800;
	s17 =	simm.s32 $0xA800  }
0x6: {  	s18 =	simm.s32 $0xE800;
	s19 =	simm.s32 $0x1;
	s20 =	simm.s32 $0x3  }
0x7: {  	s21 =	simm.s32 $0x2;
	s22 =	simm.s32 $0x4;
	s23 =	simm.s32 $0x0  }
0x8: {  	s4 =	smul.u32 $0x1400, s0;
	s8 =	sand.u32 $0x1, s3;
	[smem:$0x7FF] =	sst s2  }
0x9: {  	s5 =	sadd.s32 $0x2DE00, s7;
	s6 =	sadd.s32 $0x5A600, s7;
	p0 =	seq.s32 s8, $0x0  }
0xa: {  	_ =	strace $0x80000047;
	s8 =	ssub.s32 $0x2, s8;
	s3 =	sadd.s32 $0x14000, s4  }
0xb: {  	s31 =	sshrl.u32 s8, $0x1;
	s3 =	smov.u32 @p0 s4;
	s4 =	sadd.s32 $0x6600, s7  }
0xc: {  	s13 =	ssub.s32 s8, s31;
	s11 =	sshrl.u32 s3, $0x3;
	s9 =	sshll.u32 s3, $0x4  }
0xd: {  	s12 =	sadd.s32 s11, s7;
	s9 =	sadd.s32 s9, s6;
	s7 =	sadd.s32 $0xFFFFFF80, s3  }
0xe: {  	s10 =	sadd.s32 s10, s11;
	s8 =	sadd.s32 $0x13800, s9;
	s9 =	smax.u32 s13, $0x1  }
0xf: {  	s11 =	sadd.s32 $0x55600, s12;
	s12 =	simm.s32 $0x5;
	s13 =	simm.s32 $0x1400  }
.LBB2_1:
0x10: {  	[tilespmem:s2], [sflag:$0x5] =	stream.linear.gather [hbm4b:s10+s2], $0x1400, $0x38;
	[tilespmem:$0x12800] =	vst v63  }
0x11: {  	_ =	swait.ge [sflag:s12], $0x1400  }
0x12: {  	[sflag:s12] =	ssyncset.done $0x0  }
0x13: {  	[sflag:s12] =	ssyncadd.s32 $0xFFFFEC00  }
0x14: {  	[tilespmem:s13], [sflag:$0x5] =	stream.linear.gather [hbm4b:s11+s2], $0x1400, $0x38;
	[tilespmem:$0x12800] =	vst v63  }
0x15: {  	_ =	swait.ge [sflag:s12], $0x1400  }
0x16: {  	[sflag:s12] =	ssyncset.done $0x0  }
0x17: {  	s24 =	simm.s32 $0x0;
	[sflag:s12] =	ssyncadd.s32 $0xFFFFEC00  }
.LBB2_2:
0x18: {  	p0 =	seq.s32 s24, $0x0  }
0x19: {  	s25 =	simm.s32 @!p0 $0x3  }
0x1a: {  	_ =	swait.ge @!p0 [sflag:s25], $0x4000  }
.Ltmp0:
0x1b: {  	[sflag:s25] =	ssyncset.done @!p0 $0x0;
	(pc) =	sbr.rel @p0 .LBB2_6-.Ltmp0, $4  }
0x1c: {  	[sflag:s25] =	ssyncadd.s32 @!p0 $0xFFFFC000;
	s25 =	sshll.u32 s24, $0x8  }
0x1d: {  	[tilespmem:s15], [sflag:$0x1] =	stream.indirect.gather [hbm4b:s4+s14], $0x80, s25, s14, $0xb8;
	[tilespmem:$0x12800] =	vst v63  }
0x1e: {  	s26 =	sadd.s32 $0x1400, s25  }
0x1f: {  	[tilespmem:s16], [sflag:$0x1] =	stream.indirect.gather [hbm4b:s5+s14], $0x80, s26, s14, $0xb8;
	[tilespmem:$0x12800] =	vst v63  }
0x20: {  	_ =	swait.ge [sflag:s21], $0x4000  }
0x21: {  	[sflag:s21] =	ssyncset.done $0x0  }
0x22: {  	[sflag:s21] =	ssyncadd.s32 $0xFFFFC000  }
0x23: {  	_ =	swait.ge [sflag:s21], $0x4000  }
0x24: {  	[sflag:s21] =	ssyncset.done $0x0  }
0x25: {  	s26 =	simm.s32 $0x0;
	[sflag:s21] =	ssyncadd.s32 $0xFFFFC000  }
0x26: {  	v5 =	vld [tilespmem:s26+$0xE800]  }
0x27: {  	v4 =	vld [tilespmem:s26+$0xE810]  }
0x28: {  	v3 =	vld [tilespmem:s26+$0xE820]  }
0x29: {  	v2 =	vld [tilespmem:s26+$0xE830]  }
0x2a: {  	v1 =	vld [tilespmem:s26+$0xE840]  }
0x2b: {  	v0 =	vld [tilespmem:s26+$0xE850]  }
0x2c: {  	v10 =	vld [tilespmem:s26+$0xA800]  }
0x2d: {  	v9 =	vld [tilespmem:s26+$0xA810]  }
0x2e: {  	v8 =	vld [tilespmem:s26+$0xA820]  }
0x2f: {  	v7 =	vld [tilespmem:s26+$0xA830]  }
0x30: {  	s28 =	simm.s32 $0x200;
	v6 =	vld [tilespmem:s26+$0xA840]  }
.LBB2_4:
0x31: {  	s29 =	sshra.s32 s28, $0x2;
	p0 =	sne.s32 s28, $0xFE00;
	v10 =	vadd.f32 v5, v10;
	v11 =	vld [tilespmem:s26+$0xA850]  }
0x32: {  	v5 =	vld [tilespmem:s29+$0xE800];
	v9 =	vadd.f32 v4, v9  }
0x33: {  	v4 =	vld [tilespmem:s29+$0xE810];
	[tilespmem:s26+$0xA800] =	vst v10;
	v8 =	vadd.f32 v3, v8  }
0x34: {  	v3 =	vld [tilespmem:s29+$0xE820];
	[tilespmem:s26+$0xA810] =	vst v9;
	v7 =	vadd.f32 v2, v7  }
0x35: {  	v2 =	vld [tilespmem:s29+$0xE830];
	[tilespmem:s26+$0xA820] =	vst v8;
	v6 =	vadd.f32 v1, v6  }
0x36: {  	v1 =	vld [tilespmem:s29+$0xE840];
	[tilespmem:s26+$0xA830] =	vst v7;
	v7 =	vadd.f32 v0, v11  }
0x37: {  	v0 =	vld [tilespmem:s29+$0xE850];
	[tilespmem:s26+$0xA840] =	vst v6  }
.Ltmp1:
0x38: {  	v10 =	vld [tilespmem:s29+$0xA800];
	[tilespmem:s26+$0xA850] =	vst v7;
	s26 =	smov.u32 s29;
	(pc) =	sbr.rel @p0 .LBB2_4-.Ltmp1, $4  }
0x39: {  	v9 =	vld [tilespmem:s26+$0xA810]  }
0x3a: {  	v8 =	vld [tilespmem:s26+$0xA820]  }
0x3b: {  	v7 =	vld [tilespmem:s26+$0xA830]  }
0x3c: {  	s28 =	sadd.s32 $0x200, s28;
	v6 =	vld [tilespmem:s26+$0xA840]  }
0x3d: {  	v5 =	vadd.f32 v5, v10;
	v63 =	vld [tilespmem:s26+$0xA850]  }
0x3e: {  	v4 =	vadd.f32 v4, v9  }
0x3f: {  	[tilespmem:s26+$0xA800] =	vst v5;
	v3 =	vadd.f32 v3, v8  }
0x40: {  	[tilespmem:s26+$0xA810] =	vst v4;
	v2 =	vadd.f32 v2, v7  }
0x41: {  	[tilespmem:s26+$0xA820] =	vst v3;
	v1 =	vadd.f32 v1, v6  }
0x42: {  	s28 =	sadd.s32 s25, s7;
	[tilespmem:s26+$0xA830] =	vst v2;
	v0 =	vadd.f32 v0, v63  }
0x43: {  	s28 =	sshll.u32 s28, $0x4;
	[tilespmem:s26+$0xA840] =	vst v1  }
0x44: {  	s31 =	sadd.s32 s6, s28;
	[tilespmem:s26+$0xA850] =	vst v0  }
0x45: {  	[hbm4b:s31+s2] =	stream.linear.scatter [tilespmem:s17], [sflag:$0x4], $0x4000, $0x38;
	[tilespmem:$0x12800] =	vst v63  }
0x46: {  	_ =	swait.ge [sflag:s22], $0x4000  }
0x47: {  	[sflag:s22] =	ssyncset.done $0x0  }
0x48: {  	[sflag:s22] =	ssyncadd.s32 $0xFFFFC000  }
.LBB2_6:
0x49: {  	s26 =	sor.u32 $0x80, s25  }
0x4a: {  	[tilespmem:s17], [sflag:$0x2] =	stream.indirect.gather [hbm4b:s4+s14], $0x80, s26, s14, $0xb8;
	[tilespmem:$0x12800] =	vst v63  }
0x4b: {  	s31 =	sadd.s32 $0x1480, s25  }
0x4c: {  	[tilespmem:s18], [sflag:$0x2] =	stream.indirect.gather [hbm4b:s5+s14], $0x80, s31, s14, $0xb8;
	[tilespmem:$0x12800] =	vst v63  }
0x4d: {  	_ =	swait.ge [sflag:s19], $0x4000  }
0x4e: {  	[sflag:s19] =	ssyncset.done $0x0  }
0x4f: {  	[sflag:s19] =	ssyncadd.s32 $0xFFFFC000  }
0x50: {  	_ =	swait.ge [sflag:s19], $0x4000  }
0x51: {  	[sflag:s19] =	ssyncset.done $0x0  }
0x52: {  	s26 =	simm.s32 $0x0;
	[sflag:s19] =	ssyncadd.s32 $0xFFFFC000  }
0x53: {  	v5 =	vld [tilespmem:s26+$0x6800]  }
0x54: {  	v4 =	vld [tilespmem:s26+$0x6810]  }
0x55: {  	v3 =	vld [tilespmem:s26+$0x6820]  }
0x56: {  	v2 =	vld [tilespmem:s26+$0x6830]  }
0x57: {  	v1 =	vld [tilespmem:s26+$0x6840]  }
0x58: {  	v0 =	vld [tilespmem:s26+$0x6850]  }
0x59: {  	v10 =	vld [tilespmem:s26+$0x2800]  }
0x5a: {  	v9 =	vld [tilespmem:s26+$0x2810]  }
0x5b: {  	v8 =	vld [tilespmem:s26+$0x2820]  }
0x5c: {  	v7 =	vld [tilespmem:s26+$0x2830]  }
0x5d: {  	s28 =	simm.s32 $0x200;
	v6 =	vld [tilespmem:s26+$0x2840]  }
.LBB2_7:
0x5e: {  	s29 =	sshra.s32 s28, $0x2;
	p0 =	sne.s32 s28, $0xFE00;
	v10 =	vadd.f32 v5, v10;
	v11 =	vld [tilespmem:s26+$0x2850]  }
0x5f: {  	v5 =	vld [tilespmem:s29+$0x6800];
	v9 =	vadd.f32 v4, v9  }
0x60: {  	v4 =	vld [tilespmem:s29+$0x6810];
	[tilespmem:s26+$0x2800] =	vst v10;
	v8 =	vadd.f32 v3, v8  }
0x61: {  	v3 =	vld [tilespmem:s29+$0x6820];
	[tilespmem:s26+$0x2810] =	vst v9;
	v7 =	vadd.f32 v2, v7  }
0x62: {  	v2 =	vld [tilespmem:s29+$0x6830];
	[tilespmem:s26+$0x2820] =	vst v8;
	v6 =	vadd.f32 v1, v6  }
0x63: {  	v1 =	vld [tilespmem:s29+$0x6840];
	[tilespmem:s26+$0x2830] =	vst v7;
	v7 =	vadd.f32 v0, v11  }
0x64: {  	v0 =	vld [tilespmem:s29+$0x6850];
	[tilespmem:s26+$0x2840] =	vst v6  }
.Ltmp2:
0x65: {  	v10 =	vld [tilespmem:s29+$0x2800];
	[tilespmem:s26+$0x2850] =	vst v7;
	s26 =	smov.u32 s29;
	(pc) =	sbr.rel @p0 .LBB2_7-.Ltmp2, $4  }
0x66: {  	v9 =	vld [tilespmem:s26+$0x2810]  }
0x67: {  	v8 =	vld [tilespmem:s26+$0x2820]  }
0x68: {  	v7 =	vld [tilespmem:s26+$0x2830]  }
0x69: {  	s28 =	sadd.s32 $0x200, s28;
	v6 =	vld [tilespmem:s26+$0x2840]  }
0x6a: {  	v5 =	vadd.f32 v5, v10;
	v63 =	vld [tilespmem:s26+$0x2850]  }
0x6b: {  	v4 =	vadd.f32 v4, v9  }
0x6c: {  	s24 =	sadd.s32 $0x1, s24;
	[tilespmem:s26+$0x2800] =	vst v5;
	v3 =	vadd.f32 v3, v8  }
0x6d: {  	p0 =	sne.s32 s24, $0x14;
	[tilespmem:s26+$0x2810] =	vst v4;
	v2 =	vadd.f32 v2, v7  }
.Ltmp3:
0x6e: {  	[tilespmem:s26+$0x2820] =	vst v3;
	v1 =	vadd.f32 v1, v6;
	(pc) =	sbr.rel @p0 .LBB2_2-.Ltmp3, $4  }
0x6f: {  	s25 =	sadd.s32 s3, s25;
	[tilespmem:s26+$0x2830] =	vst v2;
	v0 =	vadd.f32 v0, v63  }
0x70: {  	s25 =	sshll.u32 s25, $0x4;
	[tilespmem:s26+$0x2840] =	vst v1  }
0x71: {  	s25 =	sadd.s32 s6, s25;
	[tilespmem:s26+$0x2850] =	vst v0  }
0x72: {  	[hbm4b:s25+s2] =	stream.linear.scatter [tilespmem:s15], [sflag:$0x3], $0x4000, $0x38;
	[tilespmem:$0x12800] =	vst v63  }
0x73: {  	_ =	swait.ge [sflag:s20], $0x4000  }
0x74: {  	[sflag:s20] =	ssyncset.done $0x0  }
0x75: {  	[sflag:s20] =	ssyncadd.s32 $0xFFFFC000  }
0x76: {  	_ =	swait.ge [sflag:s21], $0x4000  }
0x77: {  	[sflag:s21] =	ssyncset.done $0x0  }
0x78: {  	[sflag:s21] =	ssyncadd.s32 $0xFFFFC000  }
0x79: {  	_ =	swait.ge [sflag:s21], $0x4000  }
0x7a: {  	[sflag:s21] =	ssyncset.done $0x0  }
0x7b: {  	s24 =	simm.s32 $0x0;
	[sflag:s21] =	ssyncadd.s32 $0xFFFFC000  }
0x7c: {  	v5 =	vld [tilespmem:s24+$0xE800]  }
0x7d: {  	v4 =	vld [tilespmem:s24+$0xE810]  }
0x7e: {  	v3 =	vld [tilespmem:s24+$0xE820]  }
0x7f: {  	v2 =	vld [tilespmem:s24+$0xE830]  }
0x80: {  	v1 =	vld [tilespmem:s24+$0xE840]  }
0x81: {  	v0 =	vld [tilespmem:s24+$0xE850]  }
0x82: {  	v10 =	vld [tilespmem:s24+$0xA800]  }
0x83: {  	v9 =	vld [tilespmem:s24+$0xA810]  }
0x84: {  	v8 =	vld [tilespmem:s24+$0xA820]  }
0x85: {  	v7 =	vld [tilespmem:s24+$0xA830]  }
0x86: {  	s25 =	simm.s32 $0x200;
	v6 =	vld [tilespmem:s24+$0xA840]  }
.LBB2_10:
0x87: {  	s26 =	sshra.s32 s25, $0x2;
	p0 =	sne.s32 s25, $0xFE00;
	v10 =	vadd.f32 v5, v10;
	v11 =	vld [tilespmem:s24+$0xA850]  }
0x88: {  	v5 =	vld [tilespmem:s26+$0xE800];
	v9 =	vadd.f32 v4, v9  }
0x89: {  	v4 =	vld [tilespmem:s26+$0xE810];
	[tilespmem:s24+$0xA800] =	vst v10;
	v8 =	vadd.f32 v3, v8  }
0x8a: {  	v3 =	vld [tilespmem:s26+$0xE820];
	[tilespmem:s24+$0xA810] =	vst v9;
	v7 =	vadd.f32 v2, v7  }
0x8b: {  	v2 =	vld [tilespmem:s26+$0xE830];
	[tilespmem:s24+$0xA820] =	vst v8;
	v6 =	vadd.f32 v1, v6  }
0x8c: {  	v1 =	vld [tilespmem:s26+$0xE840];
	[tilespmem:s24+$0xA830] =	vst v7;
	v7 =	vadd.f32 v0, v11  }
0x8d: {  	v0 =	vld [tilespmem:s26+$0xE850];
	[tilespmem:s24+$0xA840] =	vst v6  }
.Ltmp4:
0x8e: {  	v10 =	vld [tilespmem:s26+$0xA800];
	[tilespmem:s24+$0xA850] =	vst v7;
	s24 =	smov.u32 s26;
	(pc) =	sbr.rel @p0 .LBB2_10-.Ltmp4, $4  }
0x8f: {  	v9 =	vld [tilespmem:s24+$0xA810]  }
0x90: {  	v8 =	vld [tilespmem:s24+$0xA820]  }
0x91: {  	v7 =	vld [tilespmem:s24+$0xA830]  }
0x92: {  	s25 =	sadd.s32 $0x200, s25;
	v6 =	vld [tilespmem:s24+$0xA840]  }
0x93: {  	v5 =	vadd.f32 v5, v10;
	v63 =	vld [tilespmem:s24+$0xA850]  }
0x94: {  	v4 =	vadd.f32 v4, v9  }
0x95: {  	[tilespmem:s24+$0xA800] =	vst v5;
	v3 =	vadd.f32 v3, v8  }
0x96: {  	[tilespmem:s24+$0xA810] =	vst v4;
	v2 =	vadd.f32 v2, v7  }
0x97: {  	[tilespmem:s24+$0xA820] =	vst v3;
	v1 =	vadd.f32 v1, v6  }
0x98: {  	s23 =	sadd.s32 $0x1, s23;
	[tilespmem:s24+$0xA830] =	vst v2;
	v0 =	vadd.f32 v0, v63  }
0x99: {  	p0 =	sne.s32 s23, s9;
	[tilespmem:s24+$0xA840] =	vst v1  }
.Ltmp5:
0x9a: {  	[tilespmem:s24+$0xA850] =	vst v0;
	(pc) =	sbr.rel @p0 .LBB2_1-.Ltmp5, $4  }
0x9b: {  	[hbm4b:s8+s2] =	stream.linear.scatter [tilespmem:s17], [sflag:$0x4], $0x4000, $0x38;
	[tilespmem:$0x12800] =	vst v63  }
0x9c: {  	_ =	swait.ge [sflag:s22], $0x4000  }
0x9d: {  	[sflag:s22] =	ssyncset.done $0x0  }
0x9e: {  	[sflag:s22] =	ssyncadd.s32 $0xFFFFC000  }
0x9f: {  	_ =	sfence.sel $0x180000  }
0xa0: {  	[bflag:$0x0] =	sbarrier.arrive $0xFFFF  }
0xa1: {  	p0 =	sne.s32 s0, $0x0;
	_ =	strace $0x90000047  }
0xa2: {  	s0 =	sadd.s32 @!p0 $0x100000, s1;
	[bflag:$0x2] =	sbarrier.arrive $0xFFFF  }
0xa3: {  	[sflag:s0] =	ssyncadd.tile.s32 @!p0 $0x1;
	_ =	shalt  }
.Lfunc_end2:
_tile_overlayer_lowered:
.L_overlay_start_2:
0xa4: {  	(tag) =	ssettag $0x2  }
0xa5: {  	s0 =	rddreg [dreg:$0x0];
	s2 =	stileid.u32  }
0xa6: {  	s1 =	rddreg [dreg:$0x1];
	p0 =	sne.s32 s2, $0x0  }
0xa7: {  	s3 =	rddreg [dreg:$0x2];
	[bflag:$0x3] =	sbarrier.arrive $0xFFFF;
	s2 =	simm.s32 @!p0 $0x1C05  }
0xa8: {  	[timem:s3], [sflag:s2] =	dma.local @!p0 [hbm:s0], s1  }
0xa9: {  	s0 =	simm.s32 @!p0 $0x5  }
0xaa: {  	_ =	swait.ge @!p0 [sflag:s0], s1  }
0xab: {  	s1 =	ssub.s32 @!p0 $0x0, s1;
	[sflag:s0] =	ssyncset.done @!p0 $0x0  }
0xac: {  	[sflag:s0] =	ssyncadd.s32 @!p0 s1  }
0xad: {  	[bflag:$0x3] =	sbarrier.arrive $0xFFFF  }
0xae: {  	_ =	shalt  }

// kernel: kernel.13.cloned.1.call-start
scs
__scs_entry_jumppad:
0x0: {  	(pc) =	sbr.rel $0x88, $3  }
0x1: {  	(tag) =	ssettag $0x0;
	lr =	simm.s32 $0x1  }
0x2: {  	[smem:$0x3F86] =	sst lr;
	_ =	strace $0xD0000000  }
0x3: {  	_ = 	snop  }
0x4: {  	_ = 	snop  }
0x5: {  	_ = 	snop  }
0x6: {  	_ = 	snop  }
0x7: {  	_ = 	snop  }
__scs_overlays_trampoline_lowered:
0x8: {  	[smem:$0x3F95] =	sst s0  }
0x9: {  	[smem:$0x3F96] =	sst s1  }
0xa: {  	[smem:$0x3F97] =	sst s2  }
0xb: {  	[smem:$0x3F98] =	sst s3  }
0xc: {  	[smem:$0x3F99] =	sst s4  }
0xd: {  	[smem:$0x3F9A] =	sst s5  }
0xe: {  	[smem:$0x3F9B] =	sst s6  }
0xf: {  	[smem:$0x3F9C] =	sst s7  }
0x10: {  	[smem:$0x3F9D] =	sst s8  }
0x11: {  	[smem:$0x3F9E] =	sst s9;
	s0 =	simm.s32 @!p0 $0x0  }
0x12: {  	s1 =	sld [smem:$0x3F84];
	s0 =	simm.s32 @p0 $0x1  }
0x13: {  	[smem:$0x3F9F] =	sst s0;
	s0 =	simm.s32 @!p1 $0x0  }
0x14: {  	s2 =	sld [smem:$0x3F83];
	s0 =	simm.s32 @p1 $0x1  }
0x15: {  	[smem:$0x3FA0] =	sst s0;
	s0 =	simm.s32 @!p2 $0x0  }
0x16: {  	s3 =	sld [smem:$0x3FDB];
	s0 =	simm.s32 @p2 $0x1  }
0x17: {  	s4 =	simm.s32 $0x1BF5;
	[smem:$0x3FA2] =	sst s0  }
0x18: {  	s0 =	sld [smem:$0x3F85];
	_ =	swait.ge [sflag:s4], $0x0  }
0x19: {  	s7 =	sld [smem:$0x3F86]  }
0x1a: {  	s8 =	sadd.s32 $0xFFFFE003, lr  }
0x1b: {  	s9 =	sadd.s32 $0xFFFFFEF7, lr;
	s5 =	simm.s32 $0xFFFFFFFF;
	p2 =	slt.u32 s8, $0xFFFFF086  }
0x1c: {  	p1 =	slt.u32 s9, $0xF7A;
	s5 =	simm.s32 @!p2 $0x0  }
0x1d: {  	s5 =	simm.s32 @p1 $0x1;
	p0 =	seq.s32 s7, s2  }
0x1e: {  	s7 =	smul.u32 @!p0 $0xF7A, s2;
	p2 =	seq.s32 @!p0 s5, $0x0  }
0x1f: {  	s9 =	smul.u32 $0xF7A, s1;
	s8 =	simm.s32 @!p0 $0x1BF5;
	p2 =	por !p2, p0  }
0x20: {  	[sflag:s8] =	ssyncset.s32 @!p0 $0xFFFFF086;
	s6 =	sadd.s32 @!p0 s3, s7;
	s7 =	simm.s32 @!p0 $0x108  }
0x21: {  	s3 =	sadd.s32 s3, s9;
	s6 =	sadd.s32 @!p0 $0x88, s6;
	s7 =	simm.s32 @p2 $0x1082  }
0x22: {  	[simem:s7], [sflag:s8] =	dma.local @!p0 [hbm:s6], $0xF7A  }
0x23: {  	s9 =	sor.u32 $0xD0000000, s2;
	s6 =	simm.s32 $0x108;
	_ =	swait.ge @!p0 [sflag:s8], $0x0  }
0x24: {  	s3 =	sadd.s32 $0x88, s3;
	s6 =	simm.s32 @!p1 $0x1082;
	[sflag:s4] =	ssyncset.s32 $0xFFFFF086  }
0x25: {  	[simem:s6], [sflag:s4] =	dma.local [hbm:s3], $0xF7A  }
0x26: {  	[smem:$0x3F86] =	sst s1;
	(tag) =	ssettag s2;
	_ =	strace s9  }
0x27: {  	s1 =	sld [smem:$0x3F96]  }
0x28: {  	s2 =	sld [smem:$0x3F97]  }
0x29: {  	s4 =	sld [smem:$0x3F99]  }
0x2a: {  	p0 =	seq.s32 s5, $0x0;
	s5 =	sld [smem:$0x3F9A]  }
0x2b: {  	s6 =	sld [smem:$0x3F9B]  }
0x2c: {  	s7 =	sld [smem:$0x3F9C]  }
0x2d: {  	s3 =	simm.s32 $0x108;
	s8 =	sld [smem:$0x3F9D]  }
0x2e: {  	s3 =	simm.s32 @!p0 $0x1082;
	s9 =	sld [smem:$0x3F9E]  }
0x2f: {  	lr =	sadd.s32 s0, s3;
	s0 =	sld [smem:$0x3F95]  }
0x30: {  	s3 =	sld [smem:$0x3F98]  }
0x31: {  	[smem:$0x3FA1] =	sst s10  }
0x32: {  	s10 =	sld [smem:$0x3F9F];
	_ =	sdelay $0x3  }
0x33: {  	p0 =	seq.s32 s10, $0x1;
	s10 =	sld [smem:$0x3FA1];
	_ =	sdelay $0x3  }
0x34: {  	[smem:$0x3FA1] =	sst s10  }
0x35: {  	s10 =	sld [smem:$0x3FA0];
	_ =	sdelay $0x3  }
0x36: {  	p1 =	seq.s32 s10, $0x1;
	s10 =	sld [smem:$0x3FA1];
	_ =	sdelay $0x3  }
0x37: {  	[smem:$0x3FA1] =	sst s10  }
0x38: {  	s10 =	sld [smem:$0x3FA2]  }
0x39: {  	_ = 	snop;
	(pc) =	sbr.ind lr, $3  }
0x3a: {  	_ = 	snop  }
0x3b: {  	_ = 	snop  }
0x3c: {  	p2 =	seq.s32 s10, $0x1;
	s10 =	sld [smem:$0x3FA1]  }
0x3d: {  	_ =	shalt  }
0x3e: {  	_ =	shalt  }
0x3f: {  	_ =	shalt  }
0x40: {  	_ =	shalt  }
0x41: {  	_ =	shalt  }
0x42: {  	_ =	shalt  }
0x43: {  	_ =	shalt  }
0x44: {  	_ =	shalt  }
0x45: {  	_ =	shalt  }
0x46: {  	_ =	shalt  }
0x47: {  	_ =	shalt  }
0x48: {  	_ =	shalt  }
0x49: {  	_ =	shalt  }
0x4a: {  	_ =	shalt  }
0x4b: {  	_ =	shalt  }
0x4c: {  	_ =	shalt  }
0x4d: {  	_ =	shalt  }
0x4e: {  	_ =	shalt  }
0x4f: {  	_ =	shalt  }
0x50: {  	_ =	shalt  }
0x51: {  	_ =	shalt  }
0x52: {  	_ =	shalt  }
0x53: {  	_ =	shalt  }
0x54: {  	_ =	shalt  }
0x55: {  	_ =	shalt  }
0x56: {  	_ =	shalt  }
0x57: {  	_ =	shalt  }
0x58: {  	_ =	shalt  }
0x59: {  	_ =	shalt  }
0x5a: {  	_ =	shalt  }
0x5b: {  	_ =	shalt  }
0x5c: {  	_ =	shalt  }
0x5d: {  	_ =	shalt  }
0x5e: {  	_ =	shalt  }
0x5f: {  	_ =	shalt  }
0x60: {  	_ =	shalt  }
0x61: {  	_ =	shalt  }
0x62: {  	_ =	shalt  }
0x63: {  	_ =	shalt  }
0x64: {  	_ =	shalt  }
0x65: {  	_ =	shalt  }
0x66: {  	_ =	shalt  }
0x67: {  	_ =	shalt  }
0x68: {  	_ =	shalt  }
0x69: {  	_ =	shalt  }
0x6a: {  	_ =	shalt  }
0x6b: {  	_ =	shalt  }
0x6c: {  	_ =	shalt  }
0x6d: {  	_ =	shalt  }
0x6e: {  	_ =	shalt  }
0x6f: {  	_ =	shalt  }
0x70: {  	_ =	shalt  }
0x71: {  	_ =	shalt  }
0x72: {  	_ =	shalt  }
0x73: {  	_ =	shalt  }
0x74: {  	_ =	shalt  }
0x75: {  	_ =	shalt  }
0x76: {  	_ =	shalt  }
0x77: {  	_ =	shalt  }
0x78: {  	_ =	shalt  }
0x79: {  	_ =	shalt  }
0x7a: {  	_ =	shalt  }
0x7b: {  	_ =	shalt  }
0x7c: {  	_ =	shalt  }
0x7d: {  	_ =	shalt  }
0x7e: {  	_ =	shalt  }
0x7f: {  	_ =	shalt  }
0x80: {  	_ =	shalt  }
0x81: {  	_ =	shalt  }
0x82: {  	_ =	shalt  }
0x83: {  	_ =	shalt  }
0x84: {  	_ =	shalt  }
0x85: {  	_ =	shalt  }
0x86: {  	_ =	shalt  }
0x87: {  	_ =	shalt  }
.Lfunc_end0:
.L_simem_size_0:
called_computation.1_lowered:
.L_overlay_start_0:
0x88: {  	s0 =	sld [smem:$0x3FD9]  }
0x89: {  	s1 =	sld [smem:$0x3FFE];
	_ =	sdelay $0x3  }
0x8a: {  	s0 =	sadd.s32 s1, s0  }
0x8b: {  	[smem:$0x3FAD] =	sst s0  }
0x8c: {  	_ = 	snop  }
0x8d: {  	s0 =	sld [smem:$0x3FD0];
	_ =	sdelay $0x2  }
0x8e: {  	s13 =	simm.s32 $0xA;
	s2 =	simm.s32 $0x10  }
0x8f: {  	[smem:s2], [sflag:s13] =	dma.local [hbm:s0], $0x1  }
0x90: {  	_ =	swait.eq [sflag:s13], $0x1  }
0x91: {  	[sflag:s13] =	ssyncset.done $0x0  }
0x92: {  	[sflag:s13] =	ssyncadd.s32 $0xFFFFFFFF  }
0x93: {  	s14 =	sld [smem:$0x10];
	(tm) =	ssettm $0x1  }
0x94: {  	s15 =	sld [smem:$0x3FFB];
	_ =	sdelay $0x3  }
0x95: {  	_ =	strace s15  }
0x96: {  	s1 =	sld [smem:$0x3FFC];
	_ =	sdelay $0x3  }
0x97: {  	_ =	strace s1  }
0x98: {  	s1 =	sld [smem:$0x3FFD];
	_ =	sdelay $0x3  }
0x99: {  	_ =	strace s1  }
0x9a: {  	_ =	strace $0x8FFFFFFF  }
0x9b: {  	s16 =	sld [smem:$0x3FDB];
	_ =	sdelay $0x1  }
0x9c: {  	s17 =	simm.s32 $_scs_section_size  }
0x9d: {  	s3 =	simm.s32 $_size__tile_overlayer_lowered;
	s4 =	simm.s32 $_tile_overlayer_lowered  }
0x9e: {  	s20 =	simm.s32 $0x1BFF;
	s19 =	sshll.u32 s4, $0x1;
	s1 =	sadd.s32 s17, s16  }
0x9f: {  	s5 =	simm.s32 $0x0;
	s18 =	sshll.u32 s3, $0x1;
	s3 =	sadd.s32 s19, s1  }
0xa0: {  	[timem:s5], [sflag:s20] =	dma.local [hbm:s3], s18  }
0xa1: {  	_ =	swait.ge [sflag:s20], s18  }
0xa2: {  	s2 =	ssub.s32 $0x0, s18;
	[sflag:s20] =	ssyncset.done $0x0  }
0xa3: {  	[sflag:s20] =	ssyncadd.s32 s2;
	_ =	sdelay $0x1  }
0xa4: {  	s21 =	simm.s32 $0x1B8B  }
0xa5: {  	_ =	swait.ge [sflag:s21], $0x1  }
0xa6: {  	[sflag:s21] =	ssyncset.done $0x0  }
0xa7: {  	s23 =	simm.s32 $0x1B8E;
	s22 =	sld [smem:$0x3FFE];
	[sflag:s21] =	ssyncadd.s32 $0xFFFFFFFF  }
0xa8: {  	s24 =	simm.s32 $execute0_lowered;
	[smem:$0x3FD2] =	sst s23  }
0xa9: {  	s3 =	sshll.u32 s24, $0x1;
	_ =	strace $0x80000049;
	[dreg:$0x1] =	wrdreg $0xFFFFFFFF  }
0xaa: {  	s25 =	simm.s32 $_size_execute0_lowered;
	s1 =	sadd.s32 s1, s3;
	[dreg:$0x0] =	wrdreg $0x0  }
0xab: {  	s3 =	sshll.u32 s25, $0x1;
	[dreg:$0x2] =	wrdreg s1  }
0xac: {  	[dreg:$0x3] =	wrdreg s3  }
0xad: {  	[dreg:$0x4] =	wrdreg $0xC0  }
0xae: {  	_ =	task [dreg:s5], $0x5FFFF  }
0xaf: {  	[dreg:$0x1] =	wrdreg $0xFFFFFFFF  }
0xb0: {  	[dreg:$0x0] =	wrdreg $0x60  }
0xb1: {  	[dreg:$0x2] =	wrdreg s22  }
0xb2: {  	[dreg:$0x3] =	wrdreg s14  }
0xb3: {  	[dreg:$0x4] =	wrdreg $0x81000  }
0xb4: {  	[dreg:$0x5] =	wrdreg $0x9  }
0xb5: {  	_ =	task.clear_ibuf [dreg:s5], $0x6FFFF;
	_ =	strace $0x90000049  }
0xb6: {  	s26 =	simm.s32 $0x9;
	_ =	strace $0x8000004B  }
0xb7: {  	_ =	swait.ge [sflag:s26], $0x1  }
0xb8: {  	[sflag:s26] =	ssyncadd.s32 $0xFFFFFFFF  }
0xb9: {  	_ =	strace $0x9000004B  }
0xba: {  	_ =	sfence  }
0xbb: {  	s28 =	sld [smem:$0x0];
	_ =	sdelay $0x1  }
0xbc: {  	s29 =	srdreg.scid  }
0xbd: {  	s30 =	sshll.u32 s29, $0xD;
	s31 =	sshrl.u32 s29, $0x2  }
0xbe: {  	s2 =	sand.u32 $0x4000, s30;
	s1 =	sand.u32 $0x1, s29;
	s0 =	sadd.s32 s31, s28  }
0xbf: {  	s1 =	sor.u32 s2, s1;
	s0 =	sshll.u32 s0, $0x11  }
0xc0: {  	s0 =	sor.u32 s0, s1  }
0xc1: {  	s0 =	sadd.s32 $0x8F2B, s0  }
0xc2: {  	[sflag:s0] =	ssyncadd.remote.s32 $0x1  }
0xc3: {  	_ =	sfence.sel $0xFFFF  }
0xc4: {  	[dreg:$0x0] =	wrdreg $0xFFFFFFFF;
	(pc) =	sbr.abs _section_cstart, $3  }
0xc5: {  	[dreg:$0x1] =	wrdreg $0xFFFFFFFF  }
0xc6: {  	_ =	task.clear_ibuf [dreg:s5], $0x2FFFF;
	_ =	strace $0x9FFFFFFF  }
0xc7: {  	(tm) =	ssettm $0x7FFFFFFF  }
tec
execute0_lowered:
.L_overlay_start_1:
0x0: {  	(tag) =	ssettag $0x1  }
0x1: {  	s11 =	rddreg [dreg:$0x0]  }
0x2: {  	s6 =	rddreg [dreg:$0x1];
	s1 =	stileid.u32  }
0x3: {  	s2 =	rddreg [dreg:$0x2];
	s4 =	smul.u32 $0x4F000, s1  }
0x4: {  	s0 =	rddreg [dreg:$0x3];
	s8 =	simm.s32 $0x0;
	s3 =	smul.u32 $0x2780, s1  }
0x5: {  	[smem:$0x7FF] =	sst s8;
	s30 =	sshll.u32 s1, $0x6;
	s4 =	sshrl.u32 s4, $0x2  }
0x6: {  	_ =	strace $0x8000004A;
	s5 =	sadd.s32 s3, s11;
	s7 =	sadd.s32 s4, s2  }
0x7: {  	s9 =	sadd.s32 $0x6600, s5;
	s4 =	sor.u32 $0x1C03, s30;
	s5 =	sshrl.u32 s7, $0x3  }
0x8: {  	[spmem:s5], [sflag:s4] =	dma.local [hbm:s9], $0x2780  }
0x9: {  	s9 =	simm.s32 $0x3  }
0xa: {  	s10 =	smul.u32 $0x2800, s1;
	_ =	swait.ge [sflag:s9], $0x2780  }
0xb: {  	[sflag:s9] =	ssyncset.done $0x0  }
0xc: {  	s13 =	smul.u32 $0x28000, s1;
	s12 =	sshrl.u32 s10, $0x3;
	[sflag:s9] =	ssyncadd.s32 $0xFFFFD880  }
0xd: {  	s31 =	smul.u32 $0x500, s1;
	s12 =	sadd.s32 s6, s12;
	[bflag:$0x0] =	sbarrier.arrive $0xFFFF  }
0xe: {  	[tilespmem:s8], [sflag:$0x1] =	stream.linear.gather [hbm4b:s12+s8], $0x80, $0x38;
	[tilespmem:$0x1BD00] =	vst v63  }
0xf: {  	s7 =	sadd.s32 $0x7DA600, s11;
	s12 =	sadd.s32 s31, s6  }
0x10: {  	s15 =	sadd.s32 s7, s13;
	s13 =	simm.s32 $0x100;
	s18 =	sadd.s32 $0x20, s12  }
0x11: {  	[tilespmem:s13], [sflag:$0x1] =	stream.linear.gather [hbm4b:s15+s8], $0x4000, $0x38;
	[tilespmem:$0x1BD00] =	vst v63  }
0x12: {  	s19 =	sadd.s32 $0x0, s15;
	s12 =	simm.s32 $0x80;
	s14 =	sadd.s32 $0xFFFFFFF0, s18  }
0x13: {  	[tilespmem:s12], [sflag:$0x2] =	stream.linear.gather [hbm4b:s14+s8], $0x80, $0x38;
	[tilespmem:$0x1BD00] =	vst v63  }
0x14: {  	s16 =	simm.s32 $0x1;
	s17 =	sadd.s32 $0x800, s19;
	s14 =	simm.s32 $0x4100  }
0x15: {  	[tilespmem:s14], [sflag:$0x2] =	stream.linear.gather [hbm4b:s17+s8], $0x4000, $0x38;
	[tilespmem:$0x1BD00] =	vst v63  }
0x16: {  	_ =	swait.ge [sflag:s16], $0x80  }
0x17: {  	[sflag:s16] =	ssyncset.done $0x0  }
0x18: {  	[sflag:s16] =	ssyncadd.s32 $0xFFFFFF80  }
0x19: {  	_ =	swait.ge [sflag:s16], $0x4000  }
0x1a: {  	[sflag:s16] =	ssyncset.done $0x0  }
0x1b: {  	[sflag:s16] =	ssyncadd.s32 $0xFFFFC000  }
0x1c: {  	[spmem:s2] =	stream.indirect.scatter.add.f32 [tilespmem:s13], [sflag:$0x3], $0x80, s8, s12, $0xb8;
	[tilespmem:$0x1BD00] =	vst v63  }
0x1d: {  	_ =	swait.ge [sflag:s9], $0x4000  }
0x1e: {  	[sflag:s9] =	ssyncset.done $0x0  }
0x1f: {  	[sflag:s9] =	ssyncadd.s32 $0xFFFFC000  }
0x20: {  	[tilespmem:s8], [sflag:$0x1] =	stream.linear.gather [hbm4b:s18+s8], $0x80, $0x38;
	[tilespmem:$0x1BD00] =	vst v63  }
0x21: {  	s19 =	sadd.s32 $0x1000, s19;
	s17 =	simm.s32 $0x2  }
0x22: {  	[tilespmem:s13], [sflag:$0x1] =	stream.linear.gather [hbm4b:s19+s8], $0x4000, $0x38;
	[tilespmem:$0x1BD00] =	vst v63  }
0x23: {  	_ =	swait.ge [sflag:s17], $0x80  }
0x24: {  	[sflag:s17] =	ssyncset.done $0x0  }
0x25: {  	[sflag:s17] =	ssyncadd.s32 $0xFFFFFF80  }
0x26: {  	_ =	swait.ge [sflag:s17], $0x4000  }
0x27: {  	[sflag:s17] =	ssyncset.done $0x0  }
0x28: {  	[sflag:s17] =	ssyncadd.s32 $0xFFFFC000  }
0x29: {  	[spmem:s2] =	stream.indirect.scatter.add.f32 [tilespmem:s14], [sflag:$0x3], $0x80, s12, s12, $0xb8;
	[tilespmem:$0x1BD00] =	vst v63  }
0x2a: {  	s20 =	simm.s32 $0x2000;
	s11 =	sadd.s32 $0x2DE00, s11;
	_ =	swait.ge [sflag:s9], $0x4000  }
0x2b: {  	s18 =	sadd.s32 $0x20, s18;
	s19 =	simm.s32 $0x1000;
	[sflag:s9] =	ssyncset.done $0x0  }
.LBB2_1:
0x2c: {  	s21 =	sadd.s32 $0xFFFFFFF0, s18  }
0x2d: {  	s22 =	sadd.s32 s19, s15;
	[sflag:s9] =	ssyncadd.s32 $0xFFFFC000;
	s19 =	smov.u32 s20  }
0x2e: {  	[tilespmem:s12], [sflag:$0x2] =	stream.linear.gather [hbm4b:s21+s8], $0x80, $0x38;
	[tilespmem:$0x1BD00] =	vst v63  }
0x2f: {  	p0 =	sne.s32 s20, $0x26000;
	s20 =	sadd.s32 $0x1000, s20;
	s21 =	sadd.s32 $0x800, s22  }
0x30: {  	[tilespmem:s14], [sflag:$0x2] =	stream.linear.gather [hbm4b:s21+s8], $0x4000, $0x38;
	[tilespmem:$0x1BD00] =	vst v63  }
0x31: {  	_ =	swait.ge [sflag:s16], $0x80  }
0x32: {  	[sflag:s16] =	ssyncset.done $0x0  }
0x33: {  	[sflag:s16] =	ssyncadd.s32 $0xFFFFFF80  }
0x34: {  	_ =	swait.ge [sflag:s16], $0x4000  }
0x35: {  	[sflag:s16] =	ssyncset.done $0x0  }
0x36: {  	[sflag:s16] =	ssyncadd.s32 $0xFFFFC000  }
0x37: {  	[spmem:s2] =	stream.indirect.scatter.add.f32 [tilespmem:s13], [sflag:$0x3], $0x80, s8, s12, $0xb8;
	[tilespmem:$0x1BD00] =	vst v63  }
0x38: {  	_ =	swait.ge [sflag:s9], $0x4000  }
0x39: {  	[sflag:s9] =	ssyncset.done $0x0  }
0x3a: {  	[sflag:s9] =	ssyncadd.s32 $0xFFFFC000  }
0x3b: {  	[tilespmem:s8], [sflag:$0x1] =	stream.linear.gather [hbm4b:s18+s8], $0x80, $0x38;
	[tilespmem:$0x1BD00] =	vst v63  }
0x3c: {  	s21 =	sadd.s32 $0x1000, s22  }
0x3d: {  	[tilespmem:s13], [sflag:$0x1] =	stream.linear.gather [hbm4b:s21+s8], $0x4000, $0x38;
	[tilespmem:$0x1BD00] =	vst v63  }
0x3e: {  	_ =	swait.ge [sflag:s17], $0x80  }
0x3f: {  	[sflag:s17] =	ssyncset.done $0x0  }
0x40: {  	[sflag:s17] =	ssyncadd.s32 $0xFFFFFF80  }
0x41: {  	_ =	swait.ge [sflag:s17], $0x4000  }
.Ltmp0:
0x42: {  	[sflag:s17] =	ssyncset.done $0x0;
	(pc) =	sbr.rel @p0 .LBB2_1-.Ltmp0, $4  }
0x43: {  	[sflag:s17] =	ssyncadd.s32 $0xFFFFC000  }
0x44: {  	[spmem:s2] =	stream.indirect.scatter.add.f32 [tilespmem:s14], [sflag:$0x3], $0x80, s12, s12, $0xb8;
	[tilespmem:$0x1BD00] =	vst v63  }
0x45: {  	_ =	swait.ge [sflag:s9], $0x4000  }
0x46: {  	s18 =	sadd.s32 $0x20, s18;
	[sflag:s9] =	ssyncset.done $0x0  }
0x47: {  	s20 =	sadd.s32 $0xFFFFFFF0, s18;
	s15 =	sadd.s32 s19, s15;
	[sflag:s9] =	ssyncadd.s32 $0xFFFFC000  }
0x48: {  	[tilespmem:s12], [sflag:$0x2] =	stream.linear.gather [hbm4b:s20+s8], $0x80, $0x38;
	[tilespmem:$0x1BD00] =	vst v63  }
0x49: {  	s19 =	sadd.s32 $0x800, s15  }
0x4a: {  	[tilespmem:s14], [sflag:$0x2] =	stream.linear.gather [hbm4b:s19+s8], $0x4000, $0x38;
	[tilespmem:$0x1BD00] =	vst v63  }
0x4b: {  	_ =	swait.ge [sflag:s16], $0x80  }
0x4c: {  	[sflag:s16] =	ssyncset.done $0x0  }
0x4d: {  	[sflag:s16] =	ssyncadd.s32 $0xFFFFFF80  }
0x4e: {  	_ =	swait.ge [sflag:s16], $0x4000  }
0x4f: {  	[sflag:s16] =	ssyncset.done $0x0  }
0x50: {  	[sflag:s16] =	ssyncadd.s32 $0xFFFFC000  }
0x51: {  	[spmem:s2] =	stream.indirect.scatter.add.f32 [tilespmem:s13], [sflag:$0x3], $0x80, s8, s12, $0xb8;
	[tilespmem:$0x1BD00] =	vst v63  }
0x52: {  	_ =	swait.ge [sflag:s9], $0x4000  }
0x53: {  	[sflag:s9] =	ssyncset.done $0x0  }
0x54: {  	[sflag:s9] =	ssyncadd.s32 $0xFFFFC000  }
0x55: {  	[tilespmem:s8], [sflag:$0x1] =	stream.linear.gather [hbm4b:s18+s8], $0x80, $0x38;
	[tilespmem:$0x1BD00] =	vst v63  }
0x56: {  	s15 =	sadd.s32 $0x1000, s15  }
0x57: {  	[tilespmem:s13], [sflag:$0x1] =	stream.linear.gather [hbm4b:s15+s8], $0x4000, $0x38;
	[tilespmem:$0x1BD00] =	vst v63  }
0x58: {  	_ =	swait.ge [sflag:s17], $0x80  }
0x59: {  	[sflag:s17] =	ssyncset.done $0x0  }
0x5a: {  	[sflag:s17] =	ssyncadd.s32 $0xFFFFFF80  }
0x5b: {  	_ =	swait.ge [sflag:s17], $0x4000  }
0x5c: {  	[sflag:s17] =	ssyncset.done $0x0  }
0x5d: {  	[sflag:s17] =	ssyncadd.s32 $0xFFFFC000  }
0x5e: {  	[spmem:s2] =	stream.indirect.scatter.add.f32 [tilespmem:s14], [sflag:$0x3], $0x80, s12, s12, $0xb8;
	[tilespmem:$0x1BD00] =	vst v63  }
0x5f: {  	s22 =	simm.s32 $0x0;
	s20 =	sadd.s32 $0x2780, s10;
	_ =	swait.ge [sflag:s9], $0x4000  }
0x60: {  	s23 =	simm.s32 $0x80;
	s21 =	sshrl.u32 s20, $0x3;
	[sflag:s9] =	ssyncset.done $0x0  }
0x61: {  	s24 =	sshll.u32 s20, $0x4;
	s6 =	sadd.s32 s6, s21;
	[sflag:s9] =	ssyncadd.s32 $0xFFFFC000  }
0x62: {  	[tilespmem:s23], [sflag:$0x2] =	stream.linear.gather [hbm4b:s6+s22], $0x80, $0x38;
	[tilespmem:$0x1BD00] =	vst v63  }
0x63: {  	s25 =	simm.s32 $0x4100;
	s26 =	simm.s32 $0x1;
	s6 =	sadd.s32 s7, s24  }
0x64: {  	[tilespmem:s25], [sflag:$0x2] =	stream.linear.gather [hbm4b:s6+s22], $0x4000, $0x38;
	[tilespmem:$0x1BD00] =	vst v63  }
0x65: {  	_ =	swait.ge [sflag:s26], $0x80  }
0x66: {  	[sflag:s26] =	ssyncset.done $0x0  }
0x67: {  	[sflag:s26] =	ssyncadd.s32 $0xFFFFFF80  }
0x68: {  	_ =	swait.ge [sflag:s26], $0x4000  }
0x69: {  	[sflag:s26] =	ssyncset.done $0x0  }
0x6a: {  	s28 =	simm.s32 $0x100;
	s29 =	simm.s32 $0x3;
	[sflag:s26] =	ssyncadd.s32 $0xFFFFC000  }
0x6b: {  	[spmem:s2] =	stream.indirect.scatter.add.f32 [tilespmem:s28], [sflag:$0x3], $0x80, s22, s23, $0xb8;
	[tilespmem:$0x1BD00] =	vst v63  }
0x6c: {  	_ =	swait.ge [sflag:s29], $0x4000  }
0x6d: {  	[sflag:s29] =	ssyncset.done $0x0  }
0x6e: {  	s30 =	simm.s32 $0x2;
	[sflag:s29] =	ssyncadd.s32 $0xFFFFC000  }
0x6f: {  	_ =	swait.ge [sflag:s30], $0x80  }
0x70: {  	[sflag:s30] =	ssyncset.done $0x0  }
0x71: {  	[sflag:s30] =	ssyncadd.s32 $0xFFFFFF80  }
0x72: {  	_ =	swait.ge [sflag:s30], $0x4000  }
0x73: {  	[sflag:s30] =	ssyncset.done $0x0  }
0x74: {  	[sflag:s30] =	ssyncadd.s32 $0xFFFFC000  }
0x75: {  	[spmem:s2] =	stream.indirect.scatter.add.f32 [tilespmem:s25], [sflag:$0x3], $0x80, s23, s23, $0xb8;
	[tilespmem:$0x1BD00] =	vst v63  }
0x76: {  	_ =	swait.ge [sflag:s29], $0x4000  }
0x77: {  	[sflag:s29] =	ssyncset.done $0x0  }
0x78: {  	[sflag:s29] =	ssyncadd.s32 $0xFFFFC000  }
0x79: {  	s31 =	sadd.s32 s11, s3;
	[bflag:$0x0] =	sbarrier.arrive $0xFFFF  }
0x7a: {  	[hbm:s31], [sflag:s4] =	dma.local [spmem:s5], $0x2780  }
0x7b: {  	_ =	swait.ge [sflag:s29], $0x2780  }
0x7c: {  	[sflag:s29] =	ssyncset.done $0x0  }
0x7d: {  	[sflag:s29] =	ssyncadd.s32 $0xFFFFD880  }
0x7e: {  	_ =	sfence.sel $0x180000  }
0x7f: {  	[bflag:$0x0] =	sbarrier.arrive $0xFFFF  }
0x80: {  	p0 =	sne.s32 s1, $0x0;
	_ =	strace $0x9000004A  }
0x81: {  	s0 =	sadd.s32 @!p0 $0x100000, s0;
	[bflag:$0x2] =	sbarrier.arrive $0xFFFF  }
0x82: {  	[sflag:s0] =	ssyncadd.tile.s32 @!p0 $0x1;
	_ =	shalt  }
.Lfunc_end2:
_tile_overlayer_lowered:
.L_overlay_start_2:
0x83: {  	(tag) =	ssettag $0x2  }
0x84: {  	s0 =	rddreg [dreg:$0x0];
	s2 =	stileid.u32  }
0x85: {  	s1 =	rddreg [dreg:$0x1];
	p0 =	sne.s32 s2, $0x0  }
0x86: {  	s3 =	rddreg [dreg:$0x2];
	[bflag:$0x3] =	sbarrier.arrive $0xFFFF;
	s2 =	simm.s32 @!p0 $0x1C03  }
0x87: {  	[timem:s3], [sflag:s2] =	dma.local @!p0 [hbm:s0], s1  }
0x88: {  	s0 =	simm.s32 @!p0 $0x3  }
0x89: {  	_ =	swait.ge @!p0 [sflag:s0], s1  }
0x8a: {  	s1 =	ssub.s32 @!p0 $0x0, s1;
	[sflag:s0] =	ssyncset.done @!p0 $0x0  }
0x8b: {  	[sflag:s0] =	ssyncadd.s32 @!p0 s1  }
0x8c: {  	[bflag:$0x3] =	sbarrier.arrive $0xFFFF  }
0x8d: {  	_ =	shalt  }

// kernel: kernel.16.cloned.1.call-start
scs
__scs_entry_jumppad:
0x0: {  	(pc) =	sbr.rel $0x88, $3  }
0x1: {  	(tag) =	ssettag $0x0;
	lr =	simm.s32 $0x1  }
0x2: {  	[smem:$0x3F86] =	sst lr;
	_ =	strace $0xD0000000  }
0x3: {  	_ = 	snop  }
0x4: {  	_ = 	snop  }
0x5: {  	_ = 	snop  }
0x6: {  	_ = 	snop  }
0x7: {  	_ = 	snop  }
__scs_overlays_trampoline_lowered:
0x8: {  	[smem:$0x3F95] =	sst s0  }
0x9: {  	[smem:$0x3F96] =	sst s1  }
0xa: {  	[smem:$0x3F97] =	sst s2  }
0xb: {  	[smem:$0x3F98] =	sst s3  }
0xc: {  	[smem:$0x3F99] =	sst s4  }
0xd: {  	[smem:$0x3F9A] =	sst s5  }
0xe: {  	[smem:$0x3F9B] =	sst s6  }
0xf: {  	[smem:$0x3F9C] =	sst s7  }
0x10: {  	[smem:$0x3F9D] =	sst s8  }
0x11: {  	[smem:$0x3F9E] =	sst s9;
	s0 =	simm.s32 @!p0 $0x0  }
0x12: {  	s1 =	sld [smem:$0x3F84];
	s0 =	simm.s32 @p0 $0x1  }
0x13: {  	[smem:$0x3F9F] =	sst s0;
	s0 =	simm.s32 @!p1 $0x0  }
0x14: {  	s2 =	sld [smem:$0x3F83];
	s0 =	simm.s32 @p1 $0x1  }
0x15: {  	[smem:$0x3FA0] =	sst s0;
	s0 =	simm.s32 @!p2 $0x0  }
0x16: {  	s3 =	sld [smem:$0x3FDB];
	s0 =	simm.s32 @p2 $0x1  }
0x17: {  	s4 =	simm.s32 $0x1BF5;
	[smem:$0x3FA2] =	sst s0  }
0x18: {  	s0 =	sld [smem:$0x3F85];
	_ =	swait.ge [sflag:s4], $0x0  }
0x19: {  	s7 =	sld [smem:$0x3F86]  }
0x1a: {  	s8 =	sadd.s32 $0xFFFFE003, lr  }
0x1b: {  	s9 =	sadd.s32 $0xFFFFFEF7, lr;
	s5 =	simm.s32 $0xFFFFFFFF;
	p2 =	slt.u32 s8, $0xFFFFF086  }
0x1c: {  	p1 =	slt.u32 s9, $0xF7A;
	s5 =	simm.s32 @!p2 $0x0  }
0x1d: {  	s5 =	simm.s32 @p1 $0x1;
	p0 =	seq.s32 s7, s2  }
0x1e: {  	s7 =	smul.u32 @!p0 $0xF7A, s2;
	p2 =	seq.s32 @!p0 s5, $0x0  }
0x1f: {  	s9 =	smul.u32 $0xF7A, s1;
	s8 =	simm.s32 @!p0 $0x1BF5;
	p2 =	por !p2, p0  }
0x20: {  	[sflag:s8] =	ssyncset.s32 @!p0 $0xFFFFF086;
	s6 =	sadd.s32 @!p0 s3, s7;
	s7 =	simm.s32 @!p0 $0x108  }
0x21: {  	s3 =	sadd.s32 s3, s9;
	s6 =	sadd.s32 @!p0 $0x88, s6;
	s7 =	simm.s32 @p2 $0x1082  }
0x22: {  	[simem:s7], [sflag:s8] =	dma.local @!p0 [hbm:s6], $0xF7A  }
0x23: {  	s9 =	sor.u32 $0xD0000000, s2;
	s6 =	simm.s32 $0x108;
	_ =	swait.ge @!p0 [sflag:s8], $0x0  }
0x24: {  	s3 =	sadd.s32 $0x88, s3;
	s6 =	simm.s32 @!p1 $0x1082;
	[sflag:s4] =	ssyncset.s32 $0xFFFFF086  }
0x25: {  	[simem:s6], [sflag:s4] =	dma.local [hbm:s3], $0xF7A  }
0x26: {  	[smem:$0x3F86] =	sst s1;
	(tag) =	ssettag s2;
	_ =	strace s9  }
0x27: {  	s1 =	sld [smem:$0x3F96]  }
0x28: {  	s2 =	sld [smem:$0x3F97]  }
0x29: {  	s4 =	sld [smem:$0x3F99]  }
0x2a: {  	p0 =	seq.s32 s5, $0x0;
	s5 =	sld [smem:$0x3F9A]  }
0x2b: {  	s6 =	sld [smem:$0x3F9B]  }
0x2c: {  	s7 =	sld [smem:$0x3F9C]  }
0x2d: {  	s3 =	simm.s32 $0x108;
	s8 =	sld [smem:$0x3F9D]  }
0x2e: {  	s3 =	simm.s32 @!p0 $0x1082;
	s9 =	sld [smem:$0x3F9E]  }
0x2f: {  	lr =	sadd.s32 s0, s3;
	s0 =	sld [smem:$0x3F95]  }
0x30: {  	s3 =	sld [smem:$0x3F98]  }
0x31: {  	[smem:$0x3FA1] =	sst s10  }
0x32: {  	s10 =	sld [smem:$0x3F9F];
	_ =	sdelay $0x3  }
0x33: {  	p0 =	seq.s32 s10, $0x1;
	s10 =	sld [smem:$0x3FA1];
	_ =	sdelay $0x3  }
0x34: {  	[smem:$0x3FA1] =	sst s10  }
0x35: {  	s10 =	sld [smem:$0x3FA0];
	_ =	sdelay $0x3  }
0x36: {  	p1 =	seq.s32 s10, $0x1;
	s10 =	sld [smem:$0x3FA1];
	_ =	sdelay $0x3  }
0x37: {  	[smem:$0x3FA1] =	sst s10  }
0x38: {  	s10 =	sld [smem:$0x3FA2]  }
0x39: {  	_ = 	snop;
	(pc) =	sbr.ind lr, $3  }
0x3a: {  	_ = 	snop  }
0x3b: {  	_ = 	snop  }
0x3c: {  	p2 =	seq.s32 s10, $0x1;
	s10 =	sld [smem:$0x3FA1]  }
0x3d: {  	_ =	shalt  }
0x3e: {  	_ =	shalt  }
0x3f: {  	_ =	shalt  }
0x40: {  	_ =	shalt  }
0x41: {  	_ =	shalt  }
0x42: {  	_ =	shalt  }
0x43: {  	_ =	shalt  }
0x44: {  	_ =	shalt  }
0x45: {  	_ =	shalt  }
0x46: {  	_ =	shalt  }
0x47: {  	_ =	shalt  }
0x48: {  	_ =	shalt  }
0x49: {  	_ =	shalt  }
0x4a: {  	_ =	shalt  }
0x4b: {  	_ =	shalt  }
0x4c: {  	_ =	shalt  }
0x4d: {  	_ =	shalt  }
0x4e: {  	_ =	shalt  }
0x4f: {  	_ =	shalt  }
0x50: {  	_ =	shalt  }
0x51: {  	_ =	shalt  }
0x52: {  	_ =	shalt  }
0x53: {  	_ =	shalt  }
0x54: {  	_ =	shalt  }
0x55: {  	_ =	shalt  }
0x56: {  	_ =	shalt  }
0x57: {  	_ =	shalt  }
0x58: {  	_ =	shalt  }
0x59: {  	_ =	shalt  }
0x5a: {  	_ =	shalt  }
0x5b: {  	_ =	shalt  }
0x5c: {  	_ =	shalt  }
0x5d: {  	_ =	shalt  }
0x5e: {  	_ =	shalt  }
0x5f: {  	_ =	shalt  }
0x60: {  	_ =	shalt  }
0x61: {  	_ =	shalt  }
0x62: {  	_ =	shalt  }
0x63: {  	_ =	shalt  }
0x64: {  	_ =	shalt  }
0x65: {  	_ =	shalt  }
0x66: {  	_ =	shalt  }
0x67: {  	_ =	shalt  }
0x68: {  	_ =	shalt  }
0x69: {  	_ =	shalt  }
0x6a: {  	_ =	shalt  }
0x6b: {  	_ =	shalt  }
0x6c: {  	_ =	shalt  }
0x6d: {  	_ =	shalt  }
0x6e: {  	_ =	shalt  }
0x6f: {  	_ =	shalt  }
0x70: {  	_ =	shalt  }
0x71: {  	_ =	shalt  }
0x72: {  	_ =	shalt  }
0x73: {  	_ =	shalt  }
0x74: {  	_ =	shalt  }
0x75: {  	_ =	shalt  }
0x76: {  	_ =	shalt  }
0x77: {  	_ =	shalt  }
0x78: {  	_ =	shalt  }
0x79: {  	_ =	shalt  }
0x7a: {  	_ =	shalt  }
0x7b: {  	_ =	shalt  }
0x7c: {  	_ =	shalt  }
0x7d: {  	_ =	shalt  }
0x7e: {  	_ =	shalt  }
0x7f: {  	_ =	shalt  }
0x80: {  	_ =	shalt  }
0x81: {  	_ =	shalt  }
0x82: {  	_ =	shalt  }
0x83: {  	_ =	shalt  }
0x84: {  	_ =	shalt  }
0x85: {  	_ =	shalt  }
0x86: {  	_ =	shalt  }
0x87: {  	_ =	shalt  }
.Lfunc_end0:
.L_simem_size_0:
called_computation.2_lowered:
.L_overlay_start_0:
0x88: {  	s2 =	sld [smem:$0x3FD9]  }
0x89: {  	s3 =	sld [smem:$0x3FFE];
	_ =	sdelay $0x1  }
0x8a: {  	s1 =	srdreg.scid  }
0x8b: {  	s0 =	sand.u32 $0x1, s1  }
0x8c: {  	s14 =	sshll.u32 s0, $0xA;
	s2 =	sadd.s32 s3, s2  }
0x8d: {  	s2 =	sadd.s32 s2, s14  }
0x8e: {  	[smem:$0x3FAD] =	sst s2  }
0x8f: {  	_ = 	snop  }
0x90: {  	s2 =	sld [smem:$0x3FD0];
	_ =	sdelay $0x2  }
0x91: {  	s15 =	simm.s32 $0xA;
	s4 =	simm.s32 $0x10  }
0x92: {  	[smem:s4], [sflag:s15] =	dma.local [hbm:s2], $0x1  }
0x93: {  	_ =	swait.eq [sflag:s15], $0x1  }
0x94: {  	[sflag:s15] =	ssyncset.done $0x0  }
0x95: {  	[sflag:s15] =	ssyncadd.s32 $0xFFFFFFFF  }
0x96: {  	s16 =	sld [smem:$0x10];
	(tm) =	ssettm $0x1  }
0x97: {  	s17 =	sld [smem:$0x3FFB];
	_ =	sdelay $0x3  }
0x98: {  	_ =	strace s17  }
0x99: {  	s3 =	sld [smem:$0x3FFC];
	_ =	sdelay $0x3  }
0x9a: {  	_ =	strace s3  }
0x9b: {  	s3 =	sld [smem:$0x3FFD];
	_ =	sdelay $0x3  }
0x9c: {  	_ =	strace s3  }
0x9d: {  	_ =	strace $0x8FFFFFFF  }
0x9e: {  	s18 =	sld [smem:$0x3FDB];
	_ =	sdelay $0x1  }
0x9f: {  	s19 =	simm.s32 $_scs_section_size  }
0xa0: {  	s5 =	simm.s32 $_size__tile_overlayer_lowered;
	s6 =	simm.s32 $_tile_overlayer_lowered  }
0xa1: {  	s22 =	simm.s32 $0x1BFF;
	s21 =	sshll.u32 s6, $0x1;
	s3 =	sadd.s32 s19, s18  }
0xa2: {  	s7 =	simm.s32 $0x0;
	s20 =	sshll.u32 s5, $0x1;
	s5 =	sadd.s32 s21, s3  }
0xa3: {  	[timem:s7], [sflag:s22] =	dma.local [hbm:s5], s20  }
0xa4: {  	_ =	swait.ge [sflag:s22], s20  }
0xa5: {  	s4 =	ssub.s32 $0x0, s20;
	[sflag:s22] =	ssyncset.done $0x0  }
0xa6: {  	[sflag:s22] =	ssyncadd.s32 s4;
	_ =	sdelay $0x1  }
0xa7: {  	s23 =	simm.s32 $0x1B8B  }
0xa8: {  	_ =	swait.ge [sflag:s23], $0x1  }
0xa9: {  	[sflag:s23] =	ssyncset.done $0x0  }
0xaa: {  	s25 =	simm.s32 $0x1B8E;
	s24 =	sld [smem:$0x3FFE];
	[sflag:s23] =	ssyncadd.s32 $0xFFFFFFFF  }
0xab: {  	s26 =	simm.s32 $execute0_lowered;
	[smem:$0x3FD2] =	sst s25  }
0xac: {  	s5 =	sshll.u32 s26, $0x1;
	_ =	strace $0x8000004C;
	[dreg:$0x1] =	wrdreg $0xFFFFFFFF  }
0xad: {  	s28 =	simm.s32 $_size_execute0_lowered;
	s3 =	sadd.s32 s3, s5;
	[dreg:$0x0] =	wrdreg $0x0  }
0xae: {  	s5 =	sshll.u32 s28, $0x1;
	[dreg:$0x2] =	wrdreg s3  }
0xaf: {  	[dreg:$0x3] =	wrdreg s5  }
0xb0: {  	[dreg:$0x4] =	wrdreg $0xC0  }
0xb1: {  	_ =	task [dreg:s7], $0x5FFFF  }
0xb2: {  	[dreg:$0x1] =	wrdreg $0xFFFFFFFF  }
0xb3: {  	[dreg:$0x0] =	wrdreg $0x60  }
0xb4: {  	[dreg:$0x2] =	wrdreg s24  }
0xb5: {  	[dreg:$0x3] =	wrdreg s16  }
0xb6: {  	[dreg:$0x4] =	wrdreg $0x9  }
0xb7: {  	_ =	task.clear_ibuf [dreg:s7], $0x5FFFF;
	_ =	strace $0x9000004C  }
0xb8: {  	s29 =	simm.s32 $0x9;
	_ =	strace $0x8000004E  }
0xb9: {  	_ =	swait.ge [sflag:s29], $0x1  }
0xba: {  	[sflag:s29] =	ssyncadd.s32 $0xFFFFFFFF  }
0xbb: {  	_ =	strace $0x9000004E  }
0xbc: {  	_ =	sfence  }
0xbd: {  	s30 =	sld [smem:$0x0];
	_ =	sdelay $0x2  }
0xbe: {  	s31 =	sshll.u32 s1, $0xD;
	s1 =	sshrl.u32 s1, $0x2  }
0xbf: {  	s3 =	sand.u32 $0x4000, s31;
	s1 =	sadd.s32 s1, s30  }
0xc0: {  	s0 =	sor.u32 s3, s0;
	s1 =	sshll.u32 s1, $0x11  }
0xc1: {  	s0 =	sor.u32 s1, s0  }
0xc2: {  	s0 =	sadd.s32 $0x8F2B, s0  }
0xc3: {  	[sflag:s0] =	ssyncadd.remote.s32 $0x1  }
0xc4: {  	_ =	sfence.sel $0xFFFF  }
0xc5: {  	[dreg:$0x0] =	wrdreg $0xFFFFFFFF;
	(pc) =	sbr.abs _section_cstart, $3  }
0xc6: {  	[dreg:$0x1] =	wrdreg $0xFFFFFFFF  }
0xc7: {  	_ =	task.clear_ibuf [dreg:s7], $0x2FFFF;
	_ =	strace $0x9FFFFFFF  }
0xc8: {  	(tm) =	ssettm $0x7FFFFFFF  }
0xc9: {  	_ =	shalt  }
tec
execute0_lowered:
.L_overlay_start_1:
0x0: {  	(tag) =	ssettag $0x1  }
0x1: {  	s3 =	rddreg [dreg:$0x0]  }
0x2: {  	s0 =	stileid.u32;
	s1 =	srdreg.scid  }
0x3: {  	s9 =	rddreg [dreg:$0x1];
	s2 =	simm.s32 $0x0;
	s11 =	simm.s32 $0x80  }
0x4: {  	s12 =	simm.s32 $0x280;
	s13 =	simm.s32 $0x100;
	s14 =	simm.s32 $0x300  }
0x5: {  	s15 =	simm.s32 $0x180;
	s16 =	simm.s32 $0x380;
	s17 =	simm.s32 $0x200  }
0x6: {  	s18 =	simm.s32 $0x400;
	s19 =	simm.s32 $0x1;
	s4 =	smul.u32 $0x1400, s0  }
0x7: {  	s20 =	simm.s32 $0x0;
	s5 =	sand.u32 $0x1, s1;
	s1 =	rddreg [dreg:$0x2]  }
0x8: {  	p0 =	seq.s32 s5, $0x0;
	s31 =	ssub.s32 $0x2, s5;
	s6 =	sadd.s32 $0x14000, s4  }
0x9: {  	[smem:$0x7FF] =	sst s2;
	s5 =	sshrl.u32 s31, $0x1;
	s6 =	smov.u32 @p0 s4  }
0xa: {  	_ =	strace $0x8000004D;
	s4 =	ssub.s32 s31, s5;
	s10 =	sshrl.u32 s6, $0x3  }
0xb: {  	s4 =	smax.u32 s4, $0x1;
	s8 =	sadd.s32 s10, s3;
	s3 =	sadd.s32 $0x2DE00, s3  }
0xc: {  	s9 =	sadd.s32 s10, s9;
	s10 =	simm.s32 $0x2;
	s5 =	sadd.s32 $0x64600, s8  }
0xd: {  	s6 =	sadd.s32 $0x5F600, s8;
	s7 =	sadd.s32 $0x5A600, s8;
	s8 =	sadd.s32 $0x55600, s8  }
.LBB2_1:
0xe: {  	s21 =	sadd.s32 $0x0, s9  }
0xf: {  	[tilespmem:s2], [sflag:$0x2] =	stream.linear.gather [hbm4b:s21+s2], $0x80, $0x38;
	[tilespmem:$0x480] =	vst v63  }
0x10: {  	_ =	swait.ge [sflag:s10], $0x80  }
0x11: {  	[sflag:s10] =	ssyncset.done $0x0  }
0x12: {  	[sflag:s10] =	ssyncadd.s32 $0xFFFFFF80  }
0x13: {  	v0 =	vld [tilespmem:$0x70]  }
0x14: {  	v1 =	vld [tilespmem:$0x60]  }
0x15: {  	v2 =	vld [tilespmem:$0x40]  }
0x16: {  	v3 =	vld [tilespmem:$0x20]  }
0x17: {  	v44 =	vld [tilespmem:$0x10]  }
0x18: {  	v48 =	vld [tilespmem:$0x0];
	v0 =	vshll.u32 v0, $0x7  }
0x19: {  	v51 =	vld [tilespmem:$0x50];
	v1 =	vshll.u32 v1, $0x7;
	[tilespmem:$0xF0] =	vst v0  }
0x1a: {  	v54 =	vld [tilespmem:$0x30];
	v2 =	vshll.u32 v2, $0x7;
	[tilespmem:$0xE0] =	vst v1  }
0x1b: {  	v42 =	vshll.u32 v3, $0x7;
	[tilespmem:$0xC0] =	vst v2  }
0x1c: {  	v50 =	vshll.u32 v44, $0x7;
	[tilespmem:$0xA0] =	vst v42  }
0x1d: {  	v53 =	vshll.u32 v48, $0x7;
	[tilespmem:$0x90] =	vst v50  }
0x1e: {  	v56 =	vshll.u32 v51, $0x7;
	[tilespmem:$0x80] =	vst v53  }
0x1f: {  	v3 =	vshll.u32 v54, $0x7;
	[tilespmem:$0xD0] =	vst v56  }
0x20: {  	v4 =	vor.u32 $0x2, v0;
	[tilespmem:$0xB0] =	vst v3  }
0x21: {  	v5 =	vor.u32 $0x1, v0;
	[tilespmem:$0x1F0] =	vst v4  }
0x22: {  	v0 =	vor.u32 $0x3, v0;
	[tilespmem:$0x170] =	vst v5  }
0x23: {  	v41 =	vor.u32 $0x2, v1;
	[tilespmem:$0x270] =	vst v0  }
0x24: {  	v43 =	vor.u32 $0x1, v2;
	[tilespmem:$0x1E0] =	vst v41  }
0x25: {  	v45 =	vor.u32 $0x3, v1;
	[tilespmem:$0x140] =	vst v43  }
0x26: {  	v46 =	vor.u32 $0x2, v42;
	[tilespmem:$0x260] =	vst v45  }
0x27: {  	v47 =	vor.u32 $0x1, v42;
	[tilespmem:$0x1A0] =	vst v46  }
0x28: {  	v1 =	vor.u32 $0x1, v1;
	[tilespmem:$0x120] =	vst v47  }
0x29: {  	v49 =	vor.u32 $0x3, v2;
	[tilespmem:$0x160] =	vst v1  }
0x2a: {  	v2 =	vor.u32 $0x2, v2;
	[tilespmem:$0x240] =	vst v49  }
0x2b: {  	v52 =	vor.u32 $0x3, v50;
	[tilespmem:$0x1C0] =	vst v2  }
0x2c: {  	v55 =	vor.u32 $0x1, v50;
	[tilespmem:$0x210] =	vst v52  }
0x2d: {  	v57 =	vor.u32 $0x3, v53;
	[tilespmem:$0x110] =	vst v55  }
0x2e: {  	v58 =	vor.u32 $0x1, v53;
	[tilespmem:$0x200] =	vst v57  }
0x2f: {  	v59 =	vor.u32 $0x1, v56;
	[tilespmem:$0x100] =	vst v58  }
0x30: {  	v60 =	vor.u32 $0x2, v53;
	[tilespmem:$0x150] =	vst v59  }
0x31: {  	v61 =	vor.u32 $0x3, v3;
	[tilespmem:$0x180] =	vst v60  }
0x32: {  	v62 =	vor.u32 $0x2, v3;
	[tilespmem:$0x230] =	vst v61  }
0x33: {  	v63 =	vor.u32 $0x1, v3;
	[tilespmem:$0x1B0] =	vst v62  }
0x34: {  	v0 =	vor.u32 $0x3, v42;
	[tilespmem:$0x130] =	vst v63  }
0x35: {  	v1 =	vor.u32 $0x2, v50;
	[tilespmem:$0x220] =	vst v0  }
0x36: {  	v4 =	vor.u32 $0x2, v56;
	[tilespmem:$0x190] =	vst v1  }
0x37: {  	[tilespmem:$0x1D0] =	vst v4;
	v0 =	vor.u32 $0x3, v56  }
0x38: {  	[tilespmem:$0x250] =	vst v0  }
0x39: {  	[tilespmem:s12], [sflag:$0x1] =	stream.indirect.gather [hbm4b:s3+s11], $0x1, s11, s11, $0xb8;
	[tilespmem:$0x480] =	vst v63  }
0x3a: {  	s22 =	simm.s32 $0x10;
	s21 =	simm.s32 $0x0  }
0x3b: {  	[tilespmem:s14], [sflag:$0x1] =	stream.indirect.gather [hbm4b:s3+s11], $0x1, s13, s11, $0xb8;
	[tilespmem:$0x480] =	vst v63  }
.LBB2_2:
0x3c: {  	[tilespmem:s16], [sflag:$0x1] =	stream.indirect.gather [hbm4b:s3+s11], $0x1, s15, s11, $0xb8;
	[tilespmem:$0x480] =	vst v63  }
0x3d: {  	p0 =	sne.s32 s22, $0x270;
	s23 =	smov.u32 s22;
	s22 =	sadd.s32 $0x10, s22  }
0x3e: {  	[tilespmem:s18], [sflag:$0x1] =	stream.indirect.gather [hbm4b:s3+s11], $0x1, s17, s11, $0xb8;
	[tilespmem:$0x480] =	vst v63  }
0x3f: {  	_ =	swait.ge [sflag:s19], $0x80  }
0x40: {  	[sflag:s19] =	ssyncset.done $0x0  }
0x41: {  	[sflag:s19] =	ssyncadd.s32 $0xFFFFFF80  }
0x42: {  	_ =	swait.ge [sflag:s19], $0x80  }
0x43: {  	[sflag:s19] =	ssyncset.done $0x0  }
0x44: {  	[sflag:s19] =	ssyncadd.s32 $0xFFFFFF80  }
0x45: {  	_ =	swait.ge [sflag:s19], $0x80  }
0x46: {  	[sflag:s19] =	ssyncset.done $0x0  }
0x47: {  	[sflag:s19] =	ssyncadd.s32 $0xFFFFFF80  }
0x48: {  	_ =	swait.ge [sflag:s19], $0x80  }
0x49: {  	s24 =	sadd.s32 s21, s8;
	[sflag:s19] =	ssyncset.done $0x0  }
0x4a: {  	[sflag:s19] =	ssyncadd.s32 $0xFFFFFF80  }
0x4b: {  	[hbm4b:s24+s2] =	stream.linear.scatter [tilespmem:s12], [sflag:$0x2], $0x80, $0x38;
	[tilespmem:$0x480] =	vst v63  }
0x4c: {  	_ =	swait.ge [sflag:s10], $0x80  }
0x4d: {  	s24 =	sadd.s32 s21, s7;
	[sflag:s10] =	ssyncset.done $0x0  }
0x4e: {  	[sflag:s10] =	ssyncadd.s32 $0xFFFFFF80  }
0x4f: {  	[hbm4b:s24+s2] =	stream.linear.scatter [tilespmem:s14], [sflag:$0x2], $0x80, $0x38;
	[tilespmem:$0x480] =	vst v63  }
0x50: {  	_ =	swait.ge [sflag:s10], $0x80  }
0x51: {  	s24 =	sadd.s32 s21, s6;
	[sflag:s10] =	ssyncset.done $0x0  }
0x52: {  	[sflag:s10] =	ssyncadd.s32 $0xFFFFFF80  }
0x53: {  	[hbm4b:s24+s2] =	stream.linear.scatter [tilespmem:s16], [sflag:$0x2], $0x80, $0x38;
	[tilespmem:$0x480] =	vst v63  }
0x54: {  	_ =	swait.ge [sflag:s10], $0x80  }
0x55: {  	s24 =	sadd.s32 s21, s5;
	s21 =	smov.u32 s23;
	[sflag:s10] =	ssyncset.done $0x0  }
0x56: {  	[sflag:s10] =	ssyncadd.s32 $0xFFFFFF80  }
0x57: {  	[hbm4b:s24+s2] =	stream.linear.scatter [tilespmem:s18], [sflag:$0x2], $0x80, $0x38;
	[tilespmem:$0x480] =	vst v63  }
0x58: {  	_ =	swait.ge [sflag:s10], $0x80  }
0x59: {  	[sflag:s10] =	ssyncset.done $0x0  }
0x5a: {  	s23 =	sadd.s32 s21, s9;
	[sflag:s10] =	ssyncadd.s32 $0xFFFFFF80  }
0x5b: {  	[tilespmem:s2], [sflag:$0x2] =	stream.linear.gather [hbm4b:s23+s2], $0x80, $0x38;
	[tilespmem:$0x480] =	vst v63  }
0x5c: {  	_ =	swait.ge [sflag:s10], $0x80  }
0x5d: {  	[sflag:s10] =	ssyncset.done $0x0  }
0x5e: {  	[sflag:s10] =	ssyncadd.s32 $0xFFFFFF80  }
0x5f: {  	v0 =	vld [tilespmem:$0x70]  }
0x60: {  	v1 =	vld [tilespmem:$0x60]  }
0x61: {  	v2 =	vld [tilespmem:$0x40];
	_ =	sdelay $0x1  }
0x62: {  	v3 =	vld [tilespmem:$0x20]  }
0x63: {  	v4 =	vld [tilespmem:$0x10];
	v0 =	vshll.u32 v0, $0x7  }
0x64: {  	v5 =	vld [tilespmem:$0x0];
	v1 =	vshll.u32 v1, $0x7;
	[tilespmem:$0xF0] =	vst v0;
	v6 =	vor.u32 $0x1, v0;
	v7 =	vor.u32 $0x2, v0  }
0x65: {  	v0 =	vor.u32 $0x3, v0;
	v2 =	vshll.u32 v2, $0x7;
	[tilespmem:$0xE0] =	vst v1;
	v8 =	vor.u32 $0x2, v1  }
0x66: {  	v10 =	vor.u32 $0x1, v1;
	v1 =	vor.u32 $0x3, v1;
	v9 =	vor.u32 $0x1, v2;
	[tilespmem:$0x1F0] =	vst v7  }
0x67: {  	v7 =	vor.u32 $0x2, v2;
	v11 =	vor.u32 $0x3, v2;
	v3 =	vshll.u32 v3, $0x7;
	[tilespmem:$0x170] =	vst v6  }
0x68: {  	v4 =	vshll.u32 v4, $0x7;
	v6 =	vor.u32 $0x1, v3;
	v12 =	vor.u32 $0x2, v3;
	[tilespmem:$0xC0] =	vst v2  }
0x69: {  	v2 =	vshll.u32 v5, $0x7;
	v5 =	vor.u32 $0x1, v4;
	v13 =	vor.u32 $0x3, v4;
	[tilespmem:$0x270] =	vst v0  }
0x6a: {  	v15 =	vor.u32 $0x2, v4;
	v0 =	vor.u32 $0x1, v2;
	v14 =	vor.u32 $0x3, v2;
	[tilespmem:$0x1E0] =	vst v8  }
0x6b: {  	v8 =	vor.u32 $0x2, v2;
	[tilespmem:$0xA0] =	vst v3;
	v3 =	vor.u32 $0x3, v3  }
0x6c: {  	[tilespmem:$0x140] =	vst v9  }
0x6d: {  	[tilespmem:$0x260] =	vst v1  }
0x6e: {  	[tilespmem:$0x1A0] =	vst v12  }
0x6f: {  	[tilespmem:$0x120] =	vst v6  }
0x70: {  	v1 =	vld [tilespmem:$0x50];
	[tilespmem:$0x160] =	vst v10  }
0x71: {  	v6 =	vld [tilespmem:$0x30];
	[tilespmem:$0x240] =	vst v11  }
0x72: {  	[tilespmem:$0x90] =	vst v4  }
0x73: {  	[tilespmem:$0x1C0] =	vst v7  }
0x74: {  	[tilespmem:$0x210] =	vst v13  }
0x75: {  	[tilespmem:$0x80] =	vst v2;
	v1 =	vshll.u32 v1, $0x7  }
0x76: {  	[tilespmem:$0x220] =	vst v3;
	v2 =	vshll.u32 v6, $0x7;
	v3 =	vor.u32 $0x1, v1;
	v4 =	vor.u32 $0x2, v1  }
0x77: {  	[tilespmem:$0x110] =	vst v5;
	v5 =	vor.u32 $0x1, v2;
	v6 =	vor.u32 $0x2, v2;
	v7 =	vor.u32 $0x3, v2  }
0x78: {  	[tilespmem:$0xD0] =	vst v1;
	v1 =	vor.u32 $0x3, v1  }
0x79: {  	[tilespmem:$0x190] =	vst v15  }
0x7a: {  	[tilespmem:$0xB0] =	vst v2  }
0x7b: {  	[tilespmem:$0x200] =	vst v14  }
0x7c: {  	[tilespmem:$0x1D0] =	vst v4  }
0x7d: {  	[tilespmem:$0x100] =	vst v0  }
0x7e: {  	[tilespmem:$0x150] =	vst v3  }
0x7f: {  	[tilespmem:$0x180] =	vst v8  }
0x80: {  	[tilespmem:$0x230] =	vst v7  }
0x81: {  	[tilespmem:$0x250] =	vst v1  }
.Ltmp0:
0x82: {  	[tilespmem:$0x1B0] =	vst v6;
	(pc) =	sbr.rel @p0 .LBB2_2-.Ltmp0, $4  }
0x83: {  	[tilespmem:$0x130] =	vst v5  }
0x84: {  	[tilespmem:s12], [sflag:$0x1] =	stream.indirect.gather [hbm4b:s3+s11], $0x1, s11, s11, $0xb8;
	[tilespmem:$0x480] =	vst v63  }
0x85: {  	_ = 	snop  }
0x86: {  	[tilespmem:s14], [sflag:$0x1] =	stream.indirect.gather [hbm4b:s3+s11], $0x1, s13, s11, $0xb8;
	[tilespmem:$0x480] =	vst v63  }
0x87: {  	[tilespmem:s16], [sflag:$0x1] =	stream.indirect.gather [hbm4b:s3+s11], $0x1, s15, s11, $0xb8;
	[tilespmem:$0x480] =	vst v63  }
0x88: {  	_ = 	snop  }
0x89: {  	[tilespmem:s18], [sflag:$0x1] =	stream.indirect.gather [hbm4b:s3+s11], $0x1, s17, s11, $0xb8;
	[tilespmem:$0x480] =	vst v63  }
0x8a: {  	_ =	swait.ge [sflag:s19], $0x80  }
0x8b: {  	[sflag:s19] =	ssyncset.done $0x0  }
0x8c: {  	[sflag:s19] =	ssyncadd.s32 $0xFFFFFF80  }
0x8d: {  	_ =	swait.ge [sflag:s19], $0x80  }
0x8e: {  	[sflag:s19] =	ssyncset.done $0x0  }
0x8f: {  	[sflag:s19] =	ssyncadd.s32 $0xFFFFFF80  }
0x90: {  	_ =	swait.ge [sflag:s19], $0x80  }
0x91: {  	[sflag:s19] =	ssyncset.done $0x0  }
0x92: {  	[sflag:s19] =	ssyncadd.s32 $0xFFFFFF80  }
0x93: {  	_ =	swait.ge [sflag:s19], $0x80  }
0x94: {  	[sflag:s19] =	ssyncset.done $0x0  }
0x95: {  	s22 =	sadd.s32 s21, s8;
	[sflag:s19] =	ssyncadd.s32 $0xFFFFFF80  }
0x96: {  	[hbm4b:s22+s2] =	stream.linear.scatter [tilespmem:s12], [sflag:$0x2], $0x80, $0x38;
	[tilespmem:$0x480] =	vst v63  }
0x97: {  	_ =	swait.ge [sflag:s10], $0x80  }
0x98: {  	[sflag:s10] =	ssyncset.done $0x0  }
0x99: {  	s29 =	sadd.s32 s21, s7;
	[sflag:s10] =	ssyncadd.s32 $0xFFFFFF80  }
0x9a: {  	[hbm4b:s29+s2] =	stream.linear.scatter [tilespmem:s14], [sflag:$0x2], $0x80, $0x38;
	[tilespmem:$0x480] =	vst v63  }
0x9b: {  	_ =	swait.ge [sflag:s10], $0x80  }
0x9c: {  	[sflag:s10] =	ssyncset.done $0x0  }
0x9d: {  	s30 =	sadd.s32 s21, s6;
	[sflag:s10] =	ssyncadd.s32 $0xFFFFFF80  }
0x9e: {  	[hbm4b:s30+s2] =	stream.linear.scatter [tilespmem:s16], [sflag:$0x2], $0x80, $0x38;
	[tilespmem:$0x480] =	vst v63  }
0x9f: {  	s20 =	sadd.s32 $0x1, s20;
	_ =	swait.ge [sflag:s10], $0x80  }
0xa0: {  	p0 =	sne.s32 s20, s4;
	[sflag:s10] =	ssyncset.done $0x0  }
.Ltmp1:
0xa1: {  	s31 =	sadd.s32 s21, s5;
	[sflag:s10] =	ssyncadd.s32 $0xFFFFFF80;
	(pc) =	sbr.rel @p0 .LBB2_1-.Ltmp1, $4  }
0xa2: {  	[hbm4b:s31+s2] =	stream.linear.scatter [tilespmem:s18], [sflag:$0x2], $0x80, $0x38;
	[tilespmem:$0x480] =	vst v63  }
0xa3: {  	_ =	swait.ge [sflag:s10], $0x80  }
0xa4: {  	[sflag:s10] =	ssyncset.done $0x0  }
0xa5: {  	[sflag:s10] =	ssyncadd.s32 $0xFFFFFF80  }
0xa6: {  	_ =	sfence.sel $0x180000  }
0xa7: {  	[bflag:$0x0] =	sbarrier.arrive $0xFFFF  }
0xa8: {  	p0 =	sne.s32 s0, $0x0;
	_ =	strace $0x9000004D  }
0xa9: {  	s0 =	sadd.s32 @!p0 $0x100000, s1;
	[bflag:$0x2] =	sbarrier.arrive $0xFFFF  }
0xaa: {  	[sflag:s0] =	ssyncadd.tile.s32 @!p0 $0x1;
	_ =	shalt  }
.Lfunc_end2:
_tile_overlayer_lowered:
.L_overlay_start_2:
0xab: {  	(tag) =	ssettag $0x2  }
0xac: {  	s0 =	rddreg [dreg:$0x0];
	s2 =	stileid.u32  }
0xad: {  	s1 =	rddreg [dreg:$0x1];
	p0 =	sne.s32 s2, $0x0  }
0xae: {  	s3 =	rddreg [dreg:$0x2];
	[bflag:$0x3] =	sbarrier.arrive $0xFFFF;
	s2 =	simm.s32 @!p0 $0x1C02  }
0xaf: {  	[timem:s3], [sflag:s2] =	dma.local @!p0 [hbm:s0], s1  }
0xb0: {  	s0 =	simm.s32 @!p0 $0x2  }
0xb1: {  	_ =	swait.ge @!p0 [sflag:s0], s1  }
0xb2: {  	s1 =	ssub.s32 @!p0 $0x0, s1;
	[sflag:s0] =	ssyncset.done @!p0 $0x0  }
0xb3: {  	[sflag:s0] =	ssyncadd.s32 @!p0 s1  }
0xb4: {  	[bflag:$0x3] =	sbarrier.arrive $0xFFFF  }
0xb5: {  	_ =	shalt  }

// kernel: kernel.19.cloned.1.call-start
scs
__scs_entry_jumppad:
0x0: {  	(pc) =	sbr.rel $0x88, $3  }
0x1: {  	(tag) =	ssettag $0x0;
	lr =	simm.s32 $0x1  }
0x2: {  	[smem:$0x3F86] =	sst lr;
	_ =	strace $0xD0000000  }
0x3: {  	_ = 	snop  }
0x4: {  	_ = 	snop  }
0x5: {  	_ = 	snop  }
0x6: {  	_ = 	snop  }
0x7: {  	_ = 	snop  }
__scs_overlays_trampoline_lowered:
0x8: {  	[smem:$0x3F95] =	sst s0  }
0x9: {  	[smem:$0x3F96] =	sst s1  }
0xa: {  	[smem:$0x3F97] =	sst s2  }
0xb: {  	[smem:$0x3F98] =	sst s3  }
0xc: {  	[smem:$0x3F99] =	sst s4  }
0xd: {  	[smem:$0x3F9A] =	sst s5  }
0xe: {  	[smem:$0x3F9B] =	sst s6  }
0xf: {  	[smem:$0x3F9C] =	sst s7  }
0x10: {  	[smem:$0x3F9D] =	sst s8  }
0x11: {  	[smem:$0x3F9E] =	sst s9;
	s0 =	simm.s32 @!p0 $0x0  }
0x12: {  	s1 =	sld [smem:$0x3F84];
	s0 =	simm.s32 @p0 $0x1  }
0x13: {  	[smem:$0x3F9F] =	sst s0;
	s0 =	simm.s32 @!p1 $0x0  }
0x14: {  	s2 =	sld [smem:$0x3F83];
	s0 =	simm.s32 @p1 $0x1  }
0x15: {  	[smem:$0x3FA0] =	sst s0;
	s0 =	simm.s32 @!p2 $0x0  }
0x16: {  	s3 =	sld [smem:$0x3FDB];
	s0 =	simm.s32 @p2 $0x1  }
0x17: {  	s4 =	simm.s32 $0x1BF5;
	[smem:$0x3FA2] =	sst s0  }
0x18: {  	s0 =	sld [smem:$0x3F85];
	_ =	swait.ge [sflag:s4], $0x0  }
0x19: {  	s7 =	sld [smem:$0x3F86]  }
0x1a: {  	s8 =	sadd.s32 $0xFFFFE003, lr  }
0x1b: {  	s9 =	sadd.s32 $0xFFFFFEF7, lr;
	s5 =	simm.s32 $0xFFFFFFFF;
	p2 =	slt.u32 s8, $0xFFFFF086  }
0x1c: {  	p1 =	slt.u32 s9, $0xF7A;
	s5 =	simm.s32 @!p2 $0x0  }
0x1d: {  	s5 =	simm.s32 @p1 $0x1;
	p0 =	seq.s32 s7, s2  }
0x1e: {  	s7 =	smul.u32 @!p0 $0xF7A, s2;
	p2 =	seq.s32 @!p0 s5, $0x0  }
0x1f: {  	s9 =	smul.u32 $0xF7A, s1;
	s8 =	simm.s32 @!p0 $0x1BF5;
	p2 =	por !p2, p0  }
0x20: {  	[sflag:s8] =	ssyncset.s32 @!p0 $0xFFFFF086;
	s6 =	sadd.s32 @!p0 s3, s7;
	s7 =	simm.s32 @!p0 $0x108  }
0x21: {  	s3 =	sadd.s32 s3, s9;
	s6 =	sadd.s32 @!p0 $0x88, s6;
	s7 =	simm.s32 @p2 $0x1082  }
0x22: {  	[simem:s7], [sflag:s8] =	dma.local @!p0 [hbm:s6], $0xF7A  }
0x23: {  	s9 =	sor.u32 $0xD0000000, s2;
	s6 =	simm.s32 $0x108;
	_ =	swait.ge @!p0 [sflag:s8], $0x0  }
0x24: {  	s3 =	sadd.s32 $0x88, s3;
	s6 =	simm.s32 @!p1 $0x1082;
	[sflag:s4] =	ssyncset.s32 $0xFFFFF086  }
0x25: {  	[simem:s6], [sflag:s4] =	dma.local [hbm:s3], $0xF7A  }
0x26: {  	[smem:$0x3F86] =	sst s1;
	(tag) =	ssettag s2;
	_ =	strace s9  }
0x27: {  	s1 =	sld [smem:$0x3F96]  }
0x28: {  	s2 =	sld [smem:$0x3F97]  }
0x29: {  	s4 =	sld [smem:$0x3F99]  }
0x2a: {  	p0 =	seq.s32 s5, $0x0;
	s5 =	sld [smem:$0x3F9A]  }
0x2b: {  	s6 =	sld [smem:$0x3F9B]  }
0x2c: {  	s7 =	sld [smem:$0x3F9C]  }
0x2d: {  	s3 =	simm.s32 $0x108;
	s8 =	sld [smem:$0x3F9D]  }
0x2e: {  	s3 =	simm.s32 @!p0 $0x1082;
	s9 =	sld [smem:$0x3F9E]  }
0x2f: {  	lr =	sadd.s32 s0, s3;
	s0 =	sld [smem:$0x3F95]  }
0x30: {  	s3 =	sld [smem:$0x3F98]  }
0x31: {  	[smem:$0x3FA1] =	sst s10  }
0x32: {  	s10 =	sld [smem:$0x3F9F];
	_ =	sdelay $0x3  }
0x33: {  	p0 =	seq.s32 s10, $0x1;
	s10 =	sld [smem:$0x3FA1];
	_ =	sdelay $0x3  }
0x34: {  	[smem:$0x3FA1] =	sst s10  }
0x35: {  	s10 =	sld [smem:$0x3FA0];
	_ =	sdelay $0x3  }
0x36: {  	p1 =	seq.s32 s10, $0x1;
	s10 =	sld [smem:$0x3FA1];
	_ =	sdelay $0x3  }
0x37: {  	[smem:$0x3FA1] =	sst s10  }
0x38: {  	s10 =	sld [smem:$0x3FA2]  }
0x39: {  	_ = 	snop;
	(pc) =	sbr.ind lr, $3  }
0x3a: {  	_ = 	snop  }
0x3b: {  	_ = 	snop  }
0x3c: {  	p2 =	seq.s32 s10, $0x1;
	s10 =	sld [smem:$0x3FA1]  }
0x3d: {  	_ =	shalt  }
0x3e: {  	_ =	shalt  }
0x3f: {  	_ =	shalt  }
0x40: {  	_ =	shalt  }
0x41: {  	_ =	shalt  }
0x42: {  	_ =	shalt  }
0x43: {  	_ =	shalt  }
0x44: {  	_ =	shalt  }
0x45: {  	_ =	shalt  }
0x46: {  	_ =	shalt  }
0x47: {  	_ =	shalt  }
0x48: {  	_ =	shalt  }
0x49: {  	_ =	shalt  }
0x4a: {  	_ =	shalt  }
0x4b: {  	_ =	shalt  }
0x4c: {  	_ =	shalt  }
0x4d: {  	_ =	shalt  }
0x4e: {  	_ =	shalt  }
0x4f: {  	_ =	shalt  }
0x50: {  	_ =	shalt  }
0x51: {  	_ =	shalt  }
0x52: {  	_ =	shalt  }
0x53: {  	_ =	shalt  }
0x54: {  	_ =	shalt  }
0x55: {  	_ =	shalt  }
0x56: {  	_ =	shalt  }
0x57: {  	_ =	shalt  }
0x58: {  	_ =	shalt  }
0x59: {  	_ =	shalt  }
0x5a: {  	_ =	shalt  }
0x5b: {  	_ =	shalt  }
0x5c: {  	_ =	shalt  }
0x5d: {  	_ =	shalt  }
0x5e: {  	_ =	shalt  }
0x5f: {  	_ =	shalt  }
0x60: {  	_ =	shalt  }
0x61: {  	_ =	shalt  }
0x62: {  	_ =	shalt  }
0x63: {  	_ =	shalt  }
0x64: {  	_ =	shalt  }
0x65: {  	_ =	shalt  }
0x66: {  	_ =	shalt  }
0x67: {  	_ =	shalt  }
0x68: {  	_ =	shalt  }
0x69: {  	_ =	shalt  }
0x6a: {  	_ =	shalt  }
0x6b: {  	_ =	shalt  }
0x6c: {  	_ =	shalt  }
0x6d: {  	_ =	shalt  }
0x6e: {  	_ =	shalt  }
0x6f: {  	_ =	shalt  }
0x70: {  	_ =	shalt  }
0x71: {  	_ =	shalt  }
0x72: {  	_ =	shalt  }
0x73: {  	_ =	shalt  }
0x74: {  	_ =	shalt  }
0x75: {  	_ =	shalt  }
0x76: {  	_ =	shalt  }
0x77: {  	_ =	shalt  }
0x78: {  	_ =	shalt  }
0x79: {  	_ =	shalt  }
0x7a: {  	_ =	shalt  }
0x7b: {  	_ =	shalt  }
0x7c: {  	_ =	shalt  }
0x7d: {  	_ =	shalt  }
0x7e: {  	_ =	shalt  }
0x7f: {  	_ =	shalt  }
0x80: {  	_ =	shalt  }
0x81: {  	_ =	shalt  }
0x82: {  	_ =	shalt  }
0x83: {  	_ =	shalt  }
0x84: {  	_ =	shalt  }
0x85: {  	_ =	shalt  }
0x86: {  	_ =	shalt  }
0x87: {  	_ =	shalt  }
.Lfunc_end0:
.L_simem_size_0:
called_computation.3_lowered:
.L_overlay_start_0:
0x88: {  	s2 =	sld [smem:$0x3FD9]  }
0x89: {  	s3 =	sld [smem:$0x3FFE];
	_ =	sdelay $0x1  }
0x8a: {  	s1 =	srdreg.scid  }
0x8b: {  	s0 =	sand.u32 $0x1, s1  }
0x8c: {  	s14 =	sshll.u32 s0, $0xA;
	s2 =	sadd.s32 s3, s2  }
0x8d: {  	s2 =	sadd.s32 s2, s14  }
0x8e: {  	[smem:$0x3FAD] =	sst s2  }
0x8f: {  	_ = 	snop  }
0x90: {  	s2 =	sld [smem:$0x3FD0];
	_ =	sdelay $0x2  }
0x91: {  	s15 =	simm.s32 $0xA;
	s4 =	simm.s32 $0x10  }
0x92: {  	[smem:s4], [sflag:s15] =	dma.local [hbm:s2], $0x1  }
0x93: {  	_ =	swait.eq [sflag:s15], $0x1  }
0x94: {  	[sflag:s15] =	ssyncset.done $0x0  }
0x95: {  	[sflag:s15] =	ssyncadd.s32 $0xFFFFFFFF  }
0x96: {  	s16 =	sld [smem:$0x10];
	(tm) =	ssettm $0x1  }
0x97: {  	s17 =	sld [smem:$0x3FFB];
	_ =	sdelay $0x3  }
0x98: {  	_ =	strace s17  }
0x99: {  	s3 =	sld [smem:$0x3FFC];
	_ =	sdelay $0x3  }
0x9a: {  	_ =	strace s3  }
0x9b: {  	s3 =	sld [smem:$0x3FFD];
	_ =	sdelay $0x3  }
0x9c: {  	_ =	strace s3  }
0x9d: {  	_ =	strace $0x8FFFFFFF  }
0x9e: {  	s18 =	sld [smem:$0x3FDB];
	_ =	sdelay $0x1  }
0x9f: {  	s19 =	simm.s32 $_scs_section_size  }
0xa0: {  	s5 =	simm.s32 $_size__tile_overlayer_lowered;
	s6 =	simm.s32 $_tile_overlayer_lowered  }
0xa1: {  	s22 =	simm.s32 $0x1BFF;
	s21 =	sshll.u32 s6, $0x1;
	s3 =	sadd.s32 s19, s18  }
0xa2: {  	s7 =	simm.s32 $0x0;
	s20 =	sshll.u32 s5, $0x1;
	s5 =	sadd.s32 s21, s3  }
0xa3: {  	[timem:s7], [sflag:s22] =	dma.local [hbm:s5], s20  }
0xa4: {  	_ =	swait.ge [sflag:s22], s20  }
0xa5: {  	s4 =	ssub.s32 $0x0, s20;
	[sflag:s22] =	ssyncset.done $0x0  }
0xa6: {  	[sflag:s22] =	ssyncadd.s32 s4;
	_ =	sdelay $0x1  }
0xa7: {  	s23 =	simm.s32 $0x1B8B  }
0xa8: {  	_ =	swait.ge [sflag:s23], $0x1  }
0xa9: {  	[sflag:s23] =	ssyncset.done $0x0  }
0xaa: {  	s25 =	simm.s32 $0x1B8E;
	s24 =	sld [smem:$0x3FFE];
	[sflag:s23] =	ssyncadd.s32 $0xFFFFFFFF  }
0xab: {  	s26 =	simm.s32 $execute0_lowered;
	[smem:$0x3FD2] =	sst s25  }
0xac: {  	s5 =	sshll.u32 s26, $0x1;
	_ =	strace $0x8000004F;
	[dreg:$0x1] =	wrdreg $0xFFFFFFFF  }
0xad: {  	s28 =	simm.s32 $_size_execute0_lowered;
	s3 =	sadd.s32 s3, s5;
	[dreg:$0x0] =	wrdreg $0x0  }
0xae: {  	s5 =	sshll.u32 s28, $0x1;
	[dreg:$0x2] =	wrdreg s3  }
0xaf: {  	[dreg:$0x3] =	wrdreg s5  }
0xb0: {  	[dreg:$0x4] =	wrdreg $0xC0  }
0xb1: {  	_ =	task [dreg:s7], $0x5FFFF  }
0xb2: {  	[dreg:$0x1] =	wrdreg $0xFFFFFFFF  }
0xb3: {  	[dreg:$0x0] =	wrdreg $0x60  }
0xb4: {  	[dreg:$0x2] =	wrdreg s24  }
0xb5: {  	[dreg:$0x3] =	wrdreg s16  }
0xb6: {  	[dreg:$0x4] =	wrdreg $0x81000  }
0xb7: {  	[dreg:$0x5] =	wrdreg $0x9  }
0xb8: {  	_ =	task.clear_ibuf [dreg:s7], $0x6FFFF;
	_ =	strace $0x9000004F  }
0xb9: {  	s29 =	simm.s32 $0x9;
	_ =	strace $0x80000051  }
0xba: {  	_ =	swait.ge [sflag:s29], $0x1  }
0xbb: {  	[sflag:s29] =	ssyncadd.s32 $0xFFFFFFFF  }
0xbc: {  	_ =	strace $0x90000051  }
0xbd: {  	_ =	sfence  }
0xbe: {  	s30 =	sld [smem:$0x0];
	_ =	sdelay $0x2  }
0xbf: {  	s31 =	sshll.u32 s1, $0xD;
	s1 =	sshrl.u32 s1, $0x2  }
0xc0: {  	s3 =	sand.u32 $0x4000, s31;
	s1 =	sadd.s32 s1, s30  }
0xc1: {  	s0 =	sor.u32 s3, s0;
	s1 =	sshll.u32 s1, $0x11  }
0xc2: {  	s0 =	sor.u32 s1, s0  }
0xc3: {  	s0 =	sadd.s32 $0x8F2B, s0  }
0xc4: {  	[sflag:s0] =	ssyncadd.remote.s32 $0x1  }
0xc5: {  	_ =	sfence.sel $0xFFFF  }
0xc6: {  	[dreg:$0x0] =	wrdreg $0xFFFFFFFF;
	(pc) =	sbr.abs _section_cstart, $3  }
0xc7: {  	[dreg:$0x1] =	wrdreg $0xFFFFFFFF  }
0xc8: {  	_ =	task.clear_ibuf [dreg:s7], $0x2FFFF;
	_ =	strace $0x9FFFFFFF  }
0xc9: {  	(tm) =	ssettm $0x7FFFFFFF  }
tec
execute0_lowered:
.L_overlay_start_1:
0x0: {  	(tag) =	ssettag $0x1  }
0x1: {  	s0 =	rddreg [dreg:$0x0]  }
0x2: {  	s1 =	rddreg [dreg:$0x1]  }
0x3: {  	s2 =	rddreg [dreg:$0x2];
	s3 =	simm.s32 $0x0;
	s17 =	stileid.u32  }
0x4: {  	s6 =	srdreg.scid;
	s28 =	simm.s32 $0x1000;
	s4 =	smul.u32 $0x2780, s17  }
0x5: {  	s29 =	simm.s32 $0x100;
	s30 =	simm.s32 $0x80;
	s5 =	smul.u32 $0x4F000, s17  }
0x6: {  	s31 =	simm.s32 $0x4100;
	[smem:$0x7FF] =	sst s3;
	s12 =	smul.u32 $0x2800, s17  }
0x7: {  	s6 =	sand.u32 $0x1, s6;
	s9 =	sadd.s32 $0x11DA600, s0;
	s15 =	smul.u32 $0xA0000, s17  }
0x8: {  	s18 =	sadd.s32 $0x11DA700, s0;
	s24 =	smul.u32 $0x500, s17;
	s25 =	sshll.u32 s17, $0x6  }
0x9: {  	_ =	strace $0x80000050;
	s8 =	ssub.s32 $0x2, s6;
	p0 =	seq.s32 s6, $0x1  }
0xa: {  	[dreg:$0x5] =	wrdreg s18;
	s7 =	sadd.s32 s4, s0;
	s4 =	sshrl.u32 s5, $0x3  }
0xb: {  	s10 =	sshrl.u32 s8, $0x1;
	s5 =	sshrl.u32 s5, $0x2;
	s13 =	sshrl.u32 s12, $0x3  }
0xc: {  	s22 =	sadd.s32 $0x2780, s12;
	s12 =	simm.s32 $0x200;
	s11 =	sadd.s32 s4, s0  }
0xd: {  	s14 =	ssub.s32 s8, s10;
	s5 =	sadd.s32 s5, s2;
	s6 =	sadd.s32 $0x6600, s7  }
0xe: {  	s7 =	sadd.s32 s1, s13;
	s8 =	sadd.s32 s9, s15;
	s13 =	sadd.s32 $0x55700, s0  }
0xf: {  	s10 =	sadd.s32 s15, s18;
	s23 =	sshrl.u32 s22, $0x3;
	[dreg:$0x6] =	wrdreg s13  }
0x10: {  	s16 =	sadd.s32 $0x55600, s11;
	[dreg:$0x7] =	wrdreg s10;
	s13 =	sadd.s32 $0x11DA780, s0  }
0x11: {  	s20 =	sadd.s32 $0x55680, s11;
	s18 =	smax.u32 s14, $0x1;
	[dreg:$0x4] =	wrdreg s16  }
0x12: {  	s14 =	simm.s32 $0x0;
	s16 =	sadd.s32 $0x11DA680, s0;
	[dreg:$0x9] =	wrdreg s20  }
0x13: {  	s21 =	sadd.s32 s15, s13;
	s0 =	sadd.s32 $0x55780, s0;
	s20 =	sadd.s32 s1, s23  }
0x14: {  	s23 =	sor.u32 $0x1C03, s25;
	s25 =	simm.s32 $0x3;
	[dreg:$0xa] =	wrdreg s21  }
.Ltmp0:
0x15: {  	s19 =	sadd.s32 s15, s16;
	[dreg:$0xb] =	wrdreg s0;
	(pc) =	sbr.rel .LBB2_1-.Ltmp0, $4  }
0x16: {  	s0 =	sadd.s32 s24, s1;
	[dreg:$0x8] =	wrdreg s19;
	s19 =	sshll.u32 s22, $0x6  }
0x17: {  	s1 =	simm.s32 $0x2;
	s24 =	sadd.s32 $0x20, s0;
	s9 =	sadd.s32 s9, s19  }
0x18: {  	s0 =	simm.s32 $0x1;
	s26 =	sadd.s32 s19, s16;
	[dreg:$0xc] =	wrdreg s9  }
0x19: {  	[dreg:$0xd] =	wrdreg s26;
	s26 =	simm.s32 $0x400;
	s9 =	simm.s32 $0x8  }
.LBB2_11:
0x1a: {  	s10 =	sadd.s32 $0xFFFFFFF0, s11;
	s16 =	sadd.s32 s16, s8;
	[sflag:s25] =	ssyncadd.s32 $0xFFFFC000  }
0x1b: {  	[tilespmem:s30], [sflag:$0x2] =	stream.linear.gather [hbm4b:s10+s3], $0x80, $0x38;
	[tilespmem:$0x1BD00] =	vst v63  }
0x1c: {  	s21 =	sadd.s32 $0x2180, s16  }
0x1d: {  	[tilespmem:s31], [sflag:$0x2] =	stream.strided.gather [hbm4b:s21+s26], $0x4000, s28, s26, $0x38;
	[tilespmem:$0x1BD00] =	vst v63  }
0x1e: {  	_ =	swait.ge [sflag:s0], $0x80  }
0x1f: {  	[sflag:s0] =	ssyncset.done $0x0  }
0x20: {  	[sflag:s0] =	ssyncadd.s32 $0xFFFFFF80  }
0x21: {  	_ =	swait.ge [sflag:s0], $0x4000  }
0x22: {  	[sflag:s0] =	ssyncset.done $0x0  }
0x23: {  	[sflag:s0] =	ssyncadd.s32 $0xFFFFC000  }
0x24: {  	[spmem:s2] =	stream.indirect.scatter.add.f32 [tilespmem:s29], [sflag:$0x3], $0x80, s3, s30, $0xb8;
	[tilespmem:$0x1BD00] =	vst v63  }
0x25: {  	_ =	swait.ge [sflag:s25], $0x4000  }
0x26: {  	[sflag:s25] =	ssyncset.done $0x0  }
0x27: {  	[sflag:s25] =	ssyncadd.s32 $0xFFFFC000  }
0x28: {  	[tilespmem:s3], [sflag:$0x1] =	stream.linear.gather [hbm4b:s11+s3], $0x80, $0x38;
	[tilespmem:$0x1BD00] =	vst v63  }
0x29: {  	s22 =	sadd.s32 $0x4180, s16  }
0x2a: {  	[tilespmem:s29], [sflag:$0x1] =	stream.strided.gather [hbm4b:s22+s26], $0x4000, s28, s26, $0x38;
	[tilespmem:$0x1BD00] =	vst v63  }
0x2b: {  	_ =	swait.ge [sflag:s1], $0x80  }
0x2c: {  	[sflag:s1] =	ssyncset.done $0x0  }
0x2d: {  	[sflag:s1] =	ssyncadd.s32 $0xFFFFFF80  }
0x2e: {  	_ =	swait.ge [sflag:s1], $0x4000  }
0x2f: {  	[sflag:s1] =	ssyncset.done $0x0  }
0x30: {  	[sflag:s1] =	ssyncadd.s32 $0xFFFFC000  }
0x31: {  	[spmem:s2] =	stream.indirect.scatter.add.f32 [tilespmem:s31], [sflag:$0x3], $0x80, s30, s30, $0xb8;
	[tilespmem:$0x1BD00] =	vst v63  }
0x32: {  	_ =	swait.ge [sflag:s25], $0x4000  }
0x33: {  	[sflag:s25] =	ssyncset.done $0x0  }
0x34: {  	s16 =	smov.u32 s13;
	s11 =	rddreg [dreg:$0xb];
	[sflag:s25] =	ssyncadd.s32 $0xFFFFC000  }
.LBB2_12:
0x35: {  	[tilespmem:s30], [sflag:$0x2] =	stream.linear.gather [hbm4b:s20+s3], $0x80, $0x38;
	[tilespmem:$0x1BD00] =	vst v63  }
0x36: {  	s10 =	sadd.s32 s19, s16  }
0x37: {  	[tilespmem:s31], [sflag:$0x2] =	stream.strided.gather [hbm4b:s10+s26], $0x4000, s28, s26, $0x38;
	[tilespmem:$0x1BD00] =	vst v63  }
0x38: {  	_ =	swait.ge [sflag:s0], $0x80  }
0x39: {  	[sflag:s0] =	ssyncset.done $0x0  }
0x3a: {  	[sflag:s0] =	ssyncadd.s32 $0xFFFFFF80  }
0x3b: {  	_ =	swait.ge [sflag:s0], $0x4000  }
0x3c: {  	[sflag:s0] =	ssyncset.done $0x0  }
0x3d: {  	[sflag:s0] =	ssyncadd.s32 $0xFFFFC000  }
0x3e: {  	[spmem:s2] =	stream.indirect.scatter.add.f32 [tilespmem:s29], [sflag:$0x3], $0x80, s3, s30, $0xb8;
	[tilespmem:$0x1BD00] =	vst v63  }
0x3f: {  	_ =	swait.ge [sflag:s25], $0x4000  }
0x40: {  	[sflag:s25] =	ssyncset.done $0x0  }
0x41: {  	[sflag:s25] =	ssyncadd.s32 $0xFFFFC000  }
0x42: {  	_ =	swait.ge [sflag:s1], $0x80  }
0x43: {  	[sflag:s1] =	ssyncset.done $0x0  }
0x44: {  	[sflag:s1] =	ssyncadd.s32 $0xFFFFFF80  }
0x45: {  	_ =	swait.ge [sflag:s1], $0x4000  }
0x46: {  	[sflag:s1] =	ssyncset.done $0x0  }
0x47: {  	[sflag:s1] =	ssyncadd.s32 $0xFFFFC000  }
0x48: {  	[spmem:s2] =	stream.indirect.scatter.add.f32 [tilespmem:s31], [sflag:$0x3], $0x80, s30, s30, $0xb8;
	[tilespmem:$0x1BD00] =	vst v63  }
0x49: {  	_ =	swait.ge [sflag:s25], $0x4000  }
0x4a: {  	[sflag:s25] =	ssyncset.done $0x0  }
0x4b: {  	s14 =	sadd.s32 $0x1, s14;
	[sflag:s25] =	ssyncadd.s32 $0xFFFFC000  }
0x4c: {  	s22 =	sadd.s32 s4, s11;
	p1 =	sne.s32 s14, s18;
	[bflag:$0x0] =	sbarrier.arrive $0xFFFF  }
0x4d: {  	[hbm:s22@s12], [sflag:s23] =	dma.strided [spmem:s15@s30], $0x2780, s9, $0x10   }
.Ltmp1:
0x4e: {  	_ =	swait.ge [sflag:s25], $0x2780;
	(pc) =	sbr.rel @!p1 .LBB2_13-.Ltmp1, $3  }
0x4f: {  	[sflag:s25] =	ssyncset.done $0x0  }
0x50: {  	[sflag:s25] =	ssyncadd.s32 $0xFFFFD880  }
0x51: {  	[bflag:$0x0] =	sbarrier.arrive $0xFFFF;
	_ =	sdelay $0x1  }
.LBB2_1:
0x52: {  	s15 =	sshrl.u32 s5, $0x3  }
0x53: {  	[spmem:s15], [sflag:s23] =	dma.local [hbm:s6], $0x2780  }
.Ltmp2:
0x54: {  	_ =	swait.ge [sflag:s25], $0x2780;
	(pc) =	sbr.rel @!p0 .LBB2_2-.Ltmp2, $4  }
0x55: {  	[sflag:s25] =	ssyncset.done $0x0  }
0x56: {  	[sflag:s25] =	ssyncadd.s32 $0xFFFFD880  }
0x57: {  	[bflag:$0x0] =	sbarrier.arrive $0xFFFF  }
0x58: {  	[tilespmem:s3], [sflag:$0x1] =	stream.linear.gather [hbm4b:s7+s3], $0x80, $0x38;
	[tilespmem:$0x1BD00] =	vst v63  }
0x59: {  	s10 =	rddreg [dreg:$0x8]  }
0x5a: {  	[tilespmem:s29], [sflag:$0x1] =	stream.strided.gather [hbm4b:s10+s26], $0x4000, s28, s26, $0x38;
	[tilespmem:$0x1BD00] =	vst v63  }
0x5b: {  	s16 =	sadd.s32 $0xFFFFFFF0, s24;
	s22 =	sadd.s32 $0x0, s8  }
0x5c: {  	[tilespmem:s30], [sflag:$0x2] =	stream.linear.gather [hbm4b:s16+s3], $0x80, $0x38;
	[tilespmem:$0x1BD00] =	vst v63  }
0x5d: {  	s11 =	sadd.s32 $0x2080, s22  }
0x5e: {  	[tilespmem:s31], [sflag:$0x2] =	stream.strided.gather [hbm4b:s11+s26], $0x4000, s28, s26, $0x38;
	[tilespmem:$0x1BD00] =	vst v63  }
0x5f: {  	_ =	swait.ge [sflag:s0], $0x80  }
0x60: {  	[sflag:s0] =	ssyncset.done $0x0  }
0x61: {  	[sflag:s0] =	ssyncadd.s32 $0xFFFFFF80  }
0x62: {  	_ =	swait.ge [sflag:s0], $0x4000  }
0x63: {  	[sflag:s0] =	ssyncset.done $0x0  }
0x64: {  	[sflag:s0] =	ssyncadd.s32 $0xFFFFC000  }
0x65: {  	[spmem:s2] =	stream.indirect.scatter.add.f32 [tilespmem:s29], [sflag:$0x3], $0x80, s3, s30, $0xb8;
	[tilespmem:$0x1BD00] =	vst v63  }
0x66: {  	_ =	swait.ge [sflag:s25], $0x4000  }
0x67: {  	[sflag:s25] =	ssyncset.done $0x0  }
0x68: {  	[sflag:s25] =	ssyncadd.s32 $0xFFFFC000  }
0x69: {  	[tilespmem:s3], [sflag:$0x1] =	stream.linear.gather [hbm4b:s24+s3], $0x80, $0x38;
	[tilespmem:$0x1BD00] =	vst v63  }
0x6a: {  	s10 =	sadd.s32 $0x4080, s22  }
0x6b: {  	[tilespmem:s29], [sflag:$0x1] =	stream.strided.gather [hbm4b:s10+s26], $0x4000, s28, s26, $0x38;
	[tilespmem:$0x1BD00] =	vst v63  }
0x6c: {  	_ =	swait.ge [sflag:s1], $0x80  }
0x6d: {  	[sflag:s1] =	ssyncset.done $0x0  }
0x6e: {  	[sflag:s1] =	ssyncadd.s32 $0xFFFFFF80  }
0x6f: {  	_ =	swait.ge [sflag:s1], $0x4000  }
0x70: {  	[sflag:s1] =	ssyncset.done $0x0  }
0x71: {  	[sflag:s1] =	ssyncadd.s32 $0xFFFFC000  }
0x72: {  	[spmem:s2] =	stream.indirect.scatter.add.f32 [tilespmem:s31], [sflag:$0x3], $0x80, s30, s30, $0xb8;
	[tilespmem:$0x1BD00] =	vst v63  }
0x73: {  	s17 =	simm.s32 $0x4000;
	_ =	swait.ge [sflag:s25], $0x4000  }
0x74: {  	s21 =	simm.s32 $0x8000;
	s11 =	sadd.s32 $0x20, s24;
	[sflag:s25] =	ssyncset.done $0x0  }
.LBB2_8:
0x75: {  	s10 =	sadd.s32 $0xFFFFFFF0, s11  }
0x76: {  	s22 =	sadd.s32 s17, s8;
	[sflag:s25] =	ssyncadd.s32 $0xFFFFC000;
	s17 =	smov.u32 s21  }
0x77: {  	[tilespmem:s30], [sflag:$0x2] =	stream.linear.gather [hbm4b:s10+s3], $0x80, $0x38;
	[tilespmem:$0x1BD00] =	vst v63  }
0x78: {  	p1 =	sne.s32 s21, $0x98000;
	s21 =	sadd.s32 $0x4000, s21;
	s10 =	sadd.s32 $0x2080, s22  }
0x79: {  	[tilespmem:s31], [sflag:$0x2] =	stream.strided.gather [hbm4b:s10+s26], $0x4000, s28, s26, $0x38;
	[tilespmem:$0x1BD00] =	vst v63  }
0x7a: {  	_ =	swait.ge [sflag:s0], $0x80  }
0x7b: {  	[sflag:s0] =	ssyncset.done $0x0  }
0x7c: {  	[sflag:s0] =	ssyncadd.s32 $0xFFFFFF80  }
0x7d: {  	_ =	swait.ge [sflag:s0], $0x4000  }
0x7e: {  	[sflag:s0] =	ssyncset.done $0x0  }
0x7f: {  	[sflag:s0] =	ssyncadd.s32 $0xFFFFC000  }
0x80: {  	[spmem:s2] =	stream.indirect.scatter.add.f32 [tilespmem:s29], [sflag:$0x3], $0x80, s3, s30, $0xb8;
	[tilespmem:$0x1BD00] =	vst v63  }
0x81: {  	_ =	swait.ge [sflag:s25], $0x4000  }
0x82: {  	[sflag:s25] =	ssyncset.done $0x0  }
0x83: {  	[sflag:s25] =	ssyncadd.s32 $0xFFFFC000  }
0x84: {  	[tilespmem:s3], [sflag:$0x1] =	stream.linear.gather [hbm4b:s11+s3], $0x80, $0x38;
	[tilespmem:$0x1BD00] =	vst v63  }
0x85: {  	s10 =	sadd.s32 $0x4080, s22  }
0x86: {  	[tilespmem:s29], [sflag:$0x1] =	stream.strided.gather [hbm4b:s10+s26], $0x4000, s28, s26, $0x38;
	[tilespmem:$0x1BD00] =	vst v63  }
0x87: {  	_ =	swait.ge [sflag:s1], $0x80  }
0x88: {  	[sflag:s1] =	ssyncset.done $0x0  }
0x89: {  	[sflag:s1] =	ssyncadd.s32 $0xFFFFFF80  }
0x8a: {  	_ =	swait.ge [sflag:s1], $0x4000  }
.Ltmp3:
0x8b: {  	[sflag:s1] =	ssyncset.done $0x0;
	(pc) =	sbr.rel @p1 .LBB2_8-.Ltmp3, $4  }
0x8c: {  	[sflag:s1] =	ssyncadd.s32 $0xFFFFC000  }
0x8d: {  	[spmem:s2] =	stream.indirect.scatter.add.f32 [tilespmem:s31], [sflag:$0x3], $0x80, s30, s30, $0xb8;
	[tilespmem:$0x1BD00] =	vst v63  }
0x8e: {  	_ =	swait.ge [sflag:s25], $0x4000  }
0x8f: {  	s11 =	sadd.s32 $0x20, s11;
	[sflag:s25] =	ssyncset.done $0x0  }
0x90: {  	s10 =	sadd.s32 $0xFFFFFFF0, s11;
	s17 =	sadd.s32 s17, s8;
	[sflag:s25] =	ssyncadd.s32 $0xFFFFC000  }
0x91: {  	[tilespmem:s30], [sflag:$0x2] =	stream.linear.gather [hbm4b:s10+s3], $0x80, $0x38;
	[tilespmem:$0x1BD00] =	vst v63  }
0x92: {  	s22 =	sadd.s32 $0x2080, s17  }
0x93: {  	[tilespmem:s31], [sflag:$0x2] =	stream.strided.gather [hbm4b:s22+s26], $0x4000, s28, s26, $0x38;
	[tilespmem:$0x1BD00] =	vst v63  }
0x94: {  	_ =	swait.ge [sflag:s0], $0x80  }
0x95: {  	[sflag:s0] =	ssyncset.done $0x0  }
0x96: {  	[sflag:s0] =	ssyncadd.s32 $0xFFFFFF80  }
0x97: {  	_ =	swait.ge [sflag:s0], $0x4000  }
0x98: {  	[sflag:s0] =	ssyncset.done $0x0  }
0x99: {  	[sflag:s0] =	ssyncadd.s32 $0xFFFFC000  }
0x9a: {  	[spmem:s2] =	stream.indirect.scatter.add.f32 [tilespmem:s29], [sflag:$0x3], $0x80, s3, s30, $0xb8;
	[tilespmem:$0x1BD00] =	vst v63  }
0x9b: {  	_ =	swait.ge [sflag:s25], $0x4000  }
0x9c: {  	[sflag:s25] =	ssyncset.done $0x0  }
0x9d: {  	[sflag:s25] =	ssyncadd.s32 $0xFFFFC000  }
0x9e: {  	[tilespmem:s3], [sflag:$0x1] =	stream.linear.gather [hbm4b:s11+s3], $0x80, $0x38;
	[tilespmem:$0x1BD00] =	vst v63  }
0x9f: {  	s11 =	sadd.s32 $0x4080, s17  }
0xa0: {  	[tilespmem:s29], [sflag:$0x1] =	stream.strided.gather [hbm4b:s11+s26], $0x4000, s28, s26, $0x38;
	[tilespmem:$0x1BD00] =	vst v63  }
0xa1: {  	_ =	swait.ge [sflag:s1], $0x80  }
0xa2: {  	[sflag:s1] =	ssyncset.done $0x0  }
0xa3: {  	[sflag:s1] =	ssyncadd.s32 $0xFFFFFF80  }
0xa4: {  	_ =	swait.ge [sflag:s1], $0x4000  }
0xa5: {  	[sflag:s1] =	ssyncset.done $0x0  }
0xa6: {  	[sflag:s1] =	ssyncadd.s32 $0xFFFFC000  }
0xa7: {  	[spmem:s2] =	stream.indirect.scatter.add.f32 [tilespmem:s31], [sflag:$0x3], $0x80, s30, s30, $0xb8;
	[tilespmem:$0x1BD00] =	vst v63  }
0xa8: {  	_ =	swait.ge [sflag:s25], $0x4000  }
0xa9: {  	[sflag:s25] =	ssyncset.done $0x0  }
0xaa: {  	s17 =	simm.s32 $0x0;
	[sflag:s25] =	ssyncadd.s32 $0xFFFFC000  }
0xab: {  	[tilespmem:s30], [sflag:$0x2] =	stream.linear.gather [hbm4b:s20+s17], $0x80, $0x38;
	[tilespmem:$0x1BD00] =	vst v63  }
0xac: {  	s21 =	rddreg [dreg:$0xd]  }
0xad: {  	[tilespmem:s31], [sflag:$0x2] =	stream.strided.gather [hbm4b:s21+s26], $0x4000, s28, s26, $0x38;
	[tilespmem:$0x1BD00] =	vst v63  }
0xae: {  	_ =	swait.ge [sflag:s0], $0x80  }
0xaf: {  	[sflag:s0] =	ssyncset.done $0x0  }
0xb0: {  	[sflag:s0] =	ssyncadd.s32 $0xFFFFFF80  }
0xb1: {  	_ =	swait.ge [sflag:s0], $0x4000  }
0xb2: {  	[sflag:s0] =	ssyncset.done $0x0  }
0xb3: {  	[sflag:s0] =	ssyncadd.s32 $0xFFFFC000  }
0xb4: {  	[spmem:s2] =	stream.indirect.scatter.add.f32 [tilespmem:s29], [sflag:$0x3], $0x80, s17, s30, $0xb8;
	[tilespmem:$0x1BD00] =	vst v63  }
0xb5: {  	_ =	swait.ge [sflag:s25], $0x4000  }
0xb6: {  	[sflag:s25] =	ssyncset.done $0x0  }
0xb7: {  	[sflag:s25] =	ssyncadd.s32 $0xFFFFC000  }
0xb8: {  	_ =	swait.ge [sflag:s1], $0x80  }
0xb9: {  	[sflag:s1] =	ssyncset.done $0x0  }
0xba: {  	[sflag:s1] =	ssyncadd.s32 $0xFFFFFF80  }
0xbb: {  	_ =	swait.ge [sflag:s1], $0x4000  }
0xbc: {  	[sflag:s1] =	ssyncset.done $0x0  }
0xbd: {  	[sflag:s1] =	ssyncadd.s32 $0xFFFFC000  }
0xbe: {  	[spmem:s2] =	stream.indirect.scatter.add.f32 [tilespmem:s31], [sflag:$0x3], $0x80, s30, s30, $0xb8;
	[tilespmem:$0x1BD00] =	vst v63  }
0xbf: {  	_ =	swait.ge [sflag:s25], $0x4000  }
0xc0: {  	[sflag:s25] =	ssyncset.done $0x0  }
0xc1: {  	[sflag:s25] =	ssyncadd.s32 $0xFFFFC000  }
0xc2: {  	[bflag:$0x0] =	sbarrier.arrive $0xFFFF  }
0xc3: {  	s22 =	rddreg [dreg:$0x9]  }
0xc4: {  	[hbm:s22@s12], [sflag:s23] =	dma.strided [spmem:s15@s30], $0x2780, s9, $0x10   }
0xc5: {  	_ =	swait.ge [sflag:s25], $0x2780  }
0xc6: {  	[sflag:s25] =	ssyncset.done $0x0  }
0xc7: {  	[sflag:s25] =	ssyncadd.s32 $0xFFFFD880  }
0xc8: {  	[bflag:$0x0] =	sbarrier.arrive $0xFFFF  }
0xc9: {  	[spmem:s15], [sflag:s23] =	dma.local [hbm:s6], $0x2780  }
0xca: {  	_ =	swait.ge [sflag:s25], $0x2780  }
0xcb: {  	[sflag:s25] =	ssyncset.done $0x0  }
0xcc: {  	[sflag:s25] =	ssyncadd.s32 $0xFFFFD880  }
0xcd: {  	[bflag:$0x0] =	sbarrier.arrive $0xFFFF  }
0xce: {  	[tilespmem:s17], [sflag:$0x1] =	stream.linear.gather [hbm4b:s7+s17], $0x80, $0x38;
	[tilespmem:$0x1BD00] =	vst v63  }
0xcf: {  	s17 =	rddreg [dreg:$0xa]  }
0xd0: {  	[tilespmem:s29], [sflag:$0x1] =	stream.strided.gather [hbm4b:s17+s26], $0x4000, s28, s26, $0x38;
	[tilespmem:$0x1BD00] =	vst v63  }
0xd1: {  	s21 =	sadd.s32 $0x0, s8  }
0xd2: {  	[tilespmem:s30], [sflag:$0x2] =	stream.linear.gather [hbm4b:s16+s3], $0x80, $0x38;
	[tilespmem:$0x1BD00] =	vst v63  }
0xd3: {  	s22 =	sadd.s32 $0x2180, s21  }
0xd4: {  	[tilespmem:s31], [sflag:$0x2] =	stream.strided.gather [hbm4b:s22+s26], $0x4000, s28, s26, $0x38;
	[tilespmem:$0x1BD00] =	vst v63  }
0xd5: {  	_ =	swait.ge [sflag:s0], $0x80  }
0xd6: {  	[sflag:s0] =	ssyncset.done $0x0  }
0xd7: {  	[sflag:s0] =	ssyncadd.s32 $0xFFFFFF80  }
0xd8: {  	_ =	swait.ge [sflag:s0], $0x4000  }
0xd9: {  	[sflag:s0] =	ssyncset.done $0x0  }
0xda: {  	[sflag:s0] =	ssyncadd.s32 $0xFFFFC000  }
0xdb: {  	[spmem:s2] =	stream.indirect.scatter.add.f32 [tilespmem:s29], [sflag:$0x3], $0x80, s3, s30, $0xb8;
	[tilespmem:$0x1BD00] =	vst v63  }
0xdc: {  	_ =	swait.ge [sflag:s25], $0x4000  }
0xdd: {  	[sflag:s25] =	ssyncset.done $0x0  }
0xde: {  	[sflag:s25] =	ssyncadd.s32 $0xFFFFC000  }
0xdf: {  	[tilespmem:s3], [sflag:$0x1] =	stream.linear.gather [hbm4b:s24+s3], $0x80, $0x38;
	[tilespmem:$0x1BD00] =	vst v63  }
0xe0: {  	s10 =	sadd.s32 $0x4180, s21  }
0xe1: {  	[tilespmem:s29], [sflag:$0x1] =	stream.strided.gather [hbm4b:s10+s26], $0x4000, s28, s26, $0x38;
	[tilespmem:$0x1BD00] =	vst v63  }
0xe2: {  	_ =	swait.ge [sflag:s1], $0x80  }
0xe3: {  	[sflag:s1] =	ssyncset.done $0x0  }
0xe4: {  	[sflag:s1] =	ssyncadd.s32 $0xFFFFFF80  }
0xe5: {  	_ =	swait.ge [sflag:s1], $0x4000  }
0xe6: {  	[sflag:s1] =	ssyncset.done $0x0  }
0xe7: {  	[sflag:s1] =	ssyncadd.s32 $0xFFFFC000  }
0xe8: {  	[spmem:s2] =	stream.indirect.scatter.add.f32 [tilespmem:s31], [sflag:$0x3], $0x80, s30, s30, $0xb8;
	[tilespmem:$0x1BD00] =	vst v63  }
0xe9: {  	s11 =	sadd.s32 $0x20, s24;
	_ =	swait.ge [sflag:s25], $0x4000  }
0xea: {  	s17 =	simm.s32 $0x8000;
	s16 =	simm.s32 $0x4000;
	[sflag:s25] =	ssyncset.done $0x0  }
.LBB2_10:
0xeb: {  	s10 =	sadd.s32 $0xFFFFFFF0, s11  }
0xec: {  	s21 =	sadd.s32 s16, s8;
	[sflag:s25] =	ssyncadd.s32 $0xFFFFC000;
	s16 =	smov.u32 s17  }
0xed: {  	[tilespmem:s30], [sflag:$0x2] =	stream.linear.gather [hbm4b:s10+s3], $0x80, $0x38;
	[tilespmem:$0x1BD00] =	vst v63  }
0xee: {  	p1 =	sne.s32 s17, $0x98000;
	s17 =	sadd.s32 $0x4000, s17;
	s10 =	sadd.s32 $0x2180, s21  }
0xef: {  	[tilespmem:s31], [sflag:$0x2] =	stream.strided.gather [hbm4b:s10+s26], $0x4000, s28, s26, $0x38;
	[tilespmem:$0x1BD00] =	vst v63  }
0xf0: {  	_ =	swait.ge [sflag:s0], $0x80  }
0xf1: {  	[sflag:s0] =	ssyncset.done $0x0  }
0xf2: {  	[sflag:s0] =	ssyncadd.s32 $0xFFFFFF80  }
0xf3: {  	_ =	swait.ge [sflag:s0], $0x4000  }
0xf4: {  	[sflag:s0] =	ssyncset.done $0x0  }
0xf5: {  	[sflag:s0] =	ssyncadd.s32 $0xFFFFC000  }
0xf6: {  	[spmem:s2] =	stream.indirect.scatter.add.f32 [tilespmem:s29], [sflag:$0x3], $0x80, s3, s30, $0xb8;
	[tilespmem:$0x1BD00] =	vst v63  }
0xf7: {  	_ =	swait.ge [sflag:s25], $0x4000  }
0xf8: {  	[sflag:s25] =	ssyncset.done $0x0  }
0xf9: {  	[sflag:s25] =	ssyncadd.s32 $0xFFFFC000  }
0xfa: {  	[tilespmem:s3], [sflag:$0x1] =	stream.linear.gather [hbm4b:s11+s3], $0x80, $0x38;
	[tilespmem:$0x1BD00] =	vst v63  }
0xfb: {  	s10 =	sadd.s32 $0x4180, s21  }
0xfc: {  	[tilespmem:s29], [sflag:$0x1] =	stream.strided.gather [hbm4b:s10+s26], $0x4000, s28, s26, $0x38;
	[tilespmem:$0x1BD00] =	vst v63  }
0xfd: {  	_ =	swait.ge [sflag:s1], $0x80  }
0xfe: {  	[sflag:s1] =	ssyncset.done $0x0  }
0xff: {  	[sflag:s1] =	ssyncadd.s32 $0xFFFFFF80  }
0x100: {  	_ =	swait.ge [sflag:s1], $0x4000  }
.Ltmp4:
0x101: {  	[sflag:s1] =	ssyncset.done $0x0;
	(pc) =	sbr.rel @p1 .LBB2_10-.Ltmp4, $4  }
0x102: {  	[sflag:s1] =	ssyncadd.s32 $0xFFFFC000  }
0x103: {  	[spmem:s2] =	stream.indirect.scatter.add.f32 [tilespmem:s31], [sflag:$0x3], $0x80, s30, s30, $0xb8;
	[tilespmem:$0x1BD00] =	vst v63  }
0x104: {  	_ =	swait.ge [sflag:s25], $0x4000  }
0x105: {  	s11 =	sadd.s32 $0x20, s11;
	[sflag:s25] =	ssyncset.done $0x0  }
.Ltmp5:
0x106: {  	_ = 	snop;
	(pc) =	sbr.rel .LBB2_11-.Ltmp5, $1  }
0x107: {  	_ =	sdelay $0x3  }
.LBB2_2:
0x108: {  	[tilespmem:s29], [sflag:$0x1] =	stream.strided.gather [hbm4b:s8+s26], $0x4000, s28, s26, $0x38;
	[tilespmem:$0x1BD00] =	vst v63  }
0x109: {  	s16 =	sadd.s32 $0xFFFFFFF0, s24;
	s11 =	sadd.s32 $0x0, s8  }
0x10a: {  	[tilespmem:s30], [sflag:$0x2] =	stream.linear.gather [hbm4b:s16+s3], $0x80, $0x38;
	[tilespmem:$0x1BD00] =	vst v63  }
0x10b: {  	s17 =	sadd.s32 $0x2000, s11  }
0x10c: {  	[tilespmem:s31], [sflag:$0x2] =	stream.strided.gather [hbm4b:s17+s26], $0x4000, s28, s26, $0x38;
	[tilespmem:$0x1BD00] =	vst v63  }
0x10d: {  	_ =	swait.ge [sflag:s0], $0x80  }
0x10e: {  	[sflag:s0] =	ssyncset.done $0x0  }
0x10f: {  	[sflag:s0] =	ssyncadd.s32 $0xFFFFFF80  }
0x110: {  	_ =	swait.ge [sflag:s0], $0x4000  }
0x111: {  	[sflag:s0] =	ssyncset.done $0x0  }
0x112: {  	[sflag:s0] =	ssyncadd.s32 $0xFFFFC000  }
0x113: {  	[spmem:s2] =	stream.indirect.scatter.add.f32 [tilespmem:s29], [sflag:$0x3], $0x80, s3, s30, $0xb8;
	[tilespmem:$0x1BD00] =	vst v63  }
0x114: {  	_ =	swait.ge [sflag:s25], $0x4000  }
0x115: {  	[sflag:s25] =	ssyncset.done $0x0  }
0x116: {  	[sflag:s25] =	ssyncadd.s32 $0xFFFFC000  }
0x117: {  	[tilespmem:s3], [sflag:$0x1] =	stream.linear.gather [hbm4b:s24+s3], $0x80, $0x38;
	[tilespmem:$0x1BD00] =	vst v63  }
0x118: {  	s11 =	sadd.s32 $0x4000, s11  }
0x119: {  	[tilespmem:s29], [sflag:$0x1] =	stream.strided.gather [hbm4b:s11+s26], $0x4000, s28, s26, $0x38;
	[tilespmem:$0x1BD00] =	vst v63  }
0x11a: {  	_ =	swait.ge [sflag:s1], $0x80  }
0x11b: {  	[sflag:s1] =	ssyncset.done $0x0  }
0x11c: {  	[sflag:s1] =	ssyncadd.s32 $0xFFFFFF80  }
0x11d: {  	_ =	swait.ge [sflag:s1], $0x4000  }
0x11e: {  	[sflag:s1] =	ssyncset.done $0x0  }
0x11f: {  	[sflag:s1] =	ssyncadd.s32 $0xFFFFC000  }
0x120: {  	[spmem:s2] =	stream.indirect.scatter.add.f32 [tilespmem:s31], [sflag:$0x3], $0x80, s30, s30, $0xb8;
	[tilespmem:$0x1BD00] =	vst v63  }
0x121: {  	s21 =	simm.s32 $0x8000;
	_ =	swait.ge [sflag:s25], $0x4000  }
0x122: {  	s17 =	simm.s32 $0x4000;
	s11 =	sadd.s32 $0x20, s24;
	[sflag:s25] =	ssyncset.done $0x0  }
.LBB2_3:
0x123: {  	s22 =	sadd.s32 $0xFFFFFFF0, s11  }
0x124: {  	s10 =	sadd.s32 s17, s8;
	[sflag:s25] =	ssyncadd.s32 $0xFFFFC000;
	s17 =	smov.u32 s21  }
0x125: {  	[tilespmem:s30], [sflag:$0x2] =	stream.linear.gather [hbm4b:s22+s3], $0x80, $0x38;
	[tilespmem:$0x1BD00] =	vst v63  }
0x126: {  	p1 =	sne.s32 s21, $0x98000;
	s21 =	sadd.s32 $0x4000, s21;
	s22 =	sadd.s32 $0x2000, s10  }
0x127: {  	[tilespmem:s31], [sflag:$0x2] =	stream.strided.gather [hbm4b:s22+s26], $0x4000, s28, s26, $0x38;
	[tilespmem:$0x1BD00] =	vst v63  }
0x128: {  	_ =	swait.ge [sflag:s0], $0x80  }
0x129: {  	[sflag:s0] =	ssyncset.done $0x0  }
0x12a: {  	[sflag:s0] =	ssyncadd.s32 $0xFFFFFF80  }
0x12b: {  	_ =	swait.ge [sflag:s0], $0x4000  }
0x12c: {  	[sflag:s0] =	ssyncset.done $0x0  }
0x12d: {  	[sflag:s0] =	ssyncadd.s32 $0xFFFFC000  }
0x12e: {  	[spmem:s2] =	stream.indirect.scatter.add.f32 [tilespmem:s29], [sflag:$0x3], $0x80, s3, s30, $0xb8;
	[tilespmem:$0x1BD00] =	vst v63  }
0x12f: {  	_ =	swait.ge [sflag:s25], $0x4000  }
0x130: {  	[sflag:s25] =	ssyncset.done $0x0  }
0x131: {  	[sflag:s25] =	ssyncadd.s32 $0xFFFFC000  }
0x132: {  	[tilespmem:s3], [sflag:$0x1] =	stream.linear.gather [hbm4b:s11+s3], $0x80, $0x38;
	[tilespmem:$0x1BD00] =	vst v63  }
0x133: {  	s10 =	sadd.s32 $0x4000, s10  }
0x134: {  	[tilespmem:s29], [sflag:$0x1] =	stream.strided.gather [hbm4b:s10+s26], $0x4000, s28, s26, $0x38;
	[tilespmem:$0x1BD00] =	vst v63  }
0x135: {  	_ =	swait.ge [sflag:s1], $0x80  }
0x136: {  	[sflag:s1] =	ssyncset.done $0x0  }
0x137: {  	[sflag:s1] =	ssyncadd.s32 $0xFFFFFF80  }
0x138: {  	_ =	swait.ge [sflag:s1], $0x4000  }
.Ltmp6:
0x139: {  	[sflag:s1] =	ssyncset.done $0x0;
	(pc) =	sbr.rel @p1 .LBB2_3-.Ltmp6, $4  }
0x13a: {  	[sflag:s1] =	ssyncadd.s32 $0xFFFFC000  }
0x13b: {  	[spmem:s2] =	stream.indirect.scatter.add.f32 [tilespmem:s31], [sflag:$0x3], $0x80, s30, s30, $0xb8;
	[tilespmem:$0x1BD00] =	vst v63  }
0x13c: {  	_ =	swait.ge [sflag:s25], $0x4000  }
0x13d: {  	s11 =	sadd.s32 $0x20, s11;
	[sflag:s25] =	ssyncset.done $0x0  }
0x13e: {  	s10 =	sadd.s32 $0xFFFFFFF0, s11;
	s17 =	sadd.s32 s17, s8;
	[sflag:s25] =	ssyncadd.s32 $0xFFFFC000  }
0x13f: {  	[tilespmem:s30], [sflag:$0x2] =	stream.linear.gather [hbm4b:s10+s3], $0x80, $0x38;
	[tilespmem:$0x1BD00] =	vst v63  }
0x140: {  	s22 =	sadd.s32 $0x2000, s17  }
0x141: {  	[tilespmem:s31], [sflag:$0x2] =	stream.strided.gather [hbm4b:s22+s26], $0x4000, s28, s26, $0x38;
	[tilespmem:$0x1BD00] =	vst v63  }
0x142: {  	_ =	swait.ge [sflag:s0], $0x80  }
0x143: {  	[sflag:s0] =	ssyncset.done $0x0  }
0x144: {  	[sflag:s0] =	ssyncadd.s32 $0xFFFFFF80  }
0x145: {  	_ =	swait.ge [sflag:s0], $0x4000  }
0x146: {  	[sflag:s0] =	ssyncset.done $0x0  }
0x147: {  	[sflag:s0] =	ssyncadd.s32 $0xFFFFC000  }
0x148: {  	[spmem:s2] =	stream.indirect.scatter.add.f32 [tilespmem:s29], [sflag:$0x3], $0x80, s3, s30, $0xb8;
	[tilespmem:$0x1BD00] =	vst v63  }
0x149: {  	_ =	swait.ge [sflag:s25], $0x4000  }
0x14a: {  	[sflag:s25] =	ssyncset.done $0x0  }
0x14b: {  	[sflag:s25] =	ssyncadd.s32 $0xFFFFC000  }
0x14c: {  	[tilespmem:s3], [sflag:$0x1] =	stream.linear.gather [hbm4b:s11+s3], $0x80, $0x38;
	[tilespmem:$0x1BD00] =	vst v63  }
0x14d: {  	s11 =	sadd.s32 $0x4000, s17  }
0x14e: {  	[tilespmem:s29], [sflag:$0x1] =	stream.strided.gather [hbm4b:s11+s26], $0x4000, s28, s26, $0x38;
	[tilespmem:$0x1BD00] =	vst v63  }
0x14f: {  	_ =	swait.ge [sflag:s1], $0x80  }
0x150: {  	[sflag:s1] =	ssyncset.done $0x0  }
0x151: {  	[sflag:s1] =	ssyncadd.s32 $0xFFFFFF80  }
0x152: {  	_ =	swait.ge [sflag:s1], $0x4000  }
0x153: {  	[sflag:s1] =	ssyncset.done $0x0  }
0x154: {  	[sflag:s1] =	ssyncadd.s32 $0xFFFFC000  }
0x155: {  	[spmem:s2] =	stream.indirect.scatter.add.f32 [tilespmem:s31], [sflag:$0x3], $0x80, s30, s30, $0xb8;
	[tilespmem:$0x1BD00] =	vst v63  }
0x156: {  	_ =	swait.ge [sflag:s25], $0x4000  }
0x157: {  	[sflag:s25] =	ssyncset.done $0x0  }
0x158: {  	s17 =	simm.s32 $0x0;
	[sflag:s25] =	ssyncadd.s32 $0xFFFFC000  }
0x159: {  	[tilespmem:s30], [sflag:$0x2] =	stream.linear.gather [hbm4b:s20+s17], $0x80, $0x38;
	[tilespmem:$0x1BD00] =	vst v63  }
0x15a: {  	s21 =	rddreg [dreg:$0xc]  }
0x15b: {  	[tilespmem:s31], [sflag:$0x2] =	stream.strided.gather [hbm4b:s21+s26], $0x4000, s28, s26, $0x38;
	[tilespmem:$0x1BD00] =	vst v63  }
0x15c: {  	_ =	swait.ge [sflag:s0], $0x80  }
0x15d: {  	[sflag:s0] =	ssyncset.done $0x0  }
0x15e: {  	[sflag:s0] =	ssyncadd.s32 $0xFFFFFF80  }
0x15f: {  	_ =	swait.ge [sflag:s0], $0x4000  }
0x160: {  	[sflag:s0] =	ssyncset.done $0x0  }
0x161: {  	[sflag:s0] =	ssyncadd.s32 $0xFFFFC000  }
0x162: {  	[spmem:s2] =	stream.indirect.scatter.add.f32 [tilespmem:s29], [sflag:$0x3], $0x80, s17, s30, $0xb8;
	[tilespmem:$0x1BD00] =	vst v63  }
0x163: {  	_ =	swait.ge [sflag:s25], $0x4000  }
0x164: {  	[sflag:s25] =	ssyncset.done $0x0  }
0x165: {  	[sflag:s25] =	ssyncadd.s32 $0xFFFFC000  }
0x166: {  	_ =	swait.ge [sflag:s1], $0x80  }
0x167: {  	[sflag:s1] =	ssyncset.done $0x0  }
0x168: {  	[sflag:s1] =	ssyncadd.s32 $0xFFFFFF80  }
0x169: {  	_ =	swait.ge [sflag:s1], $0x4000  }
0x16a: {  	[sflag:s1] =	ssyncset.done $0x0  }
0x16b: {  	[sflag:s1] =	ssyncadd.s32 $0xFFFFC000  }
0x16c: {  	[spmem:s2] =	stream.indirect.scatter.add.f32 [tilespmem:s31], [sflag:$0x3], $0x80, s30, s30, $0xb8;
	[tilespmem:$0x1BD00] =	vst v63  }
0x16d: {  	_ =	swait.ge [sflag:s25], $0x4000  }
0x16e: {  	[sflag:s25] =	ssyncset.done $0x0  }
0x16f: {  	[sflag:s25] =	ssyncadd.s32 $0xFFFFC000  }
0x170: {  	[bflag:$0x0] =	sbarrier.arrive $0xFFFF  }
0x171: {  	s22 =	rddreg [dreg:$0x4]  }
0x172: {  	[hbm:s22@s12], [sflag:s23] =	dma.strided [spmem:s15@s30], $0x2780, s9, $0x10   }
0x173: {  	_ =	swait.ge [sflag:s25], $0x2780  }
0x174: {  	[sflag:s25] =	ssyncset.done $0x0  }
0x175: {  	[sflag:s25] =	ssyncadd.s32 $0xFFFFD880  }
0x176: {  	[bflag:$0x0] =	sbarrier.arrive $0xFFFF  }
0x177: {  	[spmem:s15], [sflag:s23] =	dma.local [hbm:s6], $0x2780  }
0x178: {  	_ =	swait.ge [sflag:s25], $0x2780  }
0x179: {  	[sflag:s25] =	ssyncset.done $0x0  }
0x17a: {  	[sflag:s25] =	ssyncadd.s32 $0xFFFFD880  }
0x17b: {  	[bflag:$0x0] =	sbarrier.arrive $0xFFFF  }
0x17c: {  	[tilespmem:s17], [sflag:$0x1] =	stream.linear.gather [hbm4b:s7+s17], $0x80, $0x38;
	[tilespmem:$0x1BD00] =	vst v63  }
0x17d: {  	s17 =	rddreg [dreg:$0x7]  }
0x17e: {  	[tilespmem:s29], [sflag:$0x1] =	stream.strided.gather [hbm4b:s17+s26], $0x4000, s28, s26, $0x38;
	[tilespmem:$0x1BD00] =	vst v63  }
0x17f: {  	s21 =	sadd.s32 $0x0, s8  }
0x180: {  	[tilespmem:s30], [sflag:$0x2] =	stream.linear.gather [hbm4b:s16+s3], $0x80, $0x38;
	[tilespmem:$0x1BD00] =	vst v63  }
0x181: {  	s22 =	sadd.s32 $0x2100, s21  }
0x182: {  	[tilespmem:s31], [sflag:$0x2] =	stream.strided.gather [hbm4b:s22+s26], $0x4000, s28, s26, $0x38;
	[tilespmem:$0x1BD00] =	vst v63  }
0x183: {  	_ =	swait.ge [sflag:s0], $0x80  }
0x184: {  	[sflag:s0] =	ssyncset.done $0x0  }
0x185: {  	[sflag:s0] =	ssyncadd.s32 $0xFFFFFF80  }
0x186: {  	_ =	swait.ge [sflag:s0], $0x4000  }
0x187: {  	[sflag:s0] =	ssyncset.done $0x0  }
0x188: {  	[sflag:s0] =	ssyncadd.s32 $0xFFFFC000  }
0x189: {  	[spmem:s2] =	stream.indirect.scatter.add.f32 [tilespmem:s29], [sflag:$0x3], $0x80, s3, s30, $0xb8;
	[tilespmem:$0x1BD00] =	vst v63  }
0x18a: {  	_ =	swait.ge [sflag:s25], $0x4000  }
0x18b: {  	[sflag:s25] =	ssyncset.done $0x0  }
0x18c: {  	[sflag:s25] =	ssyncadd.s32 $0xFFFFC000  }
0x18d: {  	[tilespmem:s3], [sflag:$0x1] =	stream.linear.gather [hbm4b:s24+s3], $0x80, $0x38;
	[tilespmem:$0x1BD00] =	vst v63  }
0x18e: {  	s10 =	sadd.s32 $0x4100, s21  }
0x18f: {  	[tilespmem:s29], [sflag:$0x1] =	stream.strided.gather [hbm4b:s10+s26], $0x4000, s28, s26, $0x38;
	[tilespmem:$0x1BD00] =	vst v63  }
0x190: {  	_ =	swait.ge [sflag:s1], $0x80  }
0x191: {  	[sflag:s1] =	ssyncset.done $0x0  }
0x192: {  	[sflag:s1] =	ssyncadd.s32 $0xFFFFFF80  }
0x193: {  	_ =	swait.ge [sflag:s1], $0x4000  }
0x194: {  	[sflag:s1] =	ssyncset.done $0x0  }
0x195: {  	[sflag:s1] =	ssyncadd.s32 $0xFFFFC000  }
0x196: {  	[spmem:s2] =	stream.indirect.scatter.add.f32 [tilespmem:s31], [sflag:$0x3], $0x80, s30, s30, $0xb8;
	[tilespmem:$0x1BD00] =	vst v63  }
0x197: {  	s11 =	sadd.s32 $0x20, s24;
	_ =	swait.ge [sflag:s25], $0x4000  }
0x198: {  	s17 =	simm.s32 $0x8000;
	s16 =	simm.s32 $0x4000;
	[sflag:s25] =	ssyncset.done $0x0  }
.LBB2_5:
0x199: {  	s10 =	sadd.s32 $0xFFFFFFF0, s11  }
0x19a: {  	s21 =	sadd.s32 s16, s8;
	[sflag:s25] =	ssyncadd.s32 $0xFFFFC000;
	s16 =	smov.u32 s17  }
0x19b: {  	[tilespmem:s30], [sflag:$0x2] =	stream.linear.gather [hbm4b:s10+s3], $0x80, $0x38;
	[tilespmem:$0x1BD00] =	vst v63  }
0x19c: {  	p1 =	seq.s32 s17, $0x98000;
	s17 =	sadd.s32 $0x4000, s17;
	s10 =	sadd.s32 $0x2100, s21  }
0x19d: {  	[tilespmem:s31], [sflag:$0x2] =	stream.strided.gather [hbm4b:s10+s26], $0x4000, s28, s26, $0x38;
	[tilespmem:$0x1BD00] =	vst v63  }
0x19e: {  	_ =	swait.ge [sflag:s0], $0x80  }
0x19f: {  	[sflag:s0] =	ssyncset.done $0x0  }
0x1a0: {  	[sflag:s0] =	ssyncadd.s32 $0xFFFFFF80  }
0x1a1: {  	_ =	swait.ge [sflag:s0], $0x4000  }
0x1a2: {  	[sflag:s0] =	ssyncset.done $0x0  }
0x1a3: {  	[sflag:s0] =	ssyncadd.s32 $0xFFFFC000  }
0x1a4: {  	[spmem:s2] =	stream.indirect.scatter.add.f32 [tilespmem:s29], [sflag:$0x3], $0x80, s3, s30, $0xb8;
	[tilespmem:$0x1BD00] =	vst v63  }
0x1a5: {  	_ =	swait.ge [sflag:s25], $0x4000  }
0x1a6: {  	[sflag:s25] =	ssyncset.done $0x0  }
0x1a7: {  	[sflag:s25] =	ssyncadd.s32 $0xFFFFC000  }
0x1a8: {  	[tilespmem:s3], [sflag:$0x1] =	stream.linear.gather [hbm4b:s11+s3], $0x80, $0x38;
	[tilespmem:$0x1BD00] =	vst v63  }
0x1a9: {  	s10 =	sadd.s32 $0x4100, s21  }
0x1aa: {  	[tilespmem:s29], [sflag:$0x1] =	stream.strided.gather [hbm4b:s10+s26], $0x4000, s28, s26, $0x38;
	[tilespmem:$0x1BD00] =	vst v63  }
0x1ab: {  	_ =	swait.ge [sflag:s1], $0x80  }
0x1ac: {  	[sflag:s1] =	ssyncset.done $0x0  }
0x1ad: {  	[sflag:s1] =	ssyncadd.s32 $0xFFFFFF80  }
0x1ae: {  	_ =	swait.ge [sflag:s1], $0x4000  }
.Ltmp7:
0x1af: {  	[sflag:s1] =	ssyncset.done $0x0;
	(pc) =	sbr.rel @!p1 .LBB2_5-.Ltmp7, $4  }
0x1b0: {  	[sflag:s1] =	ssyncadd.s32 $0xFFFFC000  }
0x1b1: {  	[spmem:s2] =	stream.indirect.scatter.add.f32 [tilespmem:s31], [sflag:$0x3], $0x80, s30, s30, $0xb8;
	[tilespmem:$0x1BD00] =	vst v63  }
0x1b2: {  	_ =	swait.ge [sflag:s25], $0x4000  }
0x1b3: {  	s11 =	sadd.s32 $0x20, s11;
	[sflag:s25] =	ssyncset.done $0x0  }
0x1b4: {  	s10 =	sadd.s32 $0xFFFFFFF0, s11;
	s16 =	sadd.s32 s16, s8;
	[sflag:s25] =	ssyncadd.s32 $0xFFFFC000  }
0x1b5: {  	[tilespmem:s30], [sflag:$0x2] =	stream.linear.gather [hbm4b:s10+s3], $0x80, $0x38;
	[tilespmem:$0x1BD00] =	vst v63  }
0x1b6: {  	s21 =	sadd.s32 $0x2100, s16  }
0x1b7: {  	[tilespmem:s31], [sflag:$0x2] =	stream.strided.gather [hbm4b:s21+s26], $0x4000, s28, s26, $0x38;
	[tilespmem:$0x1BD00] =	vst v63  }
0x1b8: {  	_ =	swait.ge [sflag:s0], $0x80  }
0x1b9: {  	[sflag:s0] =	ssyncset.done $0x0  }
0x1ba: {  	[sflag:s0] =	ssyncadd.s32 $0xFFFFFF80  }
0x1bb: {  	_ =	swait.ge [sflag:s0], $0x4000  }
0x1bc: {  	[sflag:s0] =	ssyncset.done $0x0  }
0x1bd: {  	[sflag:s0] =	ssyncadd.s32 $0xFFFFC000  }
0x1be: {  	[spmem:s2] =	stream.indirect.scatter.add.f32 [tilespmem:s29], [sflag:$0x3], $0x80, s3, s30, $0xb8;
	[tilespmem:$0x1BD00] =	vst v63  }
0x1bf: {  	_ =	swait.ge [sflag:s25], $0x4000  }
0x1c0: {  	[sflag:s25] =	ssyncset.done $0x0  }
0x1c1: {  	[sflag:s25] =	ssyncadd.s32 $0xFFFFC000  }
0x1c2: {  	[tilespmem:s3], [sflag:$0x1] =	stream.linear.gather [hbm4b:s11+s3], $0x80, $0x38;
	[tilespmem:$0x1BD00] =	vst v63  }
0x1c3: {  	s22 =	sadd.s32 $0x4100, s16  }
0x1c4: {  	[tilespmem:s29], [sflag:$0x1] =	stream.strided.gather [hbm4b:s22+s26], $0x4000, s28, s26, $0x38;
	[tilespmem:$0x1BD00] =	vst v63  }
0x1c5: {  	_ =	swait.ge [sflag:s1], $0x80  }
0x1c6: {  	[sflag:s1] =	ssyncset.done $0x0  }
0x1c7: {  	[sflag:s1] =	ssyncadd.s32 $0xFFFFFF80  }
0x1c8: {  	_ =	swait.ge [sflag:s1], $0x4000  }
0x1c9: {  	[sflag:s1] =	ssyncset.done $0x0  }
.Ltmp8:
0x1ca: {  	[sflag:s1] =	ssyncadd.s32 $0xFFFFC000;
	(pc) =	sbr.rel .LBB2_12-.Ltmp8, $4  }
0x1cb: {  	[spmem:s2] =	stream.indirect.scatter.add.f32 [tilespmem:s31], [sflag:$0x3], $0x80, s30, s30, $0xb8;
	[tilespmem:$0x1BD00] =	vst v63  }
0x1cc: {  	_ =	swait.ge [sflag:s25], $0x4000  }
0x1cd: {  	[sflag:s25] =	ssyncset.done $0x0;
	s16 =	rddreg [dreg:$0x5]  }
0x1ce: {  	s11 =	rddreg [dreg:$0x6];
	[sflag:s25] =	ssyncadd.s32 $0xFFFFC000  }
.LBB2_13:
0x1cf: {  	_ =	sfence.sel $0x180000  }
0x1d0: {  	[bflag:$0x0] =	sbarrier.arrive $0xFFFF  }
0x1d1: {  	_ =	strace $0x90000050  }
0x1d2: {  	s0 =	stileid.u32;
	[bflag:$0x2] =	sbarrier.arrive $0xFFFF  }
0x1d3: {  	p0 =	sne.s32 s0, $0x0;
	s0 =	rddreg [dreg:$0x3]  }
0x1d4: {  	s0 =	sadd.s32 @!p0 $0x100000, s0  }
0x1d5: {  	[sflag:s0] =	ssyncadd.tile.s32 @!p0 $0x1;
	_ =	shalt  }
.Lfunc_end2:
_tile_overlayer_lowered:
.L_overlay_start_2:
0x1d6: {  	(tag) =	ssettag $0x2  }
0x1d7: {  	s0 =	rddreg [dreg:$0x0];
	s2 =	stileid.u32  }
0x1d8: {  	s1 =	rddreg [dreg:$0x1];
	p0 =	sne.s32 s2, $0x0  }
0x1d9: {  	s3 =	rddreg [dreg:$0x2];
	[bflag:$0x3] =	sbarrier.arrive $0xFFFF;
	s2 =	simm.s32 @!p0 $0x1C03  }
0x1da: {  	[timem:s3], [sflag:s2] =	dma.local @!p0 [hbm:s0], s1  }
0x1db: {  	s0 =	simm.s32 @!p0 $0x3  }
0x1dc: {  	_ =	swait.ge @!p0 [sflag:s0], s1  }
0x1dd: {  	s1 =	ssub.s32 @!p0 $0x0, s1;
	[sflag:s0] =	ssyncset.done @!p0 $0x0  }
0x1de: {  	[sflag:s0] =	ssyncadd.s32 @!p0 s1  }
0x1df: {  	[bflag:$0x3] =	sbarrier.arrive $0xFFFF  }
0x1e0: {  	_ =	shalt  }

</sc_bundles>
